<compile_context>
chip_gen: v7x
topology: tpu7x:2x2x1
jax: 0.10.2.dev20260603
libtpu: 0.0.44.dev20260713+nightly
codegen_flags: <defaults>
</compile_context>

<pallas_src>
import functools

import jax
import jax.numpy as jnp
from jax import lax
from jax.experimental import pallas as pl
from jax.experimental.pallas import tpu as pltpu
from jax.experimental.pallas import tpu_sc as plsc

N = 320000
DIM = 128
NSEG = 10000
NSEG_PAD = 10240
NC = 2
NS = 16
NW = NC * NS
ROWS_PER_TILE = N // NW
CHUNK = 64
NCH = ROWS_PER_TILE // CHUNK
TAIL = ROWS_PER_TILE - NCH * CHUNK
RB = 3
PB = 2
NG = DIM // 16
WB = 632
WB_LAST = NSEG - 15 * WB
CNT_PER_TILE = NSEG_PAD // NS


def _phase_a(node_input, labels):
    mesh = plsc.VectorSubcoreMesh(core_axis_name="c", subcore_axis_name="s")

    @functools.partial(
        pl.kernel,
        out_type=[
            jax.ShapeDtypeStruct((NC, NSEG, DIM), jnp.float32),
            jax.ShapeDtypeStruct((NC, NSEG_PAD), jnp.float32),
        ],
        mesh=mesh,
        compiler_params=pltpu.CompilerParams(needs_layout_passes=False),
        scratch_types=[
            pltpu.VMEM_SHARED((NSEG, DIM), jnp.float32),
            pltpu.VMEM_SHARED((NSEG_PAD,), jnp.float32),
            pltpu.VMEM((RB * CHUNK, DIM), jnp.float32),
            pltpu.VMEM((RB, 80), jnp.int32),
            pltpu.VMEM((PB, CHUNK, DIM), jnp.float32),
            pltpu.VMEM((PB, CHUNK), jnp.int32),
            pltpu.VMEM((PB, CHUNK), jnp.int32),
            pltpu.VMEM((CHUNK,), jnp.float32),
            pltpu.VMEM((CHUNK,), jnp.float32),
            pltpu.VMEM((CHUNK,), jnp.float32),
            pltpu.VMEM((CNT_PER_TILE,), jnp.float32),
            pltpu.VMEM((32,), jnp.int32),
            pltpu.VMEM((16,), jnp.int32),
            pltpu.VMEM((16,), jnp.int32),
            pltpu.SemaphoreType.DMA((RB,)),
            pltpu.SemaphoreType.DMA((PB,)),
        ],
    )
    def k(node_h, lab_h, sums_h, cnt_h, acc, cacc, rbuf, lbuf, pbuf, mlab,
          nlab, sbuf, ccs, nccs, zcnt, tlab, mtail, ntail, gsem, ssem):
        cid = lax.axis_index("c")
        sid = lax.axis_index("s")
        row0 = cid * (N // NC) + sid * ROWS_PER_TILE

        zeros16 = jnp.zeros((16,), jnp.float32)
        iota16 = lax.iota(jnp.int32, 16)
        lane0 = iota16 != 0
        lane15 = iota16 == 15
        neg1 = jnp.full((16,), -1, jnp.int32)

        def fill_zrow(i, carry):
            for g in range(NG):
                rbuf[i, pl.ds(g * 16, 16)] = zeros16
            return carry

        lax.fori_loop(0, RB * CHUNK, fill_zrow, 0)

        def fill_zcnt(i, carry):
            zcnt[pl.ds(i * 16, 16)] = zeros16
            return carry

        lax.fori_loop(0, CNT_PER_TILE // 16, fill_zcnt, 0)

        for j in range(CHUNK // 16):
            pos = (iota16 + (j * 16 + 1)).astype(jnp.float32)
            ccs[pl.ds(j * 16, 16)] = pos
            nccs[pl.ds(j * 16, 16)] = -pos

        def zero_acc(start, total):
            done = 0
            while done < total:
                step = min(RB * CHUNK, total - done)
                pltpu.sync_copy(rbuf.at[pl.ds(0, step)],
                                acc.at[pl.ds(start + done, step)])
                done += step

        @pl.when(sid < NS - 1)
        def _():
            zero_acc(sid * WB, WB)

        @pl.when(sid == NS - 1)
        def _():
            zero_acc((NS - 1) * WB, WB_LAST)

        pltpu.sync_copy(zcnt, cacc.at[pl.ds(sid * CNT_PER_TILE, CNT_PER_TILE)])

        plsc.subcore_barrier()

        def start_gather(kk, rb):
            base = row0 + kk * CHUNK
            pltpu.async_copy(node_h.at[pl.ds(base, CHUNK)],
                             rbuf.at[pl.ds(rb * CHUNK, CHUNK)], gsem.at[rb])
            pltpu.async_copy(lab_h.at[pl.ds(base, CHUNK)],
                             lbuf.at[rb, pl.ds(8, CHUNK)], gsem.at[rb])

        def wait_gather(rb):
            pltpu.make_async_copy(node_h.at[pl.ds(0, CHUNK)],
                                  rbuf.at[pl.ds(rb * CHUNK, CHUNK)],
                                  gsem.at[rb]).wait()
            pltpu.make_async_copy(lab_h.at[pl.ds(0, CHUNK)],
                                  lbuf.at[rb, pl.ds(8, CHUNK)],
                                  gsem.at[rb]).wait()

        def sum_dst(idx_ref):
            return acc.at[plsc.Indices(idx_ref, ignored_value=-1)]

        def cnt_dst(idx_ref):
            return cacc.at[plsc.Indices(idx_ref, ignored_value=-1)]

        def start_scatter(p):
            pltpu.async_copy(pbuf.at[p], sum_dst(mlab.at[p]), ssem.at[p],
                             add=True)
            pltpu.async_copy(ccs, cnt_dst(mlab.at[p]), ssem.at[p], add=True)
            pltpu.async_copy(nccs, cnt_dst(nlab.at[p]), ssem.at[p], add=True)

        def wait_scatter(p):
            pltpu.make_async_copy(pbuf.at[p], sum_dst(mlab.at[p]),
                                  ssem.at[p]).wait()
            pltpu.make_async_copy(ccs, cnt_dst(mlab.at[p]),
                                  ssem.at[p]).wait()
            pltpu.make_async_copy(nccs, cnt_dst(nlab.at[p]),
                                  ssem.at[p]).wait()

        def prologue(rb, p):
            for j in range(CHUNK // 16):
                cur = lbuf[rb, pl.ds(8 + 16 * j, 16)]
                prv = lbuf[rb, pl.ds(7 + 16 * j, 16)]
                succ = lbuf[rb, pl.ds(9 + 16 * j, 16)]
                eq = cur == prv
                if j == 0:
                    eq = jnp.logical_and(eq, lane0)
                sbuf[pl.ds(16 * j, 16)] = jnp.where(eq, 1.0, 0.0)
                ne = cur != succ
                if j == CHUNK // 16 - 1:
                    ne = jnp.logical_or(ne, lane15)
                mlab[p, pl.ds(16 * j, 16)] = jnp.where(ne, cur, neg1)
                nl = jnp.where(ne, succ, neg1)
                if j == CHUNK // 16 - 1:
                    nl = jnp.where(lane15, neg1, nl)
                nlab[p, pl.ds(16 * j, 16)] = nl

        def row_loop(rb, p, nrows):
            def row(i, acc8):
                mf = plsc.load_gather(sbuf, [jnp.full((16,), i, jnp.int32)])
                out = []
                for g in range(NG):
                    r = rbuf[rb * CHUNK + i, pl.ds(g * 16, 16)]
                    a = acc8[g] * mf + r
                    pbuf[p, i, pl.ds(g * 16, 16)] = a
                    out.append(a)
                return tuple(out)

            init = tuple(jnp.zeros((16,), jnp.float32) for _ in range(NG))
            lax.fori_loop(0, nrows, row, init)

        start_gather(0, 0)
        start_gather(1, 1)

        def ring_body(it, carry):
            for b in range(6):
                kk = it * 6 + b
                rb = b % RB
                p = b % PB

                @pl.when((kk >= 2) & (kk < NCH + 2))
                def _():
                    wait_scatter(p)

                @pl.when(kk + 2 < NCH)
                def _():
                    start_gather(kk + 2, (b + 2) % RB)

                @pl.when(kk < NCH)
                def _():
                    wait_gather(rb)
                    prologue(rb, p)
                    row_loop(rb, p, CHUNK)
                    start_scatter(p)
            return carry

        lax.fori_loop(0, (NCH + 2 + 5) // 6, ring_body, 0)

        if TAIL:
            tbase = row0 + NCH * CHUNK
            pltpu.sync_copy(node_h.at[pl.ds(tbase, TAIL)],
                            rbuf.at[pl.ds(0, TAIL)])
            pltpu.sync_copy(lab_h.at[pl.ds(tbase, TAIL)],
                            tlab.at[pl.ds(8, TAIL)])
            cur = tlab[pl.ds(8, 16)]
            prv = tlab[pl.ds(7, 16)]
            succ = tlab[pl.ds(9, 16)]
            eq = jnp.logical_and(cur == prv, lane0)
            sbuf[pl.ds(0, 16)] = jnp.where(eq, 1.0, 0.0)
            ne = jnp.logical_or(cur != succ, lane15)
            mtail[...] = jnp.where(ne, cur, neg1)
            ntail[...] = jnp.where(lane15, neg1, jnp.where(ne, succ, neg1))
            row_loop(0, 0, TAIL)
            pltpu.sync_copy(pbuf.at[0, pl.ds(0, TAIL)],
                            acc.at[plsc.Indices(mtail, ignored_value=-1)],
                            add=True)
            pltpu.sync_copy(ccs.at[pl.ds(0, TAIL)],
                            cacc.at[plsc.Indices(mtail, ignored_value=-1)],
                            add=True)
            pltpu.sync_copy(nccs.at[pl.ds(0, TAIL)],
                            cacc.at[plsc.Indices(ntail, ignored_value=-1)],
                            add=True)

        plsc.subcore_barrier()

        @pl.when(sid < NS - 1)
        def _():
            pltpu.sync_copy(acc.at[pl.ds(sid * WB, WB)],
                            sums_h.at[cid, pl.ds(sid * WB, WB)])

        @pl.when(sid == NS - 1)
        def _():
            pltpu.sync_copy(acc.at[pl.ds((NS - 1) * WB, WB_LAST)],
                            sums_h.at[cid, pl.ds((NS - 1) * WB, WB_LAST)])

        pltpu.sync_copy(cacc.at[pl.ds(sid * CNT_PER_TILE, CNT_PER_TILE)],
                        cnt_h.at[cid, pl.ds(sid * CNT_PER_TILE, CNT_PER_TILE)])

    return k(node_input, labels)


def _combine_body(sums_ref, cnt_ref, out_ref):
    s = sums_ref[0] + sums_ref[1]
    c = jnp.maximum(cnt_ref[0, :NSEG] + cnt_ref[1, :NSEG], 1.0)
    out_ref[...] = s / c[:, None]


def kernel(node_input, labels):
    labels = labels.astype(jnp.int32)
    sums, cnts = _phase_a(node_input, labels)
    out = pl.pallas_call(
        _combine_body,
        out_shape=jax.ShapeDtypeStruct((NSEG, DIM), jnp.float32),
    )(sums, cnts)
    return out

# --- scband reference (transcript-rebuilt; emitter-appended) ---
"""Pipeline reference for scband-irreps-scatter-44212393345454 (READ-ONLY COPY).

The authoritative reference and input builder live on the scoring server;
editing this copy changes nothing except your own understanding.
"""

import jax, jax.numpy as jnp
import numpy as np

IRREPS = [(40, 1), (16, 3), (8, 5)]  # (mul, ir.dim) for '40x0e + 16x1o + 8x2e' -> total dim 128
NUM_SEGMENTS = 10000
N = 320000
DIM = 128


def setup_inputs(seed: int = 0) -> dict:
    key = jax.random.key(seed)
    k1, k2 = jax.random.split(key)
    node_input = jax.random.normal(k1, (N, DIM), dtype=jnp.float32)
    labels = jnp.sort(jax.random.randint(k2, (N,), 0, NUM_SEGMENTS, dtype=jnp.int64))
    # guarantee the max label is present so the inferred dim_size matches NUM_SEGMENTS
    labels = labels.at[-1].set(NUM_SEGMENTS - 1)
    return {"node_input": node_input, "labels": labels}


def _scatter_mean(field, labels, num_segments):
    # field: (N, mul, d)
    sums = jax.ops.segment_sum(field, labels, num_segments=num_segments)
    counts = jax.ops.segment_sum(jnp.ones((field.shape[0],), dtype=field.dtype), labels, num_segments=num_segments)
    counts = jnp.maximum(counts, 1.0)
    return sums / counts[:, None, None]


def reference(node_input, labels):
    dim = node_input.shape[-1]
    fields = []
    ix = 0
    for mul, d in IRREPS:
        field = node_input[:, ix:ix + mul * d]
        ix += mul * d
        field = field.reshape(-1, mul, d)
        group_field = _scatter_mean(field, labels, NUM_SEGMENTS)
        fields.append(group_field.reshape(-1, mul * d))
    assert ix == dim, f'`ix` should have reached node_input.size(-1) ({dim}), but it ended at {ix}'
    output = jnp.concatenate(fields, axis=-1)
    return output

if __name__ == "__main__":
    import jax
    _d = setup_inputs()
    print(jax.jit(kernel)(*tuple(_d.values())))

</pallas_src>

<mosaic_0001>
#map = affine_map<(d0, d1) -> (0, 0)>
#map1 = affine_map<(d0, d1) -> (0)>
#map2 = affine_map<(d0, d1) -> (0, 0, 0)>
module attributes {stable_mosaic.version = 14 : i64} {
  func.func @k(%arg0: i32, %arg1: i32, %arg2: memref<320000x128xf32, #tpu.memory_space<hbm>>, %arg3: memref<320000xi32, #tpu.memory_space<hbm>>, %arg4: memref<2x10000x128xf32, #tpu.memory_space<hbm>>, %arg5: memref<2x10240xf32, #tpu.memory_space<hbm>>, %arg6: memref<10000x128xf32, #tpu.memory_space<vmem_shared>>, %arg7: memref<10240xf32, #tpu.memory_space<vmem_shared>>, %arg8: memref<192x128xf32, #tpu.memory_space<vmem>>, %arg9: memref<3x80xi32, #tpu.memory_space<vmem>>, %arg10: memref<2x64x128xf32, #tpu.memory_space<vmem>>, %arg11: memref<2x64xi32, #tpu.memory_space<vmem>>, %arg12: memref<2x64xi32, #tpu.memory_space<vmem>>, %arg13: memref<64xf32, #tpu.memory_space<vmem>>, %arg14: memref<64xf32, #tpu.memory_space<vmem>>, %arg15: memref<64xf32, #tpu.memory_space<vmem>>, %arg16: memref<640xf32, #tpu.memory_space<vmem>>, %arg17: memref<32xi32, #tpu.memory_space<vmem>>, %arg18: memref<16xi32, #tpu.memory_space<vmem>>, %arg19: memref<16xi32, #tpu.memory_space<vmem>>, %arg20: memref<3x!tpu.dma_semaphore, #tpu.memory_space<semaphore_mem>>, %arg21: memref<2x!tpu.dma_semaphore, #tpu.memory_space<semaphore_mem>>) attributes {dimension_semantics = [#tpu.dimension_semantics<core_parallel>, #tpu.dimension_semantics<subcore_parallel>], iteration_bounds = array<i64: 2, 16>, scalar_prefetch = 0 : i64, scratch_operands = 16 : i64, tpu.core_type = #tpu.core_type<sc_vector_subcore>, window_params = [{transform_indices = #map}, {transform_indices = #map1}, {transform_indices = #map2}, {transform_indices = #map}]} {
    %mul3A = arith.constant 160000 : i32
    %mul3A_0 = arith.muli %arg0, %mul3A : i32
    %mul3A_1 = arith.constant 10000 : i32
    %mul3A_2 = arith.muli %arg1, %mul3A_1 : i32
    %add3A = arith.addi %mul3A_0, %mul3A_2 : i32
    %broadcast_in_dim3A = arith.constant 0.000000e+00 : f32
    %broadcast_in_dim3A_3 = vector.broadcast %broadcast_in_dim3A : f32 to vector<16xf32>
    %iota3A = tpu.iota {dimensions = array<i32: 0>} : vector<16xi32>
    %ne3A = arith.constant 0 : i32
    %ne3A_4 = vector.broadcast %ne3A : i32 to vector<16xi32>
    %ne3A_5 = arith.cmpi ne, %iota3A, %ne3A_4 : vector<16xi32>
    %eq3A = arith.constant 15 : i32
    %eq3A_6 = vector.broadcast %eq3A : i32 to vector<16xi32>
    %eq3A_7 = arith.cmpi eq, %iota3A, %eq3A_6 : vector<16xi32>
    %broadcast_in_dim3A_8 = arith.constant -1 : i32
    %broadcast_in_dim3A_9 = vector.broadcast %broadcast_in_dim3A_8 : i32 to vector<16xi32>
    %scan3A = arith.constant 0 : i32
    %scan3A_10 = arith.constant 0 : i32
    %scan3A_11 = arith.constant 192 : i32
    %scan3A_12 = arith.addi %scan3A_10, %scan3A_11 : i32
    %scan3A_13 = arith.constant 1 : i32
    scf.for %scan3A_189 = %scan3A_10 to %scan3A_12 step %scan3A_13  : i32 {
      %swap3A_190 = arith.index_cast %scan3A_189 : i32 to index
      %swap3A_191 = arith.constant 0 : index
      %swap3A_192 = tpu.vector_load %arg8[%swap3A_190, %swap3A_191] {strides = array<i32>} : memref<192x128xf32, #tpu.memory_space<vmem>>, vector<16xf32>,
      tpu.vector_store %arg8[%swap3A_190, %swap3A_191], %broadcast_in_dim3A_3 {strides = array<i32>} : memref<192x128xf32, #tpu.memory_space<vmem>>, vector<16xf32>,
      %swap3A_193 = arith.index_cast %scan3A_189 : i32 to index
      %swap3A_194 = arith.constant 16 : index
      %swap3A_195 = tpu.vector_load %arg8[%swap3A_193, %swap3A_194] {strides = array<i32>} : memref<192x128xf32, #tpu.memory_space<vmem>>, vector<16xf32>,
      tpu.vector_store %arg8[%swap3A_193, %swap3A_194], %broadcast_in_dim3A_3 {strides = array<i32>} : memref<192x128xf32, #tpu.memory_space<vmem>>, vector<16xf32>,
      %swap3A_196 = arith.index_cast %scan3A_189 : i32 to index
      %swap3A_197 = arith.constant 32 : index
      %swap3A_198 = tpu.vector_load %arg8[%swap3A_196, %swap3A_197] {strides = array<i32>} : memref<192x128xf32, #tpu.memory_space<vmem>>, vector<16xf32>,
      tpu.vector_store %arg8[%swap3A_196, %swap3A_197], %broadcast_in_dim3A_3 {strides = array<i32>} : memref<192x128xf32, #tpu.memory_space<vmem>>, vector<16xf32>,
      %swap3A_199 = arith.index_cast %scan3A_189 : i32 to index
      %swap3A_200 = arith.constant 48 : index
      %swap3A_201 = tpu.vector_load %arg8[%swap3A_199, %swap3A_200] {strides = array<i32>} : memref<192x128xf32, #tpu.memory_space<vmem>>, vector<16xf32>,
      tpu.vector_store %arg8[%swap3A_199, %swap3A_200], %broadcast_in_dim3A_3 {strides = array<i32>} : memref<192x128xf32, #tpu.memory_space<vmem>>, vector<16xf32>,
      %swap3A_202 = arith.index_cast %scan3A_189 : i32 to index
      %swap3A_203 = arith.constant 64 : index
      %swap3A_204 = tpu.vector_load %arg8[%swap3A_202, %swap3A_203] {strides = array<i32>} : memref<192x128xf32, #tpu.memory_space<vmem>>, vector<16xf32>,
      tpu.vector_store %arg8[%swap3A_202, %swap3A_203], %broadcast_in_dim3A_3 {strides = array<i32>} : memref<192x128xf32, #tpu.memory_space<vmem>>, vector<16xf32>,
      %swap3A_205 = arith.index_cast %scan3A_189 : i32 to index
      %swap3A_206 = arith.constant 80 : index
      %swap3A_207 = tpu.vector_load %arg8[%swap3A_205, %swap3A_206] {strides = array<i32>} : memref<192x128xf32, #tpu.memory_space<vmem>>, vector<16xf32>,
      tpu.vector_store %arg8[%swap3A_205, %swap3A_206], %broadcast_in_dim3A_3 {strides = array<i32>} : memref<192x128xf32, #tpu.memory_space<vmem>>, vector<16xf32>,
      %swap3A_208 = arith.index_cast %scan3A_189 : i32 to index
      %swap3A_209 = arith.constant 96 : index
      %swap3A_210 = tpu.vector_load %arg8[%swap3A_208, %swap3A_209] {strides = array<i32>} : memref<192x128xf32, #tpu.memory_space<vmem>>, vector<16xf32>,
      tpu.vector_store %arg8[%swap3A_208, %swap3A_209], %broadcast_in_dim3A_3 {strides = array<i32>} : memref<192x128xf32, #tpu.memory_space<vmem>>, vector<16xf32>,
      %swap3A_211 = arith.index_cast %scan3A_189 : i32 to index
      %swap3A_212 = arith.constant 112 : index
      %swap3A_213 = tpu.vector_load %arg8[%swap3A_211, %swap3A_212] {strides = array<i32>} : memref<192x128xf32, #tpu.memory_space<vmem>>, vector<16xf32>,
      tpu.vector_store %arg8[%swap3A_211, %swap3A_212], %broadcast_in_dim3A_3 {strides = array<i32>} : memref<192x128xf32, #tpu.memory_space<vmem>>, vector<16xf32>,
    }
    %scan3A_14 = arith.constant 192 : i32
    %scan3A_15 = arith.constant 0 : i32
    %scan3A_16 = arith.constant 0 : i32
    %scan3A_17 = arith.constant 40 : i32
    %scan3A_18 = arith.addi %scan3A_16, %scan3A_17 : i32
    %scan3A_19 = arith.constant 1 : i32
    scf.for %scan3A_189 = %scan3A_16 to %scan3A_18 step %scan3A_19  : i32 {
      %mul3A_190 = arith.constant 16 : i32
      %mul3A_191 = arith.muli %scan3A_189, %mul3A_190 : i32
      %swap3A_192 = arith.index_cast %mul3A_191 : i32 to index
      %swap3A_193 = tpu.vector_load %arg16[%swap3A_192] {strides = array<i32>} : memref<640xf32, #tpu.memory_space<vmem>>, vector<16xf32>,
      tpu.vector_store %arg16[%swap3A_192], %broadcast_in_dim3A_3 {strides = array<i32>} : memref<640xf32, #tpu.memory_space<vmem>>, vector<16xf32>,
    }
    %scan3A_20 = arith.constant 40 : i32
    %add3A_21 = arith.constant 1 : i32
    %add3A_22 = vector.broadcast %add3A_21 : i32 to vector<16xi32>
    %add3A_23 = arith.addi %iota3A, %add3A_22 : vector<16xi32>
    %convert_element_type3A = arith.sitofp %add3A_23 : vector<16xi32> to vector<16xf32>
    %swap3A = arith.constant 0 : index
    %swap3A_24 = tpu.vector_load %arg14[%swap3A] {strides = array<i32>} : memref<64xf32, #tpu.memory_space<vmem>>, vector<16xf32>,
    tpu.vector_store %arg14[%swap3A], %convert_element_type3A {strides = array<i32>} : memref<64xf32, #tpu.memory_space<vmem>>, vector<16xf32>,
    %neg3A = arith.constant 0.000000e+00 : f32
    %neg3A_25 = vector.broadcast %neg3A : f32 to vector<16xf32>
    %neg3A_26 = arith.subf %neg3A_25, %convert_element_type3A : vector<16xf32>
    %swap3A_27 = arith.constant 0 : index
    %swap3A_28 = tpu.vector_load %arg15[%swap3A_27] {strides = array<i32>} : memref<64xf32, #tpu.memory_space<vmem>>, vector<16xf32>,
    tpu.vector_store %arg15[%swap3A_27], %neg3A_26 {strides = array<i32>} : memref<64xf32, #tpu.memory_space<vmem>>, vector<16xf32>,
    %add3A_29 = arith.constant 17 : i32
    %add3A_30 = vector.broadcast %add3A_29 : i32 to vector<16xi32>
    %add3A_31 = arith.addi %iota3A, %add3A_30 : vector<16xi32>
    %convert_element_type3A_32 = arith.sitofp %add3A_31 : vector<16xi32> to vector<16xf32>
    %swap3A_33 = arith.constant 16 : index
    %swap3A_34 = tpu.vector_load %arg14[%swap3A_33] {strides = array<i32>} : memref<64xf32, #tpu.memory_space<vmem>>, vector<16xf32>,
    tpu.vector_store %arg14[%swap3A_33], %convert_element_type3A_32 {strides = array<i32>} : memref<64xf32, #tpu.memory_space<vmem>>, vector<16xf32>,
    %neg3A_35 = arith.constant 0.000000e+00 : f32
    %neg3A_36 = vector.broadcast %neg3A_35 : f32 to vector<16xf32>
    %neg3A_37 = arith.subf %neg3A_36, %convert_element_type3A_32 : vector<16xf32>
    %swap3A_38 = arith.constant 16 : index
    %swap3A_39 = tpu.vector_load %arg15[%swap3A_38] {strides = array<i32>} : memref<64xf32, #tpu.memory_space<vmem>>, vector<16xf32>,
    tpu.vector_store %arg15[%swap3A_38], %neg3A_37 {strides = array<i32>} : memref<64xf32, #tpu.memory_space<vmem>>, vector<16xf32>,
    %add3A_40 = arith.constant 33 : i32
    %add3A_41 = vector.broadcast %add3A_40 : i32 to vector<16xi32>
    %add3A_42 = arith.addi %iota3A, %add3A_41 : vector<16xi32>
    %convert_element_type3A_43 = arith.sitofp %add3A_42 : vector<16xi32> to vector<16xf32>
    %swap3A_44 = arith.constant 32 : index
    %swap3A_45 = tpu.vector_load %arg14[%swap3A_44] {strides = array<i32>} : memref<64xf32, #tpu.memory_space<vmem>>, vector<16xf32>,
    tpu.vector_store %arg14[%swap3A_44], %convert_element_type3A_43 {strides = array<i32>} : memref<64xf32, #tpu.memory_space<vmem>>, vector<16xf32>,
    %neg3A_46 = arith.constant 0.000000e+00 : f32
    %neg3A_47 = vector.broadcast %neg3A_46 : f32 to vector<16xf32>
    %neg3A_48 = arith.subf %neg3A_47, %convert_element_type3A_43 : vector<16xf32>
    %swap3A_49 = arith.constant 32 : index
    %swap3A_50 = tpu.vector_load %arg15[%swap3A_49] {strides = array<i32>} : memref<64xf32, #tpu.memory_space<vmem>>, vector<16xf32>,
    tpu.vector_store %arg15[%swap3A_49], %neg3A_48 {strides = array<i32>} : memref<64xf32, #tpu.memory_space<vmem>>, vector<16xf32>,
    %add3A_51 = arith.constant 49 : i32
    %add3A_52 = vector.broadcast %add3A_51 : i32 to vector<16xi32>
    %add3A_53 = arith.addi %iota3A, %add3A_52 : vector<16xi32>
    %convert_element_type3A_54 = arith.sitofp %add3A_53 : vector<16xi32> to vector<16xf32>
    %swap3A_55 = arith.constant 48 : index
    %swap3A_56 = tpu.vector_load %arg14[%swap3A_55] {strides = array<i32>} : memref<64xf32, #tpu.memory_space<vmem>>, vector<16xf32>,
    tpu.vector_store %arg14[%swap3A_55], %convert_element_type3A_54 {strides = array<i32>} : memref<64xf32, #tpu.memory_space<vmem>>, vector<16xf32>,
    %neg3A_57 = arith.constant 0.000000e+00 : f32
    %neg3A_58 = vector.broadcast %neg3A_57 : f32 to vector<16xf32>
    %neg3A_59 = arith.subf %neg3A_58, %convert_element_type3A_54 : vector<16xf32>
    %swap3A_60 = arith.constant 48 : index
    %swap3A_61 = tpu.vector_load %arg15[%swap3A_60] {strides = array<i32>} : memref<64xf32, #tpu.memory_space<vmem>>, vector<16xf32>,
    tpu.vector_store %arg15[%swap3A_60], %neg3A_59 {strides = array<i32>} : memref<64xf32, #tpu.memory_space<vmem>>, vector<16xf32>,
    %lt3A = arith.constant 15 : i32
    %lt3A_62 = arith.cmpi slt, %arg1, %lt3A : i32
    %convert_element_type3A_63 = arith.extui %lt3A_62 : i1 to i32
    %cond3A = arith.constant 0 : i32
    %cond3A_64 = arith.cmpi ne, %convert_element_type3A_63, %cond3A : i32
    scf.if %cond3A_64 {
      %mul3A_189 = arith.constant 632 : i32
      %mul3A_190 = arith.muli %arg1, %mul3A_189 : i32
      %add3A_191 = arith.constant 0 : i32
      %add3A_192 = arith.addi %mul3A_190, %add3A_191 : i32
      "tpu.region"() ({
        %run_scoped3A_199 = tpu.sem_alloc : memref<!tpu.dma_semaphore, #tpu.memory_space<semaphore_mem>>
        %dma_start3A_200 = arith.constant 0 : i32
        %dma_start3A_201 = arith.constant 0 : i32
        %dma_start3A_202 = tpu.memref_slice %arg8[%dma_start3A_200, %dma_start3A_201] : memref<192x128xf32, #tpu.memory_space<vmem>> -> memref<192x128xf32, #tpu.memory_space<vmem>>
        %dma_start3A_203 = arith.constant 0 : i32
        %dma_start3A_204 = tpu.memref_slice %arg6[%add3A_192, %dma_start3A_203] : memref<10000x128xf32, #tpu.memory_space<vmem_shared>> -> memref<192x128xf32, #tpu.memory_space<vmem_shared>>
        %dma_start3A_205 = arith.constant 0 : i32
        %dma_start3A_206 = tpu.memref_slice %arg6[%add3A_192, %dma_start3A_205] : memref<10000x128xf32, #tpu.memory_space<vmem_shared>> -> memref<192x128xf32, #tpu.memory_space<vmem_shared>>
        %dma_start3A_207 = arith.constant 0 : i32
        %dma_start3A_208 = arith.constant 0 : i32
        %dma_start3A_209 = tpu.memref_slice %arg8[%dma_start3A_207, %dma_start3A_208] : memref<192x128xf32, #tpu.memory_space<vmem>> -> memref<192x128xf32, #tpu.memory_space<vmem>>
        tpu.enqueue_dma source(%dma_start3A_209 : memref<192x128xf32, #tpu.memory_space<vmem>>) target(%dma_start3A_206 : memref<192x128xf32, #tpu.memory_space<vmem_shared>>) target_semaphore(%run_scoped3A_199 : memref<!tpu.dma_semaphore, #tpu.memory_space<semaphore_mem>>)
        %dma_wait3A = arith.constant 0 : i32
        %dma_wait3A_210 = arith.constant 0 : i32
        %dma_wait3A_211 = tpu.memref_slice %arg8[%dma_wait3A, %dma_wait3A_210] : memref<192x128xf32, #tpu.memory_space<vmem>> -> memref<192x128xf32, #tpu.memory_space<vmem>>
        %dma_wait3A_212 = arith.constant 0 : i32
        %dma_wait3A_213 = tpu.memref_slice %arg6[%add3A_192, %dma_wait3A_212] : memref<10000x128xf32, #tpu.memory_space<vmem_shared>> -> memref<192x128xf32, #tpu.memory_space<vmem_shared>>
        %dma_wait3A_214 = arith.constant 0 : i32
        %dma_wait3A_215 = tpu.memref_slice %arg6[%add3A_192, %dma_wait3A_214] : memref<10000x128xf32, #tpu.memory_space<vmem_shared>> -> memref<192x128xf32, #tpu.memory_space<vmem_shared>>
        %dma_wait3A_216 = arith.constant 0 : i32
        %dma_wait3A_217 = arith.constant 0 : i32
        %dma_wait3A_218 = tpu.memref_slice %arg8[%dma_wait3A_216, %dma_wait3A_217] : memref<192x128xf32, #tpu.memory_space<vmem>> -> memref<192x128xf32, #tpu.memory_space<vmem>>
        tpu.wait_dma2 semaphore(%run_scoped3A_199 : memref<!tpu.dma_semaphore, #tpu.memory_space<semaphore_mem>>) src(%dma_wait3A_218 : memref<192x128xf32, #tpu.memory_space<vmem>>) dst(%dma_wait3A_215 : memref<192x128xf32, #tpu.memory_space<vmem_shared>>)
        tpu.yield
      }) : () -> ()
      %add3A_193 = arith.constant 192 : i32
      %add3A_194 = arith.addi %mul3A_190, %add3A_193 : i32
      "tpu.region"() ({
        %run_scoped3A_199 = tpu.sem_alloc : memref<!tpu.dma_semaphore, #tpu.memory_space<semaphore_mem>>
        %dma_start3A_200 = arith.constant 0 : i32
        %dma_start3A_201 = arith.constant 0 : i32
        %dma_start3A_202 = tpu.memref_slice %arg8[%dma_start3A_200, %dma_start3A_201] : memref<192x128xf32, #tpu.memory_space<vmem>> -> memref<192x128xf32, #tpu.memory_space<vmem>>
        %dma_start3A_203 = arith.constant 0 : i32
        %dma_start3A_204 = tpu.memref_slice %arg6[%add3A_194, %dma_start3A_203] : memref<10000x128xf32, #tpu.memory_space<vmem_shared>> -> memref<192x128xf32, #tpu.memory_space<vmem_shared>>
        %dma_start3A_205 = arith.constant 0 : i32
        %dma_start3A_206 = tpu.memref_slice %arg6[%add3A_194, %dma_start3A_205] : memref<10000x128xf32, #tpu.memory_space<vmem_shared>> -> memref<192x128xf32, #tpu.memory_space<vmem_shared>>
        %dma_start3A_207 = arith.constant 0 : i32
        %dma_start3A_208 = arith.constant 0 : i32
        %dma_start3A_209 = tpu.memref_slice %arg8[%dma_start3A_207, %dma_start3A_208] : memref<192x128xf32, #tpu.memory_space<vmem>> -> memref<192x128xf32, #tpu.memory_space<vmem>>
        tpu.enqueue_dma source(%dma_start3A_209 : memref<192x128xf32, #tpu.memory_space<vmem>>) target(%dma_start3A_206 : memref<192x128xf32, #tpu.memory_space<vmem_shared>>) target_semaphore(%run_scoped3A_199 : memref<!tpu.dma_semaphore, #tpu.memory_space<semaphore_mem>>)
        %dma_wait3A = arith.constant 0 : i32
        %dma_wait3A_210 = arith.constant 0 : i32
        %dma_wait3A_211 = tpu.memref_slice %arg8[%dma_wait3A, %dma_wait3A_210] : memref<192x128xf32, #tpu.memory_space<vmem>> -> memref<192x128xf32, #tpu.memory_space<vmem>>
        %dma_wait3A_212 = arith.constant 0 : i32
        %dma_wait3A_213 = tpu.memref_slice %arg6[%add3A_194, %dma_wait3A_212] : memref<10000x128xf32, #tpu.memory_space<vmem_shared>> -> memref<192x128xf32, #tpu.memory_space<vmem_shared>>
        %dma_wait3A_214 = arith.constant 0 : i32
        %dma_wait3A_215 = tpu.memref_slice %arg6[%add3A_194, %dma_wait3A_214] : memref<10000x128xf32, #tpu.memory_space<vmem_shared>> -> memref<192x128xf32, #tpu.memory_space<vmem_shared>>
        %dma_wait3A_216 = arith.constant 0 : i32
        %dma_wait3A_217 = arith.constant 0 : i32
        %dma_wait3A_218 = tpu.memref_slice %arg8[%dma_wait3A_216, %dma_wait3A_217] : memref<192x128xf32, #tpu.memory_space<vmem>> -> memref<192x128xf32, #tpu.memory_space<vmem>>
        tpu.wait_dma2 semaphore(%run_scoped3A_199 : memref<!tpu.dma_semaphore, #tpu.memory_space<semaphore_mem>>) src(%dma_wait3A_218 : memref<192x128xf32, #tpu.memory_space<vmem>>) dst(%dma_wait3A_215 : memref<192x128xf32, #tpu.memory_space<vmem_shared>>)
        tpu.yield
      }) : () -> ()
      %add3A_195 = arith.constant 384 : i32
      %add3A_196 = arith.addi %mul3A_190, %add3A_195 : i32
      "tpu.region"() ({
        %run_scoped3A_199 = tpu.sem_alloc : memref<!tpu.dma_semaphore, #tpu.memory_space<semaphore_mem>>
        %dma_start3A_200 = arith.constant 0 : i32
        %dma_start3A_201 = arith.constant 0 : i32
        %dma_start3A_202 = tpu.memref_slice %arg8[%dma_start3A_200, %dma_start3A_201] : memref<192x128xf32, #tpu.memory_space<vmem>> -> memref<192x128xf32, #tpu.memory_space<vmem>>
        %dma_start3A_203 = arith.constant 0 : i32
        %dma_start3A_204 = tpu.memref_slice %arg6[%add3A_196, %dma_start3A_203] : memref<10000x128xf32, #tpu.memory_space<vmem_shared>> -> memref<192x128xf32, #tpu.memory_space<vmem_shared>>
        %dma_start3A_205 = arith.constant 0 : i32
        %dma_start3A_206 = tpu.memref_slice %arg6[%add3A_196, %dma_start3A_205] : memref<10000x128xf32, #tpu.memory_space<vmem_shared>> -> memref<192x128xf32, #tpu.memory_space<vmem_shared>>
        %dma_start3A_207 = arith.constant 0 : i32
        %dma_start3A_208 = arith.constant 0 : i32
        %dma_start3A_209 = tpu.memref_slice %arg8[%dma_start3A_207, %dma_start3A_208] : memref<192x128xf32, #tpu.memory_space<vmem>> -> memref<192x128xf32, #tpu.memory_space<vmem>>
        tpu.enqueue_dma source(%dma_start3A_209 : memref<192x128xf32, #tpu.memory_space<vmem>>) target(%dma_start3A_206 : memref<192x128xf32, #tpu.memory_space<vmem_shared>>) target_semaphore(%run_scoped3A_199 : memref<!tpu.dma_semaphore, #tpu.memory_space<semaphore_mem>>)
        %dma_wait3A = arith.constant 0 : i32
        %dma_wait3A_210 = arith.constant 0 : i32
        %dma_wait3A_211 = tpu.memref_slice %arg8[%dma_wait3A, %dma_wait3A_210] : memref<192x128xf32, #tpu.memory_space<vmem>> -> memref<192x128xf32, #tpu.memory_space<vmem>>
        %dma_wait3A_212 = arith.constant 0 : i32
        %dma_wait3A_213 = tpu.memref_slice %arg6[%add3A_196, %dma_wait3A_212] : memref<10000x128xf32, #tpu.memory_space<vmem_shared>> -> memref<192x128xf32, #tpu.memory_space<vmem_shared>>
        %dma_wait3A_214 = arith.constant 0 : i32
        %dma_wait3A_215 = tpu.memref_slice %arg6[%add3A_196, %dma_wait3A_214] : memref<10000x128xf32, #tpu.memory_space<vmem_shared>> -> memref<192x128xf32, #tpu.memory_space<vmem_shared>>
        %dma_wait3A_216 = arith.constant 0 : i32
        %dma_wait3A_217 = arith.constant 0 : i32
        %dma_wait3A_218 = tpu.memref_slice %arg8[%dma_wait3A_216, %dma_wait3A_217] : memref<192x128xf32, #tpu.memory_space<vmem>> -> memref<192x128xf32, #tpu.memory_space<vmem>>
        tpu.wait_dma2 semaphore(%run_scoped3A_199 : memref<!tpu.dma_semaphore, #tpu.memory_space<semaphore_mem>>) src(%dma_wait3A_218 : memref<192x128xf32, #tpu.memory_space<vmem>>) dst(%dma_wait3A_215 : memref<192x128xf32, #tpu.memory_space<vmem_shared>>)
        tpu.yield
      }) : () -> ()
      %add3A_197 = arith.constant 576 : i32
      %add3A_198 = arith.addi %mul3A_190, %add3A_197 : i32
      "tpu.region"() ({
        %run_scoped3A_199 = tpu.sem_alloc : memref<!tpu.dma_semaphore, #tpu.memory_space<semaphore_mem>>
        %dma_start3A_200 = arith.constant 0 : i32
        %dma_start3A_201 = arith.constant 0 : i32
        %dma_start3A_202 = tpu.memref_slice %arg8[%dma_start3A_200, %dma_start3A_201] : memref<192x128xf32, #tpu.memory_space<vmem>> -> memref<56x128xf32, #tpu.memory_space<vmem>>
        %dma_start3A_203 = arith.constant 0 : i32
        %dma_start3A_204 = tpu.memref_slice %arg6[%add3A_198, %dma_start3A_203] : memref<10000x128xf32, #tpu.memory_space<vmem_shared>> -> memref<56x128xf32, #tpu.memory_space<vmem_shared>>
        %dma_start3A_205 = arith.constant 0 : i32
        %dma_start3A_206 = tpu.memref_slice %arg6[%add3A_198, %dma_start3A_205] : memref<10000x128xf32, #tpu.memory_space<vmem_shared>> -> memref<56x128xf32, #tpu.memory_space<vmem_shared>>
        %dma_start3A_207 = arith.constant 0 : i32
        %dma_start3A_208 = arith.constant 0 : i32
        %dma_start3A_209 = tpu.memref_slice %arg8[%dma_start3A_207, %dma_start3A_208] : memref<192x128xf32, #tpu.memory_space<vmem>> -> memref<56x128xf32, #tpu.memory_space<vmem>>
        tpu.enqueue_dma source(%dma_start3A_209 : memref<56x128xf32, #tpu.memory_space<vmem>>) target(%dma_start3A_206 : memref<56x128xf32, #tpu.memory_space<vmem_shared>>) target_semaphore(%run_scoped3A_199 : memref<!tpu.dma_semaphore, #tpu.memory_space<semaphore_mem>>)
        %dma_wait3A = arith.constant 0 : i32
        %dma_wait3A_210 = arith.constant 0 : i32
        %dma_wait3A_211 = tpu.memref_slice %arg8[%dma_wait3A, %dma_wait3A_210] : memref<192x128xf32, #tpu.memory_space<vmem>> -> memref<56x128xf32, #tpu.memory_space<vmem>>
        %dma_wait3A_212 = arith.constant 0 : i32
        %dma_wait3A_213 = tpu.memref_slice %arg6[%add3A_198, %dma_wait3A_212] : memref<10000x128xf32, #tpu.memory_space<vmem_shared>> -> memref<56x128xf32, #tpu.memory_space<vmem_shared>>
        %dma_wait3A_214 = arith.constant 0 : i32
        %dma_wait3A_215 = tpu.memref_slice %arg6[%add3A_198, %dma_wait3A_214] : memref<10000x128xf32, #tpu.memory_space<vmem_shared>> -> memref<56x128xf32, #tpu.memory_space<vmem_shared>>
        %dma_wait3A_216 = arith.constant 0 : i32
        %dma_wait3A_217 = arith.constant 0 : i32
        %dma_wait3A_218 = tpu.memref_slice %arg8[%dma_wait3A_216, %dma_wait3A_217] : memref<192x128xf32, #tpu.memory_space<vmem>> -> memref<56x128xf32, #tpu.memory_space<vmem>>
        tpu.wait_dma2 semaphore(%run_scoped3A_199 : memref<!tpu.dma_semaphore, #tpu.memory_space<semaphore_mem>>) src(%dma_wait3A_218 : memref<56x128xf32, #tpu.memory_space<vmem>>) dst(%dma_wait3A_215 : memref<56x128xf32, #tpu.memory_space<vmem_shared>>)
        tpu.yield
      }) : () -> ()
    } else {
    }
    %eq3A_65 = arith.constant 15 : i32
    %eq3A_66 = arith.cmpi eq, %arg1, %eq3A_65 : i32
    %convert_element_type3A_67 = arith.extui %eq3A_66 : i1 to i32
    %cond3A_68 = arith.constant 0 : i32
    %cond3A_69 = arith.cmpi ne, %convert_element_type3A_67, %cond3A_68 : i32
    scf.if %cond3A_69 {
      "tpu.region"() ({
        %run_scoped3A_189 = tpu.sem_alloc : memref<!tpu.dma_semaphore, #tpu.memory_space<semaphore_mem>>
        %dma_start3A_190 = arith.constant 0 : i32
        %dma_start3A_191 = arith.constant 0 : i32
        %dma_start3A_192 = tpu.memref_slice %arg8[%dma_start3A_190, %dma_start3A_191] : memref<192x128xf32, #tpu.memory_space<vmem>> -> memref<192x128xf32, #tpu.memory_space<vmem>>
        %dma_start3A_193 = arith.constant 9480 : i32
        %dma_start3A_194 = arith.constant 0 : i32
        %dma_start3A_195 = tpu.memref_slice %arg6[%dma_start3A_193, %dma_start3A_194] : memref<10000x128xf32, #tpu.memory_space<vmem_shared>> -> memref<192x128xf32, #tpu.memory_space<vmem_shared>>
        %dma_start3A_196 = arith.constant 9480 : i32
        %dma_start3A_197 = arith.constant 0 : i32
        %dma_start3A_198 = tpu.memref_slice %arg6[%dma_start3A_196, %dma_start3A_197] : memref<10000x128xf32, #tpu.memory_space<vmem_shared>> -> memref<192x128xf32, #tpu.memory_space<vmem_shared>>
        %dma_start3A_199 = arith.constant 0 : i32
        %dma_start3A_200 = arith.constant 0 : i32
        %dma_start3A_201 = tpu.memref_slice %arg8[%dma_start3A_199, %dma_start3A_200] : memref<192x128xf32, #tpu.memory_space<vmem>> -> memref<192x128xf32, #tpu.memory_space<vmem>>
        tpu.enqueue_dma source(%dma_start3A_201 : memref<192x128xf32, #tpu.memory_space<vmem>>) target(%dma_start3A_198 : memref<192x128xf32, #tpu.memory_space<vmem_shared>>) target_semaphore(%run_scoped3A_189 : memref<!tpu.dma_semaphore, #tpu.memory_space<semaphore_mem>>)
        %dma_wait3A = arith.constant 0 : i32
        %dma_wait3A_202 = arith.constant 0 : i32
        %dma_wait3A_203 = tpu.memref_slice %arg8[%dma_wait3A, %dma_wait3A_202] : memref<192x128xf32, #tpu.memory_space<vmem>> -> memref<192x128xf32, #tpu.memory_space<vmem>>
        %dma_wait3A_204 = arith.constant 9480 : i32
        %dma_wait3A_205 = arith.constant 0 : i32
        %dma_wait3A_206 = tpu.memref_slice %arg6[%dma_wait3A_204, %dma_wait3A_205] : memref<10000x128xf32, #tpu.memory_space<vmem_shared>> -> memref<192x128xf32, #tpu.memory_space<vmem_shared>>
        %dma_wait3A_207 = arith.constant 9480 : i32
        %dma_wait3A_208 = arith.constant 0 : i32
        %dma_wait3A_209 = tpu.memref_slice %arg6[%dma_wait3A_207, %dma_wait3A_208] : memref<10000x128xf32, #tpu.memory_space<vmem_shared>> -> memref<192x128xf32, #tpu.memory_space<vmem_shared>>
        %dma_wait3A_210 = arith.constant 0 : i32
        %dma_wait3A_211 = arith.constant 0 : i32
        %dma_wait3A_212 = tpu.memref_slice %arg8[%dma_wait3A_210, %dma_wait3A_211] : memref<192x128xf32, #tpu.memory_space<vmem>> -> memref<192x128xf32, #tpu.memory_space<vmem>>
        tpu.wait_dma2 semaphore(%run_scoped3A_189 : memref<!tpu.dma_semaphore, #tpu.memory_space<semaphore_mem>>) src(%dma_wait3A_212 : memref<192x128xf32, #tpu.memory_space<vmem>>) dst(%dma_wait3A_209 : memref<192x128xf32, #tpu.memory_space<vmem_shared>>)
        tpu.yield
      }) : () -> ()
      "tpu.region"() ({
        %run_scoped3A_189 = tpu.sem_alloc : memref<!tpu.dma_semaphore, #tpu.memory_space<semaphore_mem>>
        %dma_start3A_190 = arith.constant 0 : i32
        %dma_start3A_191 = arith.constant 0 : i32
        %dma_start3A_192 = tpu.memref_slice %arg8[%dma_start3A_190, %dma_start3A_191] : memref<192x128xf32, #tpu.memory_space<vmem>> -> memref<192x128xf32, #tpu.memory_space<vmem>>
        %dma_start3A_193 = arith.constant 9672 : i32
        %dma_start3A_194 = arith.constant 0 : i32
        %dma_start3A_195 = tpu.memref_slice %arg6[%dma_start3A_193, %dma_start3A_194] : memref<10000x128xf32, #tpu.memory_space<vmem_shared>> -> memref<192x128xf32, #tpu.memory_space<vmem_shared>>
        %dma_start3A_196 = arith.constant 9672 : i32
        %dma_start3A_197 = arith.constant 0 : i32
        %dma_start3A_198 = tpu.memref_slice %arg6[%dma_start3A_196, %dma_start3A_197] : memref<10000x128xf32, #tpu.memory_space<vmem_shared>> -> memref<192x128xf32, #tpu.memory_space<vmem_shared>>
        %dma_start3A_199 = arith.constant 0 : i32
        %dma_start3A_200 = arith.constant 0 : i32
        %dma_start3A_201 = tpu.memref_slice %arg8[%dma_start3A_199, %dma_start3A_200] : memref<192x128xf32, #tpu.memory_space<vmem>> -> memref<192x128xf32, #tpu.memory_space<vmem>>
        tpu.enqueue_dma source(%dma_start3A_201 : memref<192x128xf32, #tpu.memory_space<vmem>>) target(%dma_start3A_198 : memref<192x128xf32, #tpu.memory_space<vmem_shared>>) target_semaphore(%run_scoped3A_189 : memref<!tpu.dma_semaphore, #tpu.memory_space<semaphore_mem>>)
        %dma_wait3A = arith.constant 0 : i32
        %dma_wait3A_202 = arith.constant 0 : i32
        %dma_wait3A_203 = tpu.memref_slice %arg8[%dma_wait3A, %dma_wait3A_202] : memref<192x128xf32, #tpu.memory_space<vmem>> -> memref<192x128xf32, #tpu.memory_space<vmem>>
        %dma_wait3A_204 = arith.constant 9672 : i32
        %dma_wait3A_205 = arith.constant 0 : i32
        %dma_wait3A_206 = tpu.memref_slice %arg6[%dma_wait3A_204, %dma_wait3A_205] : memref<10000x128xf32, #tpu.memory_space<vmem_shared>> -> memref<192x128xf32, #tpu.memory_space<vmem_shared>>
        %dma_wait3A_207 = arith.constant 9672 : i32
        %dma_wait3A_208 = arith.constant 0 : i32
        %dma_wait3A_209 = tpu.memref_slice %arg6[%dma_wait3A_207, %dma_wait3A_208] : memref<10000x128xf32, #tpu.memory_space<vmem_shared>> -> memref<192x128xf32, #tpu.memory_space<vmem_shared>>
        %dma_wait3A_210 = arith.constant 0 : i32
        %dma_wait3A_211 = arith.constant 0 : i32
        %dma_wait3A_212 = tpu.memref_slice %arg8[%dma_wait3A_210, %dma_wait3A_211] : memref<192x128xf32, #tpu.memory_space<vmem>> -> memref<192x128xf32, #tpu.memory_space<vmem>>
        tpu.wait_dma2 semaphore(%run_scoped3A_189 : memref<!tpu.dma_semaphore, #tpu.memory_space<semaphore_mem>>) src(%dma_wait3A_212 : memref<192x128xf32, #tpu.memory_space<vmem>>) dst(%dma_wait3A_209 : memref<192x128xf32, #tpu.memory_space<vmem_shared>>)
        tpu.yield
      }) : () -> ()
      "tpu.region"() ({
        %run_scoped3A_189 = tpu.sem_alloc : memref<!tpu.dma_semaphore, #tpu.memory_space<semaphore_mem>>
        %dma_start3A_190 = arith.constant 0 : i32
        %dma_start3A_191 = arith.constant 0 : i32
        %dma_start3A_192 = tpu.memref_slice %arg8[%dma_start3A_190, %dma_start3A_191] : memref<192x128xf32, #tpu.memory_space<vmem>> -> memref<136x128xf32, #tpu.memory_space<vmem>>
        %dma_start3A_193 = arith.constant 9864 : i32
        %dma_start3A_194 = arith.constant 0 : i32
        %dma_start3A_195 = tpu.memref_slice %arg6[%dma_start3A_193, %dma_start3A_194] : memref<10000x128xf32, #tpu.memory_space<vmem_shared>> -> memref<136x128xf32, #tpu.memory_space<vmem_shared>>
        %dma_start3A_196 = arith.constant 9864 : i32
        %dma_start3A_197 = arith.constant 0 : i32
        %dma_start3A_198 = tpu.memref_slice %arg6[%dma_start3A_196, %dma_start3A_197] : memref<10000x128xf32, #tpu.memory_space<vmem_shared>> -> memref<136x128xf32, #tpu.memory_space<vmem_shared>>
        %dma_start3A_199 = arith.constant 0 : i32
        %dma_start3A_200 = arith.constant 0 : i32
        %dma_start3A_201 = tpu.memref_slice %arg8[%dma_start3A_199, %dma_start3A_200] : memref<192x128xf32, #tpu.memory_space<vmem>> -> memref<136x128xf32, #tpu.memory_space<vmem>>
        tpu.enqueue_dma source(%dma_start3A_201 : memref<136x128xf32, #tpu.memory_space<vmem>>) target(%dma_start3A_198 : memref<136x128xf32, #tpu.memory_space<vmem_shared>>) target_semaphore(%run_scoped3A_189 : memref<!tpu.dma_semaphore, #tpu.memory_space<semaphore_mem>>)
        %dma_wait3A = arith.constant 0 : i32
        %dma_wait3A_202 = arith.constant 0 : i32
        %dma_wait3A_203 = tpu.memref_slice %arg8[%dma_wait3A, %dma_wait3A_202] : memref<192x128xf32, #tpu.memory_space<vmem>> -> memref<136x128xf32, #tpu.memory_space<vmem>>
        %dma_wait3A_204 = arith.constant 9864 : i32
        %dma_wait3A_205 = arith.constant 0 : i32
        %dma_wait3A_206 = tpu.memref_slice %arg6[%dma_wait3A_204, %dma_wait3A_205] : memref<10000x128xf32, #tpu.memory_space<vmem_shared>> -> memref<136x128xf32, #tpu.memory_space<vmem_shared>>
        %dma_wait3A_207 = arith.constant 9864 : i32
        %dma_wait3A_208 = arith.constant 0 : i32
        %dma_wait3A_209 = tpu.memref_slice %arg6[%dma_wait3A_207, %dma_wait3A_208] : memref<10000x128xf32, #tpu.memory_space<vmem_shared>> -> memref<136x128xf32, #tpu.memory_space<vmem_shared>>
        %dma_wait3A_210 = arith.constant 0 : i32
        %dma_wait3A_211 = arith.constant 0 : i32
        %dma_wait3A_212 = tpu.memref_slice %arg8[%dma_wait3A_210, %dma_wait3A_211] : memref<192x128xf32, #tpu.memory_space<vmem>> -> memref<136x128xf32, #tpu.memory_space<vmem>>
        tpu.wait_dma2 semaphore(%run_scoped3A_189 : memref<!tpu.dma_semaphore, #tpu.memory_space<semaphore_mem>>) src(%dma_wait3A_212 : memref<136x128xf32, #tpu.memory_space<vmem>>) dst(%dma_wait3A_209 : memref<136x128xf32, #tpu.memory_space<vmem_shared>>)
        tpu.yield
      }) : () -> ()
    } else {
    }
    %mul3A_70 = arith.constant 640 : i32
    %mul3A_71 = arith.muli %arg1, %mul3A_70 : i32
    "tpu.region"() ({
      %run_scoped3A_189 = tpu.sem_alloc : memref<!tpu.dma_semaphore, #tpu.memory_space<semaphore_mem>>
      %dma_start3A_190 = tpu.memref_slice %arg7[%mul3A_71] : memref<10240xf32, #tpu.memory_space<vmem_shared>> -> memref<640xf32, #tpu.memory_space<vmem_shared>>
      %dma_start3A_191 = tpu.memref_slice %arg7[%mul3A_71] : memref<10240xf32, #tpu.memory_space<vmem_shared>> -> memref<640xf32, #tpu.memory_space<vmem_shared>>
      tpu.enqueue_dma source(%arg16 : memref<640xf32, #tpu.memory_space<vmem>>) target(%dma_start3A_191 : memref<640xf32, #tpu.memory_space<vmem_shared>>) target_semaphore(%run_scoped3A_189 : memref<!tpu.dma_semaphore, #tpu.memory_space<semaphore_mem>>)
      %dma_wait3A = tpu.memref_slice %arg7[%mul3A_71] : memref<10240xf32, #tpu.memory_space<vmem_shared>> -> memref<640xf32, #tpu.memory_space<vmem_shared>>
      %dma_wait3A_192 = tpu.memref_slice %arg7[%mul3A_71] : memref<10240xf32, #tpu.memory_space<vmem_shared>> -> memref<640xf32, #tpu.memory_space<vmem_shared>>
      tpu.wait_dma2 semaphore(%run_scoped3A_189 : memref<!tpu.dma_semaphore, #tpu.memory_space<semaphore_mem>>) src(%arg16 : memref<640xf32, #tpu.memory_space<vmem>>) dst(%dma_wait3A_192 : memref<640xf32, #tpu.memory_space<vmem_shared>>)
      tpu.yield
    }) : () -> ()
    %barrier3A = arith.constant 0 : index
    tpu.barrier barrier_id(%barrier3A)
    %add3A_72 = arith.constant 0 : i32
    %add3A_73 = arith.addi %add3A, %add3A_72 : i32
    %dma_start3A = arith.constant 0 : i32
    %dma_start3A_74 = arith.constant 0 : i32
    %dma_start3A_75 = arith.constant 0 : i32
    %dma_start3A_76 = tpu.memref_slice %arg8[%dma_start3A_74, %dma_start3A_75] : memref<192x128xf32, #tpu.memory_space<vmem>> -> memref<64x128xf32, #tpu.memory_space<vmem>>
    %dma_start3A_77 = arith.constant 0 : i32
    %dma_start3A_78 = tpu.memref_slice %arg2[%add3A_73, %dma_start3A_77] : memref<320000x128xf32, #tpu.memory_space<hbm>> -> memref<64x128xf32, #tpu.memory_space<hbm>>
    %dma_start3A_79 = tpu.memref_slice %arg20[%dma_start3A] : memref<3x!tpu.dma_semaphore, #tpu.memory_space<semaphore_mem>> -> memref<1x!tpu.dma_semaphore, #tpu.memory_space<semaphore_mem>>
    %dma_start3A_80 = tpu.memref_squeeze %dma_start3A_79 : memref<1x!tpu.dma_semaphore, #tpu.memory_space<semaphore_mem>> -> memref<!tpu.dma_semaphore, #tpu.memory_space<semaphore_mem>>
    %dma_start3A_81 = arith.constant 0 : i32
    %dma_start3A_82 = arith.constant 0 : i32
    %dma_start3A_83 = tpu.memref_slice %arg8[%dma_start3A_81, %dma_start3A_82] : memref<192x128xf32, #tpu.memory_space<vmem>> -> memref<64x128xf32, #tpu.memory_space<vmem>>
    %dma_start3A_84 = arith.constant 0 : i32
    %dma_start3A_85 = tpu.memref_slice %arg2[%add3A_73, %dma_start3A_84] : memref<320000x128xf32, #tpu.memory_space<hbm>> -> memref<64x128xf32, #tpu.memory_space<hbm>>
    tpu.enqueue_dma source(%dma_start3A_85 : memref<64x128xf32, #tpu.memory_space<hbm>>) target(%dma_start3A_83 : memref<64x128xf32, #tpu.memory_space<vmem>>) target_semaphore(%dma_start3A_80 : memref<!tpu.dma_semaphore, #tpu.memory_space<semaphore_mem>>)
    %dma_start3A_86 = arith.constant 0 : i32
    %dma_start3A_87 = arith.constant 0 : i32
    %dma_start3A_88 = arith.constant 8 : i32
    %dma_start3A_89 = tpu.memref_slice %arg9[%dma_start3A_86, %dma_start3A_88] : memref<3x80xi32, #tpu.memory_space<vmem>> -> memref<1x64xi32, #tpu.memory_space<vmem>>
    %dma_start3A_90 = tpu.memref_squeeze %dma_start3A_89 : memref<1x64xi32, #tpu.memory_space<vmem>> -> memref<64xi32, #tpu.memory_space<vmem>>
    %dma_start3A_91 = tpu.memref_slice %arg3[%add3A_73] : memref<320000xi32, #tpu.memory_space<hbm>> -> memref<64xi32, #tpu.memory_space<hbm>>
    %dma_start3A_92 = tpu.memref_slice %arg20[%dma_start3A_87] : memref<3x!tpu.dma_semaphore, #tpu.memory_space<semaphore_mem>> -> memref<1x!tpu.dma_semaphore, #tpu.memory_space<semaphore_mem>>
    %dma_start3A_93 = tpu.memref_squeeze %dma_start3A_92 : memref<1x!tpu.dma_semaphore, #tpu.memory_space<semaphore_mem>> -> memref<!tpu.dma_semaphore, #tpu.memory_space<semaphore_mem>>
    %dma_start3A_94 = arith.constant 8 : i32
    %dma_start3A_95 = tpu.memref_slice %arg9[%dma_start3A_86, %dma_start3A_94] : memref<3x80xi32, #tpu.memory_space<vmem>> -> memref<1x64xi32, #tpu.memory_space<vmem>>
    %dma_start3A_96 = tpu.memref_squeeze %dma_start3A_95 : memref<1x64xi32, #tpu.memory_space<vmem>> -> memref<64xi32, #tpu.memory_space<vmem>>
    %dma_start3A_97 = tpu.memref_slice %arg3[%add3A_73] : memref<320000xi32, #tpu.memory_space<hbm>> -> memref<64xi32, #tpu.memory_space<hbm>>
    tpu.enqueue_dma source(%dma_start3A_97 : memref<64xi32, #tpu.memory_space<hbm>>) target(%dma_start3A_96 : memref<64xi32, #tpu.memory_space<vmem>>) target_semaphore(%dma_start3A_93 : memref<!tpu.dma_semaphore, #tpu.memory_space<semaphore_mem>>)
    %add3A_98 = arith.constant 64 : i32
    %add3A_99 = arith.addi %add3A, %add3A_98 : i32
    %dma_start3A_100 = arith.constant 1 : i32
    %dma_start3A_101 = arith.constant 64 : i32
    %dma_start3A_102 = arith.constant 0 : i32
    %dma_start3A_103 = tpu.memref_slice %arg8[%dma_start3A_101, %dma_start3A_102] : memref<192x128xf32, #tpu.memory_space<vmem>> -> memref<64x128xf32, #tpu.memory_space<vmem>>
    %dma_start3A_104 = arith.constant 0 : i32
    %dma_start3A_105 = tpu.memref_slice %arg2[%add3A_99, %dma_start3A_104] : memref<320000x128xf32, #tpu.memory_space<hbm>> -> memref<64x128xf32, #tpu.memory_space<hbm>>
    %dma_start3A_106 = tpu.memref_slice %arg20[%dma_start3A_100] : memref<3x!tpu.dma_semaphore, #tpu.memory_space<semaphore_mem>> -> memref<1x!tpu.dma_semaphore, #tpu.memory_space<semaphore_mem>>
    %dma_start3A_107 = tpu.memref_squeeze %dma_start3A_106 : memref<1x!tpu.dma_semaphore, #tpu.memory_space<semaphore_mem>> -> memref<!tpu.dma_semaphore, #tpu.memory_space<semaphore_mem>>
    %dma_start3A_108 = arith.constant 64 : i32
    %dma_start3A_109 = arith.constant 0 : i32
    %dma_start3A_110 = tpu.memref_slice %arg8[%dma_start3A_108, %dma_start3A_109] : memref<192x128xf32, #tpu.memory_space<vmem>> -> memref<64x128xf32, #tpu.memory_space<vmem>>
    %dma_start3A_111 = arith.constant 0 : i32
    %dma_start3A_112 = tpu.memref_slice %arg2[%add3A_99, %dma_start3A_111] : memref<320000x128xf32, #tpu.memory_space<hbm>> -> memref<64x128xf32, #tpu.memory_space<hbm>>
    tpu.enqueue_dma source(%dma_start3A_112 : memref<64x128xf32, #tpu.memory_space<hbm>>) target(%dma_start3A_110 : memref<64x128xf32, #tpu.memory_space<vmem>>) target_semaphore(%dma_start3A_107 : memref<!tpu.dma_semaphore, #tpu.memory_space<semaphore_mem>>)
    %dma_start3A_113 = arith.constant 1 : i32
    %dma_start3A_114 = arith.constant 1 : i32
    %dma_start3A_115 = arith.constant 8 : i32
    %dma_start3A_116 = tpu.memref_slice %arg9[%dma_start3A_113, %dma_start3A_115] : memref<3x80xi32, #tpu.memory_space<vmem>> -> memref<1x64xi32, #tpu.memory_space<vmem>>
    %dma_start3A_117 = tpu.memref_squeeze %dma_start3A_116 : memref<1x64xi32, #tpu.memory_space<vmem>> -> memref<64xi32, #tpu.memory_space<vmem>>
    %dma_start3A_118 = tpu.memref_slice %arg3[%add3A_99] : memref<320000xi32, #tpu.memory_space<hbm>> -> memref<64xi32, #tpu.memory_space<hbm>>
    %dma_start3A_119 = tpu.memref_slice %arg20[%dma_start3A_114] : memref<3x!tpu.dma_semaphore, #tpu.memory_space<semaphore_mem>> -> memref<1x!tpu.dma_semaphore, #tpu.memory_space<semaphore_mem>>
    %dma_start3A_120 = tpu.memref_squeeze %dma_start3A_119 : memref<1x!tpu.dma_semaphore, #tpu.memory_space<semaphore_mem>> -> memref<!tpu.dma_semaphore, #tpu.memory_space<semaphore_mem>>
    %dma_start3A_121 = arith.constant 8 : i32
    %dma_start3A_122 = tpu.memref_slice %arg9[%dma_start3A_113, %dma_start3A_121] : memref<3x80xi32, #tpu.memory_space<vmem>> -> memref<1x64xi32, #tpu.memory_space<vmem>>
    %dma_start3A_123 = tpu.memref_squeeze %dma_start3A_122 : memref<1x64xi32, #tpu.memory_space<vmem>> -> memref<64xi32, #tpu.memory_space<vmem>>
    %dma_start3A_124 = tpu.memref_slice %arg3[%add3A_99] : memref<320000xi32, #tpu.memory_space<hbm>> -> memref<64xi32, #tpu.memory_space<hbm>>
    tpu.enqueue_dma source(%dma_start3A_124 : memref<64xi32, #tpu.memory_space<hbm>>) target(%dma_start3A_123 : memref<64xi32, #tpu.memory_space<vmem>>) target_semaphore(%dma_start3A_120 : memref<!tpu.dma_semaphore, #tpu.memory_space<semaphore_mem>>)
    %scan3A_125 = arith.constant 0 : i32
    %scan3A_126 = arith.constant 0 : i32
    %scan3A_127 = arith.constant 27 : i32
    %scan3A_128 = arith.addi %scan3A_126, %scan3A_127 : i32
    %scan3A_129 = arith.constant 1 : i32
    scf.for %scan3A_189 = %scan3A_126 to %scan3A_128 step %scan3A_129  : i32 {
      %mul3A_190 = arith.constant 6 : i32
      %mul3A_191 = arith.muli %scan3A_189, %mul3A_190 : i32
      %add3A_192 = arith.constant 0 : i32
      %add3A_193 = arith.addi %mul3A_191, %add3A_192 : i32
      %ge3A = arith.constant 2 : i32
      %ge3A_194 = arith.cmpi sge, %add3A_193, %ge3A : i32
      %lt3A_195 = arith.constant 158 : i32
      %lt3A_196 = arith.cmpi slt, %add3A_193, %lt3A_195 : i32
      %and3A_197 = arith.andi %ge3A_194, %lt3A_196 : i1
      %convert_element_type3A_198 = arith.extui %and3A_197 : i1 to i32
      %cond3A_199 = arith.constant 0 : i32
      %cond3A_200 = arith.cmpi ne, %convert_element_type3A_198, %cond3A_199 : i32
      scf.if %cond3A_200 {
        %dma_wait3A = arith.constant 0 : i32
        %dma_wait3A_333 = arith.constant 0 : i32
        %dma_wait3A_334 = arith.constant 0 : i32
        %dma_wait3A_335 = arith.constant 0 : i32
        %dma_wait3A_336 = arith.constant 0 : i32
        %dma_wait3A_337 = tpu.memref_slice %arg10[%dma_wait3A, %dma_wait3A_335, %dma_wait3A_336] : memref<2x64x128xf32, #tpu.memory_space<vmem>> -> memref<1x64x128xf32, #tpu.memory_space<vmem>>
        %dma_wait3A_338 = tpu.memref_squeeze %dma_wait3A_337 : memref<1x64x128xf32, #tpu.memory_space<vmem>> -> memref<64x128xf32, #tpu.memory_space<vmem>>
        %dma_wait3A_339 = arith.constant 0 : i32
        %dma_wait3A_340 = tpu.memref_slice %arg11[%dma_wait3A_333, %dma_wait3A_339] : memref<2x64xi32, #tpu.memory_space<vmem>> -> memref<1x64xi32, #tpu.memory_space<vmem>>
        %dma_wait3A_341 = tpu.memref_squeeze %dma_wait3A_340 : memref<1x64xi32, #tpu.memory_space<vmem>> -> memref<64xi32, #tpu.memory_space<vmem>>
        %dma_wait3A_342 = arith.constant 0 : i32
        %dma_wait3A_343 = arith.constant 0 : i32
        %dma_wait3A_344 = tpu.memref_slice %arg6[%dma_wait3A_342, %dma_wait3A_343] : memref<10000x128xf32, #tpu.memory_space<vmem_shared>> -> memref<10000x128xf32, #tpu.memory_space<vmem_shared>>
        %dma_wait3A_345 = tpu.memref_slice %arg21[%dma_wait3A_334] : memref<2x!tpu.dma_semaphore, #tpu.memory_space<semaphore_mem>> -> memref<1x!tpu.dma_semaphore, #tpu.memory_space<semaphore_mem>>
        %dma_wait3A_346 = tpu.memref_squeeze %dma_wait3A_345 : memref<1x!tpu.dma_semaphore, #tpu.memory_space<semaphore_mem>> -> memref<!tpu.dma_semaphore, #tpu.memory_space<semaphore_mem>>
        tpu.wait_indirect_dma semaphore(%dma_wait3A_346 : memref<!tpu.dma_semaphore, #tpu.memory_space<semaphore_mem>>) src(%dma_wait3A_338 : memref<64x128xf32, #tpu.memory_space<vmem>>) dst(%dma_wait3A_344 : memref<10000x128xf32, #tpu.memory_space<vmem_shared>>)
        %dma_wait3A_347 = arith.constant 0 : i32
        %dma_wait3A_348 = arith.constant 0 : i32
        %dma_wait3A_349 = arith.constant 0 : i32
        %dma_wait3A_350 = tpu.memref_slice %arg11[%dma_wait3A_347, %dma_wait3A_349] : memref<2x64xi32, #tpu.memory_space<vmem>> -> memref<1x64xi32, #tpu.memory_space<vmem>>
        %dma_wait3A_351 = tpu.memref_squeeze %dma_wait3A_350 : memref<1x64xi32, #tpu.memory_space<vmem>> -> memref<64xi32, #tpu.memory_space<vmem>>
        %dma_wait3A_352 = arith.constant 0 : i32
        %dma_wait3A_353 = tpu.memref_slice %arg7[%dma_wait3A_352] : memref<10240xf32, #tpu.memory_space<vmem_shared>> -> memref<10240xf32, #tpu.memory_space<vmem_shared>>
        %dma_wait3A_354 = tpu.memref_slice %arg21[%dma_wait3A_348] : memref<2x!tpu.dma_semaphore, #tpu.memory_space<semaphore_mem>> -> memref<1x!tpu.dma_semaphore, #tpu.memory_space<semaphore_mem>>
        %dma_wait3A_355 = tpu.memref_squeeze %dma_wait3A_354 : memref<1x!tpu.dma_semaphore, #tpu.memory_space<semaphore_mem>> -> memref<!tpu.dma_semaphore, #tpu.memory_space<semaphore_mem>>
        tpu.wait_indirect_dma semaphore(%dma_wait3A_355 : memref<!tpu.dma_semaphore, #tpu.memory_space<semaphore_mem>>) src(%arg14 : memref<64xf32, #tpu.memory_space<vmem>>) dst(%dma_wait3A_353 : memref<10240xf32, #tpu.memory_space<vmem_shared>>)
        %dma_wait3A_356 = arith.constant 0 : i32
        %dma_wait3A_357 = arith.constant 0 : i32
        %dma_wait3A_358 = arith.constant 0 : i32
        %dma_wait3A_359 = tpu.memref_slice %arg12[%dma_wait3A_356, %dma_wait3A_358] : memref<2x64xi32, #tpu.memory_space<vmem>> -> memref<1x64xi32, #tpu.memory_space<vmem>>
        %dma_wait3A_360 = tpu.memref_squeeze %dma_wait3A_359 : memref<1x64xi32, #tpu.memory_space<vmem>> -> memref<64xi32, #tpu.memory_space<vmem>>
        %dma_wait3A_361 = arith.constant 0 : i32
        %dma_wait3A_362 = tpu.memref_slice %arg7[%dma_wait3A_361] : memref<10240xf32, #tpu.memory_space<vmem_shared>> -> memref<10240xf32, #tpu.memory_space<vmem_shared>>
        %dma_wait3A_363 = tpu.memref_slice %arg21[%dma_wait3A_357] : memref<2x!tpu.dma_semaphore, #tpu.memory_space<semaphore_mem>> -> memref<1x!tpu.dma_semaphore, #tpu.memory_space<semaphore_mem>>
        %dma_wait3A_364 = tpu.memref_squeeze %dma_wait3A_363 : memref<1x!tpu.dma_semaphore, #tpu.memory_space<semaphore_mem>> -> memref<!tpu.dma_semaphore, #tpu.memory_space<semaphore_mem>>
        tpu.wait_indirect_dma semaphore(%dma_wait3A_364 : memref<!tpu.dma_semaphore, #tpu.memory_space<semaphore_mem>>) src(%arg15 : memref<64xf32, #tpu.memory_space<vmem>>) dst(%dma_wait3A_362 : memref<10240xf32, #tpu.memory_space<vmem_shared>>)
      } else {
      }
      %add3A_201 = arith.constant 2 : i32
      %add3A_202 = arith.addi %add3A_193, %add3A_201 : i32
      %lt3A_203 = arith.constant 156 : i32
      %lt3A_204 = arith.cmpi slt, %add3A_202, %lt3A_203 : i32
      %convert_element_type3A_205 = arith.extui %lt3A_204 : i1 to i32
      %cond3A_206 = arith.constant 0 : i32
      %cond3A_207 = arith.cmpi ne, %convert_element_type3A_205, %cond3A_206 : i32
      scf.if %cond3A_207 {
        %add3A_333 = arith.constant 2 : i32
        %add3A_334 = arith.addi %add3A_193, %add3A_333 : i32
        %mul3A_335 = arith.constant 64 : i32
        %mul3A_336 = arith.muli %add3A_334, %mul3A_335 : i32
        %add3A_337 = arith.addi %add3A, %mul3A_336 : i32
        %dma_start3A_338 = arith.constant 2 : i32
        %dma_start3A_339 = arith.constant 128 : i32
        %dma_start3A_340 = arith.constant 0 : i32
        %dma_start3A_341 = tpu.memref_slice %arg8[%dma_start3A_339, %dma_start3A_340] : memref<192x128xf32, #tpu.memory_space<vmem>> -> memref<64x128xf32, #tpu.memory_space<vmem>>
        %dma_start3A_342 = arith.constant 0 : i32
        %dma_start3A_343 = tpu.memref_slice %arg2[%add3A_337, %dma_start3A_342] : memref<320000x128xf32, #tpu.memory_space<hbm>> -> memref<64x128xf32, #tpu.memory_space<hbm>>
        %dma_start3A_344 = tpu.memref_slice %arg20[%dma_start3A_338] : memref<3x!tpu.dma_semaphore, #tpu.memory_space<semaphore_mem>> -> memref<1x!tpu.dma_semaphore, #tpu.memory_space<semaphore_mem>>
        %dma_start3A_345 = tpu.memref_squeeze %dma_start3A_344 : memref<1x!tpu.dma_semaphore, #tpu.memory_space<semaphore_mem>> -> memref<!tpu.dma_semaphore, #tpu.memory_space<semaphore_mem>>
        %dma_start3A_346 = arith.constant 128 : i32
        %dma_start3A_347 = arith.constant 0 : i32
        %dma_start3A_348 = tpu.memref_slice %arg8[%dma_start3A_346, %dma_start3A_347] : memref<192x128xf32, #tpu.memory_space<vmem>> -> memref<64x128xf32, #tpu.memory_space<vmem>>
        %dma_start3A_349 = arith.constant 0 : i32
        %dma_start3A_350 = tpu.memref_slice %arg2[%add3A_337, %dma_start3A_349] : memref<320000x128xf32, #tpu.memory_space<hbm>> -> memref<64x128xf32, #tpu.memory_space<hbm>>
        tpu.enqueue_dma source(%dma_start3A_350 : memref<64x128xf32, #tpu.memory_space<hbm>>) target(%dma_start3A_348 : memref<64x128xf32, #tpu.memory_space<vmem>>) target_semaphore(%dma_start3A_345 : memref<!tpu.dma_semaphore, #tpu.memory_space<semaphore_mem>>)
        %dma_start3A_351 = arith.constant 2 : i32
        %dma_start3A_352 = arith.constant 2 : i32
        %dma_start3A_353 = arith.constant 8 : i32
        %dma_start3A_354 = tpu.memref_slice %arg9[%dma_start3A_351, %dma_start3A_353] : memref<3x80xi32, #tpu.memory_space<vmem>> -> memref<1x64xi32, #tpu.memory_space<vmem>>
        %dma_start3A_355 = tpu.memref_squeeze %dma_start3A_354 : memref<1x64xi32, #tpu.memory_space<vmem>> -> memref<64xi32, #tpu.memory_space<vmem>>
        %dma_start3A_356 = tpu.memref_slice %arg3[%add3A_337] : memref<320000xi32, #tpu.memory_space<hbm>> -> memref<64xi32, #tpu.memory_space<hbm>>
        %dma_start3A_357 = tpu.memref_slice %arg20[%dma_start3A_352] : memref<3x!tpu.dma_semaphore, #tpu.memory_space<semaphore_mem>> -> memref<1x!tpu.dma_semaphore, #tpu.memory_space<semaphore_mem>>
        %dma_start3A_358 = tpu.memref_squeeze %dma_start3A_357 : memref<1x!tpu.dma_semaphore, #tpu.memory_space<semaphore_mem>> -> memref<!tpu.dma_semaphore, #tpu.memory_space<semaphore_mem>>
        %dma_start3A_359 = arith.constant 8 : i32
        %dma_start3A_360 = tpu.memref_slice %arg9[%dma_start3A_351, %dma_start3A_359] : memref<3x80xi32, #tpu.memory_space<vmem>> -> memref<1x64xi32, #tpu.memory_space<vmem>>
        %dma_start3A_361 = tpu.memref_squeeze %dma_start3A_360 : memref<1x64xi32, #tpu.memory_space<vmem>> -> memref<64xi32, #tpu.memory_space<vmem>>
        %dma_start3A_362 = tpu.memref_slice %arg3[%add3A_337] : memref<320000xi32, #tpu.memory_space<hbm>> -> memref<64xi32, #tpu.memory_space<hbm>>
        tpu.enqueue_dma source(%dma_start3A_362 : memref<64xi32, #tpu.memory_space<hbm>>) target(%dma_start3A_361 : memref<64xi32, #tpu.memory_space<vmem>>) target_semaphore(%dma_start3A_358 : memref<!tpu.dma_semaphore, #tpu.memory_space<semaphore_mem>>)
      } else {
      }
      %lt3A_208 = arith.constant 156 : i32
      %lt3A_209 = arith.cmpi slt, %add3A_193, %lt3A_208 : i32
      %convert_element_type3A_210 = arith.extui %lt3A_209 : i1 to i32
      %cond3A_211 = arith.constant 0 : i32
      %cond3A_212 = arith.cmpi ne, %convert_element_type3A_210, %cond3A_211 : i32
      scf.if %cond3A_212 {
        %dma_wait3A = arith.constant 0 : i32
        %dma_wait3A_333 = arith.constant 0 : i32
        %dma_wait3A_334 = arith.constant 0 : i32
        %dma_wait3A_335 = tpu.memref_slice %arg8[%dma_wait3A_333, %dma_wait3A_334] : memref<192x128xf32, #tpu.memory_space<vmem>> -> memref<64x128xf32, #tpu.memory_space<vmem>>
        %dma_wait3A_336 = arith.constant 0 : i32
        %dma_wait3A_337 = arith.constant 0 : i32
        %dma_wait3A_338 = tpu.memref_slice %arg2[%dma_wait3A_336, %dma_wait3A_337] : memref<320000x128xf32, #tpu.memory_space<hbm>> -> memref<64x128xf32, #tpu.memory_space<hbm>>
        %dma_wait3A_339 = tpu.memref_slice %arg20[%dma_wait3A] : memref<3x!tpu.dma_semaphore, #tpu.memory_space<semaphore_mem>> -> memref<1x!tpu.dma_semaphore, #tpu.memory_space<semaphore_mem>>
        %dma_wait3A_340 = tpu.memref_squeeze %dma_wait3A_339 : memref<1x!tpu.dma_semaphore, #tpu.memory_space<semaphore_mem>> -> memref<!tpu.dma_semaphore, #tpu.memory_space<semaphore_mem>>
        %dma_wait3A_341 = arith.constant 0 : i32
        %dma_wait3A_342 = arith.constant 0 : i32
        %dma_wait3A_343 = tpu.memref_slice %arg8[%dma_wait3A_341, %dma_wait3A_342] : memref<192x128xf32, #tpu.memory_space<vmem>> -> memref<64x128xf32, #tpu.memory_space<vmem>>
        %dma_wait3A_344 = arith.constant 0 : i32
        %dma_wait3A_345 = arith.constant 0 : i32
        %dma_wait3A_346 = tpu.memref_slice %arg2[%dma_wait3A_344, %dma_wait3A_345] : memref<320000x128xf32, #tpu.memory_space<hbm>> -> memref<64x128xf32, #tpu.memory_space<hbm>>
        tpu.wait_dma2 semaphore(%dma_wait3A_340 : memref<!tpu.dma_semaphore, #tpu.memory_space<semaphore_mem>>) src(%dma_wait3A_346 : memref<64x128xf32, #tpu.memory_space<hbm>>) dst(%dma_wait3A_343 : memref<64x128xf32, #tpu.memory_space<vmem>>)
        %dma_wait3A_347 = arith.constant 0 : i32
        %dma_wait3A_348 = arith.constant 0 : i32
        %dma_wait3A_349 = arith.constant 8 : i32
        %dma_wait3A_350 = tpu.memref_slice %arg9[%dma_wait3A_347, %dma_wait3A_349] : memref<3x80xi32, #tpu.memory_space<vmem>> -> memref<1x64xi32, #tpu.memory_space<vmem>>
        %dma_wait3A_351 = tpu.memref_squeeze %dma_wait3A_350 : memref<1x64xi32, #tpu.memory_space<vmem>> -> memref<64xi32, #tpu.memory_space<vmem>>
        %dma_wait3A_352 = arith.constant 0 : i32
        %dma_wait3A_353 = tpu.memref_slice %arg3[%dma_wait3A_352] : memref<320000xi32, #tpu.memory_space<hbm>> -> memref<64xi32, #tpu.memory_space<hbm>>
        %dma_wait3A_354 = tpu.memref_slice %arg20[%dma_wait3A_348] : memref<3x!tpu.dma_semaphore, #tpu.memory_space<semaphore_mem>> -> memref<1x!tpu.dma_semaphore, #tpu.memory_space<semaphore_mem>>
        %dma_wait3A_355 = tpu.memref_squeeze %dma_wait3A_354 : memref<1x!tpu.dma_semaphore, #tpu.memory_space<semaphore_mem>> -> memref<!tpu.dma_semaphore, #tpu.memory_space<semaphore_mem>>
        %dma_wait3A_356 = arith.constant 8 : i32
        %dma_wait3A_357 = tpu.memref_slice %arg9[%dma_wait3A_347, %dma_wait3A_356] : memref<3x80xi32, #tpu.memory_space<vmem>> -> memref<1x64xi32, #tpu.memory_space<vmem>>
        %dma_wait3A_358 = tpu.memref_squeeze %dma_wait3A_357 : memref<1x64xi32, #tpu.memory_space<vmem>> -> memref<64xi32, #tpu.memory_space<vmem>>
        %dma_wait3A_359 = arith.constant 0 : i32
        %dma_wait3A_360 = tpu.memref_slice %arg3[%dma_wait3A_359] : memref<320000xi32, #tpu.memory_space<hbm>> -> memref<64xi32, #tpu.memory_space<hbm>>
        tpu.wait_dma2 semaphore(%dma_wait3A_355 : memref<!tpu.dma_semaphore, #tpu.memory_space<semaphore_mem>>) src(%dma_wait3A_360 : memref<64xi32, #tpu.memory_space<hbm>>) dst(%dma_wait3A_358 : memref<64xi32, #tpu.memory_space<vmem>>)
        %get3A_361 = arith.constant 0 : i32
        %get3A_362 = arith.index_cast %get3A_361 : i32 to index
        %get3A_363 = arith.constant 8 : index
        %get3A_364 = tpu.vector_load %arg9[%get3A_362, %get3A_363] {strides = array<i32>} : memref<3x80xi32, #tpu.memory_space<vmem>>, vector<16xi32>,
        %get3A_365 = arith.constant 0 : i32
        %get3A_366 = arith.index_cast %get3A_365 : i32 to index
        %get3A_367 = arith.constant 7 : index
        %get3A_368 = tpu.vector_load %arg9[%get3A_366, %get3A_367] {strides = array<i32>} : memref<3x80xi32, #tpu.memory_space<vmem>>, vector<16xi32>,
        %get3A_369 = arith.constant 0 : i32
        %get3A_370 = arith.index_cast %get3A_369 : i32 to index
        %get3A_371 = arith.constant 9 : index
        %get3A_372 = tpu.vector_load %arg9[%get3A_370, %get3A_371] {strides = array<i32>} : memref<3x80xi32, #tpu.memory_space<vmem>>, vector<16xi32>,
        %eq3A_373 = arith.cmpi eq, %get3A_364, %get3A_368 : vector<16xi32>
        %and3A_374 = arith.andi %eq3A_373, %ne3A_5 : vector<16xi1>
        %jit3A_375 = arith.constant 1.000000e+00 : f32
        %jit3A_376 = arith.constant 0.000000e+00 : f32
        %broadcast_in_dim3A_377 = vector.broadcast %jit3A_375 : f32 to vector<16xf32>
        %broadcast_in_dim3A_378 = vector.broadcast %jit3A_376 : f32 to vector<16xf32>
        %select_n3A_379 = arith.select %and3A_374, %broadcast_in_dim3A_377, %broadcast_in_dim3A_378 : vector<16xi1>, vector<16xf32>
        %swap3A_380 = arith.constant 0 : index
        %swap3A_381 = tpu.vector_load %arg13[%swap3A_380] {strides = array<i32>} : memref<64xf32, #tpu.memory_space<vmem>>, vector<16xf32>,
        tpu.vector_store %arg13[%swap3A_380], %select_n3A_379 {strides = array<i32>} : memref<64xf32, #tpu.memory_space<vmem>>, vector<16xf32>,
        %ne3A_382 = arith.cmpi ne, %get3A_364, %get3A_372 : vector<16xi32>
        %select_n3A_383 = arith.select %ne3A_382, %get3A_364, %broadcast_in_dim3A_9 : vector<16xi1>, vector<16xi32>
        %swap3A_384 = arith.constant 0 : i32
        %swap3A_385 = arith.index_cast %swap3A_384 : i32 to index
        %swap3A_386 = arith.constant 0 : index
        %swap3A_387 = tpu.vector_load %arg11[%swap3A_385, %swap3A_386] {strides = array<i32>} : memref<2x64xi32, #tpu.memory_space<vmem>>, vector<16xi32>,
        tpu.vector_store %arg11[%swap3A_385, %swap3A_386], %select_n3A_383 {strides = array<i32>} : memref<2x64xi32, #tpu.memory_space<vmem>>, vector<16xi32>,
        %select_n3A_388 = arith.select %ne3A_382, %get3A_372, %broadcast_in_dim3A_9 : vector<16xi1>, vector<16xi32>
        %swap3A_389 = arith.constant 0 : i32
        %swap3A_390 = arith.index_cast %swap3A_389 : i32 to index
        %swap3A_391 = arith.constant 0 : index
        %swap3A_392 = tpu.vector_load %arg12[%swap3A_390, %swap3A_391] {strides = array<i32>} : memref<2x64xi32, #tpu.memory_space<vmem>>, vector<16xi32>,
        tpu.vector_store %arg12[%swap3A_390, %swap3A_391], %select_n3A_388 {strides = array<i32>} : memref<2x64xi32, #tpu.memory_space<vmem>>, vector<16xi32>,
        %get3A_393 = arith.constant 0 : i32
        %get3A_394 = arith.index_cast %get3A_393 : i32 to index
        %get3A_395 = arith.constant 24 : index
        %get3A_396 = tpu.vector_load %arg9[%get3A_394, %get3A_395] {strides = array<i32>} : memref<3x80xi32, #tpu.memory_space<vmem>>, vector<16xi32>,
        %get3A_397 = arith.constant 0 : i32
        %get3A_398 = arith.index_cast %get3A_397 : i32 to index
        %get3A_399 = arith.constant 23 : index
        %get3A_400 = tpu.vector_load %arg9[%get3A_398, %get3A_399] {strides = array<i32>} : memref<3x80xi32, #tpu.memory_space<vmem>>, vector<16xi32>,
        %get3A_401 = arith.constant 0 : i32
        %get3A_402 = arith.index_cast %get3A_401 : i32 to index
        %get3A_403 = arith.constant 25 : index
        %get3A_404 = tpu.vector_load %arg9[%get3A_402, %get3A_403] {strides = array<i32>} : memref<3x80xi32, #tpu.memory_space<vmem>>, vector<16xi32>,
        %eq3A_405 = arith.cmpi eq, %get3A_396, %get3A_400 : vector<16xi32>
        %jit3A_406 = arith.constant 1.000000e+00 : f32
        %jit3A_407 = arith.constant 0.000000e+00 : f32
        %broadcast_in_dim3A_408 = vector.broadcast %jit3A_406 : f32 to vector<16xf32>
        %broadcast_in_dim3A_409 = vector.broadcast %jit3A_407 : f32 to vector<16xf32>
        %select_n3A_410 = arith.select %eq3A_405, %broadcast_in_dim3A_408, %broadcast_in_dim3A_409 : vector<16xi1>, vector<16xf32>
        %swap3A_411 = arith.constant 16 : index
        %swap3A_412 = tpu.vector_load %arg13[%swap3A_411] {strides = array<i32>} : memref<64xf32, #tpu.memory_space<vmem>>, vector<16xf32>,
        tpu.vector_store %arg13[%swap3A_411], %select_n3A_410 {strides = array<i32>} : memref<64xf32, #tpu.memory_space<vmem>>, vector<16xf32>,
        %ne3A_413 = arith.cmpi ne, %get3A_396, %get3A_404 : vector<16xi32>
        %select_n3A_414 = arith.select %ne3A_413, %get3A_396, %broadcast_in_dim3A_9 : vector<16xi1>, vector<16xi32>
        %swap3A_415 = arith.constant 0 : i32
        %swap3A_416 = arith.index_cast %swap3A_415 : i32 to index
        %swap3A_417 = arith.constant 16 : index
        %swap3A_418 = tpu.vector_load %arg11[%swap3A_416, %swap3A_417] {strides = array<i32>} : memref<2x64xi32, #tpu.memory_space<vmem>>, vector<16xi32>,
        tpu.vector_store %arg11[%swap3A_416, %swap3A_417], %select_n3A_414 {strides = array<i32>} : memref<2x64xi32, #tpu.memory_space<vmem>>, vector<16xi32>,
        %select_n3A_419 = arith.select %ne3A_413, %get3A_404, %broadcast_in_dim3A_9 : vector<16xi1>, vector<16xi32>
        %swap3A_420 = arith.constant 0 : i32
        %swap3A_421 = arith.index_cast %swap3A_420 : i32 to index
        %swap3A_422 = arith.constant 16 : index
        %swap3A_423 = tpu.vector_load %arg12[%swap3A_421, %swap3A_422] {strides = array<i32>} : memref<2x64xi32, #tpu.memory_space<vmem>>, vector<16xi32>,
        tpu.vector_store %arg12[%swap3A_421, %swap3A_422], %select_n3A_419 {strides = array<i32>} : memref<2x64xi32, #tpu.memory_space<vmem>>, vector<16xi32>,
        %get3A_424 = arith.constant 0 : i32
        %get3A_425 = arith.index_cast %get3A_424 : i32 to index
        %get3A_426 = arith.constant 40 : index
        %get3A_427 = tpu.vector_load %arg9[%get3A_425, %get3A_426] {strides = array<i32>} : memref<3x80xi32, #tpu.memory_space<vmem>>, vector<16xi32>,
        %get3A_428 = arith.constant 0 : i32
        %get3A_429 = arith.index_cast %get3A_428 : i32 to index
        %get3A_430 = arith.constant 39 : index
        %get3A_431 = tpu.vector_load %arg9[%get3A_429, %get3A_430] {strides = array<i32>} : memref<3x80xi32, #tpu.memory_space<vmem>>, vector<16xi32>,
        %get3A_432 = arith.constant 0 : i32
        %get3A_433 = arith.index_cast %get3A_432 : i32 to index
        %get3A_434 = arith.constant 41 : index
        %get3A_435 = tpu.vector_load %arg9[%get3A_433, %get3A_434] {strides = array<i32>} : memref<3x80xi32, #tpu.memory_space<vmem>>, vector<16xi32>,
        %eq3A_436 = arith.cmpi eq, %get3A_427, %get3A_431 : vector<16xi32>
        %jit3A_437 = arith.constant 1.000000e+00 : f32
        %jit3A_438 = arith.constant 0.000000e+00 : f32
        %broadcast_in_dim3A_439 = vector.broadcast %jit3A_437 : f32 to vector<16xf32>
        %broadcast_in_dim3A_440 = vector.broadcast %jit3A_438 : f32 to vector<16xf32>
        %select_n3A_441 = arith.select %eq3A_436, %broadcast_in_dim3A_439, %broadcast_in_dim3A_440 : vector<16xi1>, vector<16xf32>
        %swap3A_442 = arith.constant 32 : index
        %swap3A_443 = tpu.vector_load %arg13[%swap3A_442] {strides = array<i32>} : memref<64xf32, #tpu.memory_space<vmem>>, vector<16xf32>,
        tpu.vector_store %arg13[%swap3A_442], %select_n3A_441 {strides = array<i32>} : memref<64xf32, #tpu.memory_space<vmem>>, vector<16xf32>,
        %ne3A_444 = arith.cmpi ne, %get3A_427, %get3A_435 : vector<16xi32>
        %select_n3A_445 = arith.select %ne3A_444, %get3A_427, %broadcast_in_dim3A_9 : vector<16xi1>, vector<16xi32>
        %swap3A_446 = arith.constant 0 : i32
        %swap3A_447 = arith.index_cast %swap3A_446 : i32 to index
        %swap3A_448 = arith.constant 32 : index
        %swap3A_449 = tpu.vector_load %arg11[%swap3A_447, %swap3A_448] {strides = array<i32>} : memref<2x64xi32, #tpu.memory_space<vmem>>, vector<16xi32>,
        tpu.vector_store %arg11[%swap3A_447, %swap3A_448], %select_n3A_445 {strides = array<i32>} : memref<2x64xi32, #tpu.memory_space<vmem>>, vector<16xi32>,
        %select_n3A_450 = arith.select %ne3A_444, %get3A_435, %broadcast_in_dim3A_9 : vector<16xi1>, vector<16xi32>
        %swap3A_451 = arith.constant 0 : i32
        %swap3A_452 = arith.index_cast %swap3A_451 : i32 to index
        %swap3A_453 = arith.constant 32 : index
        %swap3A_454 = tpu.vector_load %arg12[%swap3A_452, %swap3A_453] {strides = array<i32>} : memref<2x64xi32, #tpu.memory_space<vmem>>, vector<16xi32>,
        tpu.vector_store %arg12[%swap3A_452, %swap3A_453], %select_n3A_450 {strides = array<i32>} : memref<2x64xi32, #tpu.memory_space<vmem>>, vector<16xi32>,
        %get3A_455 = arith.constant 0 : i32
        %get3A_456 = arith.index_cast %get3A_455 : i32 to index
        %get3A_457 = arith.constant 56 : index
        %get3A_458 = tpu.vector_load %arg9[%get3A_456, %get3A_457] {strides = array<i32>} : memref<3x80xi32, #tpu.memory_space<vmem>>, vector<16xi32>,
        %get3A_459 = arith.constant 0 : i32
        %get3A_460 = arith.index_cast %get3A_459 : i32 to index
        %get3A_461 = arith.constant 55 : index
        %get3A_462 = tpu.vector_load %arg9[%get3A_460, %get3A_461] {strides = array<i32>} : memref<3x80xi32, #tpu.memory_space<vmem>>, vector<16xi32>,
        %get3A_463 = arith.constant 0 : i32
        %get3A_464 = arith.index_cast %get3A_463 : i32 to index
        %get3A_465 = arith.constant 57 : index
        %get3A_466 = tpu.vector_load %arg9[%get3A_464, %get3A_465] {strides = array<i32>} : memref<3x80xi32, #tpu.memory_space<vmem>>, vector<16xi32>,
        %eq3A_467 = arith.cmpi eq, %get3A_458, %get3A_462 : vector<16xi32>
        %jit3A_468 = arith.constant 1.000000e+00 : f32
        %jit3A_469 = arith.constant 0.000000e+00 : f32
        %broadcast_in_dim3A_470 = vector.broadcast %jit3A_468 : f32 to vector<16xf32>
        %broadcast_in_dim3A_471 = vector.broadcast %jit3A_469 : f32 to vector<16xf32>
        %select_n3A_472 = arith.select %eq3A_467, %broadcast_in_dim3A_470, %broadcast_in_dim3A_471 : vector<16xi1>, vector<16xf32>
        %swap3A_473 = arith.constant 48 : index
        %swap3A_474 = tpu.vector_load %arg13[%swap3A_473] {strides = array<i32>} : memref<64xf32, #tpu.memory_space<vmem>>, vector<16xf32>,
        tpu.vector_store %arg13[%swap3A_473], %select_n3A_472 {strides = array<i32>} : memref<64xf32, #tpu.memory_space<vmem>>, vector<16xf32>,
        %ne3A_475 = arith.cmpi ne, %get3A_458, %get3A_466 : vector<16xi32>
        %or3A_476 = arith.ori %ne3A_475, %eq3A_7 : vector<16xi1>
        %select_n3A_477 = arith.select %or3A_476, %get3A_458, %broadcast_in_dim3A_9 : vector<16xi1>, vector<16xi32>
        %swap3A_478 = arith.constant 0 : i32
        %swap3A_479 = arith.index_cast %swap3A_478 : i32 to index
        %swap3A_480 = arith.constant 48 : index
        %swap3A_481 = tpu.vector_load %arg11[%swap3A_479, %swap3A_480] {strides = array<i32>} : memref<2x64xi32, #tpu.memory_space<vmem>>, vector<16xi32>,
        tpu.vector_store %arg11[%swap3A_479, %swap3A_480], %select_n3A_477 {strides = array<i32>} : memref<2x64xi32, #tpu.memory_space<vmem>>, vector<16xi32>,
        %select_n3A_482 = arith.select %or3A_476, %get3A_466, %broadcast_in_dim3A_9 : vector<16xi1>, vector<16xi32>
        %select_n3A_483 = arith.select %eq3A_7, %broadcast_in_dim3A_9, %select_n3A_482 : vector<16xi1>, vector<16xi32>
        %swap3A_484 = arith.constant 0 : i32
        %swap3A_485 = arith.index_cast %swap3A_484 : i32 to index
        %swap3A_486 = arith.constant 48 : index
        %swap3A_487 = tpu.vector_load %arg12[%swap3A_485, %swap3A_486] {strides = array<i32>} : memref<2x64xi32, #tpu.memory_space<vmem>>, vector<16xi32>,
        tpu.vector_store %arg12[%swap3A_485, %swap3A_486], %select_n3A_483 {strides = array<i32>} : memref<2x64xi32, #tpu.memory_space<vmem>>, vector<16xi32>,
        %broadcast_in_dim3A_488 = arith.constant 0.000000e+00 : f32
        %broadcast_in_dim3A_489 = vector.broadcast %broadcast_in_dim3A_488 : f32 to vector<16xf32>
        %broadcast_in_dim3A_490 = arith.constant 0.000000e+00 : f32
        %broadcast_in_dim3A_491 = vector.broadcast %broadcast_in_dim3A_490 : f32 to vector<16xf32>
        %broadcast_in_dim3A_492 = arith.constant 0.000000e+00 : f32
        %broadcast_in_dim3A_493 = vector.broadcast %broadcast_in_dim3A_492 : f32 to vector<16xf32>
        %broadcast_in_dim3A_494 = arith.constant 0.000000e+00 : f32
        %broadcast_in_dim3A_495 = vector.broadcast %broadcast_in_dim3A_494 : f32 to vector<16xf32>
        %broadcast_in_dim3A_496 = arith.constant 0.000000e+00 : f32
        %broadcast_in_dim3A_497 = vector.broadcast %broadcast_in_dim3A_496 : f32 to vector<16xf32>
        %broadcast_in_dim3A_498 = arith.constant 0.000000e+00 : f32
        %broadcast_in_dim3A_499 = vector.broadcast %broadcast_in_dim3A_498 : f32 to vector<16xf32>
        %broadcast_in_dim3A_500 = arith.constant 0.000000e+00 : f32
        %broadcast_in_dim3A_501 = vector.broadcast %broadcast_in_dim3A_500 : f32 to vector<16xf32>
        %broadcast_in_dim3A_502 = arith.constant 0.000000e+00 : f32
        %broadcast_in_dim3A_503 = vector.broadcast %broadcast_in_dim3A_502 : f32 to vector<16xf32>
        %scan3A_504 = arith.constant 0 : i32
        %scan3A_505 = arith.constant 64 : i32
        %scan3A_506 = arith.addi %scan3A_504, %scan3A_505 : i32
        %scan3A_507 = arith.constant 1 : i32
        %scan3A_508:8 = scf.for %scan3A_546 = %scan3A_504 to %scan3A_506 step %scan3A_507 iter_args(%scan3A_547 = %broadcast_in_dim3A_489, %scan3A_548 = %broadcast_in_dim3A_491, %scan3A_549 = %broadcast_in_dim3A_493, %scan3A_550 = %broadcast_in_dim3A_495, %scan3A_551 = %broadcast_in_dim3A_497, %scan3A_552 = %broadcast_in_dim3A_499, %scan3A_553 = %broadcast_in_dim3A_501, %scan3A_554 = %broadcast_in_dim3A_503) -> (vector<16xf32>, vector<16xf32>, vector<16xf32>, vector<16xf32>, vector<16xf32>, vector<16xf32>, vector<16xf32>, vector<16xf32>)  : i32 {
          %broadcast_in_dim3A_555 = vector.broadcast %scan3A_546 : i32 to vector<16xi32>
          %gather3A = tpu.vector_load_idx %arg13[%broadcast_in_dim3A_555] : memref<64xf32, #tpu.memory_space<vmem>>[vector<16xi32>], vector<16xf32>,
          %add3A_556 = arith.constant 0 : i32
          %add3A_557 = arith.addi %add3A_556, %scan3A_546 : i32
          %get3A_558 = arith.index_cast %add3A_557 : i32 to index
          %get3A_559 = arith.constant 0 : index
          %get3A_560 = tpu.vector_load %arg8[%get3A_558, %get3A_559] {strides = array<i32>} : memref<192x128xf32, #tpu.memory_space<vmem>>, vector<16xf32>,
          %mul3A_561 = arith.mulf %scan3A_547, %gather3A : vector<16xf32>
          %add3A_562 = arith.addf %mul3A_561, %get3A_560 : vector<16xf32>
          %swap3A_563 = arith.constant 0 : i32
          %swap3A_564 = arith.index_cast %swap3A_563 : i32 to index
          %swap3A_565 = arith.index_cast %scan3A_546 : i32 to index
          %swap3A_566 = arith.constant 0 : index
          %swap3A_567 = tpu.vector_load %arg10[%swap3A_564, %swap3A_565, %swap3A_566] {strides = array<i32>} : memref<2x64x128xf32, #tpu.memory_space<vmem>>, vector<16xf32>,
          tpu.vector_store %arg10[%swap3A_564, %swap3A_565, %swap3A_566], %add3A_562 {strides = array<i32>} : memref<2x64x128xf32, #tpu.memory_space<vmem>>, vector<16xf32>,
          %add3A_568 = arith.constant 0 : i32
          %add3A_569 = arith.addi %add3A_568, %scan3A_546 : i32
          %get3A_570 = arith.index_cast %add3A_569 : i32 to index
          %get3A_571 = arith.constant 16 : index
          %get3A_572 = tpu.vector_load %arg8[%get3A_570, %get3A_571] {strides = array<i32>} : memref<192x128xf32, #tpu.memory_space<vmem>>, vector<16xf32>,
          %mul3A_573 = arith.mulf %scan3A_548, %gather3A : vector<16xf32>
          %add3A_574 = arith.addf %mul3A_573, %get3A_572 : vector<16xf32>
          %swap3A_575 = arith.constant 0 : i32
          %swap3A_576 = arith.index_cast %swap3A_575 : i32 to index
          %swap3A_577 = arith.index_cast %scan3A_546 : i32 to index
          %swap3A_578 = arith.constant 16 : index
          %swap3A_579 = tpu.vector_load %arg10[%swap3A_576, %swap3A_577, %swap3A_578] {strides = array<i32>} : memref<2x64x128xf32, #tpu.memory_space<vmem>>, vector<16xf32>,
          tpu.vector_store %arg10[%swap3A_576, %swap3A_577, %swap3A_578], %add3A_574 {strides = array<i32>} : memref<2x64x128xf32, #tpu.memory_space<vmem>>, vector<16xf32>,
          %add3A_580 = arith.constant 0 : i32
          %add3A_581 = arith.addi %add3A_580, %scan3A_546 : i32
          %get3A_582 = arith.index_cast %add3A_581 : i32 to index
          %get3A_583 = arith.constant 32 : index
          %get3A_584 = tpu.vector_load %arg8[%get3A_582, %get3A_583] {strides = array<i32>} : memref<192x128xf32, #tpu.memory_space<vmem>>, vector<16xf32>,
          %mul3A_585 = arith.mulf %scan3A_549, %gather3A : vector<16xf32>
          %add3A_586 = arith.addf %mul3A_585, %get3A_584 : vector<16xf32>
          %swap3A_587 = arith.constant 0 : i32
          %swap3A_588 = arith.index_cast %swap3A_587 : i32 to index
          %swap3A_589 = arith.index_cast %scan3A_546 : i32 to index
          %swap3A_590 = arith.constant 32 : index
          %swap3A_591 = tpu.vector_load %arg10[%swap3A_588, %swap3A_589, %swap3A_590] {strides = array<i32>} : memref<2x64x128xf32, #tpu.memory_space<vmem>>, vector<16xf32>,
          tpu.vector_store %arg10[%swap3A_588, %swap3A_589, %swap3A_590], %add3A_586 {strides = array<i32>} : memref<2x64x128xf32, #tpu.memory_space<vmem>>, vector<16xf32>,
          %add3A_592 = arith.constant 0 : i32
          %add3A_593 = arith.addi %add3A_592, %scan3A_546 : i32
          %get3A_594 = arith.index_cast %add3A_593 : i32 to index
          %get3A_595 = arith.constant 48 : index
          %get3A_596 = tpu.vector_load %arg8[%get3A_594, %get3A_595] {strides = array<i32>} : memref<192x128xf32, #tpu.memory_space<vmem>>, vector<16xf32>,
          %mul3A_597 = arith.mulf %scan3A_550, %gather3A : vector<16xf32>
          %add3A_598 = arith.addf %mul3A_597, %get3A_596 : vector<16xf32>
          %swap3A_599 = arith.constant 0 : i32
          %swap3A_600 = arith.index_cast %swap3A_599 : i32 to index
          %swap3A_601 = arith.index_cast %scan3A_546 : i32 to index
          %swap3A_602 = arith.constant 48 : index
          %swap3A_603 = tpu.vector_load %arg10[%swap3A_600, %swap3A_601, %swap3A_602] {strides = array<i32>} : memref<2x64x128xf32, #tpu.memory_space<vmem>>, vector<16xf32>,
          tpu.vector_store %arg10[%swap3A_600, %swap3A_601, %swap3A_602], %add3A_598 {strides = array<i32>} : memref<2x64x128xf32, #tpu.memory_space<vmem>>, vector<16xf32>,
          %add3A_604 = arith.constant 0 : i32
          %add3A_605 = arith.addi %add3A_604, %scan3A_546 : i32
          %get3A_606 = arith.index_cast %add3A_605 : i32 to index
          %get3A_607 = arith.constant 64 : index
          %get3A_608 = tpu.vector_load %arg8[%get3A_606, %get3A_607] {strides = array<i32>} : memref<192x128xf32, #tpu.memory_space<vmem>>, vector<16xf32>,
          %mul3A_609 = arith.mulf %scan3A_551, %gather3A : vector<16xf32>
          %add3A_610 = arith.addf %mul3A_609, %get3A_608 : vector<16xf32>
          %swap3A_611 = arith.constant 0 : i32
          %swap3A_612 = arith.index_cast %swap3A_611 : i32 to index
          %swap3A_613 = arith.index_cast %scan3A_546 : i32 to index
          %swap3A_614 = arith.constant 64 : index
          %swap3A_615 = tpu.vector_load %arg10[%swap3A_612, %swap3A_613, %swap3A_614] {strides = array<i32>} : memref<2x64x128xf32, #tpu.memory_space<vmem>>, vector<16xf32>,
          tpu.vector_store %arg10[%swap3A_612, %swap3A_613, %swap3A_614], %add3A_610 {strides = array<i32>} : memref<2x64x128xf32, #tpu.memory_space<vmem>>, vector<16xf32>,
          %add3A_616 = arith.constant 0 : i32
          %add3A_617 = arith.addi %add3A_616, %scan3A_546 : i32
          %get3A_618 = arith.index_cast %add3A_617 : i32 to index
          %get3A_619 = arith.constant 80 : index
          %get3A_620 = tpu.vector_load %arg8[%get3A_618, %get3A_619] {strides = array<i32>} : memref<192x128xf32, #tpu.memory_space<vmem>>, vector<16xf32>,
          %mul3A_621 = arith.mulf %scan3A_552, %gather3A : vector<16xf32>
          %add3A_622 = arith.addf %mul3A_621, %get3A_620 : vector<16xf32>
          %swap3A_623 = arith.constant 0 : i32
          %swap3A_624 = arith.index_cast %swap3A_623 : i32 to index
          %swap3A_625 = arith.index_cast %scan3A_546 : i32 to index
          %swap3A_626 = arith.constant 80 : index
          %swap3A_627 = tpu.vector_load %arg10[%swap3A_624, %swap3A_625, %swap3A_626] {strides = array<i32>} : memref<2x64x128xf32, #tpu.memory_space<vmem>>, vector<16xf32>,
          tpu.vector_store %arg10[%swap3A_624, %swap3A_625, %swap3A_626], %add3A_622 {strides = array<i32>} : memref<2x64x128xf32, #tpu.memory_space<vmem>>, vector<16xf32>,
          %add3A_628 = arith.constant 0 : i32
          %add3A_629 = arith.addi %add3A_628, %scan3A_546 : i32
          %get3A_630 = arith.index_cast %add3A_629 : i32 to index
          %get3A_631 = arith.constant 96 : index
          %get3A_632 = tpu.vector_load %arg8[%get3A_630, %get3A_631] {strides = array<i32>} : memref<192x128xf32, #tpu.memory_space<vmem>>, vector<16xf32>,
          %mul3A_633 = arith.mulf %scan3A_553, %gather3A : vector<16xf32>
          %add3A_634 = arith.addf %mul3A_633, %get3A_632 : vector<16xf32>
          %swap3A_635 = arith.constant 0 : i32
          %swap3A_636 = arith.index_cast %swap3A_635 : i32 to index
          %swap3A_637 = arith.index_cast %scan3A_546 : i32 to index
          %swap3A_638 = arith.constant 96 : index
          %swap3A_639 = tpu.vector_load %arg10[%swap3A_636, %swap3A_637, %swap3A_638] {strides = array<i32>} : memref<2x64x128xf32, #tpu.memory_space<vmem>>, vector<16xf32>,
          tpu.vector_store %arg10[%swap3A_636, %swap3A_637, %swap3A_638], %add3A_634 {strides = array<i32>} : memref<2x64x128xf32, #tpu.memory_space<vmem>>, vector<16xf32>,
          %add3A_640 = arith.constant 0 : i32
          %add3A_641 = arith.addi %add3A_640, %scan3A_546 : i32
          %get3A_642 = arith.index_cast %add3A_641 : i32 to index
          %get3A_643 = arith.constant 112 : index
          %get3A_644 = tpu.vector_load %arg8[%get3A_642, %get3A_643] {strides = array<i32>} : memref<192x128xf32, #tpu.memory_space<vmem>>, vector<16xf32>,
          %mul3A_645 = arith.mulf %scan3A_554, %gather3A : vector<16xf32>
          %add3A_646 = arith.addf %mul3A_645, %get3A_644 : vector<16xf32>
          %swap3A_647 = arith.constant 0 : i32
          %swap3A_648 = arith.index_cast %swap3A_647 : i32 to index
          %swap3A_649 = arith.index_cast %scan3A_546 : i32 to index
          %swap3A_650 = arith.constant 112 : index
          %swap3A_651 = tpu.vector_load %arg10[%swap3A_648, %swap3A_649, %swap3A_650] {strides = array<i32>} : memref<2x64x128xf32, #tpu.memory_space<vmem>>, vector<16xf32>,
          tpu.vector_store %arg10[%swap3A_648, %swap3A_649, %swap3A_650], %add3A_646 {strides = array<i32>} : memref<2x64x128xf32, #tpu.memory_space<vmem>>, vector<16xf32>,
          scf.yield %add3A_562, %add3A_574, %add3A_586, %add3A_598, %add3A_610, %add3A_622, %add3A_634, %add3A_646 : vector<16xf32>, vector<16xf32>, vector<16xf32>, vector<16xf32>, vector<16xf32>, vector<16xf32>, vector<16xf32>, vector<16xf32>
        }
        %scan3A_509 = arith.constant 64 : i32
        %dma_start3A_510 = arith.constant 0 : i32
        %dma_start3A_511 = arith.constant 0 : i32
        %dma_start3A_512 = arith.constant 0 : i32
        %dma_start3A_513 = arith.constant 0 : i32
        %dma_start3A_514 = arith.constant 0 : i32
        %dma_start3A_515 = tpu.memref_slice %arg10[%dma_start3A_510, %dma_start3A_513, %dma_start3A_514] : memref<2x64x128xf32, #tpu.memory_space<vmem>> -> memref<1x64x128xf32, #tpu.memory_space<vmem>>
        %dma_start3A_516 = tpu.memref_squeeze %dma_start3A_515 : memref<1x64x128xf32, #tpu.memory_space<vmem>> -> memref<64x128xf32, #tpu.memory_space<vmem>>
        %dma_start3A_517 = arith.constant 0 : i32
        %dma_start3A_518 = tpu.memref_slice %arg11[%dma_start3A_511, %dma_start3A_517] : memref<2x64xi32, #tpu.memory_space<vmem>> -> memref<1x64xi32, #tpu.memory_space<vmem>>
        %dma_start3A_519 = tpu.memref_squeeze %dma_start3A_518 : memref<1x64xi32, #tpu.memory_space<vmem>> -> memref<64xi32, #tpu.memory_space<vmem>>
        %dma_start3A_520 = arith.constant 0 : i32
        %dma_start3A_521 = arith.constant 0 : i32
        %dma_start3A_522 = tpu.memref_slice %arg6[%dma_start3A_520, %dma_start3A_521] : memref<10000x128xf32, #tpu.memory_space<vmem_shared>> -> memref<10000x128xf32, #tpu.memory_space<vmem_shared>>
        %dma_start3A_523 = arith.constant -1 : i32
        %dma_start3A_524 = tpu.memref_slice %arg21[%dma_start3A_512] : memref<2x!tpu.dma_semaphore, #tpu.memory_space<semaphore_mem>> -> memref<1x!tpu.dma_semaphore, #tpu.memory_space<semaphore_mem>>
        %dma_start3A_525 = tpu.memref_squeeze %dma_start3A_524 : memref<1x!tpu.dma_semaphore, #tpu.memory_space<semaphore_mem>> -> memref<!tpu.dma_semaphore, #tpu.memory_space<semaphore_mem>>
        tpu.enqueue_indirect_dma source(%dma_start3A_516 : memref<64x128xf32, #tpu.memory_space<vmem>>) target(%dma_start3A_522 : memref<10000x128xf32, #tpu.memory_space<vmem_shared>>) offsets(%dma_start3A_519 : memref<64xi32, #tpu.memory_space<vmem>>) offset_filter(%dma_start3A_523) semaphore(%dma_start3A_525 : memref<!tpu.dma_semaphore, #tpu.memory_space<semaphore_mem>>) {add = true}
        %dma_start3A_526 = arith.constant 0 : i32
        %dma_start3A_527 = arith.constant 0 : i32
        %dma_start3A_528 = arith.constant 0 : i32
        %dma_start3A_529 = tpu.memref_slice %arg11[%dma_start3A_526, %dma_start3A_528] : memref<2x64xi32, #tpu.memory_space<vmem>> -> memref<1x64xi32, #tpu.memory_space<vmem>>
        %dma_start3A_530 = tpu.memref_squeeze %dma_start3A_529 : memref<1x64xi32, #tpu.memory_space<vmem>> -> memref<64xi32, #tpu.memory_space<vmem>>
        %dma_start3A_531 = arith.constant 0 : i32
        %dma_start3A_532 = tpu.memref_slice %arg7[%dma_start3A_531] : memref<10240xf32, #tpu.memory_space<vmem_shared>> -> memref<10240xf32, #tpu.memory_space<vmem_shared>>
        %dma_start3A_533 = arith.constant -1 : i32
        %dma_start3A_534 = tpu.memref_slice %arg21[%dma_start3A_527] : memref<2x!tpu.dma_semaphore, #tpu.memory_space<semaphore_mem>> -> memref<1x!tpu.dma_semaphore, #tpu.memory_space<semaphore_mem>>
        %dma_start3A_535 = tpu.memref_squeeze %dma_start3A_534 : memref<1x!tpu.dma_semaphore, #tpu.memory_space<semaphore_mem>> -> memref<!tpu.dma_semaphore, #tpu.memory_space<semaphore_mem>>
        tpu.enqueue_indirect_dma source(%arg14 : memref<64xf32, #tpu.memory_space<vmem>>) target(%dma_start3A_532 : memref<10240xf32, #tpu.memory_space<vmem_shared>>) offsets(%dma_start3A_530 : memref<64xi32, #tpu.memory_space<vmem>>) offset_filter(%dma_start3A_533) semaphore(%dma_start3A_535 : memref<!tpu.dma_semaphore, #tpu.memory_space<semaphore_mem>>) {add = true}
        %dma_start3A_536 = arith.constant 0 : i32
        %dma_start3A_537 = arith.constant 0 : i32
        %dma_start3A_538 = arith.constant 0 : i32
        %dma_start3A_539 = tpu.memref_slice %arg12[%dma_start3A_536, %dma_start3A_538] : memref<2x64xi32, #tpu.memory_space<vmem>> -> memref<1x64xi32, #tpu.memory_space<vmem>>
        %dma_start3A_540 = tpu.memref_squeeze %dma_start3A_539 : memref<1x64xi32, #tpu.memory_space<vmem>> -> memref<64xi32, #tpu.memory_space<vmem>>
        %dma_start3A_541 = arith.constant 0 : i32
        %dma_start3A_542 = tpu.memref_slice %arg7[%dma_start3A_541] : memref<10240xf32, #tpu.memory_space<vmem_shared>> -> memref<10240xf32, #tpu.memory_space<vmem_shared>>
        %dma_start3A_543 = arith.constant -1 : i32
        %dma_start3A_544 = tpu.memref_slice %arg21[%dma_start3A_537] : memref<2x!tpu.dma_semaphore, #tpu.memory_space<semaphore_mem>> -> memref<1x!tpu.dma_semaphore, #tpu.memory_space<semaphore_mem>>
        %dma_start3A_545 = tpu.memref_squeeze %dma_start3A_544 : memref<1x!tpu.dma_semaphore, #tpu.memory_space<semaphore_mem>> -> memref<!tpu.dma_semaphore, #tpu.memory_space<semaphore_mem>>
        tpu.enqueue_indirect_dma source(%arg15 : memref<64xf32, #tpu.memory_space<vmem>>) target(%dma_start3A_542 : memref<10240xf32, #tpu.memory_space<vmem_shared>>) offsets(%dma_start3A_540 : memref<64xi32, #tpu.memory_space<vmem>>) offset_filter(%dma_start3A_543) semaphore(%dma_start3A_545 : memref<!tpu.dma_semaphore, #tpu.memory_space<semaphore_mem>>) {add = true}
      } else {
      }
      %mul3A_213 = arith.constant 6 : i32
      %mul3A_214 = arith.muli %scan3A_189, %mul3A_213 : i32
      %add3A_215 = arith.constant 1 : i32
      %add3A_216 = arith.addi %mul3A_214, %add3A_215 : i32
      %ge3A_217 = arith.constant 2 : i32
      %ge3A_218 = arith.cmpi sge, %add3A_216, %ge3A_217 : i32
      %lt3A_219 = arith.constant 158 : i32
      %lt3A_220 = arith.cmpi slt, %add3A_216, %lt3A_219 : i32
      %and3A_221 = arith.andi %ge3A_218, %lt3A_220 : i1
      %convert_element_type3A_222 = arith.extui %and3A_221 : i1 to i32
      %cond3A_223 = arith.constant 0 : i32
      %cond3A_224 = arith.cmpi ne, %convert_element_type3A_222, %cond3A_223 : i32
      scf.if %cond3A_224 {
        %dma_wait3A = arith.constant 1 : i32
        %dma_wait3A_333 = arith.constant 1 : i32
        %dma_wait3A_334 = arith.constant 1 : i32
        %dma_wait3A_335 = arith.constant 0 : i32
        %dma_wait3A_336 = arith.constant 0 : i32
        %dma_wait3A_337 = tpu.memref_slice %arg10[%dma_wait3A, %dma_wait3A_335, %dma_wait3A_336] : memref<2x64x128xf32, #tpu.memory_space<vmem>> -> memref<1x64x128xf32, #tpu.memory_space<vmem>>
        %dma_wait3A_338 = tpu.memref_squeeze %dma_wait3A_337 : memref<1x64x128xf32, #tpu.memory_space<vmem>> -> memref<64x128xf32, #tpu.memory_space<vmem>>
        %dma_wait3A_339 = arith.constant 0 : i32
        %dma_wait3A_340 = tpu.memref_slice %arg11[%dma_wait3A_333, %dma_wait3A_339] : memref<2x64xi32, #tpu.memory_space<vmem>> -> memref<1x64xi32, #tpu.memory_space<vmem>>
        %dma_wait3A_341 = tpu.memref_squeeze %dma_wait3A_340 : memref<1x64xi32, #tpu.memory_space<vmem>> -> memref<64xi32, #tpu.memory_space<vmem>>
        %dma_wait3A_342 = arith.constant 0 : i32
        %dma_wait3A_343 = arith.constant 0 : i32
        %dma_wait3A_344 = tpu.memref_slice %arg6[%dma_wait3A_342, %dma_wait3A_343] : memref<10000x128xf32, #tpu.memory_space<vmem_shared>> -> memref<10000x128xf32, #tpu.memory_space<vmem_shared>>
        %dma_wait3A_345 = tpu.memref_slice %arg21[%dma_wait3A_334] : memref<2x!tpu.dma_semaphore, #tpu.memory_space<semaphore_mem>> -> memref<1x!tpu.dma_semaphore, #tpu.memory_space<semaphore_mem>>
        %dma_wait3A_346 = tpu.memref_squeeze %dma_wait3A_345 : memref<1x!tpu.dma_semaphore, #tpu.memory_space<semaphore_mem>> -> memref<!tpu.dma_semaphore, #tpu.memory_space<semaphore_mem>>
        tpu.wait_indirect_dma semaphore(%dma_wait3A_346 : memref<!tpu.dma_semaphore, #tpu.memory_space<semaphore_mem>>) src(%dma_wait3A_338 : memref<64x128xf32, #tpu.memory_space<vmem>>) dst(%dma_wait3A_344 : memref<10000x128xf32, #tpu.memory_space<vmem_shared>>)
        %dma_wait3A_347 = arith.constant 1 : i32
        %dma_wait3A_348 = arith.constant 1 : i32
        %dma_wait3A_349 = arith.constant 0 : i32
        %dma_wait3A_350 = tpu.memref_slice %arg11[%dma_wait3A_347, %dma_wait3A_349] : memref<2x64xi32, #tpu.memory_space<vmem>> -> memref<1x64xi32, #tpu.memory_space<vmem>>
        %dma_wait3A_351 = tpu.memref_squeeze %dma_wait3A_350 : memref<1x64xi32, #tpu.memory_space<vmem>> -> memref<64xi32, #tpu.memory_space<vmem>>
        %dma_wait3A_352 = arith.constant 0 : i32
        %dma_wait3A_353 = tpu.memref_slice %arg7[%dma_wait3A_352] : memref<10240xf32, #tpu.memory_space<vmem_shared>> -> memref<10240xf32, #tpu.memory_space<vmem_shared>>
        %dma_wait3A_354 = tpu.memref_slice %arg21[%dma_wait3A_348] : memref<2x!tpu.dma_semaphore, #tpu.memory_space<semaphore_mem>> -> memref<1x!tpu.dma_semaphore, #tpu.memory_space<semaphore_mem>>
        %dma_wait3A_355 = tpu.memref_squeeze %dma_wait3A_354 : memref<1x!tpu.dma_semaphore, #tpu.memory_space<semaphore_mem>> -> memref<!tpu.dma_semaphore, #tpu.memory_space<semaphore_mem>>
        tpu.wait_indirect_dma semaphore(%dma_wait3A_355 : memref<!tpu.dma_semaphore, #tpu.memory_space<semaphore_mem>>) src(%arg14 : memref<64xf32, #tpu.memory_space<vmem>>) dst(%dma_wait3A_353 : memref<10240xf32, #tpu.memory_space<vmem_shared>>)
        %dma_wait3A_356 = arith.constant 1 : i32
        %dma_wait3A_357 = arith.constant 1 : i32
        %dma_wait3A_358 = arith.constant 0 : i32
        %dma_wait3A_359 = tpu.memref_slice %arg12[%dma_wait3A_356, %dma_wait3A_358] : memref<2x64xi32, #tpu.memory_space<vmem>> -> memref<1x64xi32, #tpu.memory_space<vmem>>
        %dma_wait3A_360 = tpu.memref_squeeze %dma_wait3A_359 : memref<1x64xi32, #tpu.memory_space<vmem>> -> memref<64xi32, #tpu.memory_space<vmem>>
        %dma_wait3A_361 = arith.constant 0 : i32
        %dma_wait3A_362 = tpu.memref_slice %arg7[%dma_wait3A_361] : memref<10240xf32, #tpu.memory_space<vmem_shared>> -> memref<10240xf32, #tpu.memory_space<vmem_shared>>
        %dma_wait3A_363 = tpu.memref_slice %arg21[%dma_wait3A_357] : memref<2x!tpu.dma_semaphore, #tpu.memory_space<semaphore_mem>> -> memref<1x!tpu.dma_semaphore, #tpu.memory_space<semaphore_mem>>
        %dma_wait3A_364 = tpu.memref_squeeze %dma_wait3A_363 : memref<1x!tpu.dma_semaphore, #tpu.memory_space<semaphore_mem>> -> memref<!tpu.dma_semaphore, #tpu.memory_space<semaphore_mem>>
        tpu.wait_indirect_dma semaphore(%dma_wait3A_364 : memref<!tpu.dma_semaphore, #tpu.memory_space<semaphore_mem>>) src(%arg15 : memref<64xf32, #tpu.memory_space<vmem>>) dst(%dma_wait3A_362 : memref<10240xf32, #tpu.memory_space<vmem_shared>>)
      } else {
      }
      %add3A_225 = arith.constant 2 : i32
      %add3A_226 = arith.addi %add3A_216, %add3A_225 : i32
      %lt3A_227 = arith.constant 156 : i32
      %lt3A_228 = arith.cmpi slt, %add3A_226, %lt3A_227 : i32
      %convert_element_type3A_229 = arith.extui %lt3A_228 : i1 to i32
      %cond3A_230 = arith.constant 0 : i32
      %cond3A_231 = arith.cmpi ne, %convert_element_type3A_229, %cond3A_230 : i32
      scf.if %cond3A_231 {
        %add3A_333 = arith.constant 2 : i32
        %add3A_334 = arith.addi %add3A_216, %add3A_333 : i32
        %mul3A_335 = arith.constant 64 : i32
        %mul3A_336 = arith.muli %add3A_334, %mul3A_335 : i32
        %add3A_337 = arith.addi %add3A, %mul3A_336 : i32
        %dma_start3A_338 = arith.constant 0 : i32
        %dma_start3A_339 = arith.constant 0 : i32
        %dma_start3A_340 = arith.constant 0 : i32
        %dma_start3A_341 = tpu.memref_slice %arg8[%dma_start3A_339, %dma_start3A_340] : memref<192x128xf32, #tpu.memory_space<vmem>> -> memref<64x128xf32, #tpu.memory_space<vmem>>
        %dma_start3A_342 = arith.constant 0 : i32
        %dma_start3A_343 = tpu.memref_slice %arg2[%add3A_337, %dma_start3A_342] : memref<320000x128xf32, #tpu.memory_space<hbm>> -> memref<64x128xf32, #tpu.memory_space<hbm>>
        %dma_start3A_344 = tpu.memref_slice %arg20[%dma_start3A_338] : memref<3x!tpu.dma_semaphore, #tpu.memory_space<semaphore_mem>> -> memref<1x!tpu.dma_semaphore, #tpu.memory_space<semaphore_mem>>
        %dma_start3A_345 = tpu.memref_squeeze %dma_start3A_344 : memref<1x!tpu.dma_semaphore, #tpu.memory_space<semaphore_mem>> -> memref<!tpu.dma_semaphore, #tpu.memory_space<semaphore_mem>>
        %dma_start3A_346 = arith.constant 0 : i32
        %dma_start3A_347 = arith.constant 0 : i32
        %dma_start3A_348 = tpu.memref_slice %arg8[%dma_start3A_346, %dma_start3A_347] : memref<192x128xf32, #tpu.memory_space<vmem>> -> memref<64x128xf32, #tpu.memory_space<vmem>>
        %dma_start3A_349 = arith.constant 0 : i32
        %dma_start3A_350 = tpu.memref_slice %arg2[%add3A_337, %dma_start3A_349] : memref<320000x128xf32, #tpu.memory_space<hbm>> -> memref<64x128xf32, #tpu.memory_space<hbm>>
        tpu.enqueue_dma source(%dma_start3A_350 : memref<64x128xf32, #tpu.memory_space<hbm>>) target(%dma_start3A_348 : memref<64x128xf32, #tpu.memory_space<vmem>>) target_semaphore(%dma_start3A_345 : memref<!tpu.dma_semaphore, #tpu.memory_space<semaphore_mem>>)
        %dma_start3A_351 = arith.constant 0 : i32
        %dma_start3A_352 = arith.constant 0 : i32
        %dma_start3A_353 = arith.constant 8 : i32
        %dma_start3A_354 = tpu.memref_slice %arg9[%dma_start3A_351, %dma_start3A_353] : memref<3x80xi32, #tpu.memory_space<vmem>> -> memref<1x64xi32, #tpu.memory_space<vmem>>
        %dma_start3A_355 = tpu.memref_squeeze %dma_start3A_354 : memref<1x64xi32, #tpu.memory_space<vmem>> -> memref<64xi32, #tpu.memory_space<vmem>>
        %dma_start3A_356 = tpu.memref_slice %arg3[%add3A_337] : memref<320000xi32, #tpu.memory_space<hbm>> -> memref<64xi32, #tpu.memory_space<hbm>>
        %dma_start3A_357 = tpu.memref_slice %arg20[%dma_start3A_352] : memref<3x!tpu.dma_semaphore, #tpu.memory_space<semaphore_mem>> -> memref<1x!tpu.dma_semaphore, #tpu.memory_space<semaphore_mem>>
        %dma_start3A_358 = tpu.memref_squeeze %dma_start3A_357 : memref<1x!tpu.dma_semaphore, #tpu.memory_space<semaphore_mem>> -> memref<!tpu.dma_semaphore, #tpu.memory_space<semaphore_mem>>
        %dma_start3A_359 = arith.constant 8 : i32
        %dma_start3A_360 = tpu.memref_slice %arg9[%dma_start3A_351, %dma_start3A_359] : memref<3x80xi32, #tpu.memory_space<vmem>> -> memref<1x64xi32, #tpu.memory_space<vmem>>
        %dma_start3A_361 = tpu.memref_squeeze %dma_start3A_360 : memref<1x64xi32, #tpu.memory_space<vmem>> -> memref<64xi32, #tpu.memory_space<vmem>>
        %dma_start3A_362 = tpu.memref_slice %arg3[%add3A_337] : memref<320000xi32, #tpu.memory_space<hbm>> -> memref<64xi32, #tpu.memory_space<hbm>>
        tpu.enqueue_dma source(%dma_start3A_362 : memref<64xi32, #tpu.memory_space<hbm>>) target(%dma_start3A_361 : memref<64xi32, #tpu.memory_space<vmem>>) target_semaphore(%dma_start3A_358 : memref<!tpu.dma_semaphore, #tpu.memory_space<semaphore_mem>>)
      } else {
      }
      %lt3A_232 = arith.constant 156 : i32
      %lt3A_233 = arith.cmpi slt, %add3A_216, %lt3A_232 : i32
      %convert_element_type3A_234 = arith.extui %lt3A_233 : i1 to i32
      %cond3A_235 = arith.constant 0 : i32
      %cond3A_236 = arith.cmpi ne, %convert_element_type3A_234, %cond3A_235 : i32
      scf.if %cond3A_236 {
        %dma_wait3A = arith.constant 1 : i32
        %dma_wait3A_333 = arith.constant 64 : i32
        %dma_wait3A_334 = arith.constant 0 : i32
        %dma_wait3A_335 = tpu.memref_slice %arg8[%dma_wait3A_333, %dma_wait3A_334] : memref<192x128xf32, #tpu.memory_space<vmem>> -> memref<64x128xf32, #tpu.memory_space<vmem>>
        %dma_wait3A_336 = arith.constant 0 : i32
        %dma_wait3A_337 = arith.constant 0 : i32
        %dma_wait3A_338 = tpu.memref_slice %arg2[%dma_wait3A_336, %dma_wait3A_337] : memref<320000x128xf32, #tpu.memory_space<hbm>> -> memref<64x128xf32, #tpu.memory_space<hbm>>
        %dma_wait3A_339 = tpu.memref_slice %arg20[%dma_wait3A] : memref<3x!tpu.dma_semaphore, #tpu.memory_space<semaphore_mem>> -> memref<1x!tpu.dma_semaphore, #tpu.memory_space<semaphore_mem>>
        %dma_wait3A_340 = tpu.memref_squeeze %dma_wait3A_339 : memref<1x!tpu.dma_semaphore, #tpu.memory_space<semaphore_mem>> -> memref<!tpu.dma_semaphore, #tpu.memory_space<semaphore_mem>>
        %dma_wait3A_341 = arith.constant 64 : i32
        %dma_wait3A_342 = arith.constant 0 : i32
        %dma_wait3A_343 = tpu.memref_slice %arg8[%dma_wait3A_341, %dma_wait3A_342] : memref<192x128xf32, #tpu.memory_space<vmem>> -> memref<64x128xf32, #tpu.memory_space<vmem>>
        %dma_wait3A_344 = arith.constant 0 : i32
        %dma_wait3A_345 = arith.constant 0 : i32
        %dma_wait3A_346 = tpu.memref_slice %arg2[%dma_wait3A_344, %dma_wait3A_345] : memref<320000x128xf32, #tpu.memory_space<hbm>> -> memref<64x128xf32, #tpu.memory_space<hbm>>
        tpu.wait_dma2 semaphore(%dma_wait3A_340 : memref<!tpu.dma_semaphore, #tpu.memory_space<semaphore_mem>>) src(%dma_wait3A_346 : memref<64x128xf32, #tpu.memory_space<hbm>>) dst(%dma_wait3A_343 : memref<64x128xf32, #tpu.memory_space<vmem>>)
        %dma_wait3A_347 = arith.constant 1 : i32
        %dma_wait3A_348 = arith.constant 1 : i32
        %dma_wait3A_349 = arith.constant 8 : i32
        %dma_wait3A_350 = tpu.memref_slice %arg9[%dma_wait3A_347, %dma_wait3A_349] : memref<3x80xi32, #tpu.memory_space<vmem>> -> memref<1x64xi32, #tpu.memory_space<vmem>>
        %dma_wait3A_351 = tpu.memref_squeeze %dma_wait3A_350 : memref<1x64xi32, #tpu.memory_space<vmem>> -> memref<64xi32, #tpu.memory_space<vmem>>
        %dma_wait3A_352 = arith.constant 0 : i32
        %dma_wait3A_353 = tpu.memref_slice %arg3[%dma_wait3A_352] : memref<320000xi32, #tpu.memory_space<hbm>> -> memref<64xi32, #tpu.memory_space<hbm>>
        %dma_wait3A_354 = tpu.memref_slice %arg20[%dma_wait3A_348] : memref<3x!tpu.dma_semaphore, #tpu.memory_space<semaphore_mem>> -> memref<1x!tpu.dma_semaphore, #tpu.memory_space<semaphore_mem>>
        %dma_wait3A_355 = tpu.memref_squeeze %dma_wait3A_354 : memref<1x!tpu.dma_semaphore, #tpu.memory_space<semaphore_mem>> -> memref<!tpu.dma_semaphore, #tpu.memory_space<semaphore_mem>>
        %dma_wait3A_356 = arith.constant 8 : i32
        %dma_wait3A_357 = tpu.memref_slice %arg9[%dma_wait3A_347, %dma_wait3A_356] : memref<3x80xi32, #tpu.memory_space<vmem>> -> memref<1x64xi32, #tpu.memory_space<vmem>>
        %dma_wait3A_358 = tpu.memref_squeeze %dma_wait3A_357 : memref<1x64xi32, #tpu.memory_space<vmem>> -> memref<64xi32, #tpu.memory_space<vmem>>
        %dma_wait3A_359 = arith.constant 0 : i32
        %dma_wait3A_360 = tpu.memref_slice %arg3[%dma_wait3A_359] : memref<320000xi32, #tpu.memory_space<hbm>> -> memref<64xi32, #tpu.memory_space<hbm>>
        tpu.wait_dma2 semaphore(%dma_wait3A_355 : memref<!tpu.dma_semaphore, #tpu.memory_space<semaphore_mem>>) src(%dma_wait3A_360 : memref<64xi32, #tpu.memory_space<hbm>>) dst(%dma_wait3A_358 : memref<64xi32, #tpu.memory_space<vmem>>)
        %get3A_361 = arith.constant 1 : i32
        %get3A_362 = arith.index_cast %get3A_361 : i32 to index
        %get3A_363 = arith.constant 8 : index
        %get3A_364 = tpu.vector_load %arg9[%get3A_362, %get3A_363] {strides = array<i32>} : memref<3x80xi32, #tpu.memory_space<vmem>>, vector<16xi32>,
        %get3A_365 = arith.constant 1 : i32
        %get3A_366 = arith.index_cast %get3A_365 : i32 to index
        %get3A_367 = arith.constant 7 : index
        %get3A_368 = tpu.vector_load %arg9[%get3A_366, %get3A_367] {strides = array<i32>} : memref<3x80xi32, #tpu.memory_space<vmem>>, vector<16xi32>,
        %get3A_369 = arith.constant 1 : i32
        %get3A_370 = arith.index_cast %get3A_369 : i32 to index
        %get3A_371 = arith.constant 9 : index
        %get3A_372 = tpu.vector_load %arg9[%get3A_370, %get3A_371] {strides = array<i32>} : memref<3x80xi32, #tpu.memory_space<vmem>>, vector<16xi32>,
        %eq3A_373 = arith.cmpi eq, %get3A_364, %get3A_368 : vector<16xi32>
        %and3A_374 = arith.andi %eq3A_373, %ne3A_5 : vector<16xi1>
        %jit3A_375 = arith.constant 1.000000e+00 : f32
        %jit3A_376 = arith.constant 0.000000e+00 : f32
        %broadcast_in_dim3A_377 = vector.broadcast %jit3A_375 : f32 to vector<16xf32>
        %broadcast_in_dim3A_378 = vector.broadcast %jit3A_376 : f32 to vector<16xf32>
        %select_n3A_379 = arith.select %and3A_374, %broadcast_in_dim3A_377, %broadcast_in_dim3A_378 : vector<16xi1>, vector<16xf32>
        %swap3A_380 = arith.constant 0 : index
        %swap3A_381 = tpu.vector_load %arg13[%swap3A_380] {strides = array<i32>} : memref<64xf32, #tpu.memory_space<vmem>>, vector<16xf32>,
        tpu.vector_store %arg13[%swap3A_380], %select_n3A_379 {strides = array<i32>} : memref<64xf32, #tpu.memory_space<vmem>>, vector<16xf32>,
        %ne3A_382 = arith.cmpi ne, %get3A_364, %get3A_372 : vector<16xi32>
        %select_n3A_383 = arith.select %ne3A_382, %get3A_364, %broadcast_in_dim3A_9 : vector<16xi1>, vector<16xi32>
        %swap3A_384 = arith.constant 1 : i32
        %swap3A_385 = arith.index_cast %swap3A_384 : i32 to index
        %swap3A_386 = arith.constant 0 : index
        %swap3A_387 = tpu.vector_load %arg11[%swap3A_385, %swap3A_386] {strides = array<i32>} : memref<2x64xi32, #tpu.memory_space<vmem>>, vector<16xi32>,
        tpu.vector_store %arg11[%swap3A_385, %swap3A_386], %select_n3A_383 {strides = array<i32>} : memref<2x64xi32, #tpu.memory_space<vmem>>, vector<16xi32>,
        %select_n3A_388 = arith.select %ne3A_382, %get3A_372, %broadcast_in_dim3A_9 : vector<16xi1>, vector<16xi32>
        %swap3A_389 = arith.constant 1 : i32
        %swap3A_390 = arith.index_cast %swap3A_389 : i32 to index
        %swap3A_391 = arith.constant 0 : index
        %swap3A_392 = tpu.vector_load %arg12[%swap3A_390, %swap3A_391] {strides = array<i32>} : memref<2x64xi32, #tpu.memory_space<vmem>>, vector<16xi32>,
        tpu.vector_store %arg12[%swap3A_390, %swap3A_391], %select_n3A_388 {strides = array<i32>} : memref<2x64xi32, #tpu.memory_space<vmem>>, vector<16xi32>,
        %get3A_393 = arith.constant 1 : i32
        %get3A_394 = arith.index_cast %get3A_393 : i32 to index
        %get3A_395 = arith.constant 24 : index
        %get3A_396 = tpu.vector_load %arg9[%get3A_394, %get3A_395] {strides = array<i32>} : memref<3x80xi32, #tpu.memory_space<vmem>>, vector<16xi32>,
        %get3A_397 = arith.constant 1 : i32
        %get3A_398 = arith.index_cast %get3A_397 : i32 to index
        %get3A_399 = arith.constant 23 : index
        %get3A_400 = tpu.vector_load %arg9[%get3A_398, %get3A_399] {strides = array<i32>} : memref<3x80xi32, #tpu.memory_space<vmem>>, vector<16xi32>,
        %get3A_401 = arith.constant 1 : i32
        %get3A_402 = arith.index_cast %get3A_401 : i32 to index
        %get3A_403 = arith.constant 25 : index
        %get3A_404 = tpu.vector_load %arg9[%get3A_402, %get3A_403] {strides = array<i32>} : memref<3x80xi32, #tpu.memory_space<vmem>>, vector<16xi32>,
        %eq3A_405 = arith.cmpi eq, %get3A_396, %get3A_400 : vector<16xi32>
        %jit3A_406 = arith.constant 1.000000e+00 : f32
        %jit3A_407 = arith.constant 0.000000e+00 : f32
        %broadcast_in_dim3A_408 = vector.broadcast %jit3A_406 : f32 to vector<16xf32>
        %broadcast_in_dim3A_409 = vector.broadcast %jit3A_407 : f32 to vector<16xf32>
        %select_n3A_410 = arith.select %eq3A_405, %broadcast_in_dim3A_408, %broadcast_in_dim3A_409 : vector<16xi1>, vector<16xf32>
        %swap3A_411 = arith.constant 16 : index
        %swap3A_412 = tpu.vector_load %arg13[%swap3A_411] {strides = array<i32>} : memref<64xf32, #tpu.memory_space<vmem>>, vector<16xf32>,
        tpu.vector_store %arg13[%swap3A_411], %select_n3A_410 {strides = array<i32>} : memref<64xf32, #tpu.memory_space<vmem>>, vector<16xf32>,
        %ne3A_413 = arith.cmpi ne, %get3A_396, %get3A_404 : vector<16xi32>
        %select_n3A_414 = arith.select %ne3A_413, %get3A_396, %broadcast_in_dim3A_9 : vector<16xi1>, vector<16xi32>
        %swap3A_415 = arith.constant 1 : i32
        %swap3A_416 = arith.index_cast %swap3A_415 : i32 to index
        %swap3A_417 = arith.constant 16 : index
        %swap3A_418 = tpu.vector_load %arg11[%swap3A_416, %swap3A_417] {strides = array<i32>} : memref<2x64xi32, #tpu.memory_space<vmem>>, vector<16xi32>,
        tpu.vector_store %arg11[%swap3A_416, %swap3A_417], %select_n3A_414 {strides = array<i32>} : memref<2x64xi32, #tpu.memory_space<vmem>>, vector<16xi32>,
        %select_n3A_419 = arith.select %ne3A_413, %get3A_404, %broadcast_in_dim3A_9 : vector<16xi1>, vector<16xi32>
        %swap3A_420 = arith.constant 1 : i32
        %swap3A_421 = arith.index_cast %swap3A_420 : i32 to index
        %swap3A_422 = arith.constant 16 : index
        %swap3A_423 = tpu.vector_load %arg12[%swap3A_421, %swap3A_422] {strides = array<i32>} : memref<2x64xi32, #tpu.memory_space<vmem>>, vector<16xi32>,
        tpu.vector_store %arg12[%swap3A_421, %swap3A_422], %select_n3A_419 {strides = array<i32>} : memref<2x64xi32, #tpu.memory_space<vmem>>, vector<16xi32>,
        %get3A_424 = arith.constant 1 : i32
        %get3A_425 = arith.index_cast %get3A_424 : i32 to index
        %get3A_426 = arith.constant 40 : index
        %get3A_427 = tpu.vector_load %arg9[%get3A_425, %get3A_426] {strides = array<i32>} : memref<3x80xi32, #tpu.memory_space<vmem>>, vector<16xi32>,
        %get3A_428 = arith.constant 1 : i32
        %get3A_429 = arith.index_cast %get3A_428 : i32 to index
        %get3A_430 = arith.constant 39 : index
        %get3A_431 = tpu.vector_load %arg9[%get3A_429, %get3A_430] {strides = array<i32>} : memref<3x80xi32, #tpu.memory_space<vmem>>, vector<16xi32>,
        %get3A_432 = arith.constant 1 : i32
        %get3A_433 = arith.index_cast %get3A_432 : i32 to index
        %get3A_434 = arith.constant 41 : index
        %get3A_435 = tpu.vector_load %arg9[%get3A_433, %get3A_434] {strides = array<i32>} : memref<3x80xi32, #tpu.memory_space<vmem>>, vector<16xi32>,
        %eq3A_436 = arith.cmpi eq, %get3A_427, %get3A_431 : vector<16xi32>
        %jit3A_437 = arith.constant 1.000000e+00 : f32
        %jit3A_438 = arith.constant 0.000000e+00 : f32
        %broadcast_in_dim3A_439 = vector.broadcast %jit3A_437 : f32 to vector<16xf32>
        %broadcast_in_dim3A_440 = vector.broadcast %jit3A_438 : f32 to vector<16xf32>
        %select_n3A_441 = arith.select %eq3A_436, %broadcast_in_dim3A_439, %broadcast_in_dim3A_440 : vector<16xi1>, vector<16xf32>
        %swap3A_442 = arith.constant 32 : index
        %swap3A_443 = tpu.vector_load %arg13[%swap3A_442] {strides = array<i32>} : memref<64xf32, #tpu.memory_space<vmem>>, vector<16xf32>,
        tpu.vector_store %arg13[%swap3A_442], %select_n3A_441 {strides = array<i32>} : memref<64xf32, #tpu.memory_space<vmem>>, vector<16xf32>,
        %ne3A_444 = arith.cmpi ne, %get3A_427, %get3A_435 : vector<16xi32>
        %select_n3A_445 = arith.select %ne3A_444, %get3A_427, %broadcast_in_dim3A_9 : vector<16xi1>, vector<16xi32>
        %swap3A_446 = arith.constant 1 : i32
        %swap3A_447 = arith.index_cast %swap3A_446 : i32 to index
        %swap3A_448 = arith.constant 32 : index
        %swap3A_449 = tpu.vector_load %arg11[%swap3A_447, %swap3A_448] {strides = array<i32>} : memref<2x64xi32, #tpu.memory_space<vmem>>, vector<16xi32>,
        tpu.vector_store %arg11[%swap3A_447, %swap3A_448], %select_n3A_445 {strides = array<i32>} : memref<2x64xi32, #tpu.memory_space<vmem>>, vector<16xi32>,
        %select_n3A_450 = arith.select %ne3A_444, %get3A_435, %broadcast_in_dim3A_9 : vector<16xi1>, vector<16xi32>
        %swap3A_451 = arith.constant 1 : i32
        %swap3A_452 = arith.index_cast %swap3A_451 : i32 to index
        %swap3A_453 = arith.constant 32 : index
        %swap3A_454 = tpu.vector_load %arg12[%swap3A_452, %swap3A_453] {strides = array<i32>} : memref<2x64xi32, #tpu.memory_space<vmem>>, vector<16xi32>,
        tpu.vector_store %arg12[%swap3A_452, %swap3A_453], %select_n3A_450 {strides = array<i32>} : memref<2x64xi32, #tpu.memory_space<vmem>>, vector<16xi32>,
        %get3A_455 = arith.constant 1 : i32
        %get3A_456 = arith.index_cast %get3A_455 : i32 to index
        %get3A_457 = arith.constant 56 : index
        %get3A_458 = tpu.vector_load %arg9[%get3A_456, %get3A_457] {strides = array<i32>} : memref<3x80xi32, #tpu.memory_space<vmem>>, vector<16xi32>,
        %get3A_459 = arith.constant 1 : i32
        %get3A_460 = arith.index_cast %get3A_459 : i32 to index
        %get3A_461 = arith.constant 55 : index
        %get3A_462 = tpu.vector_load %arg9[%get3A_460, %get3A_461] {strides = array<i32>} : memref<3x80xi32, #tpu.memory_space<vmem>>, vector<16xi32>,
        %get3A_463 = arith.constant 1 : i32
        %get3A_464 = arith.index_cast %get3A_463 : i32 to index
        %get3A_465 = arith.constant 57 : index
        %get3A_466 = tpu.vector_load %arg9[%get3A_464, %get3A_465] {strides = array<i32>} : memref<3x80xi32, #tpu.memory_space<vmem>>, vector<16xi32>,
        %eq3A_467 = arith.cmpi eq, %get3A_458, %get3A_462 : vector<16xi32>
        %jit3A_468 = arith.constant 1.000000e+00 : f32
        %jit3A_469 = arith.constant 0.000000e+00 : f32
        %broadcast_in_dim3A_470 = vector.broadcast %jit3A_468 : f32 to vector<16xf32>
        %broadcast_in_dim3A_471 = vector.broadcast %jit3A_469 : f32 to vector<16xf32>
        %select_n3A_472 = arith.select %eq3A_467, %broadcast_in_dim3A_470, %broadcast_in_dim3A_471 : vector<16xi1>, vector<16xf32>
        %swap3A_473 = arith.constant 48 : index
        %swap3A_474 = tpu.vector_load %arg13[%swap3A_473] {strides = array<i32>} : memref<64xf32, #tpu.memory_space<vmem>>, vector<16xf32>,
        tpu.vector_store %arg13[%swap3A_473], %select_n3A_472 {strides = array<i32>} : memref<64xf32, #tpu.memory_space<vmem>>, vector<16xf32>,
        %ne3A_475 = arith.cmpi ne, %get3A_458, %get3A_466 : vector<16xi32>
        %or3A_476 = arith.ori %ne3A_475, %eq3A_7 : vector<16xi1>
        %select_n3A_477 = arith.select %or3A_476, %get3A_458, %broadcast_in_dim3A_9 : vector<16xi1>, vector<16xi32>
        %swap3A_478 = arith.constant 1 : i32
        %swap3A_479 = arith.index_cast %swap3A_478 : i32 to index
        %swap3A_480 = arith.constant 48 : index
        %swap3A_481 = tpu.vector_load %arg11[%swap3A_479, %swap3A_480] {strides = array<i32>} : memref<2x64xi32, #tpu.memory_space<vmem>>, vector<16xi32>,
        tpu.vector_store %arg11[%swap3A_479, %swap3A_480], %select_n3A_477 {strides = array<i32>} : memref<2x64xi32, #tpu.memory_space<vmem>>, vector<16xi32>,
        %select_n3A_482 = arith.select %or3A_476, %get3A_466, %broadcast_in_dim3A_9 : vector<16xi1>, vector<16xi32>
        %select_n3A_483 = arith.select %eq3A_7, %broadcast_in_dim3A_9, %select_n3A_482 : vector<16xi1>, vector<16xi32>
        %swap3A_484 = arith.constant 1 : i32
        %swap3A_485 = arith.index_cast %swap3A_484 : i32 to index
        %swap3A_486 = arith.constant 48 : index
        %swap3A_487 = tpu.vector_load %arg12[%swap3A_485, %swap3A_486] {strides = array<i32>} : memref<2x64xi32, #tpu.memory_space<vmem>>, vector<16xi32>,
        tpu.vector_store %arg12[%swap3A_485, %swap3A_486], %select_n3A_483 {strides = array<i32>} : memref<2x64xi32, #tpu.memory_space<vmem>>, vector<16xi32>,
        %broadcast_in_dim3A_488 = arith.constant 0.000000e+00 : f32
        %broadcast_in_dim3A_489 = vector.broadcast %broadcast_in_dim3A_488 : f32 to vector<16xf32>
        %broadcast_in_dim3A_490 = arith.constant 0.000000e+00 : f32
        %broadcast_in_dim3A_491 = vector.broadcast %broadcast_in_dim3A_490 : f32 to vector<16xf32>
        %broadcast_in_dim3A_492 = arith.constant 0.000000e+00 : f32
        %broadcast_in_dim3A_493 = vector.broadcast %broadcast_in_dim3A_492 : f32 to vector<16xf32>
        %broadcast_in_dim3A_494 = arith.constant 0.000000e+00 : f32
        %broadcast_in_dim3A_495 = vector.broadcast %broadcast_in_dim3A_494 : f32 to vector<16xf32>
        %broadcast_in_dim3A_496 = arith.constant 0.000000e+00 : f32
        %broadcast_in_dim3A_497 = vector.broadcast %broadcast_in_dim3A_496 : f32 to vector<16xf32>
        %broadcast_in_dim3A_498 = arith.constant 0.000000e+00 : f32
        %broadcast_in_dim3A_499 = vector.broadcast %broadcast_in_dim3A_498 : f32 to vector<16xf32>
        %broadcast_in_dim3A_500 = arith.constant 0.000000e+00 : f32
        %broadcast_in_dim3A_501 = vector.broadcast %broadcast_in_dim3A_500 : f32 to vector<16xf32>
        %broadcast_in_dim3A_502 = arith.constant 0.000000e+00 : f32
        %broadcast_in_dim3A_503 = vector.broadcast %broadcast_in_dim3A_502 : f32 to vector<16xf32>
        %scan3A_504 = arith.constant 0 : i32
        %scan3A_505 = arith.constant 64 : i32
        %scan3A_506 = arith.addi %scan3A_504, %scan3A_505 : i32
        %scan3A_507 = arith.constant 1 : i32
        %scan3A_508:8 = scf.for %scan3A_546 = %scan3A_504 to %scan3A_506 step %scan3A_507 iter_args(%scan3A_547 = %broadcast_in_dim3A_489, %scan3A_548 = %broadcast_in_dim3A_491, %scan3A_549 = %broadcast_in_dim3A_493, %scan3A_550 = %broadcast_in_dim3A_495, %scan3A_551 = %broadcast_in_dim3A_497, %scan3A_552 = %broadcast_in_dim3A_499, %scan3A_553 = %broadcast_in_dim3A_501, %scan3A_554 = %broadcast_in_dim3A_503) -> (vector<16xf32>, vector<16xf32>, vector<16xf32>, vector<16xf32>, vector<16xf32>, vector<16xf32>, vector<16xf32>, vector<16xf32>)  : i32 {
          %broadcast_in_dim3A_555 = vector.broadcast %scan3A_546 : i32 to vector<16xi32>
          %gather3A = tpu.vector_load_idx %arg13[%broadcast_in_dim3A_555] : memref<64xf32, #tpu.memory_space<vmem>>[vector<16xi32>], vector<16xf32>,
          %add3A_556 = arith.constant 64 : i32
          %add3A_557 = arith.addi %add3A_556, %scan3A_546 : i32
          %get3A_558 = arith.index_cast %add3A_557 : i32 to index
          %get3A_559 = arith.constant 0 : index
          %get3A_560 = tpu.vector_load %arg8[%get3A_558, %get3A_559] {strides = array<i32>} : memref<192x128xf32, #tpu.memory_space<vmem>>, vector<16xf32>,
          %mul3A_561 = arith.mulf %scan3A_547, %gather3A : vector<16xf32>
          %add3A_562 = arith.addf %mul3A_561, %get3A_560 : vector<16xf32>
          %swap3A_563 = arith.constant 1 : i32
          %swap3A_564 = arith.index_cast %swap3A_563 : i32 to index
          %swap3A_565 = arith.index_cast %scan3A_546 : i32 to index
          %swap3A_566 = arith.constant 0 : index
          %swap3A_567 = tpu.vector_load %arg10[%swap3A_564, %swap3A_565, %swap3A_566] {strides = array<i32>} : memref<2x64x128xf32, #tpu.memory_space<vmem>>, vector<16xf32>,
          tpu.vector_store %arg10[%swap3A_564, %swap3A_565, %swap3A_566], %add3A_562 {strides = array<i32>} : memref<2x64x128xf32, #tpu.memory_space<vmem>>, vector<16xf32>,
          %add3A_568 = arith.constant 64 : i32
          %add3A_569 = arith.addi %add3A_568, %scan3A_546 : i32
          %get3A_570 = arith.index_cast %add3A_569 : i32 to index
          %get3A_571 = arith.constant 16 : index
          %get3A_572 = tpu.vector_load %arg8[%get3A_570, %get3A_571] {strides = array<i32>} : memref<192x128xf32, #tpu.memory_space<vmem>>, vector<16xf32>,
          %mul3A_573 = arith.mulf %scan3A_548, %gather3A : vector<16xf32>
          %add3A_574 = arith.addf %mul3A_573, %get3A_572 : vector<16xf32>
          %swap3A_575 = arith.constant 1 : i32
          %swap3A_576 = arith.index_cast %swap3A_575 : i32 to index
          %swap3A_577 = arith.index_cast %scan3A_546 : i32 to index
          %swap3A_578 = arith.constant 16 : index
          %swap3A_579 = tpu.vector_load %arg10[%swap3A_576, %swap3A_577, %swap3A_578] {strides = array<i32>} : memref<2x64x128xf32, #tpu.memory_space<vmem>>, vector<16xf32>,
          tpu.vector_store %arg10[%swap3A_576, %swap3A_577, %swap3A_578], %add3A_574 {strides = array<i32>} : memref<2x64x128xf32, #tpu.memory_space<vmem>>, vector<16xf32>,
          %add3A_580 = arith.constant 64 : i32
          %add3A_581 = arith.addi %add3A_580, %scan3A_546 : i32
          %get3A_582 = arith.index_cast %add3A_581 : i32 to index
          %get3A_583 = arith.constant 32 : index
          %get3A_584 = tpu.vector_load %arg8[%get3A_582, %get3A_583] {strides = array<i32>} : memref<192x128xf32, #tpu.memory_space<vmem>>, vector<16xf32>,
          %mul3A_585 = arith.mulf %scan3A_549, %gather3A : vector<16xf32>
          %add3A_586 = arith.addf %mul3A_585, %get3A_584 : vector<16xf32>
          %swap3A_587 = arith.constant 1 : i32
          %swap3A_588 = arith.index_cast %swap3A_587 : i32 to index
          %swap3A_589 = arith.index_cast %scan3A_546 : i32 to index
          %swap3A_590 = arith.constant 32 : index
          %swap3A_591 = tpu.vector_load %arg10[%swap3A_588, %swap3A_589, %swap3A_590] {strides = array<i32>} : memref<2x64x128xf32, #tpu.memory_space<vmem>>, vector<16xf32>,
          tpu.vector_store %arg10[%swap3A_588, %swap3A_589, %swap3A_590], %add3A_586 {strides = array<i32>} : memref<2x64x128xf32, #tpu.memory_space<vmem>>, vector<16xf32>,
          %add3A_592 = arith.constant 64 : i32
          %add3A_593 = arith.addi %add3A_592, %scan3A_546 : i32
          %get3A_594 = arith.index_cast %add3A_593 : i32 to index
          %get3A_595 = arith.constant 48 : index
          %get3A_596 = tpu.vector_load %arg8[%get3A_594, %get3A_595] {strides = array<i32>} : memref<192x128xf32, #tpu.memory_space<vmem>>, vector<16xf32>,
          %mul3A_597 = arith.mulf %scan3A_550, %gather3A : vector<16xf32>
          %add3A_598 = arith.addf %mul3A_597, %get3A_596 : vector<16xf32>
          %swap3A_599 = arith.constant 1 : i32
          %swap3A_600 = arith.index_cast %swap3A_599 : i32 to index
          %swap3A_601 = arith.index_cast %scan3A_546 : i32 to index
          %swap3A_602 = arith.constant 48 : index
          %swap3A_603 = tpu.vector_load %arg10[%swap3A_600, %swap3A_601, %swap3A_602] {strides = array<i32>} : memref<2x64x128xf32, #tpu.memory_space<vmem>>, vector<16xf32>,
          tpu.vector_store %arg10[%swap3A_600, %swap3A_601, %swap3A_602], %add3A_598 {strides = array<i32>} : memref<2x64x128xf32, #tpu.memory_space<vmem>>, vector<16xf32>,
          %add3A_604 = arith.constant 64 : i32
          %add3A_605 = arith.addi %add3A_604, %scan3A_546 : i32
          %get3A_606 = arith.index_cast %add3A_605 : i32 to index
          %get3A_607 = arith.constant 64 : index
          %get3A_608 = tpu.vector_load %arg8[%get3A_606, %get3A_607] {strides = array<i32>} : memref<192x128xf32, #tpu.memory_space<vmem>>, vector<16xf32>,
          %mul3A_609 = arith.mulf %scan3A_551, %gather3A : vector<16xf32>
          %add3A_610 = arith.addf %mul3A_609, %get3A_608 : vector<16xf32>
          %swap3A_611 = arith.constant 1 : i32
          %swap3A_612 = arith.index_cast %swap3A_611 : i32 to index
          %swap3A_613 = arith.index_cast %scan3A_546 : i32 to index
          %swap3A_614 = arith.constant 64 : index
          %swap3A_615 = tpu.vector_load %arg10[%swap3A_612, %swap3A_613, %swap3A_614] {strides = array<i32>} : memref<2x64x128xf32, #tpu.memory_space<vmem>>, vector<16xf32>,
          tpu.vector_store %arg10[%swap3A_612, %swap3A_613, %swap3A_614], %add3A_610 {strides = array<i32>} : memref<2x64x128xf32, #tpu.memory_space<vmem>>, vector<16xf32>,
          %add3A_616 = arith.constant 64 : i32
          %add3A_617 = arith.addi %add3A_616, %scan3A_546 : i32
          %get3A_618 = arith.index_cast %add3A_617 : i32 to index
          %get3A_619 = arith.constant 80 : index
          %get3A_620 = tpu.vector_load %arg8[%get3A_618, %get3A_619] {strides = array<i32>} : memref<192x128xf32, #tpu.memory_space<vmem>>, vector<16xf32>,
          %mul3A_621 = arith.mulf %scan3A_552, %gather3A : vector<16xf32>
          %add3A_622 = arith.addf %mul3A_621, %get3A_620 : vector<16xf32>
          %swap3A_623 = arith.constant 1 : i32
          %swap3A_624 = arith.index_cast %swap3A_623 : i32 to index
          %swap3A_625 = arith.index_cast %scan3A_546 : i32 to index
          %swap3A_626 = arith.constant 80 : index
          %swap3A_627 = tpu.vector_load %arg10[%swap3A_624, %swap3A_625, %swap3A_626] {strides = array<i32>} : memref<2x64x128xf32, #tpu.memory_space<vmem>>, vector<16xf32>,
          tpu.vector_store %arg10[%swap3A_624, %swap3A_625, %swap3A_626], %add3A_622 {strides = array<i32>} : memref<2x64x128xf32, #tpu.memory_space<vmem>>, vector<16xf32>,
          %add3A_628 = arith.constant 64 : i32
          %add3A_629 = arith.addi %add3A_628, %scan3A_546 : i32
          %get3A_630 = arith.index_cast %add3A_629 : i32 to index
          %get3A_631 = arith.constant 96 : index
          %get3A_632 = tpu.vector_load %arg8[%get3A_630, %get3A_631] {strides = array<i32>} : memref<192x128xf32, #tpu.memory_space<vmem>>, vector<16xf32>,
          %mul3A_633 = arith.mulf %scan3A_553, %gather3A : vector<16xf32>
          %add3A_634 = arith.addf %mul3A_633, %get3A_632 : vector<16xf32>
          %swap3A_635 = arith.constant 1 : i32
          %swap3A_636 = arith.index_cast %swap3A_635 : i32 to index
          %swap3A_637 = arith.index_cast %scan3A_546 : i32 to index
          %swap3A_638 = arith.constant 96 : index
          %swap3A_639 = tpu.vector_load %arg10[%swap3A_636, %swap3A_637, %swap3A_638] {strides = array<i32>} : memref<2x64x128xf32, #tpu.memory_space<vmem>>, vector<16xf32>,
          tpu.vector_store %arg10[%swap3A_636, %swap3A_637, %swap3A_638], %add3A_634 {strides = array<i32>} : memref<2x64x128xf32, #tpu.memory_space<vmem>>, vector<16xf32>,
          %add3A_640 = arith.constant 64 : i32
          %add3A_641 = arith.addi %add3A_640, %scan3A_546 : i32
          %get3A_642 = arith.index_cast %add3A_641 : i32 to index
          %get3A_643 = arith.constant 112 : index
          %get3A_644 = tpu.vector_load %arg8[%get3A_642, %get3A_643] {strides = array<i32>} : memref<192x128xf32, #tpu.memory_space<vmem>>, vector<16xf32>,
          %mul3A_645 = arith.mulf %scan3A_554, %gather3A : vector<16xf32>
          %add3A_646 = arith.addf %mul3A_645, %get3A_644 : vector<16xf32>
          %swap3A_647 = arith.constant 1 : i32
          %swap3A_648 = arith.index_cast %swap3A_647 : i32 to index
          %swap3A_649 = arith.index_cast %scan3A_546 : i32 to index
          %swap3A_650 = arith.constant 112 : index
          %swap3A_651 = tpu.vector_load %arg10[%swap3A_648, %swap3A_649, %swap3A_650] {strides = array<i32>} : memref<2x64x128xf32, #tpu.memory_space<vmem>>, vector<16xf32>,
          tpu.vector_store %arg10[%swap3A_648, %swap3A_649, %swap3A_650], %add3A_646 {strides = array<i32>} : memref<2x64x128xf32, #tpu.memory_space<vmem>>, vector<16xf32>,
          scf.yield %add3A_562, %add3A_574, %add3A_586, %add3A_598, %add3A_610, %add3A_622, %add3A_634, %add3A_646 : vector<16xf32>, vector<16xf32>, vector<16xf32>, vector<16xf32>, vector<16xf32>, vector<16xf32>, vector<16xf32>, vector<16xf32>
        }
        %scan3A_509 = arith.constant 64 : i32
        %dma_start3A_510 = arith.constant 1 : i32
        %dma_start3A_511 = arith.constant 1 : i32
        %dma_start3A_512 = arith.constant 1 : i32
        %dma_start3A_513 = arith.constant 0 : i32
        %dma_start3A_514 = arith.constant 0 : i32
        %dma_start3A_515 = tpu.memref_slice %arg10[%dma_start3A_510, %dma_start3A_513, %dma_start3A_514] : memref<2x64x128xf32, #tpu.memory_space<vmem>> -> memref<1x64x128xf32, #tpu.memory_space<vmem>>
        %dma_start3A_516 = tpu.memref_squeeze %dma_start3A_515 : memref<1x64x128xf32, #tpu.memory_space<vmem>> -> memref<64x128xf32, #tpu.memory_space<vmem>>
        %dma_start3A_517 = arith.constant 0 : i32
        %dma_start3A_518 = tpu.memref_slice %arg11[%dma_start3A_511, %dma_start3A_517] : memref<2x64xi32, #tpu.memory_space<vmem>> -> memref<1x64xi32, #tpu.memory_space<vmem>>
        %dma_start3A_519 = tpu.memref_squeeze %dma_start3A_518 : memref<1x64xi32, #tpu.memory_space<vmem>> -> memref<64xi32, #tpu.memory_space<vmem>>
        %dma_start3A_520 = arith.constant 0 : i32
        %dma_start3A_521 = arith.constant 0 : i32
        %dma_start3A_522 = tpu.memref_slice %arg6[%dma_start3A_520, %dma_start3A_521] : memref<10000x128xf32, #tpu.memory_space<vmem_shared>> -> memref<10000x128xf32, #tpu.memory_space<vmem_shared>>
        %dma_start3A_523 = arith.constant -1 : i32
        %dma_start3A_524 = tpu.memref_slice %arg21[%dma_start3A_512] : memref<2x!tpu.dma_semaphore, #tpu.memory_space<semaphore_mem>> -> memref<1x!tpu.dma_semaphore, #tpu.memory_space<semaphore_mem>>
        %dma_start3A_525 = tpu.memref_squeeze %dma_start3A_524 : memref<1x!tpu.dma_semaphore, #tpu.memory_space<semaphore_mem>> -> memref<!tpu.dma_semaphore, #tpu.memory_space<semaphore_mem>>
        tpu.enqueue_indirect_dma source(%dma_start3A_516 : memref<64x128xf32, #tpu.memory_space<vmem>>) target(%dma_start3A_522 : memref<10000x128xf32, #tpu.memory_space<vmem_shared>>) offsets(%dma_start3A_519 : memref<64xi32, #tpu.memory_space<vmem>>) offset_filter(%dma_start3A_523) semaphore(%dma_start3A_525 : memref<!tpu.dma_semaphore, #tpu.memory_space<semaphore_mem>>) {add = true}
        %dma_start3A_526 = arith.constant 1 : i32
        %dma_start3A_527 = arith.constant 1 : i32
        %dma_start3A_528 = arith.constant 0 : i32
        %dma_start3A_529 = tpu.memref_slice %arg11[%dma_start3A_526, %dma_start3A_528] : memref<2x64xi32, #tpu.memory_space<vmem>> -> memref<1x64xi32, #tpu.memory_space<vmem>>
        %dma_start3A_530 = tpu.memref_squeeze %dma_start3A_529 : memref<1x64xi32, #tpu.memory_space<vmem>> -> memref<64xi32, #tpu.memory_space<vmem>>
        %dma_start3A_531 = arith.constant 0 : i32
        %dma_start3A_532 = tpu.memref_slice %arg7[%dma_start3A_531] : memref<10240xf32, #tpu.memory_space<vmem_shared>> -> memref<10240xf32, #tpu.memory_space<vmem_shared>>
        %dma_start3A_533 = arith.constant -1 : i32
        %dma_start3A_534 = tpu.memref_slice %arg21[%dma_start3A_527] : memref<2x!tpu.dma_semaphore, #tpu.memory_space<semaphore_mem>> -> memref<1x!tpu.dma_semaphore, #tpu.memory_space<semaphore_mem>>
        %dma_start3A_535 = tpu.memref_squeeze %dma_start3A_534 : memref<1x!tpu.dma_semaphore, #tpu.memory_space<semaphore_mem>> -> memref<!tpu.dma_semaphore, #tpu.memory_space<semaphore_mem>>
        tpu.enqueue_indirect_dma source(%arg14 : memref<64xf32, #tpu.memory_space<vmem>>) target(%dma_start3A_532 : memref<10240xf32, #tpu.memory_space<vmem_shared>>) offsets(%dma_start3A_530 : memref<64xi32, #tpu.memory_space<vmem>>) offset_filter(%dma_start3A_533) semaphore(%dma_start3A_535 : memref<!tpu.dma_semaphore, #tpu.memory_space<semaphore_mem>>) {add = true}
        %dma_start3A_536 = arith.constant 1 : i32
        %dma_start3A_537 = arith.constant 1 : i32
        %dma_start3A_538 = arith.constant 0 : i32
        %dma_start3A_539 = tpu.memref_slice %arg12[%dma_start3A_536, %dma_start3A_538] : memref<2x64xi32, #tpu.memory_space<vmem>> -> memref<1x64xi32, #tpu.memory_space<vmem>>
        %dma_start3A_540 = tpu.memref_squeeze %dma_start3A_539 : memref<1x64xi32, #tpu.memory_space<vmem>> -> memref<64xi32, #tpu.memory_space<vmem>>
        %dma_start3A_541 = arith.constant 0 : i32
        %dma_start3A_542 = tpu.memref_slice %arg7[%dma_start3A_541] : memref<10240xf32, #tpu.memory_space<vmem_shared>> -> memref<10240xf32, #tpu.memory_space<vmem_shared>>
        %dma_start3A_543 = arith.constant -1 : i32
        %dma_start3A_544 = tpu.memref_slice %arg21[%dma_start3A_537] : memref<2x!tpu.dma_semaphore, #tpu.memory_space<semaphore_mem>> -> memref<1x!tpu.dma_semaphore, #tpu.memory_space<semaphore_mem>>
        %dma_start3A_545 = tpu.memref_squeeze %dma_start3A_544 : memref<1x!tpu.dma_semaphore, #tpu.memory_space<semaphore_mem>> -> memref<!tpu.dma_semaphore, #tpu.memory_space<semaphore_mem>>
        tpu.enqueue_indirect_dma source(%arg15 : memref<64xf32, #tpu.memory_space<vmem>>) target(%dma_start3A_542 : memref<10240xf32, #tpu.memory_space<vmem_shared>>) offsets(%dma_start3A_540 : memref<64xi32, #tpu.memory_space<vmem>>) offset_filter(%dma_start3A_543) semaphore(%dma_start3A_545 : memref<!tpu.dma_semaphore, #tpu.memory_space<semaphore_mem>>) {add = true}
      } else {
      }
      %mul3A_237 = arith.constant 6 : i32
      %mul3A_238 = arith.muli %scan3A_189, %mul3A_237 : i32
      %add3A_239 = arith.constant 2 : i32
      %add3A_240 = arith.addi %mul3A_238, %add3A_239 : i32
      %ge3A_241 = arith.constant 2 : i32
      %ge3A_242 = arith.cmpi sge, %add3A_240, %ge3A_241 : i32
      %lt3A_243 = arith.constant 158 : i32
      %lt3A_244 = arith.cmpi slt, %add3A_240, %lt3A_243 : i32
      %and3A_245 = arith.andi %ge3A_242, %lt3A_244 : i1
      %convert_element_type3A_246 = arith.extui %and3A_245 : i1 to i32
      %cond3A_247 = arith.constant 0 : i32
      %cond3A_248 = arith.cmpi ne, %convert_element_type3A_246, %cond3A_247 : i32
      scf.if %cond3A_248 {
        %dma_wait3A = arith.constant 0 : i32
        %dma_wait3A_333 = arith.constant 0 : i32
        %dma_wait3A_334 = arith.constant 0 : i32
        %dma_wait3A_335 = arith.constant 0 : i32
        %dma_wait3A_336 = arith.constant 0 : i32
        %dma_wait3A_337 = tpu.memref_slice %arg10[%dma_wait3A, %dma_wait3A_335, %dma_wait3A_336] : memref<2x64x128xf32, #tpu.memory_space<vmem>> -> memref<1x64x128xf32, #tpu.memory_space<vmem>>
        %dma_wait3A_338 = tpu.memref_squeeze %dma_wait3A_337 : memref<1x64x128xf32, #tpu.memory_space<vmem>> -> memref<64x128xf32, #tpu.memory_space<vmem>>
        %dma_wait3A_339 = arith.constant 0 : i32
        %dma_wait3A_340 = tpu.memref_slice %arg11[%dma_wait3A_333, %dma_wait3A_339] : memref<2x64xi32, #tpu.memory_space<vmem>> -> memref<1x64xi32, #tpu.memory_space<vmem>>
        %dma_wait3A_341 = tpu.memref_squeeze %dma_wait3A_340 : memref<1x64xi32, #tpu.memory_space<vmem>> -> memref<64xi32, #tpu.memory_space<vmem>>
        %dma_wait3A_342 = arith.constant 0 : i32
        %dma_wait3A_343 = arith.constant 0 : i32
        %dma_wait3A_344 = tpu.memref_slice %arg6[%dma_wait3A_342, %dma_wait3A_343] : memref<10000x128xf32, #tpu.memory_space<vmem_shared>> -> memref<10000x128xf32, #tpu.memory_space<vmem_shared>>
        %dma_wait3A_345 = tpu.memref_slice %arg21[%dma_wait3A_334] : memref<2x!tpu.dma_semaphore, #tpu.memory_space<semaphore_mem>> -> memref<1x!tpu.dma_semaphore, #tpu.memory_space<semaphore_mem>>
        %dma_wait3A_346 = tpu.memref_squeeze %dma_wait3A_345 : memref<1x!tpu.dma_semaphore, #tpu.memory_space<semaphore_mem>> -> memref<!tpu.dma_semaphore, #tpu.memory_space<semaphore_mem>>
        tpu.wait_indirect_dma semaphore(%dma_wait3A_346 : memref<!tpu.dma_semaphore, #tpu.memory_space<semaphore_mem>>) src(%dma_wait3A_338 : memref<64x128xf32, #tpu.memory_space<vmem>>) dst(%dma_wait3A_344 : memref<10000x128xf32, #tpu.memory_space<vmem_shared>>)
        %dma_wait3A_347 = arith.constant 0 : i32
        %dma_wait3A_348 = arith.constant 0 : i32
        %dma_wait3A_349 = arith.constant 0 : i32
        %dma_wait3A_350 = tpu.memref_slice %arg11[%dma_wait3A_347, %dma_wait3A_349] : memref<2x64xi32, #tpu.memory_space<vmem>> -> memref<1x64xi32, #tpu.memory_space<vmem>>
        %dma_wait3A_351 = tpu.memref_squeeze %dma_wait3A_350 : memref<1x64xi32, #tpu.memory_space<vmem>> -> memref<64xi32, #tpu.memory_space<vmem>>
        %dma_wait3A_352 = arith.constant 0 : i32
        %dma_wait3A_353 = tpu.memref_slice %arg7[%dma_wait3A_352] : memref<10240xf32, #tpu.memory_space<vmem_shared>> -> memref<10240xf32, #tpu.memory_space<vmem_shared>>
        %dma_wait3A_354 = tpu.memref_slice %arg21[%dma_wait3A_348] : memref<2x!tpu.dma_semaphore, #tpu.memory_space<semaphore_mem>> -> memref<1x!tpu.dma_semaphore, #tpu.memory_space<semaphore_mem>>
        %dma_wait3A_355 = tpu.memref_squeeze %dma_wait3A_354 : memref<1x!tpu.dma_semaphore, #tpu.memory_space<semaphore_mem>> -> memref<!tpu.dma_semaphore, #tpu.memory_space<semaphore_mem>>
        tpu.wait_indirect_dma semaphore(%dma_wait3A_355 : memref<!tpu.dma_semaphore, #tpu.memory_space<semaphore_mem>>) src(%arg14 : memref<64xf32, #tpu.memory_space<vmem>>) dst(%dma_wait3A_353 : memref<10240xf32, #tpu.memory_space<vmem_shared>>)
        %dma_wait3A_356 = arith.constant 0 : i32
        %dma_wait3A_357 = arith.constant 0 : i32
        %dma_wait3A_358 = arith.constant 0 : i32
        %dma_wait3A_359 = tpu.memref_slice %arg12[%dma_wait3A_356, %dma_wait3A_358] : memref<2x64xi32, #tpu.memory_space<vmem>> -> memref<1x64xi32, #tpu.memory_space<vmem>>
        %dma_wait3A_360 = tpu.memref_squeeze %dma_wait3A_359 : memref<1x64xi32, #tpu.memory_space<vmem>> -> memref<64xi32, #tpu.memory_space<vmem>>
        %dma_wait3A_361 = arith.constant 0 : i32
        %dma_wait3A_362 = tpu.memref_slice %arg7[%dma_wait3A_361] : memref<10240xf32, #tpu.memory_space<vmem_shared>> -> memref<10240xf32, #tpu.memory_space<vmem_shared>>
        %dma_wait3A_363 = tpu.memref_slice %arg21[%dma_wait3A_357] : memref<2x!tpu.dma_semaphore, #tpu.memory_space<semaphore_mem>> -> memref<1x!tpu.dma_semaphore, #tpu.memory_space<semaphore_mem>>
        %dma_wait3A_364 = tpu.memref_squeeze %dma_wait3A_363 : memref<1x!tpu.dma_semaphore, #tpu.memory_space<semaphore_mem>> -> memref<!tpu.dma_semaphore, #tpu.memory_space<semaphore_mem>>
        tpu.wait_indirect_dma semaphore(%dma_wait3A_364 : memref<!tpu.dma_semaphore, #tpu.memory_space<semaphore_mem>>) src(%arg15 : memref<64xf32, #tpu.memory_space<vmem>>) dst(%dma_wait3A_362 : memref<10240xf32, #tpu.memory_space<vmem_shared>>)
      } else {
      }
      %add3A_249 = arith.constant 2 : i32
      %add3A_250 = arith.addi %add3A_240, %add3A_249 : i32
      %lt3A_251 = arith.constant 156 : i32
      %lt3A_252 = arith.cmpi slt, %add3A_250, %lt3A_251 : i32
      %convert_element_type3A_253 = arith.extui %lt3A_252 : i1 to i32
      %cond3A_254 = arith.constant 0 : i32
      %cond3A_255 = arith.cmpi ne, %convert_element_type3A_253, %cond3A_254 : i32
      scf.if %cond3A_255 {
        %add3A_333 = arith.constant 2 : i32
        %add3A_334 = arith.addi %add3A_240, %add3A_333 : i32
        %mul3A_335 = arith.constant 64 : i32
        %mul3A_336 = arith.muli %add3A_334, %mul3A_335 : i32
        %add3A_337 = arith.addi %add3A, %mul3A_336 : i32
        %dma_start3A_338 = arith.constant 1 : i32
        %dma_start3A_339 = arith.constant 64 : i32
        %dma_start3A_340 = arith.constant 0 : i32
        %dma_start3A_341 = tpu.memref_slice %arg8[%dma_start3A_339, %dma_start3A_340] : memref<192x128xf32, #tpu.memory_space<vmem>> -> memref<64x128xf32, #tpu.memory_space<vmem>>
        %dma_start3A_342 = arith.constant 0 : i32
        %dma_start3A_343 = tpu.memref_slice %arg2[%add3A_337, %dma_start3A_342] : memref<320000x128xf32, #tpu.memory_space<hbm>> -> memref<64x128xf32, #tpu.memory_space<hbm>>
        %dma_start3A_344 = tpu.memref_slice %arg20[%dma_start3A_338] : memref<3x!tpu.dma_semaphore, #tpu.memory_space<semaphore_mem>> -> memref<1x!tpu.dma_semaphore, #tpu.memory_space<semaphore_mem>>
        %dma_start3A_345 = tpu.memref_squeeze %dma_start3A_344 : memref<1x!tpu.dma_semaphore, #tpu.memory_space<semaphore_mem>> -> memref<!tpu.dma_semaphore, #tpu.memory_space<semaphore_mem>>
        %dma_start3A_346 = arith.constant 64 : i32
        %dma_start3A_347 = arith.constant 0 : i32
        %dma_start3A_348 = tpu.memref_slice %arg8[%dma_start3A_346, %dma_start3A_347] : memref<192x128xf32, #tpu.memory_space<vmem>> -> memref<64x128xf32, #tpu.memory_space<vmem>>
        %dma_start3A_349 = arith.constant 0 : i32
        %dma_start3A_350 = tpu.memref_slice %arg2[%add3A_337, %dma_start3A_349] : memref<320000x128xf32, #tpu.memory_space<hbm>> -> memref<64x128xf32, #tpu.memory_space<hbm>>
        tpu.enqueue_dma source(%dma_start3A_350 : memref<64x128xf32, #tpu.memory_space<hbm>>) target(%dma_start3A_348 : memref<64x128xf32, #tpu.memory_space<vmem>>) target_semaphore(%dma_start3A_345 : memref<!tpu.dma_semaphore, #tpu.memory_space<semaphore_mem>>)
        %dma_start3A_351 = arith.constant 1 : i32
        %dma_start3A_352 = arith.constant 1 : i32
        %dma_start3A_353 = arith.constant 8 : i32
        %dma_start3A_354 = tpu.memref_slice %arg9[%dma_start3A_351, %dma_start3A_353] : memref<3x80xi32, #tpu.memory_space<vmem>> -> memref<1x64xi32, #tpu.memory_space<vmem>>
        %dma_start3A_355 = tpu.memref_squeeze %dma_start3A_354 : memref<1x64xi32, #tpu.memory_space<vmem>> -> memref<64xi32, #tpu.memory_space<vmem>>
        %dma_start3A_356 = tpu.memref_slice %arg3[%add3A_337] : memref<320000xi32, #tpu.memory_space<hbm>> -> memref<64xi32, #tpu.memory_space<hbm>>
        %dma_start3A_357 = tpu.memref_slice %arg20[%dma_start3A_352] : memref<3x!tpu.dma_semaphore, #tpu.memory_space<semaphore_mem>> -> memref<1x!tpu.dma_semaphore, #tpu.memory_space<semaphore_mem>>
        %dma_start3A_358 = tpu.memref_squeeze %dma_start3A_357 : memref<1x!tpu.dma_semaphore, #tpu.memory_space<semaphore_mem>> -> memref<!tpu.dma_semaphore, #tpu.memory_space<semaphore_mem>>
        %dma_start3A_359 = arith.constant 8 : i32
        %dma_start3A_360 = tpu.memref_slice %arg9[%dma_start3A_351, %dma_start3A_359] : memref<3x80xi32, #tpu.memory_space<vmem>> -> memref<1x64xi32, #tpu.memory_space<vmem>>
        %dma_start3A_361 = tpu.memref_squeeze %dma_start3A_360 : memref<1x64xi32, #tpu.memory_space<vmem>> -> memref<64xi32, #tpu.memory_space<vmem>>
        %dma_start3A_362 = tpu.memref_slice %arg3[%add3A_337] : memref<320000xi32, #tpu.memory_space<hbm>> -> memref<64xi32, #tpu.memory_space<hbm>>
        tpu.enqueue_dma source(%dma_start3A_362 : memref<64xi32, #tpu.memory_space<hbm>>) target(%dma_start3A_361 : memref<64xi32, #tpu.memory_space<vmem>>) target_semaphore(%dma_start3A_358 : memref<!tpu.dma_semaphore, #tpu.memory_space<semaphore_mem>>)
      } else {
      }
      %lt3A_256 = arith.constant 156 : i32
      %lt3A_257 = arith.cmpi slt, %add3A_240, %lt3A_256 : i32
      %convert_element_type3A_258 = arith.extui %lt3A_257 : i1 to i32
      %cond3A_259 = arith.constant 0 : i32
      %cond3A_260 = arith.cmpi ne, %convert_element_type3A_258, %cond3A_259 : i32
      scf.if %cond3A_260 {
        %dma_wait3A = arith.constant 2 : i32
        %dma_wait3A_333 = arith.constant 128 : i32
        %dma_wait3A_334 = arith.constant 0 : i32
        %dma_wait3A_335 = tpu.memref_slice %arg8[%dma_wait3A_333, %dma_wait3A_334] : memref<192x128xf32, #tpu.memory_space<vmem>> -> memref<64x128xf32, #tpu.memory_space<vmem>>
        %dma_wait3A_336 = arith.constant 0 : i32
        %dma_wait3A_337 = arith.constant 0 : i32
        %dma_wait3A_338 = tpu.memref_slice %arg2[%dma_wait3A_336, %dma_wait3A_337] : memref<320000x128xf32, #tpu.memory_space<hbm>> -> memref<64x128xf32, #tpu.memory_space<hbm>>
        %dma_wait3A_339 = tpu.memref_slice %arg20[%dma_wait3A] : memref<3x!tpu.dma_semaphore, #tpu.memory_space<semaphore_mem>> -> memref<1x!tpu.dma_semaphore, #tpu.memory_space<semaphore_mem>>
        %dma_wait3A_340 = tpu.memref_squeeze %dma_wait3A_339 : memref<1x!tpu.dma_semaphore, #tpu.memory_space<semaphore_mem>> -> memref<!tpu.dma_semaphore, #tpu.memory_space<semaphore_mem>>
        %dma_wait3A_341 = arith.constant 128 : i32
        %dma_wait3A_342 = arith.constant 0 : i32
        %dma_wait3A_343 = tpu.memref_slice %arg8[%dma_wait3A_341, %dma_wait3A_342] : memref<192x128xf32, #tpu.memory_space<vmem>> -> memref<64x128xf32, #tpu.memory_space<vmem>>
        %dma_wait3A_344 = arith.constant 0 : i32
        %dma_wait3A_345 = arith.constant 0 : i32
        %dma_wait3A_346 = tpu.memref_slice %arg2[%dma_wait3A_344, %dma_wait3A_345] : memref<320000x128xf32, #tpu.memory_space<hbm>> -> memref<64x128xf32, #tpu.memory_space<hbm>>
        tpu.wait_dma2 semaphore(%dma_wait3A_340 : memref<!tpu.dma_semaphore, #tpu.memory_space<semaphore_mem>>) src(%dma_wait3A_346 : memref<64x128xf32, #tpu.memory_space<hbm>>) dst(%dma_wait3A_343 : memref<64x128xf32, #tpu.memory_space<vmem>>)
        %dma_wait3A_347 = arith.constant 2 : i32
        %dma_wait3A_348 = arith.constant 2 : i32
        %dma_wait3A_349 = arith.constant 8 : i32
        %dma_wait3A_350 = tpu.memref_slice %arg9[%dma_wait3A_347, %dma_wait3A_349] : memref<3x80xi32, #tpu.memory_space<vmem>> -> memref<1x64xi32, #tpu.memory_space<vmem>>
        %dma_wait3A_351 = tpu.memref_squeeze %dma_wait3A_350 : memref<1x64xi32, #tpu.memory_space<vmem>> -> memref<64xi32, #tpu.memory_space<vmem>>
        %dma_wait3A_352 = arith.constant 0 : i32
        %dma_wait3A_353 = tpu.memref_slice %arg3[%dma_wait3A_352] : memref<320000xi32, #tpu.memory_space<hbm>> -> memref<64xi32, #tpu.memory_space<hbm>>
        %dma_wait3A_354 = tpu.memref_slice %arg20[%dma_wait3A_348] : memref<3x!tpu.dma_semaphore, #tpu.memory_space<semaphore_mem>> -> memref<1x!tpu.dma_semaphore, #tpu.memory_space<semaphore_mem>>
        %dma_wait3A_355 = tpu.memref_squeeze %dma_wait3A_354 : memref<1x!tpu.dma_semaphore, #tpu.memory_space<semaphore_mem>> -> memref<!tpu.dma_semaphore, #tpu.memory_space<semaphore_mem>>
        %dma_wait3A_356 = arith.constant 8 : i32
        %dma_wait3A_357 = tpu.memref_slice %arg9[%dma_wait3A_347, %dma_wait3A_356] : memref<3x80xi32, #tpu.memory_space<vmem>> -> memref<1x64xi32, #tpu.memory_space<vmem>>
        %dma_wait3A_358 = tpu.memref_squeeze %dma_wait3A_357 : memref<1x64xi32, #tpu.memory_space<vmem>> -> memref<64xi32, #tpu.memory_space<vmem>>
        %dma_wait3A_359 = arith.constant 0 : i32
        %dma_wait3A_360 = tpu.memref_slice %arg3[%dma_wait3A_359] : memref<320000xi32, #tpu.memory_space<hbm>> -> memref<64xi32, #tpu.memory_space<hbm>>
        tpu.wait_dma2 semaphore(%dma_wait3A_355 : memref<!tpu.dma_semaphore, #tpu.memory_space<semaphore_mem>>) src(%dma_wait3A_360 : memref<64xi32, #tpu.memory_space<hbm>>) dst(%dma_wait3A_358 : memref<64xi32, #tpu.memory_space<vmem>>)
        %get3A_361 = arith.constant 2 : i32
        %get3A_362 = arith.index_cast %get3A_361 : i32 to index
        %get3A_363 = arith.constant 8 : index
        %get3A_364 = tpu.vector_load %arg9[%get3A_362, %get3A_363] {strides = array<i32>} : memref<3x80xi32, #tpu.memory_space<vmem>>, vector<16xi32>,
        %get3A_365 = arith.constant 2 : i32
        %get3A_366 = arith.index_cast %get3A_365 : i32 to index
        %get3A_367 = arith.constant 7 : index
        %get3A_368 = tpu.vector_load %arg9[%get3A_366, %get3A_367] {strides = array<i32>} : memref<3x80xi32, #tpu.memory_space<vmem>>, vector<16xi32>,
        %get3A_369 = arith.constant 2 : i32
        %get3A_370 = arith.index_cast %get3A_369 : i32 to index
        %get3A_371 = arith.constant 9 : index
        %get3A_372 = tpu.vector_load %arg9[%get3A_370, %get3A_371] {strides = array<i32>} : memref<3x80xi32, #tpu.memory_space<vmem>>, vector<16xi32>,
        %eq3A_373 = arith.cmpi eq, %get3A_364, %get3A_368 : vector<16xi32>
        %and3A_374 = arith.andi %eq3A_373, %ne3A_5 : vector<16xi1>
        %jit3A_375 = arith.constant 1.000000e+00 : f32
        %jit3A_376 = arith.constant 0.000000e+00 : f32
        %broadcast_in_dim3A_377 = vector.broadcast %jit3A_375 : f32 to vector<16xf32>
        %broadcast_in_dim3A_378 = vector.broadcast %jit3A_376 : f32 to vector<16xf32>
        %select_n3A_379 = arith.select %and3A_374, %broadcast_in_dim3A_377, %broadcast_in_dim3A_378 : vector<16xi1>, vector<16xf32>
        %swap3A_380 = arith.constant 0 : index
        %swap3A_381 = tpu.vector_load %arg13[%swap3A_380] {strides = array<i32>} : memref<64xf32, #tpu.memory_space<vmem>>, vector<16xf32>,
        tpu.vector_store %arg13[%swap3A_380], %select_n3A_379 {strides = array<i32>} : memref<64xf32, #tpu.memory_space<vmem>>, vector<16xf32>,
        %ne3A_382 = arith.cmpi ne, %get3A_364, %get3A_372 : vector<16xi32>
        %select_n3A_383 = arith.select %ne3A_382, %get3A_364, %broadcast_in_dim3A_9 : vector<16xi1>, vector<16xi32>
        %swap3A_384 = arith.constant 0 : i32
        %swap3A_385 = arith.index_cast %swap3A_384 : i32 to index
        %swap3A_386 = arith.constant 0 : index
        %swap3A_387 = tpu.vector_load %arg11[%swap3A_385, %swap3A_386] {strides = array<i32>} : memref<2x64xi32, #tpu.memory_space<vmem>>, vector<16xi32>,
        tpu.vector_store %arg11[%swap3A_385, %swap3A_386], %select_n3A_383 {strides = array<i32>} : memref<2x64xi32, #tpu.memory_space<vmem>>, vector<16xi32>,
        %select_n3A_388 = arith.select %ne3A_382, %get3A_372, %broadcast_in_dim3A_9 : vector<16xi1>, vector<16xi32>
        %swap3A_389 = arith.constant 0 : i32
        %swap3A_390 = arith.index_cast %swap3A_389 : i32 to index
        %swap3A_391 = arith.constant 0 : index
        %swap3A_392 = tpu.vector_load %arg12[%swap3A_390, %swap3A_391] {strides = array<i32>} : memref<2x64xi32, #tpu.memory_space<vmem>>, vector<16xi32>,
        tpu.vector_store %arg12[%swap3A_390, %swap3A_391], %select_n3A_388 {strides = array<i32>} : memref<2x64xi32, #tpu.memory_space<vmem>>, vector<16xi32>,
        %get3A_393 = arith.constant 2 : i32
        %get3A_394 = arith.index_cast %get3A_393 : i32 to index
        %get3A_395 = arith.constant 24 : index
        %get3A_396 = tpu.vector_load %arg9[%get3A_394, %get3A_395] {strides = array<i32>} : memref<3x80xi32, #tpu.memory_space<vmem>>, vector<16xi32>,
        %get3A_397 = arith.constant 2 : i32
        %get3A_398 = arith.index_cast %get3A_397 : i32 to index
        %get3A_399 = arith.constant 23 : index
        %get3A_400 = tpu.vector_load %arg9[%get3A_398, %get3A_399] {strides = array<i32>} : memref<3x80xi32, #tpu.memory_space<vmem>>, vector<16xi32>,
        %get3A_401 = arith.constant 2 : i32
        %get3A_402 = arith.index_cast %get3A_401 : i32 to index
        %get3A_403 = arith.constant 25 : index
        %get3A_404 = tpu.vector_load %arg9[%get3A_402, %get3A_403] {strides = array<i32>} : memref<3x80xi32, #tpu.memory_space<vmem>>, vector<16xi32>,
        %eq3A_405 = arith.cmpi eq, %get3A_396, %get3A_400 : vector<16xi32>
        %jit3A_406 = arith.constant 1.000000e+00 : f32
        %jit3A_407 = arith.constant 0.000000e+00 : f32
        %broadcast_in_dim3A_408 = vector.broadcast %jit3A_406 : f32 to vector<16xf32>
        %broadcast_in_dim3A_409 = vector.broadcast %jit3A_407 : f32 to vector<16xf32>
        %select_n3A_410 = arith.select %eq3A_405, %broadcast_in_dim3A_408, %broadcast_in_dim3A_409 : vector<16xi1>, vector<16xf32>
        %swap3A_411 = arith.constant 16 : index
        %swap3A_412 = tpu.vector_load %arg13[%swap3A_411] {strides = array<i32>} : memref<64xf32, #tpu.memory_space<vmem>>, vector<16xf32>,
        tpu.vector_store %arg13[%swap3A_411], %select_n3A_410 {strides = array<i32>} : memref<64xf32, #tpu.memory_space<vmem>>, vector<16xf32>,
        %ne3A_413 = arith.cmpi ne, %get3A_396, %get3A_404 : vector<16xi32>
        %select_n3A_414 = arith.select %ne3A_413, %get3A_396, %broadcast_in_dim3A_9 : vector<16xi1>, vector<16xi32>
        %swap3A_415 = arith.constant 0 : i32
        %swap3A_416 = arith.index_cast %swap3A_415 : i32 to index
        %swap3A_417 = arith.constant 16 : index
        %swap3A_418 = tpu.vector_load %arg11[%swap3A_416, %swap3A_417] {strides = array<i32>} : memref<2x64xi32, #tpu.memory_space<vmem>>, vector<16xi32>,
        tpu.vector_store %arg11[%swap3A_416, %swap3A_417], %select_n3A_414 {strides = array<i32>} : memref<2x64xi32, #tpu.memory_space<vmem>>, vector<16xi32>,
        %select_n3A_419 = arith.select %ne3A_413, %get3A_404, %broadcast_in_dim3A_9 : vector<16xi1>, vector<16xi32>
        %swap3A_420 = arith.constant 0 : i32
        %swap3A_421 = arith.index_cast %swap3A_420 : i32 to index
        %swap3A_422 = arith.constant 16 : index
        %swap3A_423 = tpu.vector_load %arg12[%swap3A_421, %swap3A_422] {strides = array<i32>} : memref<2x64xi32, #tpu.memory_space<vmem>>, vector<16xi32>,
        tpu.vector_store %arg12[%swap3A_421, %swap3A_422], %select_n3A_419 {strides = array<i32>} : memref<2x64xi32, #tpu.memory_space<vmem>>, vector<16xi32>,
        %get3A_424 = arith.constant 2 : i32
        %get3A_425 = arith.index_cast %get3A_424 : i32 to index
        %get3A_426 = arith.constant 40 : index
        %get3A_427 = tpu.vector_load %arg9[%get3A_425, %get3A_426] {strides = array<i32>} : memref<3x80xi32, #tpu.memory_space<vmem>>, vector<16xi32>,
        %get3A_428 = arith.constant 2 : i32
        %get3A_429 = arith.index_cast %get3A_428 : i32 to index
        %get3A_430 = arith.constant 39 : index
        %get3A_431 = tpu.vector_load %arg9[%get3A_429, %get3A_430] {strides = array<i32>} : memref<3x80xi32, #tpu.memory_space<vmem>>, vector<16xi32>,
        %get3A_432 = arith.constant 2 : i32
        %get3A_433 = arith.index_cast %get3A_432 : i32 to index
        %get3A_434 = arith.constant 41 : index
        %get3A_435 = tpu.vector_load %arg9[%get3A_433, %get3A_434] {strides = array<i32>} : memref<3x80xi32, #tpu.memory_space<vmem>>, vector<16xi32>,
        %eq3A_436 = arith.cmpi eq, %get3A_427, %get3A_431 : vector<16xi32>
        %jit3A_437 = arith.constant 1.000000e+00 : f32
        %jit3A_438 = arith.constant 0.000000e+00 : f32
        %broadcast_in_dim3A_439 = vector.broadcast %jit3A_437 : f32 to vector<16xf32>
        %broadcast_in_dim3A_440 = vector.broadcast %jit3A_438 : f32 to vector<16xf32>
        %select_n3A_441 = arith.select %eq3A_436, %broadcast_in_dim3A_439, %broadcast_in_dim3A_440 : vector<16xi1>, vector<16xf32>
        %swap3A_442 = arith.constant 32 : index
        %swap3A_443 = tpu.vector_load %arg13[%swap3A_442] {strides = array<i32>} : memref<64xf32, #tpu.memory_space<vmem>>, vector<16xf32>,
        tpu.vector_store %arg13[%swap3A_442], %select_n3A_441 {strides = array<i32>} : memref<64xf32, #tpu.memory_space<vmem>>, vector<16xf32>,
        %ne3A_444 = arith.cmpi ne, %get3A_427, %get3A_435 : vector<16xi32>
        %select_n3A_445 = arith.select %ne3A_444, %get3A_427, %broadcast_in_dim3A_9 : vector<16xi1>, vector<16xi32>
        %swap3A_446 = arith.constant 0 : i32
        %swap3A_447 = arith.index_cast %swap3A_446 : i32 to index
        %swap3A_448 = arith.constant 32 : index
        %swap3A_449 = tpu.vector_load %arg11[%swap3A_447, %swap3A_448] {strides = array<i32>} : memref<2x64xi32, #tpu.memory_space<vmem>>, vector<16xi32>,
        tpu.vector_store %arg11[%swap3A_447, %swap3A_448], %select_n3A_445 {strides = array<i32>} : memref<2x64xi32, #tpu.memory_space<vmem>>, vector<16xi32>,
        %select_n3A_450 = arith.select %ne3A_444, %get3A_435, %broadcast_in_dim3A_9 : vector<16xi1>, vector<16xi32>
        %swap3A_451 = arith.constant 0 : i32
        %swap3A_452 = arith.index_cast %swap3A_451 : i32 to index
        %swap3A_453 = arith.constant 32 : index
        %swap3A_454 = tpu.vector_load %arg12[%swap3A_452, %swap3A_453] {strides = array<i32>} : memref<2x64xi32, #tpu.memory_space<vmem>>, vector<16xi32>,
        tpu.vector_store %arg12[%swap3A_452, %swap3A_453], %select_n3A_450 {strides = array<i32>} : memref<2x64xi32, #tpu.memory_space<vmem>>, vector<16xi32>,
        %get3A_455 = arith.constant 2 : i32
        %get3A_456 = arith.index_cast %get3A_455 : i32 to index
        %get3A_457 = arith.constant 56 : index
        %get3A_458 = tpu.vector_load %arg9[%get3A_456, %get3A_457] {strides = array<i32>} : memref<3x80xi32, #tpu.memory_space<vmem>>, vector<16xi32>,
        %get3A_459 = arith.constant 2 : i32
        %get3A_460 = arith.index_cast %get3A_459 : i32 to index
        %get3A_461 = arith.constant 55 : index
        %get3A_462 = tpu.vector_load %arg9[%get3A_460, %get3A_461] {strides = array<i32>} : memref<3x80xi32, #tpu.memory_space<vmem>>, vector<16xi32>,
        %get3A_463 = arith.constant 2 : i32
        %get3A_464 = arith.index_cast %get3A_463 : i32 to index
        %get3A_465 = arith.constant 57 : index
        %get3A_466 = tpu.vector_load %arg9[%get3A_464, %get3A_465] {strides = array<i32>} : memref<3x80xi32, #tpu.memory_space<vmem>>, vector<16xi32>,
        %eq3A_467 = arith.cmpi eq, %get3A_458, %get3A_462 : vector<16xi32>
        %jit3A_468 = arith.constant 1.000000e+00 : f32
        %jit3A_469 = arith.constant 0.000000e+00 : f32
        %broadcast_in_dim3A_470 = vector.broadcast %jit3A_468 : f32 to vector<16xf32>
        %broadcast_in_dim3A_471 = vector.broadcast %jit3A_469 : f32 to vector<16xf32>
        %select_n3A_472 = arith.select %eq3A_467, %broadcast_in_dim3A_470, %broadcast_in_dim3A_471 : vector<16xi1>, vector<16xf32>
        %swap3A_473 = arith.constant 48 : index
        %swap3A_474 = tpu.vector_load %arg13[%swap3A_473] {strides = array<i32>} : memref<64xf32, #tpu.memory_space<vmem>>, vector<16xf32>,
        tpu.vector_store %arg13[%swap3A_473], %select_n3A_472 {strides = array<i32>} : memref<64xf32, #tpu.memory_space<vmem>>, vector<16xf32>,
        %ne3A_475 = arith.cmpi ne, %get3A_458, %get3A_466 : vector<16xi32>
        %or3A_476 = arith.ori %ne3A_475, %eq3A_7 : vector<16xi1>
        %select_n3A_477 = arith.select %or3A_476, %get3A_458, %broadcast_in_dim3A_9 : vector<16xi1>, vector<16xi32>
        %swap3A_478 = arith.constant 0 : i32
        %swap3A_479 = arith.index_cast %swap3A_478 : i32 to index
        %swap3A_480 = arith.constant 48 : index
        %swap3A_481 = tpu.vector_load %arg11[%swap3A_479, %swap3A_480] {strides = array<i32>} : memref<2x64xi32, #tpu.memory_space<vmem>>, vector<16xi32>,
        tpu.vector_store %arg11[%swap3A_479, %swap3A_480], %select_n3A_477 {strides = array<i32>} : memref<2x64xi32, #tpu.memory_space<vmem>>, vector<16xi32>,
        %select_n3A_482 = arith.select %or3A_476, %get3A_466, %broadcast_in_dim3A_9 : vector<16xi1>, vector<16xi32>
        %select_n3A_483 = arith.select %eq3A_7, %broadcast_in_dim3A_9, %select_n3A_482 : vector<16xi1>, vector<16xi32>
        %swap3A_484 = arith.constant 0 : i32
        %swap3A_485 = arith.index_cast %swap3A_484 : i32 to index
        %swap3A_486 = arith.constant 48 : index
        %swap3A_487 = tpu.vector_load %arg12[%swap3A_485, %swap3A_486] {strides = array<i32>} : memref<2x64xi32, #tpu.memory_space<vmem>>, vector<16xi32>,
        tpu.vector_store %arg12[%swap3A_485, %swap3A_486], %select_n3A_483 {strides = array<i32>} : memref<2x64xi32, #tpu.memory_space<vmem>>, vector<16xi32>,
        %broadcast_in_dim3A_488 = arith.constant 0.000000e+00 : f32
        %broadcast_in_dim3A_489 = vector.broadcast %broadcast_in_dim3A_488 : f32 to vector<16xf32>
        %broadcast_in_dim3A_490 = arith.constant 0.000000e+00 : f32
        %broadcast_in_dim3A_491 = vector.broadcast %broadcast_in_dim3A_490 : f32 to vector<16xf32>
        %broadcast_in_dim3A_492 = arith.constant 0.000000e+00 : f32
        %broadcast_in_dim3A_493 = vector.broadcast %broadcast_in_dim3A_492 : f32 to vector<16xf32>
        %broadcast_in_dim3A_494 = arith.constant 0.000000e+00 : f32
        %broadcast_in_dim3A_495 = vector.broadcast %broadcast_in_dim3A_494 : f32 to vector<16xf32>
        %broadcast_in_dim3A_496 = arith.constant 0.000000e+00 : f32
        %broadcast_in_dim3A_497 = vector.broadcast %broadcast_in_dim3A_496 : f32 to vector<16xf32>
        %broadcast_in_dim3A_498 = arith.constant 0.000000e+00 : f32
        %broadcast_in_dim3A_499 = vector.broadcast %broadcast_in_dim3A_498 : f32 to vector<16xf32>
        %broadcast_in_dim3A_500 = arith.constant 0.000000e+00 : f32
        %broadcast_in_dim3A_501 = vector.broadcast %broadcast_in_dim3A_500 : f32 to vector<16xf32>
        %broadcast_in_dim3A_502 = arith.constant 0.000000e+00 : f32
        %broadcast_in_dim3A_503 = vector.broadcast %broadcast_in_dim3A_502 : f32 to vector<16xf32>
        %scan3A_504 = arith.constant 0 : i32
        %scan3A_505 = arith.constant 64 : i32
        %scan3A_506 = arith.addi %scan3A_504, %scan3A_505 : i32
        %scan3A_507 = arith.constant 1 : i32
        %scan3A_508:8 = scf.for %scan3A_546 = %scan3A_504 to %scan3A_506 step %scan3A_507 iter_args(%scan3A_547 = %broadcast_in_dim3A_489, %scan3A_548 = %broadcast_in_dim3A_491, %scan3A_549 = %broadcast_in_dim3A_493, %scan3A_550 = %broadcast_in_dim3A_495, %scan3A_551 = %broadcast_in_dim3A_497, %scan3A_552 = %broadcast_in_dim3A_499, %scan3A_553 = %broadcast_in_dim3A_501, %scan3A_554 = %broadcast_in_dim3A_503) -> (vector<16xf32>, vector<16xf32>, vector<16xf32>, vector<16xf32>, vector<16xf32>, vector<16xf32>, vector<16xf32>, vector<16xf32>)  : i32 {
          %broadcast_in_dim3A_555 = vector.broadcast %scan3A_546 : i32 to vector<16xi32>
          %gather3A = tpu.vector_load_idx %arg13[%broadcast_in_dim3A_555] : memref<64xf32, #tpu.memory_space<vmem>>[vector<16xi32>], vector<16xf32>,
          %add3A_556 = arith.constant 128 : i32
          %add3A_557 = arith.addi %add3A_556, %scan3A_546 : i32
          %get3A_558 = arith.index_cast %add3A_557 : i32 to index
          %get3A_559 = arith.constant 0 : index
          %get3A_560 = tpu.vector_load %arg8[%get3A_558, %get3A_559] {strides = array<i32>} : memref<192x128xf32, #tpu.memory_space<vmem>>, vector<16xf32>,
          %mul3A_561 = arith.mulf %scan3A_547, %gather3A : vector<16xf32>
          %add3A_562 = arith.addf %mul3A_561, %get3A_560 : vector<16xf32>
          %swap3A_563 = arith.constant 0 : i32
          %swap3A_564 = arith.index_cast %swap3A_563 : i32 to index
          %swap3A_565 = arith.index_cast %scan3A_546 : i32 to index
          %swap3A_566 = arith.constant 0 : index
          %swap3A_567 = tpu.vector_load %arg10[%swap3A_564, %swap3A_565, %swap3A_566] {strides = array<i32>} : memref<2x64x128xf32, #tpu.memory_space<vmem>>, vector<16xf32>,
          tpu.vector_store %arg10[%swap3A_564, %swap3A_565, %swap3A_566], %add3A_562 {strides = array<i32>} : memref<2x64x128xf32, #tpu.memory_space<vmem>>, vector<16xf32>,
          %add3A_568 = arith.constant 128 : i32
          %add3A_569 = arith.addi %add3A_568, %scan3A_546 : i32
          %get3A_570 = arith.index_cast %add3A_569 : i32 to index
          %get3A_571 = arith.constant 16 : index
          %get3A_572 = tpu.vector_load %arg8[%get3A_570, %get3A_571] {strides = array<i32>} : memref<192x128xf32, #tpu.memory_space<vmem>>, vector<16xf32>,
          %mul3A_573 = arith.mulf %scan3A_548, %gather3A : vector<16xf32>
          %add3A_574 = arith.addf %mul3A_573, %get3A_572 : vector<16xf32>
          %swap3A_575 = arith.constant 0 : i32
          %swap3A_576 = arith.index_cast %swap3A_575 : i32 to index
          %swap3A_577 = arith.index_cast %scan3A_546 : i32 to index
          %swap3A_578 = arith.constant 16 : index
          %swap3A_579 = tpu.vector_load %arg10[%swap3A_576, %swap3A_577, %swap3A_578] {strides = array<i32>} : memref<2x64x128xf32, #tpu.memory_space<vmem>>, vector<16xf32>,
          tpu.vector_store %arg10[%swap3A_576, %swap3A_577, %swap3A_578], %add3A_574 {strides = array<i32>} : memref<2x64x128xf32, #tpu.memory_space<vmem>>, vector<16xf32>,
          %add3A_580 = arith.constant 128 : i32
          %add3A_581 = arith.addi %add3A_580, %scan3A_546 : i32
          %get3A_582 = arith.index_cast %add3A_581 : i32 to index
          %get3A_583 = arith.constant 32 : index
          %get3A_584 = tpu.vector_load %arg8[%get3A_582, %get3A_583] {strides = array<i32>} : memref<192x128xf32, #tpu.memory_space<vmem>>, vector<16xf32>,
          %mul3A_585 = arith.mulf %scan3A_549, %gather3A : vector<16xf32>
          %add3A_586 = arith.addf %mul3A_585, %get3A_584 : vector<16xf32>
          %swap3A_587 = arith.constant 0 : i32
          %swap3A_588 = arith.index_cast %swap3A_587 : i32 to index
          %swap3A_589 = arith.index_cast %scan3A_546 : i32 to index
          %swap3A_590 = arith.constant 32 : index
          %swap3A_591 = tpu.vector_load %arg10[%swap3A_588, %swap3A_589, %swap3A_590] {strides = array<i32>} : memref<2x64x128xf32, #tpu.memory_space<vmem>>, vector<16xf32>,
          tpu.vector_store %arg10[%swap3A_588, %swap3A_589, %swap3A_590], %add3A_586 {strides = array<i32>} : memref<2x64x128xf32, #tpu.memory_space<vmem>>, vector<16xf32>,
          %add3A_592 = arith.constant 128 : i32
          %add3A_593 = arith.addi %add3A_592, %scan3A_546 : i32
          %get3A_594 = arith.index_cast %add3A_593 : i32 to index
          %get3A_595 = arith.constant 48 : index
          %get3A_596 = tpu.vector_load %arg8[%get3A_594, %get3A_595] {strides = array<i32>} : memref<192x128xf32, #tpu.memory_space<vmem>>, vector<16xf32>,
          %mul3A_597 = arith.mulf %scan3A_550, %gather3A : vector<16xf32>
          %add3A_598 = arith.addf %mul3A_597, %get3A_596 : vector<16xf32>
          %swap3A_599 = arith.constant 0 : i32
          %swap3A_600 = arith.index_cast %swap3A_599 : i32 to index
          %swap3A_601 = arith.index_cast %scan3A_546 : i32 to index
          %swap3A_602 = arith.constant 48 : index
          %swap3A_603 = tpu.vector_load %arg10[%swap3A_600, %swap3A_601, %swap3A_602] {strides = array<i32>} : memref<2x64x128xf32, #tpu.memory_space<vmem>>, vector<16xf32>,
          tpu.vector_store %arg10[%swap3A_600, %swap3A_601, %swap3A_602], %add3A_598 {strides = array<i32>} : memref<2x64x128xf32, #tpu.memory_space<vmem>>, vector<16xf32>,
          %add3A_604 = arith.constant 128 : i32
          %add3A_605 = arith.addi %add3A_604, %scan3A_546 : i32
          %get3A_606 = arith.index_cast %add3A_605 : i32 to index
          %get3A_607 = arith.constant 64 : index
          %get3A_608 = tpu.vector_load %arg8[%get3A_606, %get3A_607] {strides = array<i32>} : memref<192x128xf32, #tpu.memory_space<vmem>>, vector<16xf32>,
          %mul3A_609 = arith.mulf %scan3A_551, %gather3A : vector<16xf32>
          %add3A_610 = arith.addf %mul3A_609, %get3A_608 : vector<16xf32>
          %swap3A_611 = arith.constant 0 : i32
          %swap3A_612 = arith.index_cast %swap3A_611 : i32 to index
          %swap3A_613 = arith.index_cast %scan3A_546 : i32 to index
          %swap3A_614 = arith.constant 64 : index
          %swap3A_615 = tpu.vector_load %arg10[%swap3A_612, %swap3A_613, %swap3A_614] {strides = array<i32>} : memref<2x64x128xf32, #tpu.memory_space<vmem>>, vector<16xf32>,
          tpu.vector_store %arg10[%swap3A_612, %swap3A_613, %swap3A_614], %add3A_610 {strides = array<i32>} : memref<2x64x128xf32, #tpu.memory_space<vmem>>, vector<16xf32>,
          %add3A_616 = arith.constant 128 : i32
          %add3A_617 = arith.addi %add3A_616, %scan3A_546 : i32
          %get3A_618 = arith.index_cast %add3A_617 : i32 to index
          %get3A_619 = arith.constant 80 : index
          %get3A_620 = tpu.vector_load %arg8[%get3A_618, %get3A_619] {strides = array<i32>} : memref<192x128xf32, #tpu.memory_space<vmem>>, vector<16xf32>,
          %mul3A_621 = arith.mulf %scan3A_552, %gather3A : vector<16xf32>
          %add3A_622 = arith.addf %mul3A_621, %get3A_620 : vector<16xf32>
          %swap3A_623 = arith.constant 0 : i32
          %swap3A_624 = arith.index_cast %swap3A_623 : i32 to index
          %swap3A_625 = arith.index_cast %scan3A_546 : i32 to index
          %swap3A_626 = arith.constant 80 : index
          %swap3A_627 = tpu.vector_load %arg10[%swap3A_624, %swap3A_625, %swap3A_626] {strides = array<i32>} : memref<2x64x128xf32, #tpu.memory_space<vmem>>, vector<16xf32>,
          tpu.vector_store %arg10[%swap3A_624, %swap3A_625, %swap3A_626], %add3A_622 {strides = array<i32>} : memref<2x64x128xf32, #tpu.memory_space<vmem>>, vector<16xf32>,
          %add3A_628 = arith.constant 128 : i32
          %add3A_629 = arith.addi %add3A_628, %scan3A_546 : i32
          %get3A_630 = arith.index_cast %add3A_629 : i32 to index
          %get3A_631 = arith.constant 96 : index
          %get3A_632 = tpu.vector_load %arg8[%get3A_630, %get3A_631] {strides = array<i32>} : memref<192x128xf32, #tpu.memory_space<vmem>>, vector<16xf32>,
          %mul3A_633 = arith.mulf %scan3A_553, %gather3A : vector<16xf32>
          %add3A_634 = arith.addf %mul3A_633, %get3A_632 : vector<16xf32>
          %swap3A_635 = arith.constant 0 : i32
          %swap3A_636 = arith.index_cast %swap3A_635 : i32 to index
          %swap3A_637 = arith.index_cast %scan3A_546 : i32 to index
          %swap3A_638 = arith.constant 96 : index
          %swap3A_639 = tpu.vector_load %arg10[%swap3A_636, %swap3A_637, %swap3A_638] {strides = array<i32>} : memref<2x64x128xf32, #tpu.memory_space<vmem>>, vector<16xf32>,
          tpu.vector_store %arg10[%swap3A_636, %swap3A_637, %swap3A_638], %add3A_634 {strides = array<i32>} : memref<2x64x128xf32, #tpu.memory_space<vmem>>, vector<16xf32>,
          %add3A_640 = arith.constant 128 : i32
          %add3A_641 = arith.addi %add3A_640, %scan3A_546 : i32
          %get3A_642 = arith.index_cast %add3A_641 : i32 to index
          %get3A_643 = arith.constant 112 : index
          %get3A_644 = tpu.vector_load %arg8[%get3A_642, %get3A_643] {strides = array<i32>} : memref<192x128xf32, #tpu.memory_space<vmem>>, vector<16xf32>,
          %mul3A_645 = arith.mulf %scan3A_554, %gather3A : vector<16xf32>
          %add3A_646 = arith.addf %mul3A_645, %get3A_644 : vector<16xf32>
          %swap3A_647 = arith.constant 0 : i32
          %swap3A_648 = arith.index_cast %swap3A_647 : i32 to index
          %swap3A_649 = arith.index_cast %scan3A_546 : i32 to index
          %swap3A_650 = arith.constant 112 : index
          %swap3A_651 = tpu.vector_load %arg10[%swap3A_648, %swap3A_649, %swap3A_650] {strides = array<i32>} : memref<2x64x128xf32, #tpu.memory_space<vmem>>, vector<16xf32>,
          tpu.vector_store %arg10[%swap3A_648, %swap3A_649, %swap3A_650], %add3A_646 {strides = array<i32>} : memref<2x64x128xf32, #tpu.memory_space<vmem>>, vector<16xf32>,
          scf.yield %add3A_562, %add3A_574, %add3A_586, %add3A_598, %add3A_610, %add3A_622, %add3A_634, %add3A_646 : vector<16xf32>, vector<16xf32>, vector<16xf32>, vector<16xf32>, vector<16xf32>, vector<16xf32>, vector<16xf32>, vector<16xf32>
        }
        %scan3A_509 = arith.constant 64 : i32
        %dma_start3A_510 = arith.constant 0 : i32
        %dma_start3A_511 = arith.constant 0 : i32
        %dma_start3A_512 = arith.constant 0 : i32
        %dma_start3A_513 = arith.constant 0 : i32
        %dma_start3A_514 = arith.constant 0 : i32
        %dma_start3A_515 = tpu.memref_slice %arg10[%dma_start3A_510, %dma_start3A_513, %dma_start3A_514] : memref<2x64x128xf32, #tpu.memory_space<vmem>> -> memref<1x64x128xf32, #tpu.memory_space<vmem>>
        %dma_start3A_516 = tpu.memref_squeeze %dma_start3A_515 : memref<1x64x128xf32, #tpu.memory_space<vmem>> -> memref<64x128xf32, #tpu.memory_space<vmem>>
        %dma_start3A_517 = arith.constant 0 : i32
        %dma_start3A_518 = tpu.memref_slice %arg11[%dma_start3A_511, %dma_start3A_517] : memref<2x64xi32, #tpu.memory_space<vmem>> -> memref<1x64xi32, #tpu.memory_space<vmem>>
        %dma_start3A_519 = tpu.memref_squeeze %dma_start3A_518 : memref<1x64xi32, #tpu.memory_space<vmem>> -> memref<64xi32, #tpu.memory_space<vmem>>
        %dma_start3A_520 = arith.constant 0 : i32
        %dma_start3A_521 = arith.constant 0 : i32
        %dma_start3A_522 = tpu.memref_slice %arg6[%dma_start3A_520, %dma_start3A_521] : memref<10000x128xf32, #tpu.memory_space<vmem_shared>> -> memref<10000x128xf32, #tpu.memory_space<vmem_shared>>
        %dma_start3A_523 = arith.constant -1 : i32
        %dma_start3A_524 = tpu.memref_slice %arg21[%dma_start3A_512] : memref<2x!tpu.dma_semaphore, #tpu.memory_space<semaphore_mem>> -> memref<1x!tpu.dma_semaphore, #tpu.memory_space<semaphore_mem>>
        %dma_start3A_525 = tpu.memref_squeeze %dma_start3A_524 : memref<1x!tpu.dma_semaphore, #tpu.memory_space<semaphore_mem>> -> memref<!tpu.dma_semaphore, #tpu.memory_space<semaphore_mem>>
        tpu.enqueue_indirect_dma source(%dma_start3A_516 : memref<64x128xf32, #tpu.memory_space<vmem>>) target(%dma_start3A_522 : memref<10000x128xf32, #tpu.memory_space<vmem_shared>>) offsets(%dma_start3A_519 : memref<64xi32, #tpu.memory_space<vmem>>) offset_filter(%dma_start3A_523) semaphore(%dma_start3A_525 : memref<!tpu.dma_semaphore, #tpu.memory_space<semaphore_mem>>) {add = true}
        %dma_start3A_526 = arith.constant 0 : i32
        %dma_start3A_527 = arith.constant 0 : i32
        %dma_start3A_528 = arith.constant 0 : i32
        %dma_start3A_529 = tpu.memref_slice %arg11[%dma_start3A_526, %dma_start3A_528] : memref<2x64xi32, #tpu.memory_space<vmem>> -> memref<1x64xi32, #tpu.memory_space<vmem>>
        %dma_start3A_530 = tpu.memref_squeeze %dma_start3A_529 : memref<1x64xi32, #tpu.memory_space<vmem>> -> memref<64xi32, #tpu.memory_space<vmem>>
        %dma_start3A_531 = arith.constant 0 : i32
        %dma_start3A_532 = tpu.memref_slice %arg7[%dma_start3A_531] : memref<10240xf32, #tpu.memory_space<vmem_shared>> -> memref<10240xf32, #tpu.memory_space<vmem_shared>>
        %dma_start3A_533 = arith.constant -1 : i32
        %dma_start3A_534 = tpu.memref_slice %arg21[%dma_start3A_527] : memref<2x!tpu.dma_semaphore, #tpu.memory_space<semaphore_mem>> -> memref<1x!tpu.dma_semaphore, #tpu.memory_space<semaphore_mem>>
        %dma_start3A_535 = tpu.memref_squeeze %dma_start3A_534 : memref<1x!tpu.dma_semaphore, #tpu.memory_space<semaphore_mem>> -> memref<!tpu.dma_semaphore, #tpu.memory_space<semaphore_mem>>
        tpu.enqueue_indirect_dma source(%arg14 : memref<64xf32, #tpu.memory_space<vmem>>) target(%dma_start3A_532 : memref<10240xf32, #tpu.memory_space<vmem_shared>>) offsets(%dma_start3A_530 : memref<64xi32, #tpu.memory_space<vmem>>) offset_filter(%dma_start3A_533) semaphore(%dma_start3A_535 : memref<!tpu.dma_semaphore, #tpu.memory_space<semaphore_mem>>) {add = true}
        %dma_start3A_536 = arith.constant 0 : i32
        %dma_start3A_537 = arith.constant 0 : i32
        %dma_start3A_538 = arith.constant 0 : i32
        %dma_start3A_539 = tpu.memref_slice %arg12[%dma_start3A_536, %dma_start3A_538] : memref<2x64xi32, #tpu.memory_space<vmem>> -> memref<1x64xi32, #tpu.memory_space<vmem>>
        %dma_start3A_540 = tpu.memref_squeeze %dma_start3A_539 : memref<1x64xi32, #tpu.memory_space<vmem>> -> memref<64xi32, #tpu.memory_space<vmem>>
        %dma_start3A_541 = arith.constant 0 : i32
        %dma_start3A_542 = tpu.memref_slice %arg7[%dma_start3A_541] : memref<10240xf32, #tpu.memory_space<vmem_shared>> -> memref<10240xf32, #tpu.memory_space<vmem_shared>>
        %dma_start3A_543 = arith.constant -1 : i32
        %dma_start3A_544 = tpu.memref_slice %arg21[%dma_start3A_537] : memref<2x!tpu.dma_semaphore, #tpu.memory_space<semaphore_mem>> -> memref<1x!tpu.dma_semaphore, #tpu.memory_space<semaphore_mem>>
        %dma_start3A_545 = tpu.memref_squeeze %dma_start3A_544 : memref<1x!tpu.dma_semaphore, #tpu.memory_space<semaphore_mem>> -> memref<!tpu.dma_semaphore, #tpu.memory_space<semaphore_mem>>
        tpu.enqueue_indirect_dma source(%arg15 : memref<64xf32, #tpu.memory_space<vmem>>) target(%dma_start3A_542 : memref<10240xf32, #tpu.memory_space<vmem_shared>>) offsets(%dma_start3A_540 : memref<64xi32, #tpu.memory_space<vmem>>) offset_filter(%dma_start3A_543) semaphore(%dma_start3A_545 : memref<!tpu.dma_semaphore, #tpu.memory_space<semaphore_mem>>) {add = true}
      } else {
      }
      %mul3A_261 = arith.constant 6 : i32
      %mul3A_262 = arith.muli %scan3A_189, %mul3A_261 : i32
      %add3A_263 = arith.constant 3 : i32
      %add3A_264 = arith.addi %mul3A_262, %add3A_263 : i32
      %ge3A_265 = arith.constant 2 : i32
      %ge3A_266 = arith.cmpi sge, %add3A_264, %ge3A_265 : i32
      %lt3A_267 = arith.constant 158 : i32
      %lt3A_268 = arith.cmpi slt, %add3A_264, %lt3A_267 : i32
      %and3A_269 = arith.andi %ge3A_266, %lt3A_268 : i1
      %convert_element_type3A_270 = arith.extui %and3A_269 : i1 to i32
      %cond3A_271 = arith.constant 0 : i32
      %cond3A_272 = arith.cmpi ne, %convert_element_type3A_270, %cond3A_271 : i32
      scf.if %cond3A_272 {
        %dma_wait3A = arith.constant 1 : i32
        %dma_wait3A_333 = arith.constant 1 : i32
        %dma_wait3A_334 = arith.constant 1 : i32
        %dma_wait3A_335 = arith.constant 0 : i32
        %dma_wait3A_336 = arith.constant 0 : i32
        %dma_wait3A_337 = tpu.memref_slice %arg10[%dma_wait3A, %dma_wait3A_335, %dma_wait3A_336] : memref<2x64x128xf32, #tpu.memory_space<vmem>> -> memref<1x64x128xf32, #tpu.memory_space<vmem>>
        %dma_wait3A_338 = tpu.memref_squeeze %dma_wait3A_337 : memref<1x64x128xf32, #tpu.memory_space<vmem>> -> memref<64x128xf32, #tpu.memory_space<vmem>>
        %dma_wait3A_339 = arith.constant 0 : i32
        %dma_wait3A_340 = tpu.memref_slice %arg11[%dma_wait3A_333, %dma_wait3A_339] : memref<2x64xi32, #tpu.memory_space<vmem>> -> memref<1x64xi32, #tpu.memory_space<vmem>>
        %dma_wait3A_341 = tpu.memref_squeeze %dma_wait3A_340 : memref<1x64xi32, #tpu.memory_space<vmem>> -> memref<64xi32, #tpu.memory_space<vmem>>
        %dma_wait3A_342 = arith.constant 0 : i32
        %dma_wait3A_343 = arith.constant 0 : i32
        %dma_wait3A_344 = tpu.memref_slice %arg6[%dma_wait3A_342, %dma_wait3A_343] : memref<10000x128xf32, #tpu.memory_space<vmem_shared>> -> memref<10000x128xf32, #tpu.memory_space<vmem_shared>>
        %dma_wait3A_345 = tpu.memref_slice %arg21[%dma_wait3A_334] : memref<2x!tpu.dma_semaphore, #tpu.memory_space<semaphore_mem>> -> memref<1x!tpu.dma_semaphore, #tpu.memory_space<semaphore_mem>>
        %dma_wait3A_346 = tpu.memref_squeeze %dma_wait3A_345 : memref<1x!tpu.dma_semaphore, #tpu.memory_space<semaphore_mem>> -> memref<!tpu.dma_semaphore, #tpu.memory_space<semaphore_mem>>
        tpu.wait_indirect_dma semaphore(%dma_wait3A_346 : memref<!tpu.dma_semaphore, #tpu.memory_space<semaphore_mem>>) src(%dma_wait3A_338 : memref<64x128xf32, #tpu.memory_space<vmem>>) dst(%dma_wait3A_344 : memref<10000x128xf32, #tpu.memory_space<vmem_shared>>)
        %dma_wait3A_347 = arith.constant 1 : i32
        %dma_wait3A_348 = arith.constant 1 : i32
        %dma_wait3A_349 = arith.constant 0 : i32
        %dma_wait3A_350 = tpu.memref_slice %arg11[%dma_wait3A_347, %dma_wait3A_349] : memref<2x64xi32, #tpu.memory_space<vmem>> -> memref<1x64xi32, #tpu.memory_space<vmem>>
        %dma_wait3A_351 = tpu.memref_squeeze %dma_wait3A_350 : memref<1x64xi32, #tpu.memory_space<vmem>> -> memref<64xi32, #tpu.memory_space<vmem>>
        %dma_wait3A_352 = arith.constant 0 : i32
        %dma_wait3A_353 = tpu.memref_slice %arg7[%dma_wait3A_352] : memref<10240xf32, #tpu.memory_space<vmem_shared>> -> memref<10240xf32, #tpu.memory_space<vmem_shared>>
        %dma_wait3A_354 = tpu.memref_slice %arg21[%dma_wait3A_348] : memref<2x!tpu.dma_semaphore, #tpu.memory_space<semaphore_mem>> -> memref<1x!tpu.dma_semaphore, #tpu.memory_space<semaphore_mem>>
        %dma_wait3A_355 = tpu.memref_squeeze %dma_wait3A_354 : memref<1x!tpu.dma_semaphore, #tpu.memory_space<semaphore_mem>> -> memref<!tpu.dma_semaphore, #tpu.memory_space<semaphore_mem>>
        tpu.wait_indirect_dma semaphore(%dma_wait3A_355 : memref<!tpu.dma_semaphore, #tpu.memory_space<semaphore_mem>>) src(%arg14 : memref<64xf32, #tpu.memory_space<vmem>>) dst(%dma_wait3A_353 : memref<10240xf32, #tpu.memory_space<vmem_shared>>)
        %dma_wait3A_356 = arith.constant 1 : i32
        %dma_wait3A_357 = arith.constant 1 : i32
        %dma_wait3A_358 = arith.constant 0 : i32
        %dma_wait3A_359 = tpu.memref_slice %arg12[%dma_wait3A_356, %dma_wait3A_358] : memref<2x64xi32, #tpu.memory_space<vmem>> -> memref<1x64xi32, #tpu.memory_space<vmem>>
        %dma_wait3A_360 = tpu.memref_squeeze %dma_wait3A_359 : memref<1x64xi32, #tpu.memory_space<vmem>> -> memref<64xi32, #tpu.memory_space<vmem>>
        %dma_wait3A_361 = arith.constant 0 : i32
        %dma_wait3A_362 = tpu.memref_slice %arg7[%dma_wait3A_361] : memref<10240xf32, #tpu.memory_space<vmem_shared>> -> memref<10240xf32, #tpu.memory_space<vmem_shared>>
        %dma_wait3A_363 = tpu.memref_slice %arg21[%dma_wait3A_357] : memref<2x!tpu.dma_semaphore, #tpu.memory_space<semaphore_mem>> -> memref<1x!tpu.dma_semaphore, #tpu.memory_space<semaphore_mem>>
        %dma_wait3A_364 = tpu.memref_squeeze %dma_wait3A_363 : memref<1x!tpu.dma_semaphore, #tpu.memory_space<semaphore_mem>> -> memref<!tpu.dma_semaphore, #tpu.memory_space<semaphore_mem>>
        tpu.wait_indirect_dma semaphore(%dma_wait3A_364 : memref<!tpu.dma_semaphore, #tpu.memory_space<semaphore_mem>>) src(%arg15 : memref<64xf32, #tpu.memory_space<vmem>>) dst(%dma_wait3A_362 : memref<10240xf32, #tpu.memory_space<vmem_shared>>)
      } else {
      }
      %add3A_273 = arith.constant 2 : i32
      %add3A_274 = arith.addi %add3A_264, %add3A_273 : i32
      %lt3A_275 = arith.constant 156 : i32
      %lt3A_276 = arith.cmpi slt, %add3A_274, %lt3A_275 : i32
      %convert_element_type3A_277 = arith.extui %lt3A_276 : i1 to i32
      %cond3A_278 = arith.constant 0 : i32
      %cond3A_279 = arith.cmpi ne, %convert_element_type3A_277, %cond3A_278 : i32
      scf.if %cond3A_279 {
        %add3A_333 = arith.constant 2 : i32
        %add3A_334 = arith.addi %add3A_264, %add3A_333 : i32
        %mul3A_335 = arith.constant 64 : i32
        %mul3A_336 = arith.muli %add3A_334, %mul3A_335 : i32
        %add3A_337 = arith.addi %add3A, %mul3A_336 : i32
        %dma_start3A_338 = arith.constant 2 : i32
        %dma_start3A_339 = arith.constant 128 : i32
        %dma_start3A_340 = arith.constant 0 : i32
        %dma_start3A_341 = tpu.memref_slice %arg8[%dma_start3A_339, %dma_start3A_340] : memref<192x128xf32, #tpu.memory_space<vmem>> -> memref<64x128xf32, #tpu.memory_space<vmem>>
        %dma_start3A_342 = arith.constant 0 : i32
        %dma_start3A_343 = tpu.memref_slice %arg2[%add3A_337, %dma_start3A_342] : memref<320000x128xf32, #tpu.memory_space<hbm>> -> memref<64x128xf32, #tpu.memory_space<hbm>>
        %dma_start3A_344 = tpu.memref_slice %arg20[%dma_start3A_338] : memref<3x!tpu.dma_semaphore, #tpu.memory_space<semaphore_mem>> -> memref<1x!tpu.dma_semaphore, #tpu.memory_space<semaphore_mem>>
        %dma_start3A_345 = tpu.memref_squeeze %dma_start3A_344 : memref<1x!tpu.dma_semaphore, #tpu.memory_space<semaphore_mem>> -> memref<!tpu.dma_semaphore, #tpu.memory_space<semaphore_mem>>
        %dma_start3A_346 = arith.constant 128 : i32
        %dma_start3A_347 = arith.constant 0 : i32
        %dma_start3A_348 = tpu.memref_slice %arg8[%dma_start3A_346, %dma_start3A_347] : memref<192x128xf32, #tpu.memory_space<vmem>> -> memref<64x128xf32, #tpu.memory_space<vmem>>
        %dma_start3A_349 = arith.constant 0 : i32
        %dma_start3A_350 = tpu.memref_slice %arg2[%add3A_337, %dma_start3A_349] : memref<320000x128xf32, #tpu.memory_space<hbm>> -> memref<64x128xf32, #tpu.memory_space<hbm>>
        tpu.enqueue_dma source(%dma_start3A_350 : memref<64x128xf32, #tpu.memory_space<hbm>>) target(%dma_start3A_348 : memref<64x128xf32, #tpu.memory_space<vmem>>) target_semaphore(%dma_start3A_345 : memref<!tpu.dma_semaphore, #tpu.memory_space<semaphore_mem>>)
        %dma_start3A_351 = arith.constant 2 : i32
        %dma_start3A_352 = arith.constant 2 : i32
        %dma_start3A_353 = arith.constant 8 : i32
        %dma_start3A_354 = tpu.memref_slice %arg9[%dma_start3A_351, %dma_start3A_353] : memref<3x80xi32, #tpu.memory_space<vmem>> -> memref<1x64xi32, #tpu.memory_space<vmem>>
        %dma_start3A_355 = tpu.memref_squeeze %dma_start3A_354 : memref<1x64xi32, #tpu.memory_space<vmem>> -> memref<64xi32, #tpu.memory_space<vmem>>
        %dma_start3A_356 = tpu.memref_slice %arg3[%add3A_337] : memref<320000xi32, #tpu.memory_space<hbm>> -> memref<64xi32, #tpu.memory_space<hbm>>
        %dma_start3A_357 = tpu.memref_slice %arg20[%dma_start3A_352] : memref<3x!tpu.dma_semaphore, #tpu.memory_space<semaphore_mem>> -> memref<1x!tpu.dma_semaphore, #tpu.memory_space<semaphore_mem>>
        %dma_start3A_358 = tpu.memref_squeeze %dma_start3A_357 : memref<1x!tpu.dma_semaphore, #tpu.memory_space<semaphore_mem>> -> memref<!tpu.dma_semaphore, #tpu.memory_space<semaphore_mem>>
        %dma_start3A_359 = arith.constant 8 : i32
        %dma_start3A_360 = tpu.memref_slice %arg9[%dma_start3A_351, %dma_start3A_359] : memref<3x80xi32, #tpu.memory_space<vmem>> -> memref<1x64xi32, #tpu.memory_space<vmem>>
        %dma_start3A_361 = tpu.memref_squeeze %dma_start3A_360 : memref<1x64xi32, #tpu.memory_space<vmem>> -> memref<64xi32, #tpu.memory_space<vmem>>
        %dma_start3A_362 = tpu.memref_slice %arg3[%add3A_337] : memref<320000xi32, #tpu.memory_space<hbm>> -> memref<64xi32, #tpu.memory_space<hbm>>
        tpu.enqueue_dma source(%dma_start3A_362 : memref<64xi32, #tpu.memory_space<hbm>>) target(%dma_start3A_361 : memref<64xi32, #tpu.memory_space<vmem>>) target_semaphore(%dma_start3A_358 : memref<!tpu.dma_semaphore, #tpu.memory_space<semaphore_mem>>)
      } else {
      }
      %lt3A_280 = arith.constant 156 : i32
      %lt3A_281 = arith.cmpi slt, %add3A_264, %lt3A_280 : i32
      %convert_element_type3A_282 = arith.extui %lt3A_281 : i1 to i32
      %cond3A_283 = arith.constant 0 : i32
      %cond3A_284 = arith.cmpi ne, %convert_element_type3A_282, %cond3A_283 : i32
      scf.if %cond3A_284 {
        %dma_wait3A = arith.constant 0 : i32
        %dma_wait3A_333 = arith.constant 0 : i32
        %dma_wait3A_334 = arith.constant 0 : i32
        %dma_wait3A_335 = tpu.memref_slice %arg8[%dma_wait3A_333, %dma_wait3A_334] : memref<192x128xf32, #tpu.memory_space<vmem>> -> memref<64x128xf32, #tpu.memory_space<vmem>>
        %dma_wait3A_336 = arith.constant 0 : i32
        %dma_wait3A_337 = arith.constant 0 : i32
        %dma_wait3A_338 = tpu.memref_slice %arg2[%dma_wait3A_336, %dma_wait3A_337] : memref<320000x128xf32, #tpu.memory_space<hbm>> -> memref<64x128xf32, #tpu.memory_space<hbm>>
        %dma_wait3A_339 = tpu.memref_slice %arg20[%dma_wait3A] : memref<3x!tpu.dma_semaphore, #tpu.memory_space<semaphore_mem>> -> memref<1x!tpu.dma_semaphore, #tpu.memory_space<semaphore_mem>>
        %dma_wait3A_340 = tpu.memref_squeeze %dma_wait3A_339 : memref<1x!tpu.dma_semaphore, #tpu.memory_space<semaphore_mem>> -> memref<!tpu.dma_semaphore, #tpu.memory_space<semaphore_mem>>
        %dma_wait3A_341 = arith.constant 0 : i32
        %dma_wait3A_342 = arith.constant 0 : i32
        %dma_wait3A_343 = tpu.memref_slice %arg8[%dma_wait3A_341, %dma_wait3A_342] : memref<192x128xf32, #tpu.memory_space<vmem>> -> memref<64x128xf32, #tpu.memory_space<vmem>>
        %dma_wait3A_344 = arith.constant 0 : i32
        %dma_wait3A_345 = arith.constant 0 : i32
        %dma_wait3A_346 = tpu.memref_slice %arg2[%dma_wait3A_344, %dma_wait3A_345] : memref<320000x128xf32, #tpu.memory_space<hbm>> -> memref<64x128xf32, #tpu.memory_space<hbm>>
        tpu.wait_dma2 semaphore(%dma_wait3A_340 : memref<!tpu.dma_semaphore, #tpu.memory_space<semaphore_mem>>) src(%dma_wait3A_346 : memref<64x128xf32, #tpu.memory_space<hbm>>) dst(%dma_wait3A_343 : memref<64x128xf32, #tpu.memory_space<vmem>>)
        %dma_wait3A_347 = arith.constant 0 : i32
        %dma_wait3A_348 = arith.constant 0 : i32
        %dma_wait3A_349 = arith.constant 8 : i32
        %dma_wait3A_350 = tpu.memref_slice %arg9[%dma_wait3A_347, %dma_wait3A_349] : memref<3x80xi32, #tpu.memory_space<vmem>> -> memref<1x64xi32, #tpu.memory_space<vmem>>
        %dma_wait3A_351 = tpu.memref_squeeze %dma_wait3A_350 : memref<1x64xi32, #tpu.memory_space<vmem>> -> memref<64xi32, #tpu.memory_space<vmem>>
        %dma_wait3A_352 = arith.constant 0 : i32
        %dma_wait3A_353 = tpu.memref_slice %arg3[%dma_wait3A_352] : memref<320000xi32, #tpu.memory_space<hbm>> -> memref<64xi32, #tpu.memory_space<hbm>>
        %dma_wait3A_354 = tpu.memref_slice %arg20[%dma_wait3A_348] : memref<3x!tpu.dma_semaphore, #tpu.memory_space<semaphore_mem>> -> memref<1x!tpu.dma_semaphore, #tpu.memory_space<semaphore_mem>>
        %dma_wait3A_355 = tpu.memref_squeeze %dma_wait3A_354 : memref<1x!tpu.dma_semaphore, #tpu.memory_space<semaphore_mem>> -> memref<!tpu.dma_semaphore, #tpu.memory_space<semaphore_mem>>
        %dma_wait3A_356 = arith.constant 8 : i32
        %dma_wait3A_357 = tpu.memref_slice %arg9[%dma_wait3A_347, %dma_wait3A_356] : memref<3x80xi32, #tpu.memory_space<vmem>> -> memref<1x64xi32, #tpu.memory_space<vmem>>
        %dma_wait3A_358 = tpu.memref_squeeze %dma_wait3A_357 : memref<1x64xi32, #tpu.memory_space<vmem>> -> memref<64xi32, #tpu.memory_space<vmem>>
        %dma_wait3A_359 = arith.constant 0 : i32
        %dma_wait3A_360 = tpu.memref_slice %arg3[%dma_wait3A_359] : memref<320000xi32, #tpu.memory_space<hbm>> -> memref<64xi32, #tpu.memory_space<hbm>>
        tpu.wait_dma2 semaphore(%dma_wait3A_355 : memref<!tpu.dma_semaphore, #tpu.memory_space<semaphore_mem>>) src(%dma_wait3A_360 : memref<64xi32, #tpu.memory_space<hbm>>) dst(%dma_wait3A_358 : memref<64xi32, #tpu.memory_space<vmem>>)
        %get3A_361 = arith.constant 0 : i32
        %get3A_362 = arith.index_cast %get3A_361 : i32 to index
        %get3A_363 = arith.constant 8 : index
        %get3A_364 = tpu.vector_load %arg9[%get3A_362, %get3A_363] {strides = array<i32>} : memref<3x80xi32, #tpu.memory_space<vmem>>, vector<16xi32>,
        %get3A_365 = arith.constant 0 : i32
        %get3A_366 = arith.index_cast %get3A_365 : i32 to index
        %get3A_367 = arith.constant 7 : index
        %get3A_368 = tpu.vector_load %arg9[%get3A_366, %get3A_367] {strides = array<i32>} : memref<3x80xi32, #tpu.memory_space<vmem>>, vector<16xi32>,
        %get3A_369 = arith.constant 0 : i32
        %get3A_370 = arith.index_cast %get3A_369 : i32 to index
        %get3A_371 = arith.constant 9 : index
        %get3A_372 = tpu.vector_load %arg9[%get3A_370, %get3A_371] {strides = array<i32>} : memref<3x80xi32, #tpu.memory_space<vmem>>, vector<16xi32>,
        %eq3A_373 = arith.cmpi eq, %get3A_364, %get3A_368 : vector<16xi32>
        %and3A_374 = arith.andi %eq3A_373, %ne3A_5 : vector<16xi1>
        %jit3A_375 = arith.constant 1.000000e+00 : f32
        %jit3A_376 = arith.constant 0.000000e+00 : f32
        %broadcast_in_dim3A_377 = vector.broadcast %jit3A_375 : f32 to vector<16xf32>
        %broadcast_in_dim3A_378 = vector.broadcast %jit3A_376 : f32 to vector<16xf32>
        %select_n3A_379 = arith.select %and3A_374, %broadcast_in_dim3A_377, %broadcast_in_dim3A_378 : vector<16xi1>, vector<16xf32>
        %swap3A_380 = arith.constant 0 : index
        %swap3A_381 = tpu.vector_load %arg13[%swap3A_380] {strides = array<i32>} : memref<64xf32, #tpu.memory_space<vmem>>, vector<16xf32>,
        tpu.vector_store %arg13[%swap3A_380], %select_n3A_379 {strides = array<i32>} : memref<64xf32, #tpu.memory_space<vmem>>, vector<16xf32>,
        %ne3A_382 = arith.cmpi ne, %get3A_364, %get3A_372 : vector<16xi32>
        %select_n3A_383 = arith.select %ne3A_382, %get3A_364, %broadcast_in_dim3A_9 : vector<16xi1>, vector<16xi32>
        %swap3A_384 = arith.constant 1 : i32
        %swap3A_385 = arith.index_cast %swap3A_384 : i32 to index
        %swap3A_386 = arith.constant 0 : index
        %swap3A_387 = tpu.vector_load %arg11[%swap3A_385, %swap3A_386] {strides = array<i32>} : memref<2x64xi32, #tpu.memory_space<vmem>>, vector<16xi32>,
        tpu.vector_store %arg11[%swap3A_385, %swap3A_386], %select_n3A_383 {strides = array<i32>} : memref<2x64xi32, #tpu.memory_space<vmem>>, vector<16xi32>,
        %select_n3A_388 = arith.select %ne3A_382, %get3A_372, %broadcast_in_dim3A_9 : vector<16xi1>, vector<16xi32>
        %swap3A_389 = arith.constant 1 : i32
        %swap3A_390 = arith.index_cast %swap3A_389 : i32 to index
        %swap3A_391 = arith.constant 0 : index
        %swap3A_392 = tpu.vector_load %arg12[%swap3A_390, %swap3A_391] {strides = array<i32>} : memref<2x64xi32, #tpu.memory_space<vmem>>, vector<16xi32>,
        tpu.vector_store %arg12[%swap3A_390, %swap3A_391], %select_n3A_388 {strides = array<i32>} : memref<2x64xi32, #tpu.memory_space<vmem>>, vector<16xi32>,
        %get3A_393 = arith.constant 0 : i32
        %get3A_394 = arith.index_cast %get3A_393 : i32 to index
        %get3A_395 = arith.constant 24 : index
        %get3A_396 = tpu.vector_load %arg9[%get3A_394, %get3A_395] {strides = array<i32>} : memref<3x80xi32, #tpu.memory_space<vmem>>, vector<16xi32>,
        %get3A_397 = arith.constant 0 : i32
        %get3A_398 = arith.index_cast %get3A_397 : i32 to index
        %get3A_399 = arith.constant 23 : index
        %get3A_400 = tpu.vector_load %arg9[%get3A_398, %get3A_399] {strides = array<i32>} : memref<3x80xi32, #tpu.memory_space<vmem>>, vector<16xi32>,
        %get3A_401 = arith.constant 0 : i32
        %get3A_402 = arith.index_cast %get3A_401 : i32 to index
        %get3A_403 = arith.constant 25 : index
        %get3A_404 = tpu.vector_load %arg9[%get3A_402, %get3A_403] {strides = array<i32>} : memref<3x80xi32, #tpu.memory_space<vmem>>, vector<16xi32>,
        %eq3A_405 = arith.cmpi eq, %get3A_396, %get3A_400 : vector<16xi32>
        %jit3A_406 = arith.constant 1.000000e+00 : f32
        %jit3A_407 = arith.constant 0.000000e+00 : f32
        %broadcast_in_dim3A_408 = vector.broadcast %jit3A_406 : f32 to vector<16xf32>
        %broadcast_in_dim3A_409 = vector.broadcast %jit3A_407 : f32 to vector<16xf32>
        %select_n3A_410 = arith.select %eq3A_405, %broadcast_in_dim3A_408, %broadcast_in_dim3A_409 : vector<16xi1>, vector<16xf32>
        %swap3A_411 = arith.constant 16 : index
        %swap3A_412 = tpu.vector_load %arg13[%swap3A_411] {strides = array<i32>} : memref<64xf32, #tpu.memory_space<vmem>>, vector<16xf32>,
        tpu.vector_store %arg13[%swap3A_411], %select_n3A_410 {strides = array<i32>} : memref<64xf32, #tpu.memory_space<vmem>>, vector<16xf32>,
        %ne3A_413 = arith.cmpi ne, %get3A_396, %get3A_404 : vector<16xi32>
        %select_n3A_414 = arith.select %ne3A_413, %get3A_396, %broadcast_in_dim3A_9 : vector<16xi1>, vector<16xi32>
        %swap3A_415 = arith.constant 1 : i32
        %swap3A_416 = arith.index_cast %swap3A_415 : i32 to index
        %swap3A_417 = arith.constant 16 : index
        %swap3A_418 = tpu.vector_load %arg11[%swap3A_416, %swap3A_417] {strides = array<i32>} : memref<2x64xi32, #tpu.memory_space<vmem>>, vector<16xi32>,
        tpu.vector_store %arg11[%swap3A_416, %swap3A_417], %select_n3A_414 {strides = array<i32>} : memref<2x64xi32, #tpu.memory_space<vmem>>, vector<16xi32>,
        %select_n3A_419 = arith.select %ne3A_413, %get3A_404, %broadcast_in_dim3A_9 : vector<16xi1>, vector<16xi32>
        %swap3A_420 = arith.constant 1 : i32
        %swap3A_421 = arith.index_cast %swap3A_420 : i32 to index
        %swap3A_422 = arith.constant 16 : index
        %swap3A_423 = tpu.vector_load %arg12[%swap3A_421, %swap3A_422] {strides = array<i32>} : memref<2x64xi32, #tpu.memory_space<vmem>>, vector<16xi32>,
        tpu.vector_store %arg12[%swap3A_421, %swap3A_422], %select_n3A_419 {strides = array<i32>} : memref<2x64xi32, #tpu.memory_space<vmem>>, vector<16xi32>,
        %get3A_424 = arith.constant 0 : i32
        %get3A_425 = arith.index_cast %get3A_424 : i32 to index
        %get3A_426 = arith.constant 40 : index
        %get3A_427 = tpu.vector_load %arg9[%get3A_425, %get3A_426] {strides = array<i32>} : memref<3x80xi32, #tpu.memory_space<vmem>>, vector<16xi32>,
        %get3A_428 = arith.constant 0 : i32
        %get3A_429 = arith.index_cast %get3A_428 : i32 to index
        %get3A_430 = arith.constant 39 : index
        %get3A_431 = tpu.vector_load %arg9[%get3A_429, %get3A_430] {strides = array<i32>} : memref<3x80xi32, #tpu.memory_space<vmem>>, vector<16xi32>,
        %get3A_432 = arith.constant 0 : i32
        %get3A_433 = arith.index_cast %get3A_432 : i32 to index
        %get3A_434 = arith.constant 41 : index
        %get3A_435 = tpu.vector_load %arg9[%get3A_433, %get3A_434] {strides = array<i32>} : memref<3x80xi32, #tpu.memory_space<vmem>>, vector<16xi32>,
        %eq3A_436 = arith.cmpi eq, %get3A_427, %get3A_431 : vector<16xi32>
        %jit3A_437 = arith.constant 1.000000e+00 : f32
        %jit3A_438 = arith.constant 0.000000e+00 : f32
        %broadcast_in_dim3A_439 = vector.broadcast %jit3A_437 : f32 to vector<16xf32>
        %broadcast_in_dim3A_440 = vector.broadcast %jit3A_438 : f32 to vector<16xf32>
        %select_n3A_441 = arith.select %eq3A_436, %broadcast_in_dim3A_439, %broadcast_in_dim3A_440 : vector<16xi1>, vector<16xf32>
        %swap3A_442 = arith.constant 32 : index
        %swap3A_443 = tpu.vector_load %arg13[%swap3A_442] {strides = array<i32>} : memref<64xf32, #tpu.memory_space<vmem>>, vector<16xf32>,
        tpu.vector_store %arg13[%swap3A_442], %select_n3A_441 {strides = array<i32>} : memref<64xf32, #tpu.memory_space<vmem>>, vector<16xf32>,
        %ne3A_444 = arith.cmpi ne, %get3A_427, %get3A_435 : vector<16xi32>
        %select_n3A_445 = arith.select %ne3A_444, %get3A_427, %broadcast_in_dim3A_9 : vector<16xi1>, vector<16xi32>
        %swap3A_446 = arith.constant 1 : i32
        %swap3A_447 = arith.index_cast %swap3A_446 : i32 to index
        %swap3A_448 = arith.constant 32 : index
        %swap3A_449 = tpu.vector_load %arg11[%swap3A_447, %swap3A_448] {strides = array<i32>} : memref<2x64xi32, #tpu.memory_space<vmem>>, vector<16xi32>,
        tpu.vector_store %arg11[%swap3A_447, %swap3A_448], %select_n3A_445 {strides = array<i32>} : memref<2x64xi32, #tpu.memory_space<vmem>>, vector<16xi32>,
        %select_n3A_450 = arith.select %ne3A_444, %get3A_435, %broadcast_in_dim3A_9 : vector<16xi1>, vector<16xi32>
        %swap3A_451 = arith.constant 1 : i32
        %swap3A_452 = arith.index_cast %swap3A_451 : i32 to index
        %swap3A_453 = arith.constant 32 : index
        %swap3A_454 = tpu.vector_load %arg12[%swap3A_452, %swap3A_453] {strides = array<i32>} : memref<2x64xi32, #tpu.memory_space<vmem>>, vector<16xi32>,
        tpu.vector_store %arg12[%swap3A_452, %swap3A_453], %select_n3A_450 {strides = array<i32>} : memref<2x64xi32, #tpu.memory_space<vmem>>, vector<16xi32>,
        %get3A_455 = arith.constant 0 : i32
        %get3A_456 = arith.index_cast %get3A_455 : i32 to index
        %get3A_457 = arith.constant 56 : index
        %get3A_458 = tpu.vector_load %arg9[%get3A_456, %get3A_457] {strides = array<i32>} : memref<3x80xi32, #tpu.memory_space<vmem>>, vector<16xi32>,
        %get3A_459 = arith.constant 0 : i32
        %get3A_460 = arith.index_cast %get3A_459 : i32 to index
        %get3A_461 = arith.constant 55 : index
        %get3A_462 = tpu.vector_load %arg9[%get3A_460, %get3A_461] {strides = array<i32>} : memref<3x80xi32, #tpu.memory_space<vmem>>, vector<16xi32>,
        %get3A_463 = arith.constant 0 : i32
        %get3A_464 = arith.index_cast %get3A_463 : i32 to index
        %get3A_465 = arith.constant 57 : index
        %get3A_466 = tpu.vector_load %arg9[%get3A_464, %get3A_465] {strides = array<i32>} : memref<3x80xi32, #tpu.memory_space<vmem>>, vector<16xi32>,
        %eq3A_467 = arith.cmpi eq, %get3A_458, %get3A_462 : vector<16xi32>
        %jit3A_468 = arith.constant 1.000000e+00 : f32
        %jit3A_469 = arith.constant 0.000000e+00 : f32
        %broadcast_in_dim3A_470 = vector.broadcast %jit3A_468 : f32 to vector<16xf32>
        %broadcast_in_dim3A_471 = vector.broadcast %jit3A_469 : f32 to vector<16xf32>
        %select_n3A_472 = arith.select %eq3A_467, %broadcast_in_dim3A_470, %broadcast_in_dim3A_471 : vector<16xi1>, vector<16xf32>
        %swap3A_473 = arith.constant 48 : index
        %swap3A_474 = tpu.vector_load %arg13[%swap3A_473] {strides = array<i32>} : memref<64xf32, #tpu.memory_space<vmem>>, vector<16xf32>,
        tpu.vector_store %arg13[%swap3A_473], %select_n3A_472 {strides = array<i32>} : memref<64xf32, #tpu.memory_space<vmem>>, vector<16xf32>,
        %ne3A_475 = arith.cmpi ne, %get3A_458, %get3A_466 : vector<16xi32>
        %or3A_476 = arith.ori %ne3A_475, %eq3A_7 : vector<16xi1>
        %select_n3A_477 = arith.select %or3A_476, %get3A_458, %broadcast_in_dim3A_9 : vector<16xi1>, vector<16xi32>
        %swap3A_478 = arith.constant 1 : i32
        %swap3A_479 = arith.index_cast %swap3A_478 : i32 to index
        %swap3A_480 = arith.constant 48 : index
        %swap3A_481 = tpu.vector_load %arg11[%swap3A_479, %swap3A_480] {strides = array<i32>} : memref<2x64xi32, #tpu.memory_space<vmem>>, vector<16xi32>,
        tpu.vector_store %arg11[%swap3A_479, %swap3A_480], %select_n3A_477 {strides = array<i32>} : memref<2x64xi32, #tpu.memory_space<vmem>>, vector<16xi32>,
        %select_n3A_482 = arith.select %or3A_476, %get3A_466, %broadcast_in_dim3A_9 : vector<16xi1>, vector<16xi32>
        %select_n3A_483 = arith.select %eq3A_7, %broadcast_in_dim3A_9, %select_n3A_482 : vector<16xi1>, vector<16xi32>
        %swap3A_484 = arith.constant 1 : i32
        %swap3A_485 = arith.index_cast %swap3A_484 : i32 to index
        %swap3A_486 = arith.constant 48 : index
        %swap3A_487 = tpu.vector_load %arg12[%swap3A_485, %swap3A_486] {strides = array<i32>} : memref<2x64xi32, #tpu.memory_space<vmem>>, vector<16xi32>,
        tpu.vector_store %arg12[%swap3A_485, %swap3A_486], %select_n3A_483 {strides = array<i32>} : memref<2x64xi32, #tpu.memory_space<vmem>>, vector<16xi32>,
        %broadcast_in_dim3A_488 = arith.constant 0.000000e+00 : f32
        %broadcast_in_dim3A_489 = vector.broadcast %broadcast_in_dim3A_488 : f32 to vector<16xf32>
        %broadcast_in_dim3A_490 = arith.constant 0.000000e+00 : f32
        %broadcast_in_dim3A_491 = vector.broadcast %broadcast_in_dim3A_490 : f32 to vector<16xf32>
        %broadcast_in_dim3A_492 = arith.constant 0.000000e+00 : f32
        %broadcast_in_dim3A_493 = vector.broadcast %broadcast_in_dim3A_492 : f32 to vector<16xf32>
        %broadcast_in_dim3A_494 = arith.constant 0.000000e+00 : f32
        %broadcast_in_dim3A_495 = vector.broadcast %broadcast_in_dim3A_494 : f32 to vector<16xf32>
        %broadcast_in_dim3A_496 = arith.constant 0.000000e+00 : f32
        %broadcast_in_dim3A_497 = vector.broadcast %broadcast_in_dim3A_496 : f32 to vector<16xf32>
        %broadcast_in_dim3A_498 = arith.constant 0.000000e+00 : f32
        %broadcast_in_dim3A_499 = vector.broadcast %broadcast_in_dim3A_498 : f32 to vector<16xf32>
        %broadcast_in_dim3A_500 = arith.constant 0.000000e+00 : f32
        %broadcast_in_dim3A_501 = vector.broadcast %broadcast_in_dim3A_500 : f32 to vector<16xf32>
        %broadcast_in_dim3A_502 = arith.constant 0.000000e+00 : f32
        %broadcast_in_dim3A_503 = vector.broadcast %broadcast_in_dim3A_502 : f32 to vector<16xf32>
        %scan3A_504 = arith.constant 0 : i32
        %scan3A_505 = arith.constant 64 : i32
        %scan3A_506 = arith.addi %scan3A_504, %scan3A_505 : i32
        %scan3A_507 = arith.constant 1 : i32
        %scan3A_508:8 = scf.for %scan3A_546 = %scan3A_504 to %scan3A_506 step %scan3A_507 iter_args(%scan3A_547 = %broadcast_in_dim3A_489, %scan3A_548 = %broadcast_in_dim3A_491, %scan3A_549 = %broadcast_in_dim3A_493, %scan3A_550 = %broadcast_in_dim3A_495, %scan3A_551 = %broadcast_in_dim3A_497, %scan3A_552 = %broadcast_in_dim3A_499, %scan3A_553 = %broadcast_in_dim3A_501, %scan3A_554 = %broadcast_in_dim3A_503) -> (vector<16xf32>, vector<16xf32>, vector<16xf32>, vector<16xf32>, vector<16xf32>, vector<16xf32>, vector<16xf32>, vector<16xf32>)  : i32 {
          %broadcast_in_dim3A_555 = vector.broadcast %scan3A_546 : i32 to vector<16xi32>
          %gather3A = tpu.vector_load_idx %arg13[%broadcast_in_dim3A_555] : memref<64xf32, #tpu.memory_space<vmem>>[vector<16xi32>], vector<16xf32>,
          %add3A_556 = arith.constant 0 : i32
          %add3A_557 = arith.addi %add3A_556, %scan3A_546 : i32
          %get3A_558 = arith.index_cast %add3A_557 : i32 to index
          %get3A_559 = arith.constant 0 : index
          %get3A_560 = tpu.vector_load %arg8[%get3A_558, %get3A_559] {strides = array<i32>} : memref<192x128xf32, #tpu.memory_space<vmem>>, vector<16xf32>,
          %mul3A_561 = arith.mulf %scan3A_547, %gather3A : vector<16xf32>
          %add3A_562 = arith.addf %mul3A_561, %get3A_560 : vector<16xf32>
          %swap3A_563 = arith.constant 1 : i32
          %swap3A_564 = arith.index_cast %swap3A_563 : i32 to index
          %swap3A_565 = arith.index_cast %scan3A_546 : i32 to index
          %swap3A_566 = arith.constant 0 : index
          %swap3A_567 = tpu.vector_load %arg10[%swap3A_564, %swap3A_565, %swap3A_566] {strides = array<i32>} : memref<2x64x128xf32, #tpu.memory_space<vmem>>, vector<16xf32>,
          tpu.vector_store %arg10[%swap3A_564, %swap3A_565, %swap3A_566], %add3A_562 {strides = array<i32>} : memref<2x64x128xf32, #tpu.memory_space<vmem>>, vector<16xf32>,
          %add3A_568 = arith.constant 0 : i32
          %add3A_569 = arith.addi %add3A_568, %scan3A_546 : i32
          %get3A_570 = arith.index_cast %add3A_569 : i32 to index
          %get3A_571 = arith.constant 16 : index
          %get3A_572 = tpu.vector_load %arg8[%get3A_570, %get3A_571] {strides = array<i32>} : memref<192x128xf32, #tpu.memory_space<vmem>>, vector<16xf32>,
          %mul3A_573 = arith.mulf %scan3A_548, %gather3A : vector<16xf32>
          %add3A_574 = arith.addf %mul3A_573, %get3A_572 : vector<16xf32>
          %swap3A_575 = arith.constant 1 : i32
          %swap3A_576 = arith.index_cast %swap3A_575 : i32 to index
          %swap3A_577 = arith.index_cast %scan3A_546 : i32 to index
          %swap3A_578 = arith.constant 16 : index
          %swap3A_579 = tpu.vector_load %arg10[%swap3A_576, %swap3A_577, %swap3A_578] {strides = array<i32>} : memref<2x64x128xf32, #tpu.memory_space<vmem>>, vector<16xf32>,
          tpu.vector_store %arg10[%swap3A_576, %swap3A_577, %swap3A_578], %add3A_574 {strides = array<i32>} : memref<2x64x128xf32, #tpu.memory_space<vmem>>, vector<16xf32>,
          %add3A_580 = arith.constant 0 : i32
          %add3A_581 = arith.addi %add3A_580, %scan3A_546 : i32
          %get3A_582 = arith.index_cast %add3A_581 : i32 to index
          %get3A_583 = arith.constant 32 : index
          %get3A_584 = tpu.vector_load %arg8[%get3A_582, %get3A_583] {strides = array<i32>} : memref<192x128xf32, #tpu.memory_space<vmem>>, vector<16xf32>,
          %mul3A_585 = arith.mulf %scan3A_549, %gather3A : vector<16xf32>
          %add3A_586 = arith.addf %mul3A_585, %get3A_584 : vector<16xf32>
          %swap3A_587 = arith.constant 1 : i32
          %swap3A_588 = arith.index_cast %swap3A_587 : i32 to index
          %swap3A_589 = arith.index_cast %scan3A_546 : i32 to index
          %swap3A_590 = arith.constant 32 : index
          %swap3A_591 = tpu.vector_load %arg10[%swap3A_588, %swap3A_589, %swap3A_590] {strides = array<i32>} : memref<2x64x128xf32, #tpu.memory_space<vmem>>, vector<16xf32>,
          tpu.vector_store %arg10[%swap3A_588, %swap3A_589, %swap3A_590], %add3A_586 {strides = array<i32>} : memref<2x64x128xf32, #tpu.memory_space<vmem>>, vector<16xf32>,
          %add3A_592 = arith.constant 0 : i32
          %add3A_593 = arith.addi %add3A_592, %scan3A_546 : i32
          %get3A_594 = arith.index_cast %add3A_593 : i32 to index
          %get3A_595 = arith.constant 48 : index
          %get3A_596 = tpu.vector_load %arg8[%get3A_594, %get3A_595] {strides = array<i32>} : memref<192x128xf32, #tpu.memory_space<vmem>>, vector<16xf32>,
          %mul3A_597 = arith.mulf %scan3A_550, %gather3A : vector<16xf32>
          %add3A_598 = arith.addf %mul3A_597, %get3A_596 : vector<16xf32>
          %swap3A_599 = arith.constant 1 : i32
          %swap3A_600 = arith.index_cast %swap3A_599 : i32 to index
          %swap3A_601 = arith.index_cast %scan3A_546 : i32 to index
          %swap3A_602 = arith.constant 48 : index
          %swap3A_603 = tpu.vector_load %arg10[%swap3A_600, %swap3A_601, %swap3A_602] {strides = array<i32>} : memref<2x64x128xf32, #tpu.memory_space<vmem>>, vector<16xf32>,
          tpu.vector_store %arg10[%swap3A_600, %swap3A_601, %swap3A_602], %add3A_598 {strides = array<i32>} : memref<2x64x128xf32, #tpu.memory_space<vmem>>, vector<16xf32>,
          %add3A_604 = arith.constant 0 : i32
          %add3A_605 = arith.addi %add3A_604, %scan3A_546 : i32
          %get3A_606 = arith.index_cast %add3A_605 : i32 to index
          %get3A_607 = arith.constant 64 : index
          %get3A_608 = tpu.vector_load %arg8[%get3A_606, %get3A_607] {strides = array<i32>} : memref<192x128xf32, #tpu.memory_space<vmem>>, vector<16xf32>,
          %mul3A_609 = arith.mulf %scan3A_551, %gather3A : vector<16xf32>
          %add3A_610 = arith.addf %mul3A_609, %get3A_608 : vector<16xf32>
          %swap3A_611 = arith.constant 1 : i32
          %swap3A_612 = arith.index_cast %swap3A_611 : i32 to index
          %swap3A_613 = arith.index_cast %scan3A_546 : i32 to index
          %swap3A_614 = arith.constant 64 : index
          %swap3A_615 = tpu.vector_load %arg10[%swap3A_612, %swap3A_613, %swap3A_614] {strides = array<i32>} : memref<2x64x128xf32, #tpu.memory_space<vmem>>, vector<16xf32>,
          tpu.vector_store %arg10[%swap3A_612, %swap3A_613, %swap3A_614], %add3A_610 {strides = array<i32>} : memref<2x64x128xf32, #tpu.memory_space<vmem>>, vector<16xf32>,
          %add3A_616 = arith.constant 0 : i32
          %add3A_617 = arith.addi %add3A_616, %scan3A_546 : i32
          %get3A_618 = arith.index_cast %add3A_617 : i32 to index
          %get3A_619 = arith.constant 80 : index
          %get3A_620 = tpu.vector_load %arg8[%get3A_618, %get3A_619] {strides = array<i32>} : memref<192x128xf32, #tpu.memory_space<vmem>>, vector<16xf32>,
          %mul3A_621 = arith.mulf %scan3A_552, %gather3A : vector<16xf32>
          %add3A_622 = arith.addf %mul3A_621, %get3A_620 : vector<16xf32>
          %swap3A_623 = arith.constant 1 : i32
          %swap3A_624 = arith.index_cast %swap3A_623 : i32 to index
          %swap3A_625 = arith.index_cast %scan3A_546 : i32 to index
          %swap3A_626 = arith.constant 80 : index
          %swap3A_627 = tpu.vector_load %arg10[%swap3A_624, %swap3A_625, %swap3A_626] {strides = array<i32>} : memref<2x64x128xf32, #tpu.memory_space<vmem>>, vector<16xf32>,
          tpu.vector_store %arg10[%swap3A_624, %swap3A_625, %swap3A_626], %add3A_622 {strides = array<i32>} : memref<2x64x128xf32, #tpu.memory_space<vmem>>, vector<16xf32>,
          %add3A_628 = arith.constant 0 : i32
          %add3A_629 = arith.addi %add3A_628, %scan3A_546 : i32
          %get3A_630 = arith.index_cast %add3A_629 : i32 to index
          %get3A_631 = arith.constant 96 : index
          %get3A_632 = tpu.vector_load %arg8[%get3A_630, %get3A_631] {strides = array<i32>} : memref<192x128xf32, #tpu.memory_space<vmem>>, vector<16xf32>,
          %mul3A_633 = arith.mulf %scan3A_553, %gather3A : vector<16xf32>
          %add3A_634 = arith.addf %mul3A_633, %get3A_632 : vector<16xf32>
          %swap3A_635 = arith.constant 1 : i32
          %swap3A_636 = arith.index_cast %swap3A_635 : i32 to index
          %swap3A_637 = arith.index_cast %scan3A_546 : i32 to index
          %swap3A_638 = arith.constant 96 : index
          %swap3A_639 = tpu.vector_load %arg10[%swap3A_636, %swap3A_637, %swap3A_638] {strides = array<i32>} : memref<2x64x128xf32, #tpu.memory_space<vmem>>, vector<16xf32>,
          tpu.vector_store %arg10[%swap3A_636, %swap3A_637, %swap3A_638], %add3A_634 {strides = array<i32>} : memref<2x64x128xf32, #tpu.memory_space<vmem>>, vector<16xf32>,
          %add3A_640 = arith.constant 0 : i32
          %add3A_641 = arith.addi %add3A_640, %scan3A_546 : i32
          %get3A_642 = arith.index_cast %add3A_641 : i32 to index
          %get3A_643 = arith.constant 112 : index
          %get3A_644 = tpu.vector_load %arg8[%get3A_642, %get3A_643] {strides = array<i32>} : memref<192x128xf32, #tpu.memory_space<vmem>>, vector<16xf32>,
          %mul3A_645 = arith.mulf %scan3A_554, %gather3A : vector<16xf32>
          %add3A_646 = arith.addf %mul3A_645, %get3A_644 : vector<16xf32>
          %swap3A_647 = arith.constant 1 : i32
          %swap3A_648 = arith.index_cast %swap3A_647 : i32 to index
          %swap3A_649 = arith.index_cast %scan3A_546 : i32 to index
          %swap3A_650 = arith.constant 112 : index
          %swap3A_651 = tpu.vector_load %arg10[%swap3A_648, %swap3A_649, %swap3A_650] {strides = array<i32>} : memref<2x64x128xf32, #tpu.memory_space<vmem>>, vector<16xf32>,
          tpu.vector_store %arg10[%swap3A_648, %swap3A_649, %swap3A_650], %add3A_646 {strides = array<i32>} : memref<2x64x128xf32, #tpu.memory_space<vmem>>, vector<16xf32>,
          scf.yield %add3A_562, %add3A_574, %add3A_586, %add3A_598, %add3A_610, %add3A_622, %add3A_634, %add3A_646 : vector<16xf32>, vector<16xf32>, vector<16xf32>, vector<16xf32>, vector<16xf32>, vector<16xf32>, vector<16xf32>, vector<16xf32>
        }
        %scan3A_509 = arith.constant 64 : i32
        %dma_start3A_510 = arith.constant 1 : i32
        %dma_start3A_511 = arith.constant 1 : i32
        %dma_start3A_512 = arith.constant 1 : i32
        %dma_start3A_513 = arith.constant 0 : i32
        %dma_start3A_514 = arith.constant 0 : i32
        %dma_start3A_515 = tpu.memref_slice %arg10[%dma_start3A_510, %dma_start3A_513, %dma_start3A_514] : memref<2x64x128xf32, #tpu.memory_space<vmem>> -> memref<1x64x128xf32, #tpu.memory_space<vmem>>
        %dma_start3A_516 = tpu.memref_squeeze %dma_start3A_515 : memref<1x64x128xf32, #tpu.memory_space<vmem>> -> memref<64x128xf32, #tpu.memory_space<vmem>>
        %dma_start3A_517 = arith.constant 0 : i32
        %dma_start3A_518 = tpu.memref_slice %arg11[%dma_start3A_511, %dma_start3A_517] : memref<2x64xi32, #tpu.memory_space<vmem>> -> memref<1x64xi32, #tpu.memory_space<vmem>>
        %dma_start3A_519 = tpu.memref_squeeze %dma_start3A_518 : memref<1x64xi32, #tpu.memory_space<vmem>> -> memref<64xi32, #tpu.memory_space<vmem>>
        %dma_start3A_520 = arith.constant 0 : i32
        %dma_start3A_521 = arith.constant 0 : i32
        %dma_start3A_522 = tpu.memref_slice %arg6[%dma_start3A_520, %dma_start3A_521] : memref<10000x128xf32, #tpu.memory_space<vmem_shared>> -> memref<10000x128xf32, #tpu.memory_space<vmem_shared>>
        %dma_start3A_523 = arith.constant -1 : i32
        %dma_start3A_524 = tpu.memref_slice %arg21[%dma_start3A_512] : memref<2x!tpu.dma_semaphore, #tpu.memory_space<semaphore_mem>> -> memref<1x!tpu.dma_semaphore, #tpu.memory_space<semaphore_mem>>
        %dma_start3A_525 = tpu.memref_squeeze %dma_start3A_524 : memref<1x!tpu.dma_semaphore, #tpu.memory_space<semaphore_mem>> -> memref<!tpu.dma_semaphore, #tpu.memory_space<semaphore_mem>>
        tpu.enqueue_indirect_dma source(%dma_start3A_516 : memref<64x128xf32, #tpu.memory_space<vmem>>) target(%dma_start3A_522 : memref<10000x128xf32, #tpu.memory_space<vmem_shared>>) offsets(%dma_start3A_519 : memref<64xi32, #tpu.memory_space<vmem>>) offset_filter(%dma_start3A_523) semaphore(%dma_start3A_525 : memref<!tpu.dma_semaphore, #tpu.memory_space<semaphore_mem>>) {add = true}
        %dma_start3A_526 = arith.constant 1 : i32
        %dma_start3A_527 = arith.constant 1 : i32
        %dma_start3A_528 = arith.constant 0 : i32
        %dma_start3A_529 = tpu.memref_slice %arg11[%dma_start3A_526, %dma_start3A_528] : memref<2x64xi32, #tpu.memory_space<vmem>> -> memref<1x64xi32, #tpu.memory_space<vmem>>
        %dma_start3A_530 = tpu.memref_squeeze %dma_start3A_529 : memref<1x64xi32, #tpu.memory_space<vmem>> -> memref<64xi32, #tpu.memory_space<vmem>>
        %dma_start3A_531 = arith.constant 0 : i32
        %dma_start3A_532 = tpu.memref_slice %arg7[%dma_start3A_531] : memref<10240xf32, #tpu.memory_space<vmem_shared>> -> memref<10240xf32, #tpu.memory_space<vmem_shared>>
        %dma_start3A_533 = arith.constant -1 : i32
        %dma_start3A_534 = tpu.memref_slice %arg21[%dma_start3A_527] : memref<2x!tpu.dma_semaphore, #tpu.memory_space<semaphore_mem>> -> memref<1x!tpu.dma_semaphore, #tpu.memory_space<semaphore_mem>>
        %dma_start3A_535 = tpu.memref_squeeze %dma_start3A_534 : memref<1x!tpu.dma_semaphore, #tpu.memory_space<semaphore_mem>> -> memref<!tpu.dma_semaphore, #tpu.memory_space<semaphore_mem>>
        tpu.enqueue_indirect_dma source(%arg14 : memref<64xf32, #tpu.memory_space<vmem>>) target(%dma_start3A_532 : memref<10240xf32, #tpu.memory_space<vmem_shared>>) offsets(%dma_start3A_530 : memref<64xi32, #tpu.memory_space<vmem>>) offset_filter(%dma_start3A_533) semaphore(%dma_start3A_535 : memref<!tpu.dma_semaphore, #tpu.memory_space<semaphore_mem>>) {add = true}
        %dma_start3A_536 = arith.constant 1 : i32
        %dma_start3A_537 = arith.constant 1 : i32
        %dma_start3A_538 = arith.constant 0 : i32
        %dma_start3A_539 = tpu.memref_slice %arg12[%dma_start3A_536, %dma_start3A_538] : memref<2x64xi32, #tpu.memory_space<vmem>> -> memref<1x64xi32, #tpu.memory_space<vmem>>
        %dma_start3A_540 = tpu.memref_squeeze %dma_start3A_539 : memref<1x64xi32, #tpu.memory_space<vmem>> -> memref<64xi32, #tpu.memory_space<vmem>>
        %dma_start3A_541 = arith.constant 0 : i32
        %dma_start3A_542 = tpu.memref_slice %arg7[%dma_start3A_541] : memref<10240xf32, #tpu.memory_space<vmem_shared>> -> memref<10240xf32, #tpu.memory_space<vmem_shared>>
        %dma_start3A_543 = arith.constant -1 : i32
        %dma_start3A_544 = tpu.memref_slice %arg21[%dma_start3A_537] : memref<2x!tpu.dma_semaphore, #tpu.memory_space<semaphore_mem>> -> memref<1x!tpu.dma_semaphore, #tpu.memory_space<semaphore_mem>>
        %dma_start3A_545 = tpu.memref_squeeze %dma_start3A_544 : memref<1x!tpu.dma_semaphore, #tpu.memory_space<semaphore_mem>> -> memref<!tpu.dma_semaphore, #tpu.memory_space<semaphore_mem>>
        tpu.enqueue_indirect_dma source(%arg15 : memref<64xf32, #tpu.memory_space<vmem>>) target(%dma_start3A_542 : memref<10240xf32, #tpu.memory_space<vmem_shared>>) offsets(%dma_start3A_540 : memref<64xi32, #tpu.memory_space<vmem>>) offset_filter(%dma_start3A_543) semaphore(%dma_start3A_545 : memref<!tpu.dma_semaphore, #tpu.memory_space<semaphore_mem>>) {add = true}
      } else {
      }
      %mul3A_285 = arith.constant 6 : i32
      %mul3A_286 = arith.muli %scan3A_189, %mul3A_285 : i32
      %add3A_287 = arith.constant 4 : i32
      %add3A_288 = arith.addi %mul3A_286, %add3A_287 : i32
      %ge3A_289 = arith.constant 2 : i32
      %ge3A_290 = arith.cmpi sge, %add3A_288, %ge3A_289 : i32
      %lt3A_291 = arith.constant 158 : i32
      %lt3A_292 = arith.cmpi slt, %add3A_288, %lt3A_291 : i32
      %and3A_293 = arith.andi %ge3A_290, %lt3A_292 : i1
      %convert_element_type3A_294 = arith.extui %and3A_293 : i1 to i32
      %cond3A_295 = arith.constant 0 : i32
      %cond3A_296 = arith.cmpi ne, %convert_element_type3A_294, %cond3A_295 : i32
      scf.if %cond3A_296 {
        %dma_wait3A = arith.constant 0 : i32
        %dma_wait3A_333 = arith.constant 0 : i32
        %dma_wait3A_334 = arith.constant 0 : i32
        %dma_wait3A_335 = arith.constant 0 : i32
        %dma_wait3A_336 = arith.constant 0 : i32
        %dma_wait3A_337 = tpu.memref_slice %arg10[%dma_wait3A, %dma_wait3A_335, %dma_wait3A_336] : memref<2x64x128xf32, #tpu.memory_space<vmem>> -> memref<1x64x128xf32, #tpu.memory_space<vmem>>
        %dma_wait3A_338 = tpu.memref_squeeze %dma_wait3A_337 : memref<1x64x128xf32, #tpu.memory_space<vmem>> -> memref<64x128xf32, #tpu.memory_space<vmem>>
        %dma_wait3A_339 = arith.constant 0 : i32
        %dma_wait3A_340 = tpu.memref_slice %arg11[%dma_wait3A_333, %dma_wait3A_339] : memref<2x64xi32, #tpu.memory_space<vmem>> -> memref<1x64xi32, #tpu.memory_space<vmem>>
        %dma_wait3A_341 = tpu.memref_squeeze %dma_wait3A_340 : memref<1x64xi32, #tpu.memory_space<vmem>> -> memref<64xi32, #tpu.memory_space<vmem>>
        %dma_wait3A_342 = arith.constant 0 : i32
        %dma_wait3A_343 = arith.constant 0 : i32
        %dma_wait3A_344 = tpu.memref_slice %arg6[%dma_wait3A_342, %dma_wait3A_343] : memref<10000x128xf32, #tpu.memory_space<vmem_shared>> -> memref<10000x128xf32, #tpu.memory_space<vmem_shared>>
        %dma_wait3A_345 = tpu.memref_slice %arg21[%dma_wait3A_334] : memref<2x!tpu.dma_semaphore, #tpu.memory_space<semaphore_mem>> -> memref<1x!tpu.dma_semaphore, #tpu.memory_space<semaphore_mem>>
        %dma_wait3A_346 = tpu.memref_squeeze %dma_wait3A_345 : memref<1x!tpu.dma_semaphore, #tpu.memory_space<semaphore_mem>> -> memref<!tpu.dma_semaphore, #tpu.memory_space<semaphore_mem>>
        tpu.wait_indirect_dma semaphore(%dma_wait3A_346 : memref<!tpu.dma_semaphore, #tpu.memory_space<semaphore_mem>>) src(%dma_wait3A_338 : memref<64x128xf32, #tpu.memory_space<vmem>>) dst(%dma_wait3A_344 : memref<10000x128xf32, #tpu.memory_space<vmem_shared>>)
        %dma_wait3A_347 = arith.constant 0 : i32
        %dma_wait3A_348 = arith.constant 0 : i32
        %dma_wait3A_349 = arith.constant 0 : i32
        %dma_wait3A_350 = tpu.memref_slice %arg11[%dma_wait3A_347, %dma_wait3A_349] : memref<2x64xi32, #tpu.memory_space<vmem>> -> memref<1x64xi32, #tpu.memory_space<vmem>>
        %dma_wait3A_351 = tpu.memref_squeeze %dma_wait3A_350 : memref<1x64xi32, #tpu.memory_space<vmem>> -> memref<64xi32, #tpu.memory_space<vmem>>
        %dma_wait3A_352 = arith.constant 0 : i32
        %dma_wait3A_353 = tpu.memref_slice %arg7[%dma_wait3A_352] : memref<10240xf32, #tpu.memory_space<vmem_shared>> -> memref<10240xf32, #tpu.memory_space<vmem_shared>>
        %dma_wait3A_354 = tpu.memref_slice %arg21[%dma_wait3A_348] : memref<2x!tpu.dma_semaphore, #tpu.memory_space<semaphore_mem>> -> memref<1x!tpu.dma_semaphore, #tpu.memory_space<semaphore_mem>>
        %dma_wait3A_355 = tpu.memref_squeeze %dma_wait3A_354 : memref<1x!tpu.dma_semaphore, #tpu.memory_space<semaphore_mem>> -> memref<!tpu.dma_semaphore, #tpu.memory_space<semaphore_mem>>
        tpu.wait_indirect_dma semaphore(%dma_wait3A_355 : memref<!tpu.dma_semaphore, #tpu.memory_space<semaphore_mem>>) src(%arg14 : memref<64xf32, #tpu.memory_space<vmem>>) dst(%dma_wait3A_353 : memref<10240xf32, #tpu.memory_space<vmem_shared>>)
        %dma_wait3A_356 = arith.constant 0 : i32
        %dma_wait3A_357 = arith.constant 0 : i32
        %dma_wait3A_358 = arith.constant 0 : i32
        %dma_wait3A_359 = tpu.memref_slice %arg12[%dma_wait3A_356, %dma_wait3A_358] : memref<2x64xi32, #tpu.memory_space<vmem>> -> memref<1x64xi32, #tpu.memory_space<vmem>>
        %dma_wait3A_360 = tpu.memref_squeeze %dma_wait3A_359 : memref<1x64xi32, #tpu.memory_space<vmem>> -> memref<64xi32, #tpu.memory_space<vmem>>
        %dma_wait3A_361 = arith.constant 0 : i32
        %dma_wait3A_362 = tpu.memref_slice %arg7[%dma_wait3A_361] : memref<10240xf32, #tpu.memory_space<vmem_shared>> -> memref<10240xf32, #tpu.memory_space<vmem_shared>>
        %dma_wait3A_363 = tpu.memref_slice %arg21[%dma_wait3A_357] : memref<2x!tpu.dma_semaphore, #tpu.memory_space<semaphore_mem>> -> memref<1x!tpu.dma_semaphore, #tpu.memory_space<semaphore_mem>>
        %dma_wait3A_364 = tpu.memref_squeeze %dma_wait3A_363 : memref<1x!tpu.dma_semaphore, #tpu.memory_space<semaphore_mem>> -> memref<!tpu.dma_semaphore, #tpu.memory_space<semaphore_mem>>
        tpu.wait_indirect_dma semaphore(%dma_wait3A_364 : memref<!tpu.dma_semaphore, #tpu.memory_space<semaphore_mem>>) src(%arg15 : memref<64xf32, #tpu.memory_space<vmem>>) dst(%dma_wait3A_362 : memref<10240xf32, #tpu.memory_space<vmem_shared>>)
      } else {
      }
      %add3A_297 = arith.constant 2 : i32
      %add3A_298 = arith.addi %add3A_288, %add3A_297 : i32
      %lt3A_299 = arith.constant 156 : i32
      %lt3A_300 = arith.cmpi slt, %add3A_298, %lt3A_299 : i32
      %convert_element_type3A_301 = arith.extui %lt3A_300 : i1 to i32
      %cond3A_302 = arith.constant 0 : i32
      %cond3A_303 = arith.cmpi ne, %convert_element_type3A_301, %cond3A_302 : i32
      scf.if %cond3A_303 {
        %add3A_333 = arith.constant 2 : i32
        %add3A_334 = arith.addi %add3A_288, %add3A_333 : i32
        %mul3A_335 = arith.constant 64 : i32
        %mul3A_336 = arith.muli %add3A_334, %mul3A_335 : i32
        %add3A_337 = arith.addi %add3A, %mul3A_336 : i32
        %dma_start3A_338 = arith.constant 0 : i32
        %dma_start3A_339 = arith.constant 0 : i32
        %dma_start3A_340 = arith.constant 0 : i32
        %dma_start3A_341 = tpu.memref_slice %arg8[%dma_start3A_339, %dma_start3A_340] : memref<192x128xf32, #tpu.memory_space<vmem>> -> memref<64x128xf32, #tpu.memory_space<vmem>>
        %dma_start3A_342 = arith.constant 0 : i32
        %dma_start3A_343 = tpu.memref_slice %arg2[%add3A_337, %dma_start3A_342] : memref<320000x128xf32, #tpu.memory_space<hbm>> -> memref<64x128xf32, #tpu.memory_space<hbm>>
        %dma_start3A_344 = tpu.memref_slice %arg20[%dma_start3A_338] : memref<3x!tpu.dma_semaphore, #tpu.memory_space<semaphore_mem>> -> memref<1x!tpu.dma_semaphore, #tpu.memory_space<semaphore_mem>>
        %dma_start3A_345 = tpu.memref_squeeze %dma_start3A_344 : memref<1x!tpu.dma_semaphore, #tpu.memory_space<semaphore_mem>> -> memref<!tpu.dma_semaphore, #tpu.memory_space<semaphore_mem>>
        %dma_start3A_346 = arith.constant 0 : i32
        %dma_start3A_347 = arith.constant 0 : i32
        %dma_start3A_348 = tpu.memref_slice %arg8[%dma_start3A_346, %dma_start3A_347] : memref<192x128xf32, #tpu.memory_space<vmem>> -> memref<64x128xf32, #tpu.memory_space<vmem>>
        %dma_start3A_349 = arith.constant 0 : i32
        %dma_start3A_350 = tpu.memref_slice %arg2[%add3A_337, %dma_start3A_349] : memref<320000x128xf32, #tpu.memory_space<hbm>> -> memref<64x128xf32, #tpu.memory_space<hbm>>
        tpu.enqueue_dma source(%dma_start3A_350 : memref<64x128xf32, #tpu.memory_space<hbm>>) target(%dma_start3A_348 : memref<64x128xf32, #tpu.memory_space<vmem>>) target_semaphore(%dma_start3A_345 : memref<!tpu.dma_semaphore, #tpu.memory_space<semaphore_mem>>)
        %dma_start3A_351 = arith.constant 0 : i32
        %dma_start3A_352 = arith.constant 0 : i32
        %dma_start3A_353 = arith.constant 8 : i32
        %dma_start3A_354 = tpu.memref_slice %arg9[%dma_start3A_351, %dma_start3A_353] : memref<3x80xi32, #tpu.memory_space<vmem>> -> memref<1x64xi32, #tpu.memory_space<vmem>>
        %dma_start3A_355 = tpu.memref_squeeze %dma_start3A_354 : memref<1x64xi32, #tpu.memory_space<vmem>> -> memref<64xi32, #tpu.memory_space<vmem>>
        %dma_start3A_356 = tpu.memref_slice %arg3[%add3A_337] : memref<320000xi32, #tpu.memory_space<hbm>> -> memref<64xi32, #tpu.memory_space<hbm>>
        %dma_start3A_357 = tpu.memref_slice %arg20[%dma_start3A_352] : memref<3x!tpu.dma_semaphore, #tpu.memory_space<semaphore_mem>> -> memref<1x!tpu.dma_semaphore, #tpu.memory_space<semaphore_mem>>
        %dma_start3A_358 = tpu.memref_squeeze %dma_start3A_357 : memref<1x!tpu.dma_semaphore, #tpu.memory_space<semaphore_mem>> -> memref<!tpu.dma_semaphore, #tpu.memory_space<semaphore_mem>>
        %dma_start3A_359 = arith.constant 8 : i32
        %dma_start3A_360 = tpu.memref_slice %arg9[%dma_start3A_351, %dma_start3A_359] : memref<3x80xi32, #tpu.memory_space<vmem>> -> memref<1x64xi32, #tpu.memory_space<vmem>>
        %dma_start3A_361 = tpu.memref_squeeze %dma_start3A_360 : memref<1x64xi32, #tpu.memory_space<vmem>> -> memref<64xi32, #tpu.memory_space<vmem>>
        %dma_start3A_362 = tpu.memref_slice %arg3[%add3A_337] : memref<320000xi32, #tpu.memory_space<hbm>> -> memref<64xi32, #tpu.memory_space<hbm>>
        tpu.enqueue_dma source(%dma_start3A_362 : memref<64xi32, #tpu.memory_space<hbm>>) target(%dma_start3A_361 : memref<64xi32, #tpu.memory_space<vmem>>) target_semaphore(%dma_start3A_358 : memref<!tpu.dma_semaphore, #tpu.memory_space<semaphore_mem>>)
      } else {
      }
      %lt3A_304 = arith.constant 156 : i32
      %lt3A_305 = arith.cmpi slt, %add3A_288, %lt3A_304 : i32
      %convert_element_type3A_306 = arith.extui %lt3A_305 : i1 to i32
      %cond3A_307 = arith.constant 0 : i32
      %cond3A_308 = arith.cmpi ne, %convert_element_type3A_306, %cond3A_307 : i32
      scf.if %cond3A_308 {
        %dma_wait3A = arith.constant 1 : i32
        %dma_wait3A_333 = arith.constant 64 : i32
        %dma_wait3A_334 = arith.constant 0 : i32
        %dma_wait3A_335 = tpu.memref_slice %arg8[%dma_wait3A_333, %dma_wait3A_334] : memref<192x128xf32, #tpu.memory_space<vmem>> -> memref<64x128xf32, #tpu.memory_space<vmem>>
        %dma_wait3A_336 = arith.constant 0 : i32
        %dma_wait3A_337 = arith.constant 0 : i32
        %dma_wait3A_338 = tpu.memref_slice %arg2[%dma_wait3A_336, %dma_wait3A_337] : memref<320000x128xf32, #tpu.memory_space<hbm>> -> memref<64x128xf32, #tpu.memory_space<hbm>>
        %dma_wait3A_339 = tpu.memref_slice %arg20[%dma_wait3A] : memref<3x!tpu.dma_semaphore, #tpu.memory_space<semaphore_mem>> -> memref<1x!tpu.dma_semaphore, #tpu.memory_space<semaphore_mem>>
        %dma_wait3A_340 = tpu.memref_squeeze %dma_wait3A_339 : memref<1x!tpu.dma_semaphore, #tpu.memory_space<semaphore_mem>> -> memref<!tpu.dma_semaphore, #tpu.memory_space<semaphore_mem>>
        %dma_wait3A_341 = arith.constant 64 : i32
        %dma_wait3A_342 = arith.constant 0 : i32
        %dma_wait3A_343 = tpu.memref_slice %arg8[%dma_wait3A_341, %dma_wait3A_342] : memref<192x128xf32, #tpu.memory_space<vmem>> -> memref<64x128xf32, #tpu.memory_space<vmem>>
        %dma_wait3A_344 = arith.constant 0 : i32
        %dma_wait3A_345 = arith.constant 0 : i32
        %dma_wait3A_346 = tpu.memref_slice %arg2[%dma_wait3A_344, %dma_wait3A_345] : memref<320000x128xf32, #tpu.memory_space<hbm>> -> memref<64x128xf32, #tpu.memory_space<hbm>>
        tpu.wait_dma2 semaphore(%dma_wait3A_340 : memref<!tpu.dma_semaphore, #tpu.memory_space<semaphore_mem>>) src(%dma_wait3A_346 : memref<64x128xf32, #tpu.memory_space<hbm>>) dst(%dma_wait3A_343 : memref<64x128xf32, #tpu.memory_space<vmem>>)
        %dma_wait3A_347 = arith.constant 1 : i32
        %dma_wait3A_348 = arith.constant 1 : i32
        %dma_wait3A_349 = arith.constant 8 : i32
        %dma_wait3A_350 = tpu.memref_slice %arg9[%dma_wait3A_347, %dma_wait3A_349] : memref<3x80xi32, #tpu.memory_space<vmem>> -> memref<1x64xi32, #tpu.memory_space<vmem>>
        %dma_wait3A_351 = tpu.memref_squeeze %dma_wait3A_350 : memref<1x64xi32, #tpu.memory_space<vmem>> -> memref<64xi32, #tpu.memory_space<vmem>>
        %dma_wait3A_352 = arith.constant 0 : i32
        %dma_wait3A_353 = tpu.memref_slice %arg3[%dma_wait3A_352] : memref<320000xi32, #tpu.memory_space<hbm>> -> memref<64xi32, #tpu.memory_space<hbm>>
        %dma_wait3A_354 = tpu.memref_slice %arg20[%dma_wait3A_348] : memref<3x!tpu.dma_semaphore, #tpu.memory_space<semaphore_mem>> -> memref<1x!tpu.dma_semaphore, #tpu.memory_space<semaphore_mem>>
        %dma_wait3A_355 = tpu.memref_squeeze %dma_wait3A_354 : memref<1x!tpu.dma_semaphore, #tpu.memory_space<semaphore_mem>> -> memref<!tpu.dma_semaphore, #tpu.memory_space<semaphore_mem>>
        %dma_wait3A_356 = arith.constant 8 : i32
        %dma_wait3A_357 = tpu.memref_slice %arg9[%dma_wait3A_347, %dma_wait3A_356] : memref<3x80xi32, #tpu.memory_space<vmem>> -> memref<1x64xi32, #tpu.memory_space<vmem>>
        %dma_wait3A_358 = tpu.memref_squeeze %dma_wait3A_357 : memref<1x64xi32, #tpu.memory_space<vmem>> -> memref<64xi32, #tpu.memory_space<vmem>>
        %dma_wait3A_359 = arith.constant 0 : i32
        %dma_wait3A_360 = tpu.memref_slice %arg3[%dma_wait3A_359] : memref<320000xi32, #tpu.memory_space<hbm>> -> memref<64xi32, #tpu.memory_space<hbm>>
        tpu.wait_dma2 semaphore(%dma_wait3A_355 : memref<!tpu.dma_semaphore, #tpu.memory_space<semaphore_mem>>) src(%dma_wait3A_360 : memref<64xi32, #tpu.memory_space<hbm>>) dst(%dma_wait3A_358 : memref<64xi32, #tpu.memory_space<vmem>>)
        %get3A_361 = arith.constant 1 : i32
        %get3A_362 = arith.index_cast %get3A_361 : i32 to index
        %get3A_363 = arith.constant 8 : index
        %get3A_364 = tpu.vector_load %arg9[%get3A_362, %get3A_363] {strides = array<i32>} : memref<3x80xi32, #tpu.memory_space<vmem>>, vector<16xi32>,
        %get3A_365 = arith.constant 1 : i32
        %get3A_366 = arith.index_cast %get3A_365 : i32 to index
        %get3A_367 = arith.constant 7 : index
        %get3A_368 = tpu.vector_load %arg9[%get3A_366, %get3A_367] {strides = array<i32>} : memref<3x80xi32, #tpu.memory_space<vmem>>, vector<16xi32>,
        %get3A_369 = arith.constant 1 : i32
        %get3A_370 = arith.index_cast %get3A_369 : i32 to index
        %get3A_371 = arith.constant 9 : index
        %get3A_372 = tpu.vector_load %arg9[%get3A_370, %get3A_371] {strides = array<i32>} : memref<3x80xi32, #tpu.memory_space<vmem>>, vector<16xi32>,
        %eq3A_373 = arith.cmpi eq, %get3A_364, %get3A_368 : vector<16xi32>
        %and3A_374 = arith.andi %eq3A_373, %ne3A_5 : vector<16xi1>
        %jit3A_375 = arith.constant 1.000000e+00 : f32
        %jit3A_376 = arith.constant 0.000000e+00 : f32
        %broadcast_in_dim3A_377 = vector.broadcast %jit3A_375 : f32 to vector<16xf32>
        %broadcast_in_dim3A_378 = vector.broadcast %jit3A_376 : f32 to vector<16xf32>
        %select_n3A_379 = arith.select %and3A_374, %broadcast_in_dim3A_377, %broadcast_in_dim3A_378 : vector<16xi1>, vector<16xf32>
        %swap3A_380 = arith.constant 0 : index
        %swap3A_381 = tpu.vector_load %arg13[%swap3A_380] {strides = array<i32>} : memref<64xf32, #tpu.memory_space<vmem>>, vector<16xf32>,
        tpu.vector_store %arg13[%swap3A_380], %select_n3A_379 {strides = array<i32>} : memref<64xf32, #tpu.memory_space<vmem>>, vector<16xf32>,
        %ne3A_382 = arith.cmpi ne, %get3A_364, %get3A_372 : vector<16xi32>
        %select_n3A_383 = arith.select %ne3A_382, %get3A_364, %broadcast_in_dim3A_9 : vector<16xi1>, vector<16xi32>
        %swap3A_384 = arith.constant 0 : i32
        %swap3A_385 = arith.index_cast %swap3A_384 : i32 to index
        %swap3A_386 = arith.constant 0 : index
        %swap3A_387 = tpu.vector_load %arg11[%swap3A_385, %swap3A_386] {strides = array<i32>} : memref<2x64xi32, #tpu.memory_space<vmem>>, vector<16xi32>,
        tpu.vector_store %arg11[%swap3A_385, %swap3A_386], %select_n3A_383 {strides = array<i32>} : memref<2x64xi32, #tpu.memory_space<vmem>>, vector<16xi32>,
        %select_n3A_388 = arith.select %ne3A_382, %get3A_372, %broadcast_in_dim3A_9 : vector<16xi1>, vector<16xi32>
        %swap3A_389 = arith.constant 0 : i32
        %swap3A_390 = arith.index_cast %swap3A_389 : i32 to index
        %swap3A_391 = arith.constant 0 : index
        %swap3A_392 = tpu.vector_load %arg12[%swap3A_390, %swap3A_391] {strides = array<i32>} : memref<2x64xi32, #tpu.memory_space<vmem>>, vector<16xi32>,
        tpu.vector_store %arg12[%swap3A_390, %swap3A_391], %select_n3A_388 {strides = array<i32>} : memref<2x64xi32, #tpu.memory_space<vmem>>, vector<16xi32>,
        %get3A_393 = arith.constant 1 : i32
        %get3A_394 = arith.index_cast %get3A_393 : i32 to index
        %get3A_395 = arith.constant 24 : index
        %get3A_396 = tpu.vector_load %arg9[%get3A_394, %get3A_395] {strides = array<i32>} : memref<3x80xi32, #tpu.memory_space<vmem>>, vector<16xi32>,
        %get3A_397 = arith.constant 1 : i32
        %get3A_398 = arith.index_cast %get3A_397 : i32 to index
        %get3A_399 = arith.constant 23 : index
        %get3A_400 = tpu.vector_load %arg9[%get3A_398, %get3A_399] {strides = array<i32>} : memref<3x80xi32, #tpu.memory_space<vmem>>, vector<16xi32>,
        %get3A_401 = arith.constant 1 : i32
        %get3A_402 = arith.index_cast %get3A_401 : i32 to index
        %get3A_403 = arith.constant 25 : index
        %get3A_404 = tpu.vector_load %arg9[%get3A_402, %get3A_403] {strides = array<i32>} : memref<3x80xi32, #tpu.memory_space<vmem>>, vector<16xi32>,
        %eq3A_405 = arith.cmpi eq, %get3A_396, %get3A_400 : vector<16xi32>
        %jit3A_406 = arith.constant 1.000000e+00 : f32
        %jit3A_407 = arith.constant 0.000000e+00 : f32
        %broadcast_in_dim3A_408 = vector.broadcast %jit3A_406 : f32 to vector<16xf32>
        %broadcast_in_dim3A_409 = vector.broadcast %jit3A_407 : f32 to vector<16xf32>
        %select_n3A_410 = arith.select %eq3A_405, %broadcast_in_dim3A_408, %broadcast_in_dim3A_409 : vector<16xi1>, vector<16xf32>
        %swap3A_411 = arith.constant 16 : index
        %swap3A_412 = tpu.vector_load %arg13[%swap3A_411] {strides = array<i32>} : memref<64xf32, #tpu.memory_space<vmem>>, vector<16xf32>,
        tpu.vector_store %arg13[%swap3A_411], %select_n3A_410 {strides = array<i32>} : memref<64xf32, #tpu.memory_space<vmem>>, vector<16xf32>,
        %ne3A_413 = arith.cmpi ne, %get3A_396, %get3A_404 : vector<16xi32>
        %select_n3A_414 = arith.select %ne3A_413, %get3A_396, %broadcast_in_dim3A_9 : vector<16xi1>, vector<16xi32>
        %swap3A_415 = arith.constant 0 : i32
        %swap3A_416 = arith.index_cast %swap3A_415 : i32 to index
        %swap3A_417 = arith.constant 16 : index
        %swap3A_418 = tpu.vector_load %arg11[%swap3A_416, %swap3A_417] {strides = array<i32>} : memref<2x64xi32, #tpu.memory_space<vmem>>, vector<16xi32>,
        tpu.vector_store %arg11[%swap3A_416, %swap3A_417], %select_n3A_414 {strides = array<i32>} : memref<2x64xi32, #tpu.memory_space<vmem>>, vector<16xi32>,
        %select_n3A_419 = arith.select %ne3A_413, %get3A_404, %broadcast_in_dim3A_9 : vector<16xi1>, vector<16xi32>
        %swap3A_420 = arith.constant 0 : i32
        %swap3A_421 = arith.index_cast %swap3A_420 : i32 to index
        %swap3A_422 = arith.constant 16 : index
        %swap3A_423 = tpu.vector_load %arg12[%swap3A_421, %swap3A_422] {strides = array<i32>} : memref<2x64xi32, #tpu.memory_space<vmem>>, vector<16xi32>,
        tpu.vector_store %arg12[%swap3A_421, %swap3A_422], %select_n3A_419 {strides = array<i32>} : memref<2x64xi32, #tpu.memory_space<vmem>>, vector<16xi32>,
        %get3A_424 = arith.constant 1 : i32
        %get3A_425 = arith.index_cast %get3A_424 : i32 to index
        %get3A_426 = arith.constant 40 : index
        %get3A_427 = tpu.vector_load %arg9[%get3A_425, %get3A_426] {strides = array<i32>} : memref<3x80xi32, #tpu.memory_space<vmem>>, vector<16xi32>,
        %get3A_428 = arith.constant 1 : i32
        %get3A_429 = arith.index_cast %get3A_428 : i32 to index
        %get3A_430 = arith.constant 39 : index
        %get3A_431 = tpu.vector_load %arg9[%get3A_429, %get3A_430] {strides = array<i32>} : memref<3x80xi32, #tpu.memory_space<vmem>>, vector<16xi32>,
        %get3A_432 = arith.constant 1 : i32
        %get3A_433 = arith.index_cast %get3A_432 : i32 to index
        %get3A_434 = arith.constant 41 : index
        %get3A_435 = tpu.vector_load %arg9[%get3A_433, %get3A_434] {strides = array<i32>} : memref<3x80xi32, #tpu.memory_space<vmem>>, vector<16xi32>,
        %eq3A_436 = arith.cmpi eq, %get3A_427, %get3A_431 : vector<16xi32>
        %jit3A_437 = arith.constant 1.000000e+00 : f32
        %jit3A_438 = arith.constant 0.000000e+00 : f32
        %broadcast_in_dim3A_439 = vector.broadcast %jit3A_437 : f32 to vector<16xf32>
        %broadcast_in_dim3A_440 = vector.broadcast %jit3A_438 : f32 to vector<16xf32>
        %select_n3A_441 = arith.select %eq3A_436, %broadcast_in_dim3A_439, %broadcast_in_dim3A_440 : vector<16xi1>, vector<16xf32>
        %swap3A_442 = arith.constant 32 : index
        %swap3A_443 = tpu.vector_load %arg13[%swap3A_442] {strides = array<i32>} : memref<64xf32, #tpu.memory_space<vmem>>, vector<16xf32>,
        tpu.vector_store %arg13[%swap3A_442], %select_n3A_441 {strides = array<i32>} : memref<64xf32, #tpu.memory_space<vmem>>, vector<16xf32>,
        %ne3A_444 = arith.cmpi ne, %get3A_427, %get3A_435 : vector<16xi32>
        %select_n3A_445 = arith.select %ne3A_444, %get3A_427, %broadcast_in_dim3A_9 : vector<16xi1>, vector<16xi32>
        %swap3A_446 = arith.constant 0 : i32
        %swap3A_447 = arith.index_cast %swap3A_446 : i32 to index
        %swap3A_448 = arith.constant 32 : index
        %swap3A_449 = tpu.vector_load %arg11[%swap3A_447, %swap3A_448] {strides = array<i32>} : memref<2x64xi32, #tpu.memory_space<vmem>>, vector<16xi32>,
        tpu.vector_store %arg11[%swap3A_447, %swap3A_448], %select_n3A_445 {strides = array<i32>} : memref<2x64xi32, #tpu.memory_space<vmem>>, vector<16xi32>,
        %select_n3A_450 = arith.select %ne3A_444, %get3A_435, %broadcast_in_dim3A_9 : vector<16xi1>, vector<16xi32>
        %swap3A_451 = arith.constant 0 : i32
        %swap3A_452 = arith.index_cast %swap3A_451 : i32 to index
        %swap3A_453 = arith.constant 32 : index
        %swap3A_454 = tpu.vector_load %arg12[%swap3A_452, %swap3A_453] {strides = array<i32>} : memref<2x64xi32, #tpu.memory_space<vmem>>, vector<16xi32>,
        tpu.vector_store %arg12[%swap3A_452, %swap3A_453], %select_n3A_450 {strides = array<i32>} : memref<2x64xi32, #tpu.memory_space<vmem>>, vector<16xi32>,
        %get3A_455 = arith.constant 1 : i32
        %get3A_456 = arith.index_cast %get3A_455 : i32 to index
        %get3A_457 = arith.constant 56 : index
        %get3A_458 = tpu.vector_load %arg9[%get3A_456, %get3A_457] {strides = array<i32>} : memref<3x80xi32, #tpu.memory_space<vmem>>, vector<16xi32>,
        %get3A_459 = arith.constant 1 : i32
        %get3A_460 = arith.index_cast %get3A_459 : i32 to index
        %get3A_461 = arith.constant 55 : index
        %get3A_462 = tpu.vector_load %arg9[%get3A_460, %get3A_461] {strides = array<i32>} : memref<3x80xi32, #tpu.memory_space<vmem>>, vector<16xi32>,
        %get3A_463 = arith.constant 1 : i32
        %get3A_464 = arith.index_cast %get3A_463 : i32 to index
        %get3A_465 = arith.constant 57 : index
        %get3A_466 = tpu.vector_load %arg9[%get3A_464, %get3A_465] {strides = array<i32>} : memref<3x80xi32, #tpu.memory_space<vmem>>, vector<16xi32>,
        %eq3A_467 = arith.cmpi eq, %get3A_458, %get3A_462 : vector<16xi32>
        %jit3A_468 = arith.constant 1.000000e+00 : f32
        %jit3A_469 = arith.constant 0.000000e+00 : f32
        %broadcast_in_dim3A_470 = vector.broadcast %jit3A_468 : f32 to vector<16xf32>
        %broadcast_in_dim3A_471 = vector.broadcast %jit3A_469 : f32 to vector<16xf32>
        %select_n3A_472 = arith.select %eq3A_467, %broadcast_in_dim3A_470, %broadcast_in_dim3A_471 : vector<16xi1>, vector<16xf32>
        %swap3A_473 = arith.constant 48 : index
        %swap3A_474 = tpu.vector_load %arg13[%swap3A_473] {strides = array<i32>} : memref<64xf32, #tpu.memory_space<vmem>>, vector<16xf32>,
        tpu.vector_store %arg13[%swap3A_473], %select_n3A_472 {strides = array<i32>} : memref<64xf32, #tpu.memory_space<vmem>>, vector<16xf32>,
        %ne3A_475 = arith.cmpi ne, %get3A_458, %get3A_466 : vector<16xi32>
        %or3A_476 = arith.ori %ne3A_475, %eq3A_7 : vector<16xi1>
        %select_n3A_477 = arith.select %or3A_476, %get3A_458, %broadcast_in_dim3A_9 : vector<16xi1>, vector<16xi32>
        %swap3A_478 = arith.constant 0 : i32
        %swap3A_479 = arith.index_cast %swap3A_478 : i32 to index
        %swap3A_480 = arith.constant 48 : index
        %swap3A_481 = tpu.vector_load %arg11[%swap3A_479, %swap3A_480] {strides = array<i32>} : memref<2x64xi32, #tpu.memory_space<vmem>>, vector<16xi32>,
        tpu.vector_store %arg11[%swap3A_479, %swap3A_480], %select_n3A_477 {strides = array<i32>} : memref<2x64xi32, #tpu.memory_space<vmem>>, vector<16xi32>,
        %select_n3A_482 = arith.select %or3A_476, %get3A_466, %broadcast_in_dim3A_9 : vector<16xi1>, vector<16xi32>
        %select_n3A_483 = arith.select %eq3A_7, %broadcast_in_dim3A_9, %select_n3A_482 : vector<16xi1>, vector<16xi32>
        %swap3A_484 = arith.constant 0 : i32
        %swap3A_485 = arith.index_cast %swap3A_484 : i32 to index
        %swap3A_486 = arith.constant 48 : index
        %swap3A_487 = tpu.vector_load %arg12[%swap3A_485, %swap3A_486] {strides = array<i32>} : memref<2x64xi32, #tpu.memory_space<vmem>>, vector<16xi32>,
        tpu.vector_store %arg12[%swap3A_485, %swap3A_486], %select_n3A_483 {strides = array<i32>} : memref<2x64xi32, #tpu.memory_space<vmem>>, vector<16xi32>,
        %broadcast_in_dim3A_488 = arith.constant 0.000000e+00 : f32
        %broadcast_in_dim3A_489 = vector.broadcast %broadcast_in_dim3A_488 : f32 to vector<16xf32>
        %broadcast_in_dim3A_490 = arith.constant 0.000000e+00 : f32
        %broadcast_in_dim3A_491 = vector.broadcast %broadcast_in_dim3A_490 : f32 to vector<16xf32>
        %broadcast_in_dim3A_492 = arith.constant 0.000000e+00 : f32
        %broadcast_in_dim3A_493 = vector.broadcast %broadcast_in_dim3A_492 : f32 to vector<16xf32>
        %broadcast_in_dim3A_494 = arith.constant 0.000000e+00 : f32
        %broadcast_in_dim3A_495 = vector.broadcast %broadcast_in_dim3A_494 : f32 to vector<16xf32>
        %broadcast_in_dim3A_496 = arith.constant 0.000000e+00 : f32
        %broadcast_in_dim3A_497 = vector.broadcast %broadcast_in_dim3A_496 : f32 to vector<16xf32>
        %broadcast_in_dim3A_498 = arith.constant 0.000000e+00 : f32
        %broadcast_in_dim3A_499 = vector.broadcast %broadcast_in_dim3A_498 : f32 to vector<16xf32>
        %broadcast_in_dim3A_500 = arith.constant 0.000000e+00 : f32
        %broadcast_in_dim3A_501 = vector.broadcast %broadcast_in_dim3A_500 : f32 to vector<16xf32>
        %broadcast_in_dim3A_502 = arith.constant 0.000000e+00 : f32
        %broadcast_in_dim3A_503 = vector.broadcast %broadcast_in_dim3A_502 : f32 to vector<16xf32>
        %scan3A_504 = arith.constant 0 : i32
        %scan3A_505 = arith.constant 64 : i32
        %scan3A_506 = arith.addi %scan3A_504, %scan3A_505 : i32
        %scan3A_507 = arith.constant 1 : i32
        %scan3A_508:8 = scf.for %scan3A_546 = %scan3A_504 to %scan3A_506 step %scan3A_507 iter_args(%scan3A_547 = %broadcast_in_dim3A_489, %scan3A_548 = %broadcast_in_dim3A_491, %scan3A_549 = %broadcast_in_dim3A_493, %scan3A_550 = %broadcast_in_dim3A_495, %scan3A_551 = %broadcast_in_dim3A_497, %scan3A_552 = %broadcast_in_dim3A_499, %scan3A_553 = %broadcast_in_dim3A_501, %scan3A_554 = %broadcast_in_dim3A_503) -> (vector<16xf32>, vector<16xf32>, vector<16xf32>, vector<16xf32>, vector<16xf32>, vector<16xf32>, vector<16xf32>, vector<16xf32>)  : i32 {
          %broadcast_in_dim3A_555 = vector.broadcast %scan3A_546 : i32 to vector<16xi32>
          %gather3A = tpu.vector_load_idx %arg13[%broadcast_in_dim3A_555] : memref<64xf32, #tpu.memory_space<vmem>>[vector<16xi32>], vector<16xf32>,
          %add3A_556 = arith.constant 64 : i32
          %add3A_557 = arith.addi %add3A_556, %scan3A_546 : i32
          %get3A_558 = arith.index_cast %add3A_557 : i32 to index
          %get3A_559 = arith.constant 0 : index
          %get3A_560 = tpu.vector_load %arg8[%get3A_558, %get3A_559] {strides = array<i32>} : memref<192x128xf32, #tpu.memory_space<vmem>>, vector<16xf32>,
          %mul3A_561 = arith.mulf %scan3A_547, %gather3A : vector<16xf32>
          %add3A_562 = arith.addf %mul3A_561, %get3A_560 : vector<16xf32>
          %swap3A_563 = arith.constant 0 : i32
          %swap3A_564 = arith.index_cast %swap3A_563 : i32 to index
          %swap3A_565 = arith.index_cast %scan3A_546 : i32 to index
          %swap3A_566 = arith.constant 0 : index
          %swap3A_567 = tpu.vector_load %arg10[%swap3A_564, %swap3A_565, %swap3A_566] {strides = array<i32>} : memref<2x64x128xf32, #tpu.memory_space<vmem>>, vector<16xf32>,
          tpu.vector_store %arg10[%swap3A_564, %swap3A_565, %swap3A_566], %add3A_562 {strides = array<i32>} : memref<2x64x128xf32, #tpu.memory_space<vmem>>, vector<16xf32>,
          %add3A_568 = arith.constant 64 : i32
          %add3A_569 = arith.addi %add3A_568, %scan3A_546 : i32
          %get3A_570 = arith.index_cast %add3A_569 : i32 to index
          %get3A_571 = arith.constant 16 : index
          %get3A_572 = tpu.vector_load %arg8[%get3A_570, %get3A_571] {strides = array<i32>} : memref<192x128xf32, #tpu.memory_space<vmem>>, vector<16xf32>,
          %mul3A_573 = arith.mulf %scan3A_548, %gather3A : vector<16xf32>
          %add3A_574 = arith.addf %mul3A_573, %get3A_572 : vector<16xf32>
          %swap3A_575 = arith.constant 0 : i32
          %swap3A_576 = arith.index_cast %swap3A_575 : i32 to index
          %swap3A_577 = arith.index_cast %scan3A_546 : i32 to index
          %swap3A_578 = arith.constant 16 : index
          %swap3A_579 = tpu.vector_load %arg10[%swap3A_576, %swap3A_577, %swap3A_578] {strides = array<i32>} : memref<2x64x128xf32, #tpu.memory_space<vmem>>, vector<16xf32>,
          tpu.vector_store %arg10[%swap3A_576, %swap3A_577, %swap3A_578], %add3A_574 {strides = array<i32>} : memref<2x64x128xf32, #tpu.memory_space<vmem>>, vector<16xf32>,
          %add3A_580 = arith.constant 64 : i32
          %add3A_581 = arith.addi %add3A_580, %scan3A_546 : i32
          %get3A_582 = arith.index_cast %add3A_581 : i32 to index
          %get3A_583 = arith.constant 32 : index
          %get3A_584 = tpu.vector_load %arg8[%get3A_582, %get3A_583] {strides = array<i32>} : memref<192x128xf32, #tpu.memory_space<vmem>>, vector<16xf32>,
          %mul3A_585 = arith.mulf %scan3A_549, %gather3A : vector<16xf32>
          %add3A_586 = arith.addf %mul3A_585, %get3A_584 : vector<16xf32>
          %swap3A_587 = arith.constant 0 : i32
          %swap3A_588 = arith.index_cast %swap3A_587 : i32 to index
          %swap3A_589 = arith.index_cast %scan3A_546 : i32 to index
          %swap3A_590 = arith.constant 32 : index
          %swap3A_591 = tpu.vector_load %arg10[%swap3A_588, %swap3A_589, %swap3A_590] {strides = array<i32>} : memref<2x64x128xf32, #tpu.memory_space<vmem>>, vector<16xf32>,
          tpu.vector_store %arg10[%swap3A_588, %swap3A_589, %swap3A_590], %add3A_586 {strides = array<i32>} : memref<2x64x128xf32, #tpu.memory_space<vmem>>, vector<16xf32>,
          %add3A_592 = arith.constant 64 : i32
          %add3A_593 = arith.addi %add3A_592, %scan3A_546 : i32
          %get3A_594 = arith.index_cast %add3A_593 : i32 to index
          %get3A_595 = arith.constant 48 : index
          %get3A_596 = tpu.vector_load %arg8[%get3A_594, %get3A_595] {strides = array<i32>} : memref<192x128xf32, #tpu.memory_space<vmem>>, vector<16xf32>,
          %mul3A_597 = arith.mulf %scan3A_550, %gather3A : vector<16xf32>
          %add3A_598 = arith.addf %mul3A_597, %get3A_596 : vector<16xf32>
          %swap3A_599 = arith.constant 0 : i32
          %swap3A_600 = arith.index_cast %swap3A_599 : i32 to index
          %swap3A_601 = arith.index_cast %scan3A_546 : i32 to index
          %swap3A_602 = arith.constant 48 : index
          %swap3A_603 = tpu.vector_load %arg10[%swap3A_600, %swap3A_601, %swap3A_602] {strides = array<i32>} : memref<2x64x128xf32, #tpu.memory_space<vmem>>, vector<16xf32>,
          tpu.vector_store %arg10[%swap3A_600, %swap3A_601, %swap3A_602], %add3A_598 {strides = array<i32>} : memref<2x64x128xf32, #tpu.memory_space<vmem>>, vector<16xf32>,
          %add3A_604 = arith.constant 64 : i32
          %add3A_605 = arith.addi %add3A_604, %scan3A_546 : i32
          %get3A_606 = arith.index_cast %add3A_605 : i32 to index
          %get3A_607 = arith.constant 64 : index
          %get3A_608 = tpu.vector_load %arg8[%get3A_606, %get3A_607] {strides = array<i32>} : memref<192x128xf32, #tpu.memory_space<vmem>>, vector<16xf32>,
          %mul3A_609 = arith.mulf %scan3A_551, %gather3A : vector<16xf32>
          %add3A_610 = arith.addf %mul3A_609, %get3A_608 : vector<16xf32>
          %swap3A_611 = arith.constant 0 : i32
          %swap3A_612 = arith.index_cast %swap3A_611 : i32 to index
          %swap3A_613 = arith.index_cast %scan3A_546 : i32 to index
          %swap3A_614 = arith.constant 64 : index
          %swap3A_615 = tpu.vector_load %arg10[%swap3A_612, %swap3A_613, %swap3A_614] {strides = array<i32>} : memref<2x64x128xf32, #tpu.memory_space<vmem>>, vector<16xf32>,
          tpu.vector_store %arg10[%swap3A_612, %swap3A_613, %swap3A_614], %add3A_610 {strides = array<i32>} : memref<2x64x128xf32, #tpu.memory_space<vmem>>, vector<16xf32>,
          %add3A_616 = arith.constant 64 : i32
          %add3A_617 = arith.addi %add3A_616, %scan3A_546 : i32
          %get3A_618 = arith.index_cast %add3A_617 : i32 to index
          %get3A_619 = arith.constant 80 : index
          %get3A_620 = tpu.vector_load %arg8[%get3A_618, %get3A_619] {strides = array<i32>} : memref<192x128xf32, #tpu.memory_space<vmem>>, vector<16xf32>,
          %mul3A_621 = arith.mulf %scan3A_552, %gather3A : vector<16xf32>
          %add3A_622 = arith.addf %mul3A_621, %get3A_620 : vector<16xf32>
          %swap3A_623 = arith.constant 0 : i32
          %swap3A_624 = arith.index_cast %swap3A_623 : i32 to index
          %swap3A_625 = arith.index_cast %scan3A_546 : i32 to index
          %swap3A_626 = arith.constant 80 : index
          %swap3A_627 = tpu.vector_load %arg10[%swap3A_624, %swap3A_625, %swap3A_626] {strides = array<i32>} : memref<2x64x128xf32, #tpu.memory_space<vmem>>, vector<16xf32>,
          tpu.vector_store %arg10[%swap3A_624, %swap3A_625, %swap3A_626], %add3A_622 {strides = array<i32>} : memref<2x64x128xf32, #tpu.memory_space<vmem>>, vector<16xf32>,
          %add3A_628 = arith.constant 64 : i32
          %add3A_629 = arith.addi %add3A_628, %scan3A_546 : i32
          %get3A_630 = arith.index_cast %add3A_629 : i32 to index
          %get3A_631 = arith.constant 96 : index
          %get3A_632 = tpu.vector_load %arg8[%get3A_630, %get3A_631] {strides = array<i32>} : memref<192x128xf32, #tpu.memory_space<vmem>>, vector<16xf32>,
          %mul3A_633 = arith.mulf %scan3A_553, %gather3A : vector<16xf32>
          %add3A_634 = arith.addf %mul3A_633, %get3A_632 : vector<16xf32>
          %swap3A_635 = arith.constant 0 : i32
          %swap3A_636 = arith.index_cast %swap3A_635 : i32 to index
          %swap3A_637 = arith.index_cast %scan3A_546 : i32 to index
          %swap3A_638 = arith.constant 96 : index
          %swap3A_639 = tpu.vector_load %arg10[%swap3A_636, %swap3A_637, %swap3A_638] {strides = array<i32>} : memref<2x64x128xf32, #tpu.memory_space<vmem>>, vector<16xf32>,
          tpu.vector_store %arg10[%swap3A_636, %swap3A_637, %swap3A_638], %add3A_634 {strides = array<i32>} : memref<2x64x128xf32, #tpu.memory_space<vmem>>, vector<16xf32>,
          %add3A_640 = arith.constant 64 : i32
          %add3A_641 = arith.addi %add3A_640, %scan3A_546 : i32
          %get3A_642 = arith.index_cast %add3A_641 : i32 to index
          %get3A_643 = arith.constant 112 : index
          %get3A_644 = tpu.vector_load %arg8[%get3A_642, %get3A_643] {strides = array<i32>} : memref<192x128xf32, #tpu.memory_space<vmem>>, vector<16xf32>,
          %mul3A_645 = arith.mulf %scan3A_554, %gather3A : vector<16xf32>
          %add3A_646 = arith.addf %mul3A_645, %get3A_644 : vector<16xf32>
          %swap3A_647 = arith.constant 0 : i32
          %swap3A_648 = arith.index_cast %swap3A_647 : i32 to index
          %swap3A_649 = arith.index_cast %scan3A_546 : i32 to index
          %swap3A_650 = arith.constant 112 : index
          %swap3A_651 = tpu.vector_load %arg10[%swap3A_648, %swap3A_649, %swap3A_650] {strides = array<i32>} : memref<2x64x128xf32, #tpu.memory_space<vmem>>, vector<16xf32>,
          tpu.vector_store %arg10[%swap3A_648, %swap3A_649, %swap3A_650], %add3A_646 {strides = array<i32>} : memref<2x64x128xf32, #tpu.memory_space<vmem>>, vector<16xf32>,
          scf.yield %add3A_562, %add3A_574, %add3A_586, %add3A_598, %add3A_610, %add3A_622, %add3A_634, %add3A_646 : vector<16xf32>, vector<16xf32>, vector<16xf32>, vector<16xf32>, vector<16xf32>, vector<16xf32>, vector<16xf32>, vector<16xf32>
        }
        %scan3A_509 = arith.constant 64 : i32
        %dma_start3A_510 = arith.constant 0 : i32
        %dma_start3A_511 = arith.constant 0 : i32
        %dma_start3A_512 = arith.constant 0 : i32
        %dma_start3A_513 = arith.constant 0 : i32
        %dma_start3A_514 = arith.constant 0 : i32
        %dma_start3A_515 = tpu.memref_slice %arg10[%dma_start3A_510, %dma_start3A_513, %dma_start3A_514] : memref<2x64x128xf32, #tpu.memory_space<vmem>> -> memref<1x64x128xf32, #tpu.memory_space<vmem>>
        %dma_start3A_516 = tpu.memref_squeeze %dma_start3A_515 : memref<1x64x128xf32, #tpu.memory_space<vmem>> -> memref<64x128xf32, #tpu.memory_space<vmem>>
        %dma_start3A_517 = arith.constant 0 : i32
        %dma_start3A_518 = tpu.memref_slice %arg11[%dma_start3A_511, %dma_start3A_517] : memref<2x64xi32, #tpu.memory_space<vmem>> -> memref<1x64xi32, #tpu.memory_space<vmem>>
        %dma_start3A_519 = tpu.memref_squeeze %dma_start3A_518 : memref<1x64xi32, #tpu.memory_space<vmem>> -> memref<64xi32, #tpu.memory_space<vmem>>
        %dma_start3A_520 = arith.constant 0 : i32
        %dma_start3A_521 = arith.constant 0 : i32
        %dma_start3A_522 = tpu.memref_slice %arg6[%dma_start3A_520, %dma_start3A_521] : memref<10000x128xf32, #tpu.memory_space<vmem_shared>> -> memref<10000x128xf32, #tpu.memory_space<vmem_shared>>
        %dma_start3A_523 = arith.constant -1 : i32
        %dma_start3A_524 = tpu.memref_slice %arg21[%dma_start3A_512] : memref<2x!tpu.dma_semaphore, #tpu.memory_space<semaphore_mem>> -> memref<1x!tpu.dma_semaphore, #tpu.memory_space<semaphore_mem>>
        %dma_start3A_525 = tpu.memref_squeeze %dma_start3A_524 : memref<1x!tpu.dma_semaphore, #tpu.memory_space<semaphore_mem>> -> memref<!tpu.dma_semaphore, #tpu.memory_space<semaphore_mem>>
        tpu.enqueue_indirect_dma source(%dma_start3A_516 : memref<64x128xf32, #tpu.memory_space<vmem>>) target(%dma_start3A_522 : memref<10000x128xf32, #tpu.memory_space<vmem_shared>>) offsets(%dma_start3A_519 : memref<64xi32, #tpu.memory_space<vmem>>) offset_filter(%dma_start3A_523) semaphore(%dma_start3A_525 : memref<!tpu.dma_semaphore, #tpu.memory_space<semaphore_mem>>) {add = true}
        %dma_start3A_526 = arith.constant 0 : i32
        %dma_start3A_527 = arith.constant 0 : i32
        %dma_start3A_528 = arith.constant 0 : i32
        %dma_start3A_529 = tpu.memref_slice %arg11[%dma_start3A_526, %dma_start3A_528] : memref<2x64xi32, #tpu.memory_space<vmem>> -> memref<1x64xi32, #tpu.memory_space<vmem>>
        %dma_start3A_530 = tpu.memref_squeeze %dma_start3A_529 : memref<1x64xi32, #tpu.memory_space<vmem>> -> memref<64xi32, #tpu.memory_space<vmem>>
        %dma_start3A_531 = arith.constant 0 : i32
        %dma_start3A_532 = tpu.memref_slice %arg7[%dma_start3A_531] : memref<10240xf32, #tpu.memory_space<vmem_shared>> -> memref<10240xf32, #tpu.memory_space<vmem_shared>>
        %dma_start3A_533 = arith.constant -1 : i32
        %dma_start3A_534 = tpu.memref_slice %arg21[%dma_start3A_527] : memref<2x!tpu.dma_semaphore, #tpu.memory_space<semaphore_mem>> -> memref<1x!tpu.dma_semaphore, #tpu.memory_space<semaphore_mem>>
        %dma_start3A_535 = tpu.memref_squeeze %dma_start3A_534 : memref<1x!tpu.dma_semaphore, #tpu.memory_space<semaphore_mem>> -> memref<!tpu.dma_semaphore, #tpu.memory_space<semaphore_mem>>
        tpu.enqueue_indirect_dma source(%arg14 : memref<64xf32, #tpu.memory_space<vmem>>) target(%dma_start3A_532 : memref<10240xf32, #tpu.memory_space<vmem_shared>>) offsets(%dma_start3A_530 : memref<64xi32, #tpu.memory_space<vmem>>) offset_filter(%dma_start3A_533) semaphore(%dma_start3A_535 : memref<!tpu.dma_semaphore, #tpu.memory_space<semaphore_mem>>) {add = true}
        %dma_start3A_536 = arith.constant 0 : i32
        %dma_start3A_537 = arith.constant 0 : i32
        %dma_start3A_538 = arith.constant 0 : i32
        %dma_start3A_539 = tpu.memref_slice %arg12[%dma_start3A_536, %dma_start3A_538] : memref<2x64xi32, #tpu.memory_space<vmem>> -> memref<1x64xi32, #tpu.memory_space<vmem>>
        %dma_start3A_540 = tpu.memref_squeeze %dma_start3A_539 : memref<1x64xi32, #tpu.memory_space<vmem>> -> memref<64xi32, #tpu.memory_space<vmem>>
        %dma_start3A_541 = arith.constant 0 : i32
        %dma_start3A_542 = tpu.memref_slice %arg7[%dma_start3A_541] : memref<10240xf32, #tpu.memory_space<vmem_shared>> -> memref<10240xf32, #tpu.memory_space<vmem_shared>>
        %dma_start3A_543 = arith.constant -1 : i32
        %dma_start3A_544 = tpu.memref_slice %arg21[%dma_start3A_537] : memref<2x!tpu.dma_semaphore, #tpu.memory_space<semaphore_mem>> -> memref<1x!tpu.dma_semaphore, #tpu.memory_space<semaphore_mem>>
        %dma_start3A_545 = tpu.memref_squeeze %dma_start3A_544 : memref<1x!tpu.dma_semaphore, #tpu.memory_space<semaphore_mem>> -> memref<!tpu.dma_semaphore, #tpu.memory_space<semaphore_mem>>
        tpu.enqueue_indirect_dma source(%arg15 : memref<64xf32, #tpu.memory_space<vmem>>) target(%dma_start3A_542 : memref<10240xf32, #tpu.memory_space<vmem_shared>>) offsets(%dma_start3A_540 : memref<64xi32, #tpu.memory_space<vmem>>) offset_filter(%dma_start3A_543) semaphore(%dma_start3A_545 : memref<!tpu.dma_semaphore, #tpu.memory_space<semaphore_mem>>) {add = true}
      } else {
      }
      %mul3A_309 = arith.constant 6 : i32
      %mul3A_310 = arith.muli %scan3A_189, %mul3A_309 : i32
      %add3A_311 = arith.constant 5 : i32
      %add3A_312 = arith.addi %mul3A_310, %add3A_311 : i32
      %ge3A_313 = arith.constant 2 : i32
      %ge3A_314 = arith.cmpi sge, %add3A_312, %ge3A_313 : i32
      %lt3A_315 = arith.constant 158 : i32
      %lt3A_316 = arith.cmpi slt, %add3A_312, %lt3A_315 : i32
      %and3A_317 = arith.andi %ge3A_314, %lt3A_316 : i1
      %convert_element_type3A_318 = arith.extui %and3A_317 : i1 to i32
      %cond3A_319 = arith.constant 0 : i32
      %cond3A_320 = arith.cmpi ne, %convert_element_type3A_318, %cond3A_319 : i32
      scf.if %cond3A_320 {
        %dma_wait3A = arith.constant 1 : i32
        %dma_wait3A_333 = arith.constant 1 : i32
        %dma_wait3A_334 = arith.constant 1 : i32
        %dma_wait3A_335 = arith.constant 0 : i32
        %dma_wait3A_336 = arith.constant 0 : i32
        %dma_wait3A_337 = tpu.memref_slice %arg10[%dma_wait3A, %dma_wait3A_335, %dma_wait3A_336] : memref<2x64x128xf32, #tpu.memory_space<vmem>> -> memref<1x64x128xf32, #tpu.memory_space<vmem>>
        %dma_wait3A_338 = tpu.memref_squeeze %dma_wait3A_337 : memref<1x64x128xf32, #tpu.memory_space<vmem>> -> memref<64x128xf32, #tpu.memory_space<vmem>>
        %dma_wait3A_339 = arith.constant 0 : i32
        %dma_wait3A_340 = tpu.memref_slice %arg11[%dma_wait3A_333, %dma_wait3A_339] : memref<2x64xi32, #tpu.memory_space<vmem>> -> memref<1x64xi32, #tpu.memory_space<vmem>>
        %dma_wait3A_341 = tpu.memref_squeeze %dma_wait3A_340 : memref<1x64xi32, #tpu.memory_space<vmem>> -> memref<64xi32, #tpu.memory_space<vmem>>
        %dma_wait3A_342 = arith.constant 0 : i32
        %dma_wait3A_343 = arith.constant 0 : i32
        %dma_wait3A_344 = tpu.memref_slice %arg6[%dma_wait3A_342, %dma_wait3A_343] : memref<10000x128xf32, #tpu.memory_space<vmem_shared>> -> memref<10000x128xf32, #tpu.memory_space<vmem_shared>>
        %dma_wait3A_345 = tpu.memref_slice %arg21[%dma_wait3A_334] : memref<2x!tpu.dma_semaphore, #tpu.memory_space<semaphore_mem>> -> memref<1x!tpu.dma_semaphore, #tpu.memory_space<semaphore_mem>>
        %dma_wait3A_346 = tpu.memref_squeeze %dma_wait3A_345 : memref<1x!tpu.dma_semaphore, #tpu.memory_space<semaphore_mem>> -> memref<!tpu.dma_semaphore, #tpu.memory_space<semaphore_mem>>
        tpu.wait_indirect_dma semaphore(%dma_wait3A_346 : memref<!tpu.dma_semaphore, #tpu.memory_space<semaphore_mem>>) src(%dma_wait3A_338 : memref<64x128xf32, #tpu.memory_space<vmem>>) dst(%dma_wait3A_344 : memref<10000x128xf32, #tpu.memory_space<vmem_shared>>)
        %dma_wait3A_347 = arith.constant 1 : i32
        %dma_wait3A_348 = arith.constant 1 : i32
        %dma_wait3A_349 = arith.constant 0 : i32
        %dma_wait3A_350 = tpu.memref_slice %arg11[%dma_wait3A_347, %dma_wait3A_349] : memref<2x64xi32, #tpu.memory_space<vmem>> -> memref<1x64xi32, #tpu.memory_space<vmem>>
        %dma_wait3A_351 = tpu.memref_squeeze %dma_wait3A_350 : memref<1x64xi32, #tpu.memory_space<vmem>> -> memref<64xi32, #tpu.memory_space<vmem>>
        %dma_wait3A_352 = arith.constant 0 : i32
        %dma_wait3A_353 = tpu.memref_slice %arg7[%dma_wait3A_352] : memref<10240xf32, #tpu.memory_space<vmem_shared>> -> memref<10240xf32, #tpu.memory_space<vmem_shared>>
        %dma_wait3A_354 = tpu.memref_slice %arg21[%dma_wait3A_348] : memref<2x!tpu.dma_semaphore, #tpu.memory_space<semaphore_mem>> -> memref<1x!tpu.dma_semaphore, #tpu.memory_space<semaphore_mem>>
        %dma_wait3A_355 = tpu.memref_squeeze %dma_wait3A_354 : memref<1x!tpu.dma_semaphore, #tpu.memory_space<semaphore_mem>> -> memref<!tpu.dma_semaphore, #tpu.memory_space<semaphore_mem>>
        tpu.wait_indirect_dma semaphore(%dma_wait3A_355 : memref<!tpu.dma_semaphore, #tpu.memory_space<semaphore_mem>>) src(%arg14 : memref<64xf32, #tpu.memory_space<vmem>>) dst(%dma_wait3A_353 : memref<10240xf32, #tpu.memory_space<vmem_shared>>)
        %dma_wait3A_356 = arith.constant 1 : i32
        %dma_wait3A_357 = arith.constant 1 : i32
        %dma_wait3A_358 = arith.constant 0 : i32
        %dma_wait3A_359 = tpu.memref_slice %arg12[%dma_wait3A_356, %dma_wait3A_358] : memref<2x64xi32, #tpu.memory_space<vmem>> -> memref<1x64xi32, #tpu.memory_space<vmem>>
        %dma_wait3A_360 = tpu.memref_squeeze %dma_wait3A_359 : memref<1x64xi32, #tpu.memory_space<vmem>> -> memref<64xi32, #tpu.memory_space<vmem>>
        %dma_wait3A_361 = arith.constant 0 : i32
        %dma_wait3A_362 = tpu.memref_slice %arg7[%dma_wait3A_361] : memref<10240xf32, #tpu.memory_space<vmem_shared>> -> memref<10240xf32, #tpu.memory_space<vmem_shared>>
        %dma_wait3A_363 = tpu.memref_slice %arg21[%dma_wait3A_357] : memref<2x!tpu.dma_semaphore, #tpu.memory_space<semaphore_mem>> -> memref<1x!tpu.dma_semaphore, #tpu.memory_space<semaphore_mem>>
        %dma_wait3A_364 = tpu.memref_squeeze %dma_wait3A_363 : memref<1x!tpu.dma_semaphore, #tpu.memory_space<semaphore_mem>> -> memref<!tpu.dma_semaphore, #tpu.memory_space<semaphore_mem>>
        tpu.wait_indirect_dma semaphore(%dma_wait3A_364 : memref<!tpu.dma_semaphore, #tpu.memory_space<semaphore_mem>>) src(%arg15 : memref<64xf32, #tpu.memory_space<vmem>>) dst(%dma_wait3A_362 : memref<10240xf32, #tpu.memory_space<vmem_shared>>)
      } else {
      }
      %add3A_321 = arith.constant 2 : i32
      %add3A_322 = arith.addi %add3A_312, %add3A_321 : i32
      %lt3A_323 = arith.constant 156 : i32
      %lt3A_324 = arith.cmpi slt, %add3A_322, %lt3A_323 : i32
      %convert_element_type3A_325 = arith.extui %lt3A_324 : i1 to i32
      %cond3A_326 = arith.constant 0 : i32
      %cond3A_327 = arith.cmpi ne, %convert_element_type3A_325, %cond3A_326 : i32
      scf.if %cond3A_327 {
        %add3A_333 = arith.constant 2 : i32
        %add3A_334 = arith.addi %add3A_312, %add3A_333 : i32
        %mul3A_335 = arith.constant 64 : i32
        %mul3A_336 = arith.muli %add3A_334, %mul3A_335 : i32
        %add3A_337 = arith.addi %add3A, %mul3A_336 : i32
        %dma_start3A_338 = arith.constant 1 : i32
        %dma_start3A_339 = arith.constant 64 : i32
        %dma_start3A_340 = arith.constant 0 : i32
        %dma_start3A_341 = tpu.memref_slice %arg8[%dma_start3A_339, %dma_start3A_340] : memref<192x128xf32, #tpu.memory_space<vmem>> -> memref<64x128xf32, #tpu.memory_space<vmem>>
        %dma_start3A_342 = arith.constant 0 : i32
        %dma_start3A_343 = tpu.memref_slice %arg2[%add3A_337, %dma_start3A_342] : memref<320000x128xf32, #tpu.memory_space<hbm>> -> memref<64x128xf32, #tpu.memory_space<hbm>>
        %dma_start3A_344 = tpu.memref_slice %arg20[%dma_start3A_338] : memref<3x!tpu.dma_semaphore, #tpu.memory_space<semaphore_mem>> -> memref<1x!tpu.dma_semaphore, #tpu.memory_space<semaphore_mem>>
        %dma_start3A_345 = tpu.memref_squeeze %dma_start3A_344 : memref<1x!tpu.dma_semaphore, #tpu.memory_space<semaphore_mem>> -> memref<!tpu.dma_semaphore, #tpu.memory_space<semaphore_mem>>
        %dma_start3A_346 = arith.constant 64 : i32
        %dma_start3A_347 = arith.constant 0 : i32
        %dma_start3A_348 = tpu.memref_slice %arg8[%dma_start3A_346, %dma_start3A_347] : memref<192x128xf32, #tpu.memory_space<vmem>> -> memref<64x128xf32, #tpu.memory_space<vmem>>
        %dma_start3A_349 = arith.constant 0 : i32
        %dma_start3A_350 = tpu.memref_slice %arg2[%add3A_337, %dma_start3A_349] : memref<320000x128xf32, #tpu.memory_space<hbm>> -> memref<64x128xf32, #tpu.memory_space<hbm>>
        tpu.enqueue_dma source(%dma_start3A_350 : memref<64x128xf32, #tpu.memory_space<hbm>>) target(%dma_start3A_348 : memref<64x128xf32, #tpu.memory_space<vmem>>) target_semaphore(%dma_start3A_345 : memref<!tpu.dma_semaphore, #tpu.memory_space<semaphore_mem>>)
        %dma_start3A_351 = arith.constant 1 : i32
        %dma_start3A_352 = arith.constant 1 : i32
        %dma_start3A_353 = arith.constant 8 : i32
        %dma_start3A_354 = tpu.memref_slice %arg9[%dma_start3A_351, %dma_start3A_353] : memref<3x80xi32, #tpu.memory_space<vmem>> -> memref<1x64xi32, #tpu.memory_space<vmem>>
        %dma_start3A_355 = tpu.memref_squeeze %dma_start3A_354 : memref<1x64xi32, #tpu.memory_space<vmem>> -> memref<64xi32, #tpu.memory_space<vmem>>
        %dma_start3A_356 = tpu.memref_slice %arg3[%add3A_337] : memref<320000xi32, #tpu.memory_space<hbm>> -> memref<64xi32, #tpu.memory_space<hbm>>
        %dma_start3A_357 = tpu.memref_slice %arg20[%dma_start3A_352] : memref<3x!tpu.dma_semaphore, #tpu.memory_space<semaphore_mem>> -> memref<1x!tpu.dma_semaphore, #tpu.memory_space<semaphore_mem>>
        %dma_start3A_358 = tpu.memref_squeeze %dma_start3A_357 : memref<1x!tpu.dma_semaphore, #tpu.memory_space<semaphore_mem>> -> memref<!tpu.dma_semaphore, #tpu.memory_space<semaphore_mem>>
        %dma_start3A_359 = arith.constant 8 : i32
        %dma_start3A_360 = tpu.memref_slice %arg9[%dma_start3A_351, %dma_start3A_359] : memref<3x80xi32, #tpu.memory_space<vmem>> -> memref<1x64xi32, #tpu.memory_space<vmem>>
        %dma_start3A_361 = tpu.memref_squeeze %dma_start3A_360 : memref<1x64xi32, #tpu.memory_space<vmem>> -> memref<64xi32, #tpu.memory_space<vmem>>
        %dma_start3A_362 = tpu.memref_slice %arg3[%add3A_337] : memref<320000xi32, #tpu.memory_space<hbm>> -> memref<64xi32, #tpu.memory_space<hbm>>
        tpu.enqueue_dma source(%dma_start3A_362 : memref<64xi32, #tpu.memory_space<hbm>>) target(%dma_start3A_361 : memref<64xi32, #tpu.memory_space<vmem>>) target_semaphore(%dma_start3A_358 : memref<!tpu.dma_semaphore, #tpu.memory_space<semaphore_mem>>)
      } else {
      }
      %lt3A_328 = arith.constant 156 : i32
      %lt3A_329 = arith.cmpi slt, %add3A_312, %lt3A_328 : i32
      %convert_element_type3A_330 = arith.extui %lt3A_329 : i1 to i32
      %cond3A_331 = arith.constant 0 : i32
      %cond3A_332 = arith.cmpi ne, %convert_element_type3A_330, %cond3A_331 : i32
      scf.if %cond3A_332 {
        %dma_wait3A = arith.constant 2 : i32
        %dma_wait3A_333 = arith.constant 128 : i32
        %dma_wait3A_334 = arith.constant 0 : i32
        %dma_wait3A_335 = tpu.memref_slice %arg8[%dma_wait3A_333, %dma_wait3A_334] : memref<192x128xf32, #tpu.memory_space<vmem>> -> memref<64x128xf32, #tpu.memory_space<vmem>>
        %dma_wait3A_336 = arith.constant 0 : i32
        %dma_wait3A_337 = arith.constant 0 : i32
        %dma_wait3A_338 = tpu.memref_slice %arg2[%dma_wait3A_336, %dma_wait3A_337] : memref<320000x128xf32, #tpu.memory_space<hbm>> -> memref<64x128xf32, #tpu.memory_space<hbm>>
        %dma_wait3A_339 = tpu.memref_slice %arg20[%dma_wait3A] : memref<3x!tpu.dma_semaphore, #tpu.memory_space<semaphore_mem>> -> memref<1x!tpu.dma_semaphore, #tpu.memory_space<semaphore_mem>>
        %dma_wait3A_340 = tpu.memref_squeeze %dma_wait3A_339 : memref<1x!tpu.dma_semaphore, #tpu.memory_space<semaphore_mem>> -> memref<!tpu.dma_semaphore, #tpu.memory_space<semaphore_mem>>
        %dma_wait3A_341 = arith.constant 128 : i32
        %dma_wait3A_342 = arith.constant 0 : i32
        %dma_wait3A_343 = tpu.memref_slice %arg8[%dma_wait3A_341, %dma_wait3A_342] : memref<192x128xf32, #tpu.memory_space<vmem>> -> memref<64x128xf32, #tpu.memory_space<vmem>>
        %dma_wait3A_344 = arith.constant 0 : i32
        %dma_wait3A_345 = arith.constant 0 : i32
        %dma_wait3A_346 = tpu.memref_slice %arg2[%dma_wait3A_344, %dma_wait3A_345] : memref<320000x128xf32, #tpu.memory_space<hbm>> -> memref<64x128xf32, #tpu.memory_space<hbm>>
        tpu.wait_dma2 semaphore(%dma_wait3A_340 : memref<!tpu.dma_semaphore, #tpu.memory_space<semaphore_mem>>) src(%dma_wait3A_346 : memref<64x128xf32, #tpu.memory_space<hbm>>) dst(%dma_wait3A_343 : memref<64x128xf32, #tpu.memory_space<vmem>>)
        %dma_wait3A_347 = arith.constant 2 : i32
        %dma_wait3A_348 = arith.constant 2 : i32
        %dma_wait3A_349 = arith.constant 8 : i32
        %dma_wait3A_350 = tpu.memref_slice %arg9[%dma_wait3A_347, %dma_wait3A_349] : memref<3x80xi32, #tpu.memory_space<vmem>> -> memref<1x64xi32, #tpu.memory_space<vmem>>
        %dma_wait3A_351 = tpu.memref_squeeze %dma_wait3A_350 : memref<1x64xi32, #tpu.memory_space<vmem>> -> memref<64xi32, #tpu.memory_space<vmem>>
        %dma_wait3A_352 = arith.constant 0 : i32
        %dma_wait3A_353 = tpu.memref_slice %arg3[%dma_wait3A_352] : memref<320000xi32, #tpu.memory_space<hbm>> -> memref<64xi32, #tpu.memory_space<hbm>>
        %dma_wait3A_354 = tpu.memref_slice %arg20[%dma_wait3A_348] : memref<3x!tpu.dma_semaphore, #tpu.memory_space<semaphore_mem>> -> memref<1x!tpu.dma_semaphore, #tpu.memory_space<semaphore_mem>>
        %dma_wait3A_355 = tpu.memref_squeeze %dma_wait3A_354 : memref<1x!tpu.dma_semaphore, #tpu.memory_space<semaphore_mem>> -> memref<!tpu.dma_semaphore, #tpu.memory_space<semaphore_mem>>
        %dma_wait3A_356 = arith.constant 8 : i32
        %dma_wait3A_357 = tpu.memref_slice %arg9[%dma_wait3A_347, %dma_wait3A_356] : memref<3x80xi32, #tpu.memory_space<vmem>> -> memref<1x64xi32, #tpu.memory_space<vmem>>
        %dma_wait3A_358 = tpu.memref_squeeze %dma_wait3A_357 : memref<1x64xi32, #tpu.memory_space<vmem>> -> memref<64xi32, #tpu.memory_space<vmem>>
        %dma_wait3A_359 = arith.constant 0 : i32
        %dma_wait3A_360 = tpu.memref_slice %arg3[%dma_wait3A_359] : memref<320000xi32, #tpu.memory_space<hbm>> -> memref<64xi32, #tpu.memory_space<hbm>>
        tpu.wait_dma2 semaphore(%dma_wait3A_355 : memref<!tpu.dma_semaphore, #tpu.memory_space<semaphore_mem>>) src(%dma_wait3A_360 : memref<64xi32, #tpu.memory_space<hbm>>) dst(%dma_wait3A_358 : memref<64xi32, #tpu.memory_space<vmem>>)
        %get3A_361 = arith.constant 2 : i32
        %get3A_362 = arith.index_cast %get3A_361 : i32 to index
        %get3A_363 = arith.constant 8 : index
        %get3A_364 = tpu.vector_load %arg9[%get3A_362, %get3A_363] {strides = array<i32>} : memref<3x80xi32, #tpu.memory_space<vmem>>, vector<16xi32>,
        %get3A_365 = arith.constant 2 : i32
        %get3A_366 = arith.index_cast %get3A_365 : i32 to index
        %get3A_367 = arith.constant 7 : index
        %get3A_368 = tpu.vector_load %arg9[%get3A_366, %get3A_367] {strides = array<i32>} : memref<3x80xi32, #tpu.memory_space<vmem>>, vector<16xi32>,
        %get3A_369 = arith.constant 2 : i32
        %get3A_370 = arith.index_cast %get3A_369 : i32 to index
        %get3A_371 = arith.constant 9 : index
        %get3A_372 = tpu.vector_load %arg9[%get3A_370, %get3A_371] {strides = array<i32>} : memref<3x80xi32, #tpu.memory_space<vmem>>, vector<16xi32>,
        %eq3A_373 = arith.cmpi eq, %get3A_364, %get3A_368 : vector<16xi32>
        %and3A_374 = arith.andi %eq3A_373, %ne3A_5 : vector<16xi1>
        %jit3A_375 = arith.constant 1.000000e+00 : f32
        %jit3A_376 = arith.constant 0.000000e+00 : f32
        %broadcast_in_dim3A_377 = vector.broadcast %jit3A_375 : f32 to vector<16xf32>
        %broadcast_in_dim3A_378 = vector.broadcast %jit3A_376 : f32 to vector<16xf32>
        %select_n3A_379 = arith.select %and3A_374, %broadcast_in_dim3A_377, %broadcast_in_dim3A_378 : vector<16xi1>, vector<16xf32>
        %swap3A_380 = arith.constant 0 : index
        %swap3A_381 = tpu.vector_load %arg13[%swap3A_380] {strides = array<i32>} : memref<64xf32, #tpu.memory_space<vmem>>, vector<16xf32>,
        tpu.vector_store %arg13[%swap3A_380], %select_n3A_379 {strides = array<i32>} : memref<64xf32, #tpu.memory_space<vmem>>, vector<16xf32>,
        %ne3A_382 = arith.cmpi ne, %get3A_364, %get3A_372 : vector<16xi32>
        %select_n3A_383 = arith.select %ne3A_382, %get3A_364, %broadcast_in_dim3A_9 : vector<16xi1>, vector<16xi32>
        %swap3A_384 = arith.constant 1 : i32
        %swap3A_385 = arith.index_cast %swap3A_384 : i32 to index
        %swap3A_386 = arith.constant 0 : index
        %swap3A_387 = tpu.vector_load %arg11[%swap3A_385, %swap3A_386] {strides = array<i32>} : memref<2x64xi32, #tpu.memory_space<vmem>>, vector<16xi32>,
        tpu.vector_store %arg11[%swap3A_385, %swap3A_386], %select_n3A_383 {strides = array<i32>} : memref<2x64xi32, #tpu.memory_space<vmem>>, vector<16xi32>,
        %select_n3A_388 = arith.select %ne3A_382, %get3A_372, %broadcast_in_dim3A_9 : vector<16xi1>, vector<16xi32>
        %swap3A_389 = arith.constant 1 : i32
        %swap3A_390 = arith.index_cast %swap3A_389 : i32 to index
        %swap3A_391 = arith.constant 0 : index
        %swap3A_392 = tpu.vector_load %arg12[%swap3A_390, %swap3A_391] {strides = array<i32>} : memref<2x64xi32, #tpu.memory_space<vmem>>, vector<16xi32>,
        tpu.vector_store %arg12[%swap3A_390, %swap3A_391], %select_n3A_388 {strides = array<i32>} : memref<2x64xi32, #tpu.memory_space<vmem>>, vector<16xi32>,
        %get3A_393 = arith.constant 2 : i32
        %get3A_394 = arith.index_cast %get3A_393 : i32 to index
        %get3A_395 = arith.constant 24 : index
        %get3A_396 = tpu.vector_load %arg9[%get3A_394, %get3A_395] {strides = array<i32>} : memref<3x80xi32, #tpu.memory_space<vmem>>, vector<16xi32>,
        %get3A_397 = arith.constant 2 : i32
        %get3A_398 = arith.index_cast %get3A_397 : i32 to index
        %get3A_399 = arith.constant 23 : index
        %get3A_400 = tpu.vector_load %arg9[%get3A_398, %get3A_399] {strides = array<i32>} : memref<3x80xi32, #tpu.memory_space<vmem>>, vector<16xi32>,
        %get3A_401 = arith.constant 2 : i32
        %get3A_402 = arith.index_cast %get3A_401 : i32 to index
        %get3A_403 = arith.constant 25 : index
        %get3A_404 = tpu.vector_load %arg9[%get3A_402, %get3A_403] {strides = array<i32>} : memref<3x80xi32, #tpu.memory_space<vmem>>, vector<16xi32>,
        %eq3A_405 = arith.cmpi eq, %get3A_396, %get3A_400 : vector<16xi32>
        %jit3A_406 = arith.constant 1.000000e+00 : f32
        %jit3A_407 = arith.constant 0.000000e+00 : f32
        %broadcast_in_dim3A_408 = vector.broadcast %jit3A_406 : f32 to vector<16xf32>
        %broadcast_in_dim3A_409 = vector.broadcast %jit3A_407 : f32 to vector<16xf32>
        %select_n3A_410 = arith.select %eq3A_405, %broadcast_in_dim3A_408, %broadcast_in_dim3A_409 : vector<16xi1>, vector<16xf32>
        %swap3A_411 = arith.constant 16 : index
        %swap3A_412 = tpu.vector_load %arg13[%swap3A_411] {strides = array<i32>} : memref<64xf32, #tpu.memory_space<vmem>>, vector<16xf32>,
        tpu.vector_store %arg13[%swap3A_411], %select_n3A_410 {strides = array<i32>} : memref<64xf32, #tpu.memory_space<vmem>>, vector<16xf32>,
        %ne3A_413 = arith.cmpi ne, %get3A_396, %get3A_404 : vector<16xi32>
        %select_n3A_414 = arith.select %ne3A_413, %get3A_396, %broadcast_in_dim3A_9 : vector<16xi1>, vector<16xi32>
        %swap3A_415 = arith.constant 1 : i32
        %swap3A_416 = arith.index_cast %swap3A_415 : i32 to index
        %swap3A_417 = arith.constant 16 : index
        %swap3A_418 = tpu.vector_load %arg11[%swap3A_416, %swap3A_417] {strides = array<i32>} : memref<2x64xi32, #tpu.memory_space<vmem>>, vector<16xi32>,
        tpu.vector_store %arg11[%swap3A_416, %swap3A_417], %select_n3A_414 {strides = array<i32>} : memref<2x64xi32, #tpu.memory_space<vmem>>, vector<16xi32>,
        %select_n3A_419 = arith.select %ne3A_413, %get3A_404, %broadcast_in_dim3A_9 : vector<16xi1>, vector<16xi32>
        %swap3A_420 = arith.constant 1 : i32
        %swap3A_421 = arith.index_cast %swap3A_420 : i32 to index
        %swap3A_422 = arith.constant 16 : index
        %swap3A_423 = tpu.vector_load %arg12[%swap3A_421, %swap3A_422] {strides = array<i32>} : memref<2x64xi32, #tpu.memory_space<vmem>>, vector<16xi32>,
        tpu.vector_store %arg12[%swap3A_421, %swap3A_422], %select_n3A_419 {strides = array<i32>} : memref<2x64xi32, #tpu.memory_space<vmem>>, vector<16xi32>,
        %get3A_424 = arith.constant 2 : i32
        %get3A_425 = arith.index_cast %get3A_424 : i32 to index
        %get3A_426 = arith.constant 40 : index
        %get3A_427 = tpu.vector_load %arg9[%get3A_425, %get3A_426] {strides = array<i32>} : memref<3x80xi32, #tpu.memory_space<vmem>>, vector<16xi32>,
        %get3A_428 = arith.constant 2 : i32
        %get3A_429 = arith.index_cast %get3A_428 : i32 to index
        %get3A_430 = arith.constant 39 : index
        %get3A_431 = tpu.vector_load %arg9[%get3A_429, %get3A_430] {strides = array<i32>} : memref<3x80xi32, #tpu.memory_space<vmem>>, vector<16xi32>,
        %get3A_432 = arith.constant 2 : i32
        %get3A_433 = arith.index_cast %get3A_432 : i32 to index
        %get3A_434 = arith.constant 41 : index
        %get3A_435 = tpu.vector_load %arg9[%get3A_433, %get3A_434] {strides = array<i32>} : memref<3x80xi32, #tpu.memory_space<vmem>>, vector<16xi32>,
        %eq3A_436 = arith.cmpi eq, %get3A_427, %get3A_431 : vector<16xi32>
        %jit3A_437 = arith.constant 1.000000e+00 : f32
        %jit3A_438 = arith.constant 0.000000e+00 : f32
        %broadcast_in_dim3A_439 = vector.broadcast %jit3A_437 : f32 to vector<16xf32>
        %broadcast_in_dim3A_440 = vector.broadcast %jit3A_438 : f32 to vector<16xf32>
        %select_n3A_441 = arith.select %eq3A_436, %broadcast_in_dim3A_439, %broadcast_in_dim3A_440 : vector<16xi1>, vector<16xf32>
        %swap3A_442 = arith.constant 32 : index
        %swap3A_443 = tpu.vector_load %arg13[%swap3A_442] {strides = array<i32>} : memref<64xf32, #tpu.memory_space<vmem>>, vector<16xf32>,
        tpu.vector_store %arg13[%swap3A_442], %select_n3A_441 {strides = array<i32>} : memref<64xf32, #tpu.memory_space<vmem>>, vector<16xf32>,
        %ne3A_444 = arith.cmpi ne, %get3A_427, %get3A_435 : vector<16xi32>
        %select_n3A_445 = arith.select %ne3A_444, %get3A_427, %broadcast_in_dim3A_9 : vector<16xi1>, vector<16xi32>
        %swap3A_446 = arith.constant 1 : i32
        %swap3A_447 = arith.index_cast %swap3A_446 : i32 to index
        %swap3A_448 = arith.constant 32 : index
        %swap3A_449 = tpu.vector_load %arg11[%swap3A_447, %swap3A_448] {strides = array<i32>} : memref<2x64xi32, #tpu.memory_space<vmem>>, vector<16xi32>,
        tpu.vector_store %arg11[%swap3A_447, %swap3A_448], %select_n3A_445 {strides = array<i32>} : memref<2x64xi32, #tpu.memory_space<vmem>>, vector<16xi32>,
        %select_n3A_450 = arith.select %ne3A_444, %get3A_435, %broadcast_in_dim3A_9 : vector<16xi1>, vector<16xi32>
        %swap3A_451 = arith.constant 1 : i32
        %swap3A_452 = arith.index_cast %swap3A_451 : i32 to index
        %swap3A_453 = arith.constant 32 : index
        %swap3A_454 = tpu.vector_load %arg12[%swap3A_452, %swap3A_453] {strides = array<i32>} : memref<2x64xi32, #tpu.memory_space<vmem>>, vector<16xi32>,
        tpu.vector_store %arg12[%swap3A_452, %swap3A_453], %select_n3A_450 {strides = array<i32>} : memref<2x64xi32, #tpu.memory_space<vmem>>, vector<16xi32>,
        %get3A_455 = arith.constant 2 : i32
        %get3A_456 = arith.index_cast %get3A_455 : i32 to index
        %get3A_457 = arith.constant 56 : index
        %get3A_458 = tpu.vector_load %arg9[%get3A_456, %get3A_457] {strides = array<i32>} : memref<3x80xi32, #tpu.memory_space<vmem>>, vector<16xi32>,
        %get3A_459 = arith.constant 2 : i32
        %get3A_460 = arith.index_cast %get3A_459 : i32 to index
        %get3A_461 = arith.constant 55 : index
        %get3A_462 = tpu.vector_load %arg9[%get3A_460, %get3A_461] {strides = array<i32>} : memref<3x80xi32, #tpu.memory_space<vmem>>, vector<16xi32>,
        %get3A_463 = arith.constant 2 : i32
        %get3A_464 = arith.index_cast %get3A_463 : i32 to index
        %get3A_465 = arith.constant 57 : index
        %get3A_466 = tpu.vector_load %arg9[%get3A_464, %get3A_465] {strides = array<i32>} : memref<3x80xi32, #tpu.memory_space<vmem>>, vector<16xi32>,
        %eq3A_467 = arith.cmpi eq, %get3A_458, %get3A_462 : vector<16xi32>
        %jit3A_468 = arith.constant 1.000000e+00 : f32
        %jit3A_469 = arith.constant 0.000000e+00 : f32
        %broadcast_in_dim3A_470 = vector.broadcast %jit3A_468 : f32 to vector<16xf32>
        %broadcast_in_dim3A_471 = vector.broadcast %jit3A_469 : f32 to vector<16xf32>
        %select_n3A_472 = arith.select %eq3A_467, %broadcast_in_dim3A_470, %broadcast_in_dim3A_471 : vector<16xi1>, vector<16xf32>
        %swap3A_473 = arith.constant 48 : index
        %swap3A_474 = tpu.vector_load %arg13[%swap3A_473] {strides = array<i32>} : memref<64xf32, #tpu.memory_space<vmem>>, vector<16xf32>,
        tpu.vector_store %arg13[%swap3A_473], %select_n3A_472 {strides = array<i32>} : memref<64xf32, #tpu.memory_space<vmem>>, vector<16xf32>,
        %ne3A_475 = arith.cmpi ne, %get3A_458, %get3A_466 : vector<16xi32>
        %or3A_476 = arith.ori %ne3A_475, %eq3A_7 : vector<16xi1>
        %select_n3A_477 = arith.select %or3A_476, %get3A_458, %broadcast_in_dim3A_9 : vector<16xi1>, vector<16xi32>
        %swap3A_478 = arith.constant 1 : i32
        %swap3A_479 = arith.index_cast %swap3A_478 : i32 to index
        %swap3A_480 = arith.constant 48 : index
        %swap3A_481 = tpu.vector_load %arg11[%swap3A_479, %swap3A_480] {strides = array<i32>} : memref<2x64xi32, #tpu.memory_space<vmem>>, vector<16xi32>,
        tpu.vector_store %arg11[%swap3A_479, %swap3A_480], %select_n3A_477 {strides = array<i32>} : memref<2x64xi32, #tpu.memory_space<vmem>>, vector<16xi32>,
        %select_n3A_482 = arith.select %or3A_476, %get3A_466, %broadcast_in_dim3A_9 : vector<16xi1>, vector<16xi32>
        %select_n3A_483 = arith.select %eq3A_7, %broadcast_in_dim3A_9, %select_n3A_482 : vector<16xi1>, vector<16xi32>
        %swap3A_484 = arith.constant 1 : i32
        %swap3A_485 = arith.index_cast %swap3A_484 : i32 to index
        %swap3A_486 = arith.constant 48 : index
        %swap3A_487 = tpu.vector_load %arg12[%swap3A_485, %swap3A_486] {strides = array<i32>} : memref<2x64xi32, #tpu.memory_space<vmem>>, vector<16xi32>,
        tpu.vector_store %arg12[%swap3A_485, %swap3A_486], %select_n3A_483 {strides = array<i32>} : memref<2x64xi32, #tpu.memory_space<vmem>>, vector<16xi32>,
        %broadcast_in_dim3A_488 = arith.constant 0.000000e+00 : f32
        %broadcast_in_dim3A_489 = vector.broadcast %broadcast_in_dim3A_488 : f32 to vector<16xf32>
        %broadcast_in_dim3A_490 = arith.constant 0.000000e+00 : f32
        %broadcast_in_dim3A_491 = vector.broadcast %broadcast_in_dim3A_490 : f32 to vector<16xf32>
        %broadcast_in_dim3A_492 = arith.constant 0.000000e+00 : f32
        %broadcast_in_dim3A_493 = vector.broadcast %broadcast_in_dim3A_492 : f32 to vector<16xf32>
        %broadcast_in_dim3A_494 = arith.constant 0.000000e+00 : f32
        %broadcast_in_dim3A_495 = vector.broadcast %broadcast_in_dim3A_494 : f32 to vector<16xf32>
        %broadcast_in_dim3A_496 = arith.constant 0.000000e+00 : f32
        %broadcast_in_dim3A_497 = vector.broadcast %broadcast_in_dim3A_496 : f32 to vector<16xf32>
        %broadcast_in_dim3A_498 = arith.constant 0.000000e+00 : f32
        %broadcast_in_dim3A_499 = vector.broadcast %broadcast_in_dim3A_498 : f32 to vector<16xf32>
        %broadcast_in_dim3A_500 = arith.constant 0.000000e+00 : f32
        %broadcast_in_dim3A_501 = vector.broadcast %broadcast_in_dim3A_500 : f32 to vector<16xf32>
        %broadcast_in_dim3A_502 = arith.constant 0.000000e+00 : f32
        %broadcast_in_dim3A_503 = vector.broadcast %broadcast_in_dim3A_502 : f32 to vector<16xf32>
        %scan3A_504 = arith.constant 0 : i32
        %scan3A_505 = arith.constant 64 : i32
        %scan3A_506 = arith.addi %scan3A_504, %scan3A_505 : i32
        %scan3A_507 = arith.constant 1 : i32
        %scan3A_508:8 = scf.for %scan3A_546 = %scan3A_504 to %scan3A_506 step %scan3A_507 iter_args(%scan3A_547 = %broadcast_in_dim3A_489, %scan3A_548 = %broadcast_in_dim3A_491, %scan3A_549 = %broadcast_in_dim3A_493, %scan3A_550 = %broadcast_in_dim3A_495, %scan3A_551 = %broadcast_in_dim3A_497, %scan3A_552 = %broadcast_in_dim3A_499, %scan3A_553 = %broadcast_in_dim3A_501, %scan3A_554 = %broadcast_in_dim3A_503) -> (vector<16xf32>, vector<16xf32>, vector<16xf32>, vector<16xf32>, vector<16xf32>, vector<16xf32>, vector<16xf32>, vector<16xf32>)  : i32 {
          %broadcast_in_dim3A_555 = vector.broadcast %scan3A_546 : i32 to vector<16xi32>
          %gather3A = tpu.vector_load_idx %arg13[%broadcast_in_dim3A_555] : memref<64xf32, #tpu.memory_space<vmem>>[vector<16xi32>], vector<16xf32>,
          %add3A_556 = arith.constant 128 : i32
          %add3A_557 = arith.addi %add3A_556, %scan3A_546 : i32
          %get3A_558 = arith.index_cast %add3A_557 : i32 to index
          %get3A_559 = arith.constant 0 : index
          %get3A_560 = tpu.vector_load %arg8[%get3A_558, %get3A_559] {strides = array<i32>} : memref<192x128xf32, #tpu.memory_space<vmem>>, vector<16xf32>,
          %mul3A_561 = arith.mulf %scan3A_547, %gather3A : vector<16xf32>
          %add3A_562 = arith.addf %mul3A_561, %get3A_560 : vector<16xf32>
          %swap3A_563 = arith.constant 1 : i32
          %swap3A_564 = arith.index_cast %swap3A_563 : i32 to index
          %swap3A_565 = arith.index_cast %scan3A_546 : i32 to index
          %swap3A_566 = arith.constant 0 : index
          %swap3A_567 = tpu.vector_load %arg10[%swap3A_564, %swap3A_565, %swap3A_566] {strides = array<i32>} : memref<2x64x128xf32, #tpu.memory_space<vmem>>, vector<16xf32>,
          tpu.vector_store %arg10[%swap3A_564, %swap3A_565, %swap3A_566], %add3A_562 {strides = array<i32>} : memref<2x64x128xf32, #tpu.memory_space<vmem>>, vector<16xf32>,
          %add3A_568 = arith.constant 128 : i32
          %add3A_569 = arith.addi %add3A_568, %scan3A_546 : i32
          %get3A_570 = arith.index_cast %add3A_569 : i32 to index
          %get3A_571 = arith.constant 16 : index
          %get3A_572 = tpu.vector_load %arg8[%get3A_570, %get3A_571] {strides = array<i32>} : memref<192x128xf32, #tpu.memory_space<vmem>>, vector<16xf32>,
          %mul3A_573 = arith.mulf %scan3A_548, %gather3A : vector<16xf32>
          %add3A_574 = arith.addf %mul3A_573, %get3A_572 : vector<16xf32>
          %swap3A_575 = arith.constant 1 : i32
          %swap3A_576 = arith.index_cast %swap3A_575 : i32 to index
          %swap3A_577 = arith.index_cast %scan3A_546 : i32 to index
          %swap3A_578 = arith.constant 16 : index
          %swap3A_579 = tpu.vector_load %arg10[%swap3A_576, %swap3A_577, %swap3A_578] {strides = array<i32>} : memref<2x64x128xf32, #tpu.memory_space<vmem>>, vector<16xf32>,
          tpu.vector_store %arg10[%swap3A_576, %swap3A_577, %swap3A_578], %add3A_574 {strides = array<i32>} : memref<2x64x128xf32, #tpu.memory_space<vmem>>, vector<16xf32>,
          %add3A_580 = arith.constant 128 : i32
          %add3A_581 = arith.addi %add3A_580, %scan3A_546 : i32
          %get3A_582 = arith.index_cast %add3A_581 : i32 to index
          %get3A_583 = arith.constant 32 : index
          %get3A_584 = tpu.vector_load %arg8[%get3A_582, %get3A_583] {strides = array<i32>} : memref<192x128xf32, #tpu.memory_space<vmem>>, vector<16xf32>,
          %mul3A_585 = arith.mulf %scan3A_549, %gather3A : vector<16xf32>
          %add3A_586 = arith.addf %mul3A_585, %get3A_584 : vector<16xf32>
          %swap3A_587 = arith.constant 1 : i32
          %swap3A_588 = arith.index_cast %swap3A_587 : i32 to index
          %swap3A_589 = arith.index_cast %scan3A_546 : i32 to index
          %swap3A_590 = arith.constant 32 : index
          %swap3A_591 = tpu.vector_load %arg10[%swap3A_588, %swap3A_589, %swap3A_590] {strides = array<i32>} : memref<2x64x128xf32, #tpu.memory_space<vmem>>, vector<16xf32>,
          tpu.vector_store %arg10[%swap3A_588, %swap3A_589, %swap3A_590], %add3A_586 {strides = array<i32>} : memref<2x64x128xf32, #tpu.memory_space<vmem>>, vector<16xf32>,
          %add3A_592 = arith.constant 128 : i32
          %add3A_593 = arith.addi %add3A_592, %scan3A_546 : i32
          %get3A_594 = arith.index_cast %add3A_593 : i32 to index
          %get3A_595 = arith.constant 48 : index
          %get3A_596 = tpu.vector_load %arg8[%get3A_594, %get3A_595] {strides = array<i32>} : memref<192x128xf32, #tpu.memory_space<vmem>>, vector<16xf32>,
          %mul3A_597 = arith.mulf %scan3A_550, %gather3A : vector<16xf32>
          %add3A_598 = arith.addf %mul3A_597, %get3A_596 : vector<16xf32>
          %swap3A_599 = arith.constant 1 : i32
          %swap3A_600 = arith.index_cast %swap3A_599 : i32 to index
          %swap3A_601 = arith.index_cast %scan3A_546 : i32 to index
          %swap3A_602 = arith.constant 48 : index
          %swap3A_603 = tpu.vector_load %arg10[%swap3A_600, %swap3A_601, %swap3A_602] {strides = array<i32>} : memref<2x64x128xf32, #tpu.memory_space<vmem>>, vector<16xf32>,
          tpu.vector_store %arg10[%swap3A_600, %swap3A_601, %swap3A_602], %add3A_598 {strides = array<i32>} : memref<2x64x128xf32, #tpu.memory_space<vmem>>, vector<16xf32>,
          %add3A_604 = arith.constant 128 : i32
          %add3A_605 = arith.addi %add3A_604, %scan3A_546 : i32
          %get3A_606 = arith.index_cast %add3A_605 : i32 to index
          %get3A_607 = arith.constant 64 : index
          %get3A_608 = tpu.vector_load %arg8[%get3A_606, %get3A_607] {strides = array<i32>} : memref<192x128xf32, #tpu.memory_space<vmem>>, vector<16xf32>,
          %mul3A_609 = arith.mulf %scan3A_551, %gather3A : vector<16xf32>
          %add3A_610 = arith.addf %mul3A_609, %get3A_608 : vector<16xf32>
          %swap3A_611 = arith.constant 1 : i32
          %swap3A_612 = arith.index_cast %swap3A_611 : i32 to index
          %swap3A_613 = arith.index_cast %scan3A_546 : i32 to index
          %swap3A_614 = arith.constant 64 : index
          %swap3A_615 = tpu.vector_load %arg10[%swap3A_612, %swap3A_613, %swap3A_614] {strides = array<i32>} : memref<2x64x128xf32, #tpu.memory_space<vmem>>, vector<16xf32>,
          tpu.vector_store %arg10[%swap3A_612, %swap3A_613, %swap3A_614], %add3A_610 {strides = array<i32>} : memref<2x64x128xf32, #tpu.memory_space<vmem>>, vector<16xf32>,
          %add3A_616 = arith.constant 128 : i32
          %add3A_617 = arith.addi %add3A_616, %scan3A_546 : i32
          %get3A_618 = arith.index_cast %add3A_617 : i32 to index
          %get3A_619 = arith.constant 80 : index
          %get3A_620 = tpu.vector_load %arg8[%get3A_618, %get3A_619] {strides = array<i32>} : memref<192x128xf32, #tpu.memory_space<vmem>>, vector<16xf32>,
          %mul3A_621 = arith.mulf %scan3A_552, %gather3A : vector<16xf32>
          %add3A_622 = arith.addf %mul3A_621, %get3A_620 : vector<16xf32>
          %swap3A_623 = arith.constant 1 : i32
          %swap3A_624 = arith.index_cast %swap3A_623 : i32 to index
          %swap3A_625 = arith.index_cast %scan3A_546 : i32 to index
          %swap3A_626 = arith.constant 80 : index
          %swap3A_627 = tpu.vector_load %arg10[%swap3A_624, %swap3A_625, %swap3A_626] {strides = array<i32>} : memref<2x64x128xf32, #tpu.memory_space<vmem>>, vector<16xf32>,
          tpu.vector_store %arg10[%swap3A_624, %swap3A_625, %swap3A_626], %add3A_622 {strides = array<i32>} : memref<2x64x128xf32, #tpu.memory_space<vmem>>, vector<16xf32>,
          %add3A_628 = arith.constant 128 : i32
          %add3A_629 = arith.addi %add3A_628, %scan3A_546 : i32
          %get3A_630 = arith.index_cast %add3A_629 : i32 to index
          %get3A_631 = arith.constant 96 : index
          %get3A_632 = tpu.vector_load %arg8[%get3A_630, %get3A_631] {strides = array<i32>} : memref<192x128xf32, #tpu.memory_space<vmem>>, vector<16xf32>,
          %mul3A_633 = arith.mulf %scan3A_553, %gather3A : vector<16xf32>
          %add3A_634 = arith.addf %mul3A_633, %get3A_632 : vector<16xf32>
          %swap3A_635 = arith.constant 1 : i32
          %swap3A_636 = arith.index_cast %swap3A_635 : i32 to index
          %swap3A_637 = arith.index_cast %scan3A_546 : i32 to index
          %swap3A_638 = arith.constant 96 : index
          %swap3A_639 = tpu.vector_load %arg10[%swap3A_636, %swap3A_637, %swap3A_638] {strides = array<i32>} : memref<2x64x128xf32, #tpu.memory_space<vmem>>, vector<16xf32>,
          tpu.vector_store %arg10[%swap3A_636, %swap3A_637, %swap3A_638], %add3A_634 {strides = array<i32>} : memref<2x64x128xf32, #tpu.memory_space<vmem>>, vector<16xf32>,
          %add3A_640 = arith.constant 128 : i32
          %add3A_641 = arith.addi %add3A_640, %scan3A_546 : i32
          %get3A_642 = arith.index_cast %add3A_641 : i32 to index
          %get3A_643 = arith.constant 112 : index
          %get3A_644 = tpu.vector_load %arg8[%get3A_642, %get3A_643] {strides = array<i32>} : memref<192x128xf32, #tpu.memory_space<vmem>>, vector<16xf32>,
          %mul3A_645 = arith.mulf %scan3A_554, %gather3A : vector<16xf32>
          %add3A_646 = arith.addf %mul3A_645, %get3A_644 : vector<16xf32>
          %swap3A_647 = arith.constant 1 : i32
          %swap3A_648 = arith.index_cast %swap3A_647 : i32 to index
          %swap3A_649 = arith.index_cast %scan3A_546 : i32 to index
          %swap3A_650 = arith.constant 112 : index
          %swap3A_651 = tpu.vector_load %arg10[%swap3A_648, %swap3A_649, %swap3A_650] {strides = array<i32>} : memref<2x64x128xf32, #tpu.memory_space<vmem>>, vector<16xf32>,
          tpu.vector_store %arg10[%swap3A_648, %swap3A_649, %swap3A_650], %add3A_646 {strides = array<i32>} : memref<2x64x128xf32, #tpu.memory_space<vmem>>, vector<16xf32>,
          scf.yield %add3A_562, %add3A_574, %add3A_586, %add3A_598, %add3A_610, %add3A_622, %add3A_634, %add3A_646 : vector<16xf32>, vector<16xf32>, vector<16xf32>, vector<16xf32>, vector<16xf32>, vector<16xf32>, vector<16xf32>, vector<16xf32>
        }
        %scan3A_509 = arith.constant 64 : i32
        %dma_start3A_510 = arith.constant 1 : i32
        %dma_start3A_511 = arith.constant 1 : i32
        %dma_start3A_512 = arith.constant 1 : i32
        %dma_start3A_513 = arith.constant 0 : i32
        %dma_start3A_514 = arith.constant 0 : i32
        %dma_start3A_515 = tpu.memref_slice %arg10[%dma_start3A_510, %dma_start3A_513, %dma_start3A_514] : memref<2x64x128xf32, #tpu.memory_space<vmem>> -> memref<1x64x128xf32, #tpu.memory_space<vmem>>
        %dma_start3A_516 = tpu.memref_squeeze %dma_start3A_515 : memref<1x64x128xf32, #tpu.memory_space<vmem>> -> memref<64x128xf32, #tpu.memory_space<vmem>>
        %dma_start3A_517 = arith.constant 0 : i32
        %dma_start3A_518 = tpu.memref_slice %arg11[%dma_start3A_511, %dma_start3A_517] : memref<2x64xi32, #tpu.memory_space<vmem>> -> memref<1x64xi32, #tpu.memory_space<vmem>>
        %dma_start3A_519 = tpu.memref_squeeze %dma_start3A_518 : memref<1x64xi32, #tpu.memory_space<vmem>> -> memref<64xi32, #tpu.memory_space<vmem>>
        %dma_start3A_520 = arith.constant 0 : i32
        %dma_start3A_521 = arith.constant 0 : i32
        %dma_start3A_522 = tpu.memref_slice %arg6[%dma_start3A_520, %dma_start3A_521] : memref<10000x128xf32, #tpu.memory_space<vmem_shared>> -> memref<10000x128xf32, #tpu.memory_space<vmem_shared>>
        %dma_start3A_523 = arith.constant -1 : i32
        %dma_start3A_524 = tpu.memref_slice %arg21[%dma_start3A_512] : memref<2x!tpu.dma_semaphore, #tpu.memory_space<semaphore_mem>> -> memref<1x!tpu.dma_semaphore, #tpu.memory_space<semaphore_mem>>
        %dma_start3A_525 = tpu.memref_squeeze %dma_start3A_524 : memref<1x!tpu.dma_semaphore, #tpu.memory_space<semaphore_mem>> -> memref<!tpu.dma_semaphore, #tpu.memory_space<semaphore_mem>>
        tpu.enqueue_indirect_dma source(%dma_start3A_516 : memref<64x128xf32, #tpu.memory_space<vmem>>) target(%dma_start3A_522 : memref<10000x128xf32, #tpu.memory_space<vmem_shared>>) offsets(%dma_start3A_519 : memref<64xi32, #tpu.memory_space<vmem>>) offset_filter(%dma_start3A_523) semaphore(%dma_start3A_525 : memref<!tpu.dma_semaphore, #tpu.memory_space<semaphore_mem>>) {add = true}
        %dma_start3A_526 = arith.constant 1 : i32
        %dma_start3A_527 = arith.constant 1 : i32
        %dma_start3A_528 = arith.constant 0 : i32
        %dma_start3A_529 = tpu.memref_slice %arg11[%dma_start3A_526, %dma_start3A_528] : memref<2x64xi32, #tpu.memory_space<vmem>> -> memref<1x64xi32, #tpu.memory_space<vmem>>
        %dma_start3A_530 = tpu.memref_squeeze %dma_start3A_529 : memref<1x64xi32, #tpu.memory_space<vmem>> -> memref<64xi32, #tpu.memory_space<vmem>>
        %dma_start3A_531 = arith.constant 0 : i32
        %dma_start3A_532 = tpu.memref_slice %arg7[%dma_start3A_531] : memref<10240xf32, #tpu.memory_space<vmem_shared>> -> memref<10240xf32, #tpu.memory_space<vmem_shared>>
        %dma_start3A_533 = arith.constant -1 : i32
        %dma_start3A_534 = tpu.memref_slice %arg21[%dma_start3A_527] : memref<2x!tpu.dma_semaphore, #tpu.memory_space<semaphore_mem>> -> memref<1x!tpu.dma_semaphore, #tpu.memory_space<semaphore_mem>>
        %dma_start3A_535 = tpu.memref_squeeze %dma_start3A_534 : memref<1x!tpu.dma_semaphore, #tpu.memory_space<semaphore_mem>> -> memref<!tpu.dma_semaphore, #tpu.memory_space<semaphore_mem>>
        tpu.enqueue_indirect_dma source(%arg14 : memref<64xf32, #tpu.memory_space<vmem>>) target(%dma_start3A_532 : memref<10240xf32, #tpu.memory_space<vmem_shared>>) offsets(%dma_start3A_530 : memref<64xi32, #tpu.memory_space<vmem>>) offset_filter(%dma_start3A_533) semaphore(%dma_start3A_535 : memref<!tpu.dma_semaphore, #tpu.memory_space<semaphore_mem>>) {add = true}
        %dma_start3A_536 = arith.constant 1 : i32
        %dma_start3A_537 = arith.constant 1 : i32
        %dma_start3A_538 = arith.constant 0 : i32
        %dma_start3A_539 = tpu.memref_slice %arg12[%dma_start3A_536, %dma_start3A_538] : memref<2x64xi32, #tpu.memory_space<vmem>> -> memref<1x64xi32, #tpu.memory_space<vmem>>
        %dma_start3A_540 = tpu.memref_squeeze %dma_start3A_539 : memref<1x64xi32, #tpu.memory_space<vmem>> -> memref<64xi32, #tpu.memory_space<vmem>>
        %dma_start3A_541 = arith.constant 0 : i32
        %dma_start3A_542 = tpu.memref_slice %arg7[%dma_start3A_541] : memref<10240xf32, #tpu.memory_space<vmem_shared>> -> memref<10240xf32, #tpu.memory_space<vmem_shared>>
        %dma_start3A_543 = arith.constant -1 : i32
        %dma_start3A_544 = tpu.memref_slice %arg21[%dma_start3A_537] : memref<2x!tpu.dma_semaphore, #tpu.memory_space<semaphore_mem>> -> memref<1x!tpu.dma_semaphore, #tpu.memory_space<semaphore_mem>>
        %dma_start3A_545 = tpu.memref_squeeze %dma_start3A_544 : memref<1x!tpu.dma_semaphore, #tpu.memory_space<semaphore_mem>> -> memref<!tpu.dma_semaphore, #tpu.memory_space<semaphore_mem>>
        tpu.enqueue_indirect_dma source(%arg15 : memref<64xf32, #tpu.memory_space<vmem>>) target(%dma_start3A_542 : memref<10240xf32, #tpu.memory_space<vmem_shared>>) offsets(%dma_start3A_540 : memref<64xi32, #tpu.memory_space<vmem>>) offset_filter(%dma_start3A_543) semaphore(%dma_start3A_545 : memref<!tpu.dma_semaphore, #tpu.memory_space<semaphore_mem>>) {add = true}
      } else {
      }
    }
    %scan3A_130 = arith.constant 27 : i32
    %add3A_131 = arith.constant 9984 : i32
    %add3A_132 = arith.addi %add3A, %add3A_131 : i32
    "tpu.region"() ({
      %run_scoped3A_189 = tpu.sem_alloc : memref<!tpu.dma_semaphore, #tpu.memory_space<semaphore_mem>>
      %dma_start3A_190 = arith.constant 0 : i32
      %dma_start3A_191 = arith.constant 0 : i32
      %dma_start3A_192 = tpu.memref_slice %arg8[%dma_start3A_190, %dma_start3A_191] : memref<192x128xf32, #tpu.memory_space<vmem>> -> memref<16x128xf32, #tpu.memory_space<vmem>>
      %dma_start3A_193 = arith.constant 0 : i32
      %dma_start3A_194 = tpu.memref_slice %arg2[%add3A_132, %dma_start3A_193] : memref<320000x128xf32, #tpu.memory_space<hbm>> -> memref<16x128xf32, #tpu.memory_space<hbm>>
      %dma_start3A_195 = arith.constant 0 : i32
      %dma_start3A_196 = arith.constant 0 : i32
      %dma_start3A_197 = tpu.memref_slice %arg8[%dma_start3A_195, %dma_start3A_196] : memref<192x128xf32, #tpu.memory_space<vmem>> -> memref<16x128xf32, #tpu.memory_space<vmem>>
      %dma_start3A_198 = arith.constant 0 : i32
      %dma_start3A_199 = tpu.memref_slice %arg2[%add3A_132, %dma_start3A_198] : memref<320000x128xf32, #tpu.memory_space<hbm>> -> memref<16x128xf32, #tpu.memory_space<hbm>>
      tpu.enqueue_dma source(%dma_start3A_199 : memref<16x128xf32, #tpu.memory_space<hbm>>) target(%dma_start3A_197 : memref<16x128xf32, #tpu.memory_space<vmem>>) target_semaphore(%run_scoped3A_189 : memref<!tpu.dma_semaphore, #tpu.memory_space<semaphore_mem>>)
      %dma_wait3A = arith.constant 0 : i32
      %dma_wait3A_200 = arith.constant 0 : i32
      %dma_wait3A_201 = tpu.memref_slice %arg8[%dma_wait3A, %dma_wait3A_200] : memref<192x128xf32, #tpu.memory_space<vmem>> -> memref<16x128xf32, #tpu.memory_space<vmem>>
      %dma_wait3A_202 = arith.constant 0 : i32
      %dma_wait3A_203 = tpu.memref_slice %arg2[%add3A_132, %dma_wait3A_202] : memref<320000x128xf32, #tpu.memory_space<hbm>> -> memref<16x128xf32, #tpu.memory_space<hbm>>
      %dma_wait3A_204 = arith.constant 0 : i32
      %dma_wait3A_205 = arith.constant 0 : i32
      %dma_wait3A_206 = tpu.memref_slice %arg8[%dma_wait3A_204, %dma_wait3A_205] : memref<192x128xf32, #tpu.memory_space<vmem>> -> memref<16x128xf32, #tpu.memory_space<vmem>>
      %dma_wait3A_207 = arith.constant 0 : i32
      %dma_wait3A_208 = tpu.memref_slice %arg2[%add3A_132, %dma_wait3A_207] : memref<320000x128xf32, #tpu.memory_space<hbm>> -> memref<16x128xf32, #tpu.memory_space<hbm>>
      tpu.wait_dma2 semaphore(%run_scoped3A_189 : memref<!tpu.dma_semaphore, #tpu.memory_space<semaphore_mem>>) src(%dma_wait3A_208 : memref<16x128xf32, #tpu.memory_space<hbm>>) dst(%dma_wait3A_206 : memref<16x128xf32, #tpu.memory_space<vmem>>)
      tpu.yield
    }) : () -> ()
    "tpu.region"() ({
      %run_scoped3A_189 = tpu.sem_alloc : memref<!tpu.dma_semaphore, #tpu.memory_space<semaphore_mem>>
      %dma_start3A_190 = arith.constant 8 : i32
      %dma_start3A_191 = tpu.memref_slice %arg17[%dma_start3A_190] : memref<32xi32, #tpu.memory_space<vmem>> -> memref<16xi32, #tpu.memory_space<vmem>>
      %dma_start3A_192 = tpu.memref_slice %arg3[%add3A_132] : memref<320000xi32, #tpu.memory_space<hbm>> -> memref<16xi32, #tpu.memory_space<hbm>>
      %dma_start3A_193 = arith.constant 8 : i32
      %dma_start3A_194 = tpu.memref_slice %arg17[%dma_start3A_193] : memref<32xi32, #tpu.memory_space<vmem>> -> memref<16xi32, #tpu.memory_space<vmem>>
      %dma_start3A_195 = tpu.memref_slice %arg3[%add3A_132] : memref<320000xi32, #tpu.memory_space<hbm>> -> memref<16xi32, #tpu.memory_space<hbm>>
      tpu.enqueue_dma source(%dma_start3A_195 : memref<16xi32, #tpu.memory_space<hbm>>) target(%dma_start3A_194 : memref<16xi32, #tpu.memory_space<vmem>>) target_semaphore(%run_scoped3A_189 : memref<!tpu.dma_semaphore, #tpu.memory_space<semaphore_mem>>)
      %dma_wait3A = arith.constant 8 : i32
      %dma_wait3A_196 = tpu.memref_slice %arg17[%dma_wait3A] : memref<32xi32, #tpu.memory_space<vmem>> -> memref<16xi32, #tpu.memory_space<vmem>>
      %dma_wait3A_197 = tpu.memref_slice %arg3[%add3A_132] : memref<320000xi32, #tpu.memory_space<hbm>> -> memref<16xi32, #tpu.memory_space<hbm>>
      %dma_wait3A_198 = arith.constant 8 : i32
      %dma_wait3A_199 = tpu.memref_slice %arg17[%dma_wait3A_198] : memref<32xi32, #tpu.memory_space<vmem>> -> memref<16xi32, #tpu.memory_space<vmem>>
      %dma_wait3A_200 = tpu.memref_slice %arg3[%add3A_132] : memref<320000xi32, #tpu.memory_space<hbm>> -> memref<16xi32, #tpu.memory_space<hbm>>
      tpu.wait_dma2 semaphore(%run_scoped3A_189 : memref<!tpu.dma_semaphore, #tpu.memory_space<semaphore_mem>>) src(%dma_wait3A_200 : memref<16xi32, #tpu.memory_space<hbm>>) dst(%dma_wait3A_199 : memref<16xi32, #tpu.memory_space<vmem>>)
      tpu.yield
    }) : () -> ()
    %get3A = arith.constant 8 : index
    %get3A_133 = tpu.vector_load %arg17[%get3A] {strides = array<i32>} : memref<32xi32, #tpu.memory_space<vmem>>, vector<16xi32>,
    %get3A_134 = arith.constant 7 : index
    %get3A_135 = tpu.vector_load %arg17[%get3A_134] {strides = array<i32>} : memref<32xi32, #tpu.memory_space<vmem>>, vector<16xi32>,
    %get3A_136 = arith.constant 9 : index
    %get3A_137 = tpu.vector_load %arg17[%get3A_136] {strides = array<i32>} : memref<32xi32, #tpu.memory_space<vmem>>, vector<16xi32>,
    %eq3A_138 = arith.cmpi eq, %get3A_133, %get3A_135 : vector<16xi32>
    %and3A = arith.andi %eq3A_138, %ne3A_5 : vector<16xi1>
    %jit3A = arith.constant 1.000000e+00 : f32
    %jit3A_139 = arith.constant 0.000000e+00 : f32
    %broadcast_in_dim3A_140 = vector.broadcast %jit3A : f32 to vector<16xf32>
    %broadcast_in_dim3A_141 = vector.broadcast %jit3A_139 : f32 to vector<16xf32>
    %select_n3A = arith.select %and3A, %broadcast_in_dim3A_140, %broadcast_in_dim3A_141 : vector<16xi1>, vector<16xf32>
    %swap3A_142 = arith.constant 0 : index
    %swap3A_143 = tpu.vector_load %arg13[%swap3A_142] {strides = array<i32>} : memref<64xf32, #tpu.memory_space<vmem>>, vector<16xf32>,
    tpu.vector_store %arg13[%swap3A_142], %select_n3A {strides = array<i32>} : memref<64xf32, #tpu.memory_space<vmem>>, vector<16xf32>,
    %ne3A_144 = arith.cmpi ne, %get3A_133, %get3A_137 : vector<16xi32>
    %or3A = arith.ori %ne3A_144, %eq3A_7 : vector<16xi1>
    %select_n3A_145 = arith.select %or3A, %get3A_133, %broadcast_in_dim3A_9 : vector<16xi1>, vector<16xi32>
    %swap3A_146 = arith.constant 0 : index
    %swap3A_147 = tpu.vector_load %arg18[%swap3A_146] {strides = array<i32>} : memref<16xi32, #tpu.memory_space<vmem>>, vector<16xi32>,
    tpu.vector_store %arg18[%swap3A_146], %select_n3A_145 {strides = array<i32>} : memref<16xi32, #tpu.memory_space<vmem>>, vector<16xi32>,
    %select_n3A_148 = arith.select %or3A, %get3A_137, %broadcast_in_dim3A_9 : vector<16xi1>, vector<16xi32>
    %select_n3A_149 = arith.select %eq3A_7, %broadcast_in_dim3A_9, %select_n3A_148 : vector<16xi1>, vector<16xi32>
    %swap3A_150 = arith.constant 0 : index
    %swap3A_151 = tpu.vector_load %arg19[%swap3A_150] {strides = array<i32>} : memref<16xi32, #tpu.memory_space<vmem>>, vector<16xi32>,
    tpu.vector_store %arg19[%swap3A_150], %select_n3A_149 {strides = array<i32>} : memref<16xi32, #tpu.memory_space<vmem>>, vector<16xi32>,
    %broadcast_in_dim3A_152 = arith.constant 0.000000e+00 : f32
    %broadcast_in_dim3A_153 = vector.broadcast %broadcast_in_dim3A_152 : f32 to vector<16xf32>
    %broadcast_in_dim3A_154 = arith.constant 0.000000e+00 : f32
    %broadcast_in_dim3A_155 = vector.broadcast %broadcast_in_dim3A_154 : f32 to vector<16xf32>
    %broadcast_in_dim3A_156 = arith.constant 0.000000e+00 : f32
    %broadcast_in_dim3A_157 = vector.broadcast %broadcast_in_dim3A_156 : f32 to vector<16xf32>
    %broadcast_in_dim3A_158 = arith.constant 0.000000e+00 : f32
    %broadcast_in_dim3A_159 = vector.broadcast %broadcast_in_dim3A_158 : f32 to vector<16xf32>
    %broadcast_in_dim3A_160 = arith.constant 0.000000e+00 : f32
    %broadcast_in_dim3A_161 = vector.broadcast %broadcast_in_dim3A_160 : f32 to vector<16xf32>
    %broadcast_in_dim3A_162 = arith.constant 0.000000e+00 : f32
    %broadcast_in_dim3A_163 = vector.broadcast %broadcast_in_dim3A_162 : f32 to vector<16xf32>
    %broadcast_in_dim3A_164 = arith.constant 0.000000e+00 : f32
    %broadcast_in_dim3A_165 = vector.broadcast %broadcast_in_dim3A_164 : f32 to vector<16xf32>
    %broadcast_in_dim3A_166 = arith.constant 0.000000e+00 : f32
    %broadcast_in_dim3A_167 = vector.broadcast %broadcast_in_dim3A_166 : f32 to vector<16xf32>
    %scan3A_168 = arith.constant 0 : i32
    %scan3A_169 = arith.constant 16 : i32
    %scan3A_170 = arith.addi %scan3A_168, %scan3A_169 : i32
    %scan3A_171 = arith.constant 1 : i32
    %scan3A_172:8 = scf.for %scan3A_189 = %scan3A_168 to %scan3A_170 step %scan3A_171 iter_args(%scan3A_190 = %broadcast_in_dim3A_153, %scan3A_191 = %broadcast_in_dim3A_155, %scan3A_192 = %broadcast_in_dim3A_157, %scan3A_193 = %broadcast_in_dim3A_159, %scan3A_194 = %broadcast_in_dim3A_161, %scan3A_195 = %broadcast_in_dim3A_163, %scan3A_196 = %broadcast_in_dim3A_165, %scan3A_197 = %broadcast_in_dim3A_167) -> (vector<16xf32>, vector<16xf32>, vector<16xf32>, vector<16xf32>, vector<16xf32>, vector<16xf32>, vector<16xf32>, vector<16xf32>)  : i32 {
      %broadcast_in_dim3A_198 = vector.broadcast %scan3A_189 : i32 to vector<16xi32>
      %gather3A = tpu.vector_load_idx %arg13[%broadcast_in_dim3A_198] : memref<64xf32, #tpu.memory_space<vmem>>[vector<16xi32>], vector<16xf32>,
      %add3A_199 = arith.constant 0 : i32
      %add3A_200 = arith.addi %add3A_199, %scan3A_189 : i32
      %get3A_201 = arith.index_cast %add3A_200 : i32 to index
      %get3A_202 = arith.constant 0 : index
      %get3A_203 = tpu.vector_load %arg8[%get3A_201, %get3A_202] {strides = array<i32>} : memref<192x128xf32, #tpu.memory_space<vmem>>, vector<16xf32>,
      %mul3A_204 = arith.mulf %scan3A_190, %gather3A : vector<16xf32>
      %add3A_205 = arith.addf %mul3A_204, %get3A_203 : vector<16xf32>
      %swap3A_206 = arith.constant 0 : i32
      %swap3A_207 = arith.index_cast %swap3A_206 : i32 to index
      %swap3A_208 = arith.index_cast %scan3A_189 : i32 to index
      %swap3A_209 = arith.constant 0 : index
      %swap3A_210 = tpu.vector_load %arg10[%swap3A_207, %swap3A_208, %swap3A_209] {strides = array<i32>} : memref<2x64x128xf32, #tpu.memory_space<vmem>>, vector<16xf32>,
      tpu.vector_store %arg10[%swap3A_207, %swap3A_208, %swap3A_209], %add3A_205 {strides = array<i32>} : memref<2x64x128xf32, #tpu.memory_space<vmem>>, vector<16xf32>,
      %add3A_211 = arith.constant 0 : i32
      %add3A_212 = arith.addi %add3A_211, %scan3A_189 : i32
      %get3A_213 = arith.index_cast %add3A_212 : i32 to index
      %get3A_214 = arith.constant 16 : index
      %get3A_215 = tpu.vector_load %arg8[%get3A_213, %get3A_214] {strides = array<i32>} : memref<192x128xf32, #tpu.memory_space<vmem>>, vector<16xf32>,
      %mul3A_216 = arith.mulf %scan3A_191, %gather3A : vector<16xf32>
      %add3A_217 = arith.addf %mul3A_216, %get3A_215 : vector<16xf32>
      %swap3A_218 = arith.constant 0 : i32
      %swap3A_219 = arith.index_cast %swap3A_218 : i32 to index
      %swap3A_220 = arith.index_cast %scan3A_189 : i32 to index
      %swap3A_221 = arith.constant 16 : index
      %swap3A_222 = tpu.vector_load %arg10[%swap3A_219, %swap3A_220, %swap3A_221] {strides = array<i32>} : memref<2x64x128xf32, #tpu.memory_space<vmem>>, vector<16xf32>,
      tpu.vector_store %arg10[%swap3A_219, %swap3A_220, %swap3A_221], %add3A_217 {strides = array<i32>} : memref<2x64x128xf32, #tpu.memory_space<vmem>>, vector<16xf32>,
      %add3A_223 = arith.constant 0 : i32
      %add3A_224 = arith.addi %add3A_223, %scan3A_189 : i32
      %get3A_225 = arith.index_cast %add3A_224 : i32 to index
      %get3A_226 = arith.constant 32 : index
      %get3A_227 = tpu.vector_load %arg8[%get3A_225, %get3A_226] {strides = array<i32>} : memref<192x128xf32, #tpu.memory_space<vmem>>, vector<16xf32>,
      %mul3A_228 = arith.mulf %scan3A_192, %gather3A : vector<16xf32>
      %add3A_229 = arith.addf %mul3A_228, %get3A_227 : vector<16xf32>
      %swap3A_230 = arith.constant 0 : i32
      %swap3A_231 = arith.index_cast %swap3A_230 : i32 to index
      %swap3A_232 = arith.index_cast %scan3A_189 : i32 to index
      %swap3A_233 = arith.constant 32 : index
      %swap3A_234 = tpu.vector_load %arg10[%swap3A_231, %swap3A_232, %swap3A_233] {strides = array<i32>} : memref<2x64x128xf32, #tpu.memory_space<vmem>>, vector<16xf32>,
      tpu.vector_store %arg10[%swap3A_231, %swap3A_232, %swap3A_233], %add3A_229 {strides = array<i32>} : memref<2x64x128xf32, #tpu.memory_space<vmem>>, vector<16xf32>,
      %add3A_235 = arith.constant 0 : i32
      %add3A_236 = arith.addi %add3A_235, %scan3A_189 : i32
      %get3A_237 = arith.index_cast %add3A_236 : i32 to index
      %get3A_238 = arith.constant 48 : index
      %get3A_239 = tpu.vector_load %arg8[%get3A_237, %get3A_238] {strides = array<i32>} : memref<192x128xf32, #tpu.memory_space<vmem>>, vector<16xf32>,
      %mul3A_240 = arith.mulf %scan3A_193, %gather3A : vector<16xf32>
      %add3A_241 = arith.addf %mul3A_240, %get3A_239 : vector<16xf32>
      %swap3A_242 = arith.constant 0 : i32
      %swap3A_243 = arith.index_cast %swap3A_242 : i32 to index
      %swap3A_244 = arith.index_cast %scan3A_189 : i32 to index
      %swap3A_245 = arith.constant 48 : index
      %swap3A_246 = tpu.vector_load %arg10[%swap3A_243, %swap3A_244, %swap3A_245] {strides = array<i32>} : memref<2x64x128xf32, #tpu.memory_space<vmem>>, vector<16xf32>,
      tpu.vector_store %arg10[%swap3A_243, %swap3A_244, %swap3A_245], %add3A_241 {strides = array<i32>} : memref<2x64x128xf32, #tpu.memory_space<vmem>>, vector<16xf32>,
      %add3A_247 = arith.constant 0 : i32
      %add3A_248 = arith.addi %add3A_247, %scan3A_189 : i32
      %get3A_249 = arith.index_cast %add3A_248 : i32 to index
      %get3A_250 = arith.constant 64 : index
      %get3A_251 = tpu.vector_load %arg8[%get3A_249, %get3A_250] {strides = array<i32>} : memref<192x128xf32, #tpu.memory_space<vmem>>, vector<16xf32>,
      %mul3A_252 = arith.mulf %scan3A_194, %gather3A : vector<16xf32>
      %add3A_253 = arith.addf %mul3A_252, %get3A_251 : vector<16xf32>
      %swap3A_254 = arith.constant 0 : i32
      %swap3A_255 = arith.index_cast %swap3A_254 : i32 to index
      %swap3A_256 = arith.index_cast %scan3A_189 : i32 to index
      %swap3A_257 = arith.constant 64 : index
      %swap3A_258 = tpu.vector_load %arg10[%swap3A_255, %swap3A_256, %swap3A_257] {strides = array<i32>} : memref<2x64x128xf32, #tpu.memory_space<vmem>>, vector<16xf32>,
      tpu.vector_store %arg10[%swap3A_255, %swap3A_256, %swap3A_257], %add3A_253 {strides = array<i32>} : memref<2x64x128xf32, #tpu.memory_space<vmem>>, vector<16xf32>,
      %add3A_259 = arith.constant 0 : i32
      %add3A_260 = arith.addi %add3A_259, %scan3A_189 : i32
      %get3A_261 = arith.index_cast %add3A_260 : i32 to index
      %get3A_262 = arith.constant 80 : index
      %get3A_263 = tpu.vector_load %arg8[%get3A_261, %get3A_262] {strides = array<i32>} : memref<192x128xf32, #tpu.memory_space<vmem>>, vector<16xf32>,
      %mul3A_264 = arith.mulf %scan3A_195, %gather3A : vector<16xf32>
      %add3A_265 = arith.addf %mul3A_264, %get3A_263 : vector<16xf32>
      %swap3A_266 = arith.constant 0 : i32
      %swap3A_267 = arith.index_cast %swap3A_266 : i32 to index
      %swap3A_268 = arith.index_cast %scan3A_189 : i32 to index
      %swap3A_269 = arith.constant 80 : index
      %swap3A_270 = tpu.vector_load %arg10[%swap3A_267, %swap3A_268, %swap3A_269] {strides = array<i32>} : memref<2x64x128xf32, #tpu.memory_space<vmem>>, vector<16xf32>,
      tpu.vector_store %arg10[%swap3A_267, %swap3A_268, %swap3A_269], %add3A_265 {strides = array<i32>} : memref<2x64x128xf32, #tpu.memory_space<vmem>>, vector<16xf32>,
      %add3A_271 = arith.constant 0 : i32
      %add3A_272 = arith.addi %add3A_271, %scan3A_189 : i32
      %get3A_273 = arith.index_cast %add3A_272 : i32 to index
      %get3A_274 = arith.constant 96 : index
      %get3A_275 = tpu.vector_load %arg8[%get3A_273, %get3A_274] {strides = array<i32>} : memref<192x128xf32, #tpu.memory_space<vmem>>, vector<16xf32>,
      %mul3A_276 = arith.mulf %scan3A_196, %gather3A : vector<16xf32>
      %add3A_277 = arith.addf %mul3A_276, %get3A_275 : vector<16xf32>
      %swap3A_278 = arith.constant 0 : i32
      %swap3A_279 = arith.index_cast %swap3A_278 : i32 to index
      %swap3A_280 = arith.index_cast %scan3A_189 : i32 to index
      %swap3A_281 = arith.constant 96 : index
      %swap3A_282 = tpu.vector_load %arg10[%swap3A_279, %swap3A_280, %swap3A_281] {strides = array<i32>} : memref<2x64x128xf32, #tpu.memory_space<vmem>>, vector<16xf32>,
      tpu.vector_store %arg10[%swap3A_279, %swap3A_280, %swap3A_281], %add3A_277 {strides = array<i32>} : memref<2x64x128xf32, #tpu.memory_space<vmem>>, vector<16xf32>,
      %add3A_283 = arith.constant 0 : i32
      %add3A_284 = arith.addi %add3A_283, %scan3A_189 : i32
      %get3A_285 = arith.index_cast %add3A_284 : i32 to index
      %get3A_286 = arith.constant 112 : index
      %get3A_287 = tpu.vector_load %arg8[%get3A_285, %get3A_286] {strides = array<i32>} : memref<192x128xf32, #tpu.memory_space<vmem>>, vector<16xf32>,
      %mul3A_288 = arith.mulf %scan3A_197, %gather3A : vector<16xf32>
      %add3A_289 = arith.addf %mul3A_288, %get3A_287 : vector<16xf32>
      %swap3A_290 = arith.constant 0 : i32
      %swap3A_291 = arith.index_cast %swap3A_290 : i32 to index
      %swap3A_292 = arith.index_cast %scan3A_189 : i32 to index
      %swap3A_293 = arith.constant 112 : index
      %swap3A_294 = tpu.vector_load %arg10[%swap3A_291, %swap3A_292, %swap3A_293] {strides = array<i32>} : memref<2x64x128xf32, #tpu.memory_space<vmem>>, vector<16xf32>,
      tpu.vector_store %arg10[%swap3A_291, %swap3A_292, %swap3A_293], %add3A_289 {strides = array<i32>} : memref<2x64x128xf32, #tpu.memory_space<vmem>>, vector<16xf32>,
      scf.yield %add3A_205, %add3A_217, %add3A_229, %add3A_241, %add3A_253, %add3A_265, %add3A_277, %add3A_289 : vector<16xf32>, vector<16xf32>, vector<16xf32>, vector<16xf32>, vector<16xf32>, vector<16xf32>, vector<16xf32>, vector<16xf32>
    }
    %scan3A_173 = arith.constant 16 : i32
    %run_scoped3A = arith.constant 0 : i32
    "tpu.region"() ({
      %run_scoped3A_189 = tpu.sem_alloc : memref<!tpu.dma_semaphore, #tpu.memory_space<semaphore_mem>>
      %dma_start3A_190 = arith.constant 0 : i32
      %dma_start3A_191 = arith.constant 0 : i32
      %dma_start3A_192 = tpu.memref_slice %arg10[%run_scoped3A, %dma_start3A_190, %dma_start3A_191] : memref<2x64x128xf32, #tpu.memory_space<vmem>> -> memref<1x16x128xf32, #tpu.memory_space<vmem>>
      %dma_start3A_193 = tpu.memref_squeeze %dma_start3A_192 : memref<1x16x128xf32, #tpu.memory_space<vmem>> -> memref<16x128xf32, #tpu.memory_space<vmem>>
      %dma_start3A_194 = arith.constant 0 : i32
      %dma_start3A_195 = arith.constant 0 : i32
      %dma_start3A_196 = tpu.memref_slice %arg6[%dma_start3A_194, %dma_start3A_195] : memref<10000x128xf32, #tpu.memory_space<vmem_shared>> -> memref<10000x128xf32, #tpu.memory_space<vmem_shared>>
      %dma_start3A_197 = arith.constant -1 : i32
      tpu.enqueue_indirect_dma source(%dma_start3A_193 : memref<16x128xf32, #tpu.memory_space<vmem>>) target(%dma_start3A_196 : memref<10000x128xf32, #tpu.memory_space<vmem_shared>>) offsets(%arg18 : memref<16xi32, #tpu.memory_space<vmem>>) offset_filter(%dma_start3A_197) semaphore(%run_scoped3A_189 : memref<!tpu.dma_semaphore, #tpu.memory_space<semaphore_mem>>) {add = true}
      %dma_wait3A = arith.constant 0 : i32
      %dma_wait3A_198 = arith.constant 0 : i32
      %dma_wait3A_199 = tpu.memref_slice %arg10[%run_scoped3A, %dma_wait3A, %dma_wait3A_198] : memref<2x64x128xf32, #tpu.memory_space<vmem>> -> memref<1x16x128xf32, #tpu.memory_space<vmem>>
      %dma_wait3A_200 = tpu.memref_squeeze %dma_wait3A_199 : memref<1x16x128xf32, #tpu.memory_space<vmem>> -> memref<16x128xf32, #tpu.memory_space<vmem>>
      %dma_wait3A_201 = arith.constant 0 : i32
      %dma_wait3A_202 = arith.constant 0 : i32
      %dma_wait3A_203 = tpu.memref_slice %arg6[%dma_wait3A_201, %dma_wait3A_202] : memref<10000x128xf32, #tpu.memory_space<vmem_shared>> -> memref<10000x128xf32, #tpu.memory_space<vmem_shared>>
      tpu.wait_indirect_dma semaphore(%run_scoped3A_189 : memref<!tpu.dma_semaphore, #tpu.memory_space<semaphore_mem>>) src(%dma_wait3A_200 : memref<16x128xf32, #tpu.memory_space<vmem>>) dst(%dma_wait3A_203 : memref<10000x128xf32, #tpu.memory_space<vmem_shared>>)
      tpu.yield
    }) : () -> ()
    "tpu.region"() ({
      %run_scoped3A_189 = tpu.sem_alloc : memref<!tpu.dma_semaphore, #tpu.memory_space<semaphore_mem>>
      %dma_start3A_190 = arith.constant 0 : i32
      %dma_start3A_191 = tpu.memref_slice %arg14[%dma_start3A_190] : memref<64xf32, #tpu.memory_space<vmem>> -> memref<16xf32, #tpu.memory_space<vmem>>
      %dma_start3A_192 = arith.constant 0 : i32
      %dma_start3A_193 = tpu.memref_slice %arg7[%dma_start3A_192] : memref<10240xf32, #tpu.memory_space<vmem_shared>> -> memref<10240xf32, #tpu.memory_space<vmem_shared>>
      %dma_start3A_194 = arith.constant -1 : i32
      tpu.enqueue_indirect_dma source(%dma_start3A_191 : memref<16xf32, #tpu.memory_space<vmem>>) target(%dma_start3A_193 : memref<10240xf32, #tpu.memory_space<vmem_shared>>) offsets(%arg18 : memref<16xi32, #tpu.memory_space<vmem>>) offset_filter(%dma_start3A_194) semaphore(%run_scoped3A_189 : memref<!tpu.dma_semaphore, #tpu.memory_space<semaphore_mem>>) {add = true}
      %dma_wait3A = arith.constant 0 : i32
      %dma_wait3A_195 = tpu.memref_slice %arg14[%dma_wait3A] : memref<64xf32, #tpu.memory_space<vmem>> -> memref<16xf32, #tpu.memory_space<vmem>>
      %dma_wait3A_196 = arith.constant 0 : i32
      %dma_wait3A_197 = tpu.memref_slice %arg7[%dma_wait3A_196] : memref<10240xf32, #tpu.memory_space<vmem_shared>> -> memref<10240xf32, #tpu.memory_space<vmem_shared>>
      tpu.wait_indirect_dma semaphore(%run_scoped3A_189 : memref<!tpu.dma_semaphore, #tpu.memory_space<semaphore_mem>>) src(%dma_wait3A_195 : memref<16xf32, #tpu.memory_space<vmem>>) dst(%dma_wait3A_197 : memref<10240xf32, #tpu.memory_space<vmem_shared>>)
      tpu.yield
    }) : () -> ()
    "tpu.region"() ({
      %run_scoped3A_189 = tpu.sem_alloc : memref<!tpu.dma_semaphore, #tpu.memory_space<semaphore_mem>>
      %dma_start3A_190 = arith.constant 0 : i32
      %dma_start3A_191 = tpu.memref_slice %arg15[%dma_start3A_190] : memref<64xf32, #tpu.memory_space<vmem>> -> memref<16xf32, #tpu.memory_space<vmem>>
      %dma_start3A_192 = arith.constant 0 : i32
      %dma_start3A_193 = tpu.memref_slice %arg7[%dma_start3A_192] : memref<10240xf32, #tpu.memory_space<vmem_shared>> -> memref<10240xf32, #tpu.memory_space<vmem_shared>>
      %dma_start3A_194 = arith.constant -1 : i32
      tpu.enqueue_indirect_dma source(%dma_start3A_191 : memref<16xf32, #tpu.memory_space<vmem>>) target(%dma_start3A_193 : memref<10240xf32, #tpu.memory_space<vmem_shared>>) offsets(%arg19 : memref<16xi32, #tpu.memory_space<vmem>>) offset_filter(%dma_start3A_194) semaphore(%run_scoped3A_189 : memref<!tpu.dma_semaphore, #tpu.memory_space<semaphore_mem>>) {add = true}
      %dma_wait3A = arith.constant 0 : i32
      %dma_wait3A_195 = tpu.memref_slice %arg15[%dma_wait3A] : memref<64xf32, #tpu.memory_space<vmem>> -> memref<16xf32, #tpu.memory_space<vmem>>
      %dma_wait3A_196 = arith.constant 0 : i32
      %dma_wait3A_197 = tpu.memref_slice %arg7[%dma_wait3A_196] : memref<10240xf32, #tpu.memory_space<vmem_shared>> -> memref<10240xf32, #tpu.memory_space<vmem_shared>>
      tpu.wait_indirect_dma semaphore(%run_scoped3A_189 : memref<!tpu.dma_semaphore, #tpu.memory_space<semaphore_mem>>) src(%dma_wait3A_195 : memref<16xf32, #tpu.memory_space<vmem>>) dst(%dma_wait3A_197 : memref<10240xf32, #tpu.memory_space<vmem_shared>>)
      tpu.yield
    }) : () -> ()
    %barrier3A_174 = arith.constant 0 : index
    tpu.barrier barrier_id(%barrier3A_174)
    %lt3A_175 = arith.constant 15 : i32
    %lt3A_176 = arith.cmpi slt, %arg1, %lt3A_175 : i32
    %convert_element_type3A_177 = arith.extui %lt3A_176 : i1 to i32
    %cond3A_178 = arith.constant 0 : i32
    %cond3A_179 = arith.cmpi ne, %convert_element_type3A_177, %cond3A_178 : i32
    scf.if %cond3A_179 {
      %mul3A_189 = arith.constant 632 : i32
      %mul3A_190 = arith.muli %arg1, %mul3A_189 : i32
      %mul3A_191 = arith.constant 632 : i32
      %mul3A_192 = arith.muli %arg1, %mul3A_191 : i32
      "tpu.region"() ({
        %run_scoped3A_193 = tpu.sem_alloc : memref<!tpu.dma_semaphore, #tpu.memory_space<semaphore_mem>>
        %dma_start3A_194 = arith.constant 0 : i32
        %dma_start3A_195 = tpu.memref_slice %arg4[%arg0, %mul3A_192, %dma_start3A_194] : memref<2x10000x128xf32, #tpu.memory_space<hbm>> -> memref<1x632x128xf32, #tpu.memory_space<hbm>>
        %dma_start3A_196 = tpu.memref_squeeze %dma_start3A_195 : memref<1x632x128xf32, #tpu.memory_space<hbm>> -> memref<632x128xf32, #tpu.memory_space<hbm>>
        %dma_start3A_197 = arith.constant 0 : i32
        %dma_start3A_198 = tpu.memref_slice %arg6[%mul3A_190, %dma_start3A_197] : memref<10000x128xf32, #tpu.memory_space<vmem_shared>> -> memref<632x128xf32, #tpu.memory_space<vmem_shared>>
        tpu.enqueue_dma source(%dma_start3A_198 : memref<632x128xf32, #tpu.memory_space<vmem_shared>>) target(%dma_start3A_196 : memref<632x128xf32, #tpu.memory_space<hbm>>) target_semaphore(%run_scoped3A_193 : memref<!tpu.dma_semaphore, #tpu.memory_space<semaphore_mem>>)
        %dma_wait3A = arith.constant 0 : i32
        %dma_wait3A_199 = tpu.memref_slice %arg4[%arg0, %mul3A_192, %dma_wait3A] : memref<2x10000x128xf32, #tpu.memory_space<hbm>> -> memref<1x632x128xf32, #tpu.memory_space<hbm>>
        %dma_wait3A_200 = tpu.memref_squeeze %dma_wait3A_199 : memref<1x632x128xf32, #tpu.memory_space<hbm>> -> memref<632x128xf32, #tpu.memory_space<hbm>>
        %dma_wait3A_201 = arith.constant 0 : i32
        %dma_wait3A_202 = tpu.memref_slice %arg6[%mul3A_190, %dma_wait3A_201] : memref<10000x128xf32, #tpu.memory_space<vmem_shared>> -> memref<632x128xf32, #tpu.memory_space<vmem_shared>>
        tpu.wait_dma2 semaphore(%run_scoped3A_193 : memref<!tpu.dma_semaphore, #tpu.memory_space<semaphore_mem>>) src(%dma_wait3A_202 : memref<632x128xf32, #tpu.memory_space<vmem_shared>>) dst(%dma_wait3A_200 : memref<632x128xf32, #tpu.memory_space<hbm>>)
        tpu.yield
      }) : () -> ()
    } else {
    }
    %eq3A_180 = arith.constant 15 : i32
    %eq3A_181 = arith.cmpi eq, %arg1, %eq3A_180 : i32
    %convert_element_type3A_182 = arith.extui %eq3A_181 : i1 to i32
    %cond3A_183 = arith.constant 0 : i32
    %cond3A_184 = arith.cmpi ne, %convert_element_type3A_182, %cond3A_183 : i32
    scf.if %cond3A_184 {
      "tpu.region"() ({
        %run_scoped3A_189 = tpu.sem_alloc : memref<!tpu.dma_semaphore, #tpu.memory_space<semaphore_mem>>
        %dma_start3A_190 = arith.constant 9480 : i32
        %dma_start3A_191 = arith.constant 0 : i32
        %dma_start3A_192 = tpu.memref_slice %arg4[%arg0, %dma_start3A_190, %dma_start3A_191] : memref<2x10000x128xf32, #tpu.memory_space<hbm>> -> memref<1x520x128xf32, #tpu.memory_space<hbm>>
        %dma_start3A_193 = tpu.memref_squeeze %dma_start3A_192 : memref<1x520x128xf32, #tpu.memory_space<hbm>> -> memref<520x128xf32, #tpu.memory_space<hbm>>
        %dma_start3A_194 = arith.constant 9480 : i32
        %dma_start3A_195 = arith.constant 0 : i32
        %dma_start3A_196 = tpu.memref_slice %arg6[%dma_start3A_194, %dma_start3A_195] : memref<10000x128xf32, #tpu.memory_space<vmem_shared>> -> memref<520x128xf32, #tpu.memory_space<vmem_shared>>
        tpu.enqueue_dma source(%dma_start3A_196 : memref<520x128xf32, #tpu.memory_space<vmem_shared>>) target(%dma_start3A_193 : memref<520x128xf32, #tpu.memory_space<hbm>>) target_semaphore(%run_scoped3A_189 : memref<!tpu.dma_semaphore, #tpu.memory_space<semaphore_mem>>)
        %dma_wait3A = arith.constant 9480 : i32
        %dma_wait3A_197 = arith.constant 0 : i32
        %dma_wait3A_198 = tpu.memref_slice %arg4[%arg0, %dma_wait3A, %dma_wait3A_197] : memref<2x10000x128xf32, #tpu.memory_space<hbm>> -> memref<1x520x128xf32, #tpu.memory_space<hbm>>
        %dma_wait3A_199 = tpu.memref_squeeze %dma_wait3A_198 : memref<1x520x128xf32, #tpu.memory_space<hbm>> -> memref<520x128xf32, #tpu.memory_space<hbm>>
        %dma_wait3A_200 = arith.constant 9480 : i32
        %dma_wait3A_201 = arith.constant 0 : i32
        %dma_wait3A_202 = tpu.memref_slice %arg6[%dma_wait3A_200, %dma_wait3A_201] : memref<10000x128xf32, #tpu.memory_space<vmem_shared>> -> memref<520x128xf32, #tpu.memory_space<vmem_shared>>
        tpu.wait_dma2 semaphore(%run_scoped3A_189 : memref<!tpu.dma_semaphore, #tpu.memory_space<semaphore_mem>>) src(%dma_wait3A_202 : memref<520x128xf32, #tpu.memory_space<vmem_shared>>) dst(%dma_wait3A_199 : memref<520x128xf32, #tpu.memory_space<hbm>>)
        tpu.yield
      }) : () -> ()
    } else {
    }
    %mul3A_185 = arith.constant 640 : i32
    %mul3A_186 = arith.muli %arg1, %mul3A_185 : i32
    %mul3A_187 = arith.constant 640 : i32
    %mul3A_188 = arith.muli %arg1, %mul3A_187 : i32
    "tpu.region"() ({
      %run_scoped3A_189 = tpu.sem_alloc : memref<!tpu.dma_semaphore, #tpu.memory_space<semaphore_mem>>
      %dma_start3A_190 = tpu.memref_slice %arg5[%arg0, %mul3A_188] : memref<2x10240xf32, #tpu.memory_space<hbm>> -> memref<1x640xf32, #tpu.memory_space<hbm>>
      %dma_start3A_191 = tpu.memref_squeeze %dma_start3A_190 : memref<1x640xf32, #tpu.memory_space<hbm>> -> memref<640xf32, #tpu.memory_space<hbm>>
      %dma_start3A_192 = tpu.memref_slice %arg7[%mul3A_186] : memref<10240xf32, #tpu.memory_space<vmem_shared>> -> memref<640xf32, #tpu.memory_space<vmem_shared>>
      tpu.enqueue_dma source(%dma_start3A_192 : memref<640xf32, #tpu.memory_space<vmem_shared>>) target(%dma_start3A_191 : memref<640xf32, #tpu.memory_space<hbm>>) target_semaphore(%run_scoped3A_189 : memref<!tpu.dma_semaphore, #tpu.memory_space<semaphore_mem>>)
      %dma_wait3A = tpu.memref_slice %arg5[%arg0, %mul3A_188] : memref<2x10240xf32, #tpu.memory_space<hbm>> -> memref<1x640xf32, #tpu.memory_space<hbm>>
      %dma_wait3A_193 = tpu.memref_squeeze %dma_wait3A : memref<1x640xf32, #tpu.memory_space<hbm>> -> memref<640xf32, #tpu.memory_space<hbm>>
      %dma_wait3A_194 = tpu.memref_slice %arg7[%mul3A_186] : memref<10240xf32, #tpu.memory_space<vmem_shared>> -> memref<640xf32, #tpu.memory_space<vmem_shared>>
      tpu.wait_dma2 semaphore(%run_scoped3A_189 : memref<!tpu.dma_semaphore, #tpu.memory_space<semaphore_mem>>) src(%dma_wait3A_194 : memref<640xf32, #tpu.memory_space<vmem_shared>>) dst(%dma_wait3A_193 : memref<640xf32, #tpu.memory_space<hbm>>)
      tpu.yield
    }) : () -> ()
    return
  }
}

module attributes {stable_mosaic.version = 14 : i64} {
  func.func @_combine_body(%arg0: memref<2x10000x128xf32, #tpu.memory_space<vmem>>, %arg1: memref<2x10240xf32, #tpu.memory_space<vmem>>, %arg2: memref<10000x128xf32, #tpu.memory_space<vmem>>) attributes {dimension_semantics = [], scalar_prefetch = 0 : i64, scratch_operands = 0 : i64, tpu.core_type = #tpu.core_type<tc>} {
    %get3A = arith.constant 0 : index
    %get3A_0 = arith.constant 0 : index
    %get3A_1 = arith.constant 0 : index
    %get3A_2 = vector.load %arg0[%get3A, %get3A_0, %get3A_1] : memref<2x10000x128xf32, #tpu.memory_space<vmem>>, vector<1x10000x128xf32>
    %get3A_3 = vector.shape_cast %get3A_2 : vector<1x10000x128xf32> to vector<10000x128xf32>
    %get3A_4 = arith.constant 1 : index
    %get3A_5 = arith.constant 0 : index
    %get3A_6 = arith.constant 0 : index
    %get3A_7 = vector.load %arg0[%get3A_4, %get3A_5, %get3A_6] : memref<2x10000x128xf32, #tpu.memory_space<vmem>>, vector<1x10000x128xf32>
    %get3A_8 = vector.shape_cast %get3A_7 : vector<1x10000x128xf32> to vector<10000x128xf32>
    %add3A = arith.addf %get3A_3, %get3A_8 : vector<10000x128xf32>
    %get3A_9 = arith.constant 0 : index
    %get3A_10 = arith.constant 0 : index
    %get3A_11 = vector.load %arg1[%get3A_9, %get3A_10] : memref<2x10240xf32, #tpu.memory_space<vmem>>, vector<1x10000xf32>
    %get3A_12 = vector.shape_cast %get3A_11 : vector<1x10000xf32> to vector<10000xf32>
    %get3A_13 = arith.constant 1 : index
    %get3A_14 = arith.constant 0 : index
    %get3A_15 = vector.load %arg1[%get3A_13, %get3A_14] : memref<2x10240xf32, #tpu.memory_space<vmem>>, vector<1x10000xf32>
    %get3A_16 = vector.shape_cast %get3A_15 : vector<1x10000xf32> to vector<10000xf32>
    %add3A_17 = arith.addf %get3A_12, %get3A_16 : vector<10000xf32>
    %max3A = arith.constant 1.000000e+00 : f32
    %max3A_18 = vector.broadcast %max3A : f32 to vector<10000xf32>
    %max3A_19 = arith.maximumf %add3A_17, %max3A_18 : vector<10000xf32>
    %broadcast_in_dim3A = vector.shape_cast %max3A_19 : vector<10000xf32> to vector<10000x1xf32>
    %div3A = vector.broadcast %broadcast_in_dim3A : vector<10000x1xf32> to vector<10000x128xf32>
    %div3A_20 = arith.divf %add3A, %div3A : vector<10000x128xf32>
    %swap3A = arith.constant 0 : index
    %swap3A_21 = arith.constant 0 : index
    %swap3A_22 = vector.load %arg2[%swap3A, %swap3A_21] : memref<10000x128xf32, #tpu.memory_space<vmem>>, vector<10000x128xf32>
    tpu.vector_store %arg2[%swap3A, %swap3A_21], %div3A_20 {strides = array<i32>} : memref<10000x128xf32, #tpu.memory_space<vmem>>, vector<10000x128xf32>,
    return
  }
}

</mosaic_0001>

<sc_bundles>
// kernel: kernel.4.cloned.1.call-start
scs
__scs_entry_jumppad:
0x0: {  	(pc) =	sbr.rel $0x88, $3  }
0x1: {  	(tag) =	ssettag $0x0;
	lr =	simm.s32 $0x1  }
0x2: {  	[smem:$0x3F9F] =	sst lr;
	_ =	strace $0xD0000000  }
0x3: {  	_ = 	snop  }
0x4: {  	_ = 	snop  }
0x5: {  	_ = 	snop  }
0x6: {  	_ = 	snop  }
0x7: {  	_ = 	snop  }
__scs_overlays_trampoline_lowered:
0x8: {  	[smem:$0x3FAE] =	sst s0  }
0x9: {  	[smem:$0x3FAF] =	sst s1  }
0xa: {  	[smem:$0x3FB0] =	sst s2  }
0xb: {  	[smem:$0x3FB1] =	sst s3  }
0xc: {  	[smem:$0x3FB2] =	sst s4  }
0xd: {  	[smem:$0x3FB3] =	sst s5  }
0xe: {  	[smem:$0x3FB4] =	sst s6  }
0xf: {  	[smem:$0x3FB5] =	sst s7  }
0x10: {  	[smem:$0x3FB6] =	sst s8  }
0x11: {  	[smem:$0x3FB7] =	sst s9;
	s0 =	simm.s32 @!p0 $0x0  }
0x12: {  	s1 =	sld [smem:$0x3F9D];
	s0 =	simm.s32 @p0 $0x1  }
0x13: {  	[smem:$0x3FB8] =	sst s0;
	s0 =	simm.s32 @!p1 $0x0  }
0x14: {  	s2 =	sld [smem:$0x3F9C];
	s0 =	simm.s32 @p1 $0x1  }
0x15: {  	[smem:$0x3FB9] =	sst s0;
	s0 =	simm.s32 @!p2 $0x0  }
0x16: {  	s3 =	sld [smem:$0x3FDB];
	s0 =	simm.s32 @p2 $0x1  }
0x17: {  	s4 =	simm.s32 $0x1BF5;
	[smem:$0x3FBB] =	sst s0  }
0x18: {  	s0 =	sld [smem:$0x3F9E];
	_ =	swait.ge [sflag:s4], $0x0  }
0x19: {  	s7 =	sld [smem:$0x3F9F]  }
0x1a: {  	s8 =	sadd.s32 $0xFFFFE003, lr  }
0x1b: {  	s9 =	sadd.s32 $0xFFFFFEF7, lr;
	s5 =	simm.s32 $0xFFFFFFFF;
	p2 =	slt.u32 s8, $0xFFFFF086  }
0x1c: {  	p1 =	slt.u32 s9, $0xF7A;
	s5 =	simm.s32 @!p2 $0x0  }
0x1d: {  	s5 =	simm.s32 @p1 $0x1;
	p0 =	seq.s32 s7, s2  }
0x1e: {  	s7 =	smul.u32 @!p0 $0xF7A, s2;
	p2 =	seq.s32 @!p0 s5, $0x0  }
0x1f: {  	s9 =	smul.u32 $0xF7A, s1;
	s8 =	simm.s32 @!p0 $0x1BF5;
	p2 =	por !p2, p0  }
0x20: {  	[sflag:s8] =	ssyncset.s32 @!p0 $0xFFFFF086;
	s6 =	sadd.s32 @!p0 s3, s7;
	s7 =	simm.s32 @!p0 $0x108  }
0x21: {  	s3 =	sadd.s32 s3, s9;
	s6 =	sadd.s32 @!p0 $0x88, s6;
	s7 =	simm.s32 @p2 $0x1082  }
0x22: {  	[simem:s7], [sflag:s8] =	dma.local @!p0 [hbm:s6], $0xF7A  }
0x23: {  	s9 =	sor.u32 $0xD0000000, s2;
	s6 =	simm.s32 $0x108;
	_ =	swait.ge @!p0 [sflag:s8], $0x0  }
0x24: {  	s3 =	sadd.s32 $0x88, s3;
	s6 =	simm.s32 @!p1 $0x1082;
	[sflag:s4] =	ssyncset.s32 $0xFFFFF086  }
0x25: {  	[simem:s6], [sflag:s4] =	dma.local [hbm:s3], $0xF7A  }
0x26: {  	[smem:$0x3F9F] =	sst s1;
	(tag) =	ssettag s2;
	_ =	strace s9  }
0x27: {  	s1 =	sld [smem:$0x3FAF]  }
0x28: {  	s2 =	sld [smem:$0x3FB0]  }
0x29: {  	s4 =	sld [smem:$0x3FB2]  }
0x2a: {  	p0 =	seq.s32 s5, $0x0;
	s5 =	sld [smem:$0x3FB3]  }
0x2b: {  	s6 =	sld [smem:$0x3FB4]  }
0x2c: {  	s7 =	sld [smem:$0x3FB5]  }
0x2d: {  	s3 =	simm.s32 $0x108;
	s8 =	sld [smem:$0x3FB6]  }
0x2e: {  	s3 =	simm.s32 @!p0 $0x1082;
	s9 =	sld [smem:$0x3FB7]  }
0x2f: {  	lr =	sadd.s32 s0, s3;
	s0 =	sld [smem:$0x3FAE]  }
0x30: {  	s3 =	sld [smem:$0x3FB1]  }
0x31: {  	[smem:$0x3FBA] =	sst s10  }
0x32: {  	s10 =	sld [smem:$0x3FB8];
	_ =	sdelay $0x3  }
0x33: {  	p0 =	seq.s32 s10, $0x1;
	s10 =	sld [smem:$0x3FBA];
	_ =	sdelay $0x3  }
0x34: {  	[smem:$0x3FBA] =	sst s10  }
0x35: {  	s10 =	sld [smem:$0x3FB9];
	_ =	sdelay $0x3  }
0x36: {  	p1 =	seq.s32 s10, $0x1;
	s10 =	sld [smem:$0x3FBA];
	_ =	sdelay $0x3  }
0x37: {  	[smem:$0x3FBA] =	sst s10  }
0x38: {  	s10 =	sld [smem:$0x3FBB]  }
0x39: {  	_ = 	snop;
	(pc) =	sbr.ind lr, $3  }
0x3a: {  	_ = 	snop  }
0x3b: {  	_ = 	snop  }
0x3c: {  	p2 =	seq.s32 s10, $0x1;
	s10 =	sld [smem:$0x3FBA]  }
0x3d: {  	_ =	shalt  }
0x3e: {  	_ =	shalt  }
0x3f: {  	_ =	shalt  }
0x40: {  	_ =	shalt  }
0x41: {  	_ =	shalt  }
0x42: {  	_ =	shalt  }
0x43: {  	_ =	shalt  }
0x44: {  	_ =	shalt  }
0x45: {  	_ =	shalt  }
0x46: {  	_ =	shalt  }
0x47: {  	_ =	shalt  }
0x48: {  	_ =	shalt  }
0x49: {  	_ =	shalt  }
0x4a: {  	_ =	shalt  }
0x4b: {  	_ =	shalt  }
0x4c: {  	_ =	shalt  }
0x4d: {  	_ =	shalt  }
0x4e: {  	_ =	shalt  }
0x4f: {  	_ =	shalt  }
0x50: {  	_ =	shalt  }
0x51: {  	_ =	shalt  }
0x52: {  	_ =	shalt  }
0x53: {  	_ =	shalt  }
0x54: {  	_ =	shalt  }
0x55: {  	_ =	shalt  }
0x56: {  	_ =	shalt  }
0x57: {  	_ =	shalt  }
0x58: {  	_ =	shalt  }
0x59: {  	_ =	shalt  }
0x5a: {  	_ =	shalt  }
0x5b: {  	_ =	shalt  }
0x5c: {  	_ =	shalt  }
0x5d: {  	_ =	shalt  }
0x5e: {  	_ =	shalt  }
0x5f: {  	_ =	shalt  }
0x60: {  	_ =	shalt  }
0x61: {  	_ =	shalt  }
0x62: {  	_ =	shalt  }
0x63: {  	_ =	shalt  }
0x64: {  	_ =	shalt  }
0x65: {  	_ =	shalt  }
0x66: {  	_ =	shalt  }
0x67: {  	_ =	shalt  }
0x68: {  	_ =	shalt  }
0x69: {  	_ =	shalt  }
0x6a: {  	_ =	shalt  }
0x6b: {  	_ =	shalt  }
0x6c: {  	_ =	shalt  }
0x6d: {  	_ =	shalt  }
0x6e: {  	_ =	shalt  }
0x6f: {  	_ =	shalt  }
0x70: {  	_ =	shalt  }
0x71: {  	_ =	shalt  }
0x72: {  	_ =	shalt  }
0x73: {  	_ =	shalt  }
0x74: {  	_ =	shalt  }
0x75: {  	_ =	shalt  }
0x76: {  	_ =	shalt  }
0x77: {  	_ =	shalt  }
0x78: {  	_ =	shalt  }
0x79: {  	_ =	shalt  }
0x7a: {  	_ =	shalt  }
0x7b: {  	_ =	shalt  }
0x7c: {  	_ =	shalt  }
0x7d: {  	_ =	shalt  }
0x7e: {  	_ =	shalt  }
0x7f: {  	_ =	shalt  }
0x80: {  	_ =	shalt  }
0x81: {  	_ =	shalt  }
0x82: {  	_ =	shalt  }
0x83: {  	_ =	shalt  }
0x84: {  	_ =	shalt  }
0x85: {  	_ =	shalt  }
0x86: {  	_ =	shalt  }
0x87: {  	_ =	shalt  }
.Lfunc_end0:
.L_simem_size_0:
called_computation_lowered:
.L_overlay_start_0:
0x88: {  	s2 =	sld [smem:$0x3FD9]  }
0x89: {  	s3 =	sld [smem:$0x3FFE];
	_ =	sdelay $0x1  }
0x8a: {  	s1 =	srdreg.scid  }
0x8b: {  	s0 =	sand.u32 $0x1, s1  }
0x8c: {  	s17 =	sshll.u32 s0, $0xA;
	s2 =	sadd.s32 s3, s2  }
0x8d: {  	s2 =	sadd.s32 s2, s17  }
0x8e: {  	[smem:$0x3FC6] =	sst s2  }
0x8f: {  	_ = 	snop  }
0x90: {  	s2 =	sld [smem:$0x3FC9]  }
0x91: {  	s18 =	sld [smem:$0x3FC8]  }
0x92: {  	s4 =	sld [smem:$0x3FD0];
	(tm) =	ssettm $0x1  }
0x93: {  	s5 =	sld [smem:$0x3FFB];
	_ =	sdelay $0x3  }
0x94: {  	_ =	strace s5  }
0x95: {  	s5 =	sld [smem:$0x3FFC];
	_ =	sdelay $0x3  }
0x96: {  	_ =	strace s5  }
0x97: {  	s5 =	sld [smem:$0x3FFD];
	_ =	sdelay $0x3  }
0x98: {  	_ =	strace s5  }
0x99: {  	_ =	strace $0x8FFFFFFF  }
0x9a: {  	s19 =	sld [smem:$0x3FDB];
	_ =	sdelay $0x1  }
0x9b: {  	s6 =	simm.s32 $_scs_section_size  }
0x9c: {  	s7 =	simm.s32 $_size__tile_overlayer_lowered;
	s8 =	simm.s32 $_tile_overlayer_lowered  }
0x9d: {  	s22 =	simm.s32 $0x1BFF;
	s21 =	sshll.u32 s8, $0x1;
	s5 =	sadd.s32 s6, s19  }
0x9e: {  	s9 =	simm.s32 $0x0;
	s20 =	sshll.u32 s7, $0x1;
	s7 =	sadd.s32 s21, s5  }
0x9f: {  	[timem:s9], [sflag:s22] =	dma.local [hbm:s7], s20  }
0xa0: {  	_ =	swait.ge [sflag:s22], s20  }
0xa1: {  	s6 =	ssub.s32 $0x0, s20;
	[sflag:s22] =	ssyncset.done $0x0  }
0xa2: {  	[sflag:s22] =	ssyncadd.s32 s6;
	_ =	sdelay $0x1  }
0xa3: {  	s23 =	simm.s32 $0x1B8B  }
0xa4: {  	_ =	swait.ge [sflag:s23], $0x1  }
0xa5: {  	[sflag:s23] =	ssyncset.done $0x0  }
0xa6: {  	s25 =	simm.s32 $0x1B8E;
	s24 =	sld [smem:$0x3FFE];
	[sflag:s23] =	ssyncadd.s32 $0xFFFFFFFF  }
0xa7: {  	s26 =	simm.s32 $execute0_lowered;
	[smem:$0x3FD2] =	sst s25  }
0xa8: {  	s7 =	sshll.u32 s26, $0x1;
	_ =	strace $0x80000046;
	[dreg:$0x1] =	wrdreg $0xFFFFFFFF  }
0xa9: {  	s28 =	simm.s32 $_size_execute0_lowered;
	s5 =	sadd.s32 s5, s7;
	[dreg:$0x0] =	wrdreg $0x0  }
0xaa: {  	s7 =	sshll.u32 s28, $0x1;
	[dreg:$0x2] =	wrdreg s5  }
0xab: {  	[dreg:$0x3] =	wrdreg s7  }
0xac: {  	[dreg:$0x4] =	wrdreg $0xC0  }
0xad: {  	_ =	task [dreg:s9], $0x5FFFF  }
0xae: {  	[dreg:$0x1] =	wrdreg $0xFFFFFFFF  }
0xaf: {  	[dreg:$0x0] =	wrdreg $0x60  }
0xb0: {  	[dreg:$0x2] =	wrdreg s2  }
0xb1: {  	[dreg:$0x3] =	wrdreg s18  }
0xb2: {  	[dreg:$0x4] =	wrdreg s24  }
0xb3: {  	[dreg:$0x5] =	wrdreg s4  }
0xb4: {  	[dreg:$0x6] =	wrdreg $0x0  }
0xb5: {  	[dreg:$0x7] =	wrdreg $0x138800  }
0xb6: {  	[dreg:$0x8] =	wrdreg $0x9  }
0xb7: {  	_ =	task.clear_ibuf [dreg:s9], $0x9FFFF;
	_ =	strace $0x90000046  }
0xb8: {  	s29 =	simm.s32 $0x9;
	_ =	strace $0x80000048  }
0xb9: {  	_ =	swait.ge [sflag:s29], $0x1  }
0xba: {  	[sflag:s29] =	ssyncadd.s32 $0xFFFFFFFF  }
0xbb: {  	_ =	strace $0x90000048  }
0xbc: {  	_ =	sfence  }
0xbd: {  	s30 =	sld [smem:$0x0];
	_ =	sdelay $0x2  }
0xbe: {  	s31 =	sshll.u32 s1, $0xD;
	s1 =	sshrl.u32 s1, $0x2  }
0xbf: {  	s3 =	sand.u32 $0x4000, s31;
	s1 =	sadd.s32 s1, s30  }
0xc0: {  	s0 =	sor.u32 s3, s0;
	s1 =	sshll.u32 s1, $0x11  }
0xc1: {  	s0 =	sor.u32 s1, s0  }
0xc2: {  	s0 =	sadd.s32 $0x8F2B, s0  }
0xc3: {  	[sflag:s0] =	ssyncadd.remote.s32 $0x1  }
0xc4: {  	_ =	sfence.sel $0xFFFF  }
0xc5: {  	[dreg:$0x0] =	wrdreg $0xFFFFFFFF;
	(pc) =	sbr.abs _section_cstart, $3  }
0xc6: {  	[dreg:$0x1] =	wrdreg $0xFFFFFFFF  }
0xc7: {  	_ =	task.clear_ibuf [dreg:s9], $0x2FFFF;
	_ =	strace $0x9FFFFFFF  }
0xc8: {  	(tm) =	ssettm $0x7FFFFFFF  }
0xc9: {  	_ =	shalt  }
tec
execute0_lowered:
.L_overlay_start_1:
0x0: {  	(tag) =	ssettag $0x1  }
0x1: {  	v0 =	vimm.f32 $1.600000000e+01  }
0x2: {  	vm0 =	vcmask $0x300;
	vm14 =	vcmask $0x704;
	v1 =	vimm.f32 $-1.600000000e+01  }
0x3: {  	vm13 =	vcmask $0xB08;
	vm12 =	vcmask $0xF0C;
	vm11 =	vcmask $0x1310  }
0x4: {  	vm10 =	vcmask $0x1714;
	vm9 =	vcmask $0x1B18;
	vm8 =	vcmask $0x1F1C  }
0x5: {  	vm7 =	vcmask $0x2320;
	vm6 =	vcmask $0x2724;
	vm5 =	vcmask $0x2B28  }
0x6: {  	vm4 =	vcmask $0x2F2C;
	vm3 =	vcmask $0x3330;
	vm1 =	vcmask $0x3734  }
0x7: {  	v2 =	vimm.f32 $3.200000000e+01;
	vm2 =	vcmask $0x3B38;
	v3 =	vimm.f32 $-3.200000000e+01  }
0x8: {  	v4 =	vimm.f32 $4.800000000e+01;
	v5 =	vimm.f32 $-4.800000000e+01;
	v6 =	vimm.f32 $6.400000000e+01  }
0x9: {  	v7 =	vimm.f32 $-6.400000000e+01;
	v10 =	vlaneseq.u32;
	v0 =	vsel vm0, $0x3F800000, v0  }
0xa: {  	v1 =	vsel vm0, $0xBF800000, v1;
	v2 =	vsel vm0, $0x41880000, v2;
	v3 =	vsel vm0, $0xC1880000, v3  }
0xb: {  	v4 =	vsel vm0, $0x42040000, v4;
	v5 =	vsel vm0, $0xC2040000, v5;
	v6 =	vsel vm0, $0x42440000, v6  }
0xc: {  	s0 =	rddreg [dreg:$0x0];
	v7 =	vsel vm0, $0xC2440000, v7;
	v0 =	vsel vm14, $0x40000000, v0;
	v1 =	vsel vm14, $0xC0000000, v1  }
0xd: {  	s1 =	rddreg [dreg:$0x1];
	v2 =	vsel vm14, $0x41900000, v2;
	v3 =	vsel vm14, $0xC1900000, v3;
	v4 =	vsel vm14, $0x42080000, v4  }
0xe: {  	s5 =	rddreg [dreg:$0x2];
	v5 =	vsel vm14, $0xC2080000, v5;
	v6 =	vsel vm14, $0x42480000, v6;
	v7 =	vsel vm14, $0xC2480000, v7  }
0xf: {  	s3 =	rddreg [dreg:$0x3];
	v0 =	vsel vm13, $0x40400000, v0;
	v1 =	vsel vm13, $0xC0400000, v1;
	v2 =	vsel vm13, $0x41980000, v2  }
0x10: {  	s2 =	rddreg [dreg:$0x4];
	v3 =	vsel vm13, $0xC1980000, v3;
	v4 =	vsel vm13, $0x420C0000, v4;
	v5 =	vsel vm13, $0xC20C0000, v5  }
0x11: {  	s4 =	rddreg [dreg:$0x5];
	s6 =	srdreg.scid;
	v6 =	vsel vm13, $0x424C0000, v6;
	v7 =	vsel vm13, $0xC24C0000, v7;
	v0 =	vsel vm12, $0x40800000, v0  }
0x12: {  	s9 =	simm.s32 $0x0;
	s14 =	stileid.u32;
	s8 =	simm.s32 $0x0;
	v1 =	vsel vm12, $0xC0800000, v1;
	v2 =	vsel vm12, $0x41A00000, v2;
	v3 =	vsel vm12, $0xC1A00000, v3  }
0x13: {  	s29 =	simm.s32 $0x19C08;
	s31 =	simm.s32 $0x1DD00;
	s25 =	smul.u32 $0x4F000, s14;
	v4 =	vsel vm12, $0x42100000, v4;
	v5 =	vsel vm12, $0xC2100000, v5;
	v6 =	vsel vm12, $0x42500000, v6  }
0x14: {  	s28 =	simm.s32 $0x1DD80;
	[dreg:$0x7] =	wrdreg s8;
	s10 =	smul.u32 $0x2710, s14;
	v7 =	vsel vm12, $0xC2500000, v7;
	v0 =	vsel vm11, $0x40A00000, v0;
	v1 =	vsel vm11, $0xC0A00000, v1  }
0x15: {  	s6 =	sand.u32 $0x1, s6;
	[smem:$0x7FF] =	sst s9;
	s12 =	smul.u32 $0xA00, s14;
	v2 =	vsel vm11, $0x41A80000, v2;
	v3 =	vsel vm11, $0xC1A80000, v3;
	v4 =	vsel vm11, $0x42140000, v4  }
0x16: {  	s13 =	sadd.s32 $0xC00, s5;
	s22 =	smul.u32 $0x13C00, s14;
	p0 =	seq.s32 s14, $0xF;
	v5 =	vsel vm11, $0xC2140000, v5;
	v0 =	vsel vm10, $0x40C00000, v0;
	v1 =	vsel vm10, $0xC0C00000, v1  }
0x17: {  	s30 =	simm.s32 $0x40;
	s7 =	smul.u32 $0x27100, s6;
	_ =	strace $0x80000047;
	v2 =	vsel vm10, $0x41B00000, v2;
	v3 =	vsel vm10, $0xC1B00000, v3;
	v4 =	vsel vm10, $0x42180000, v4  }
0x18: {  	s26 =	ssub.s32 $0x2, s6;
	s21 =	smul.u32 $0x138800, s6;
	s6 =	sshll.u32 s6, $0x7;
	v5 =	vsel vm10, $0xC2180000, v5;
	v0 =	vsel vm9, $0x40E00000, v0;
	v1 =	vsel vm9, $0xC0E00000, v1  }
0x19: {  	s11 =	sshrl.u32 s26, $0x1;
	s8 =	sshrl.u32 s25, $0x2;
	s15 =	sshrl.u32 s12, $0x2;
	v2 =	vsel vm9, $0x41B80000, v2;
	v3 =	vsel vm9, $0xC1B80000, v3;
	v4 =	vsel vm9, $0x421C0000, v4  }
0x1a: {  	s25 =	smul.u32 $0x500, s14;
	s5 =	ssub.s32 s26, s11;
	s11 =	sadd.s32 s8, s2;
	v5 =	vsel vm9, $0xC21C0000, v5;
	v0 =	vsel vm8, $0x41000000, v0;
	v1 =	vsel vm8, $0xC1000000, v1  }
0x1b: {  	s7 =	sadd.s32 s10, s7;
	s10 =	sshrl.u32 s21, $0x3;
	s8 =	sadd.s32 $0x6000, s11;
	v2 =	vsel vm8, $0x41C00000, v2;
	v3 =	vsel vm8, $0xC1C00000, v3;
	v4 =	vsel vm8, $0x42200000, v4  }
0x1c: {  	s16 =	sshll.u32 s7, $0x4;
	s17 =	sshrl.u32 s7, $0x3;
	[dreg:$0x8] =	wrdreg s11;
	v8 =	vsel vm8, $0xC2200000, v5;
	v5 =	vsel vm11, $0x42540000, v6;
	v6 =	vsel vm11, $0xC2540000, v7  }
0x1d: {  	s19 =	sadd.s32 $0x40, s7;
	s23 =	sadd.s32 $0x80, s7;
	[dreg:$0x9] =	wrdreg s8;
	v0 =	vsel vm7, $0x41100000, v0;
	v1 =	vsel vm7, $0xC1100000, v1;
	v2 =	vsel vm7, $0x41C80000, v2  }
0x1e: {  	s24 =	sadd.s32 $0xC0, s7;
	s26 =	sadd.s32 $0x100, s7;
	[dreg:$0xf] =	wrdreg s23;
	v3 =	vsel vm7, $0xC1C80000, v3;
	v4 =	vsel vm7, $0x42240000, v4;
	v7 =	vsel vm10, $0x42580000, v5  }
0x1f: {  	s6 =	sor.u32 s6, s25;
	s12 =	sadd.s32 $0x2700, s7;
	[dreg:$0x10] =	wrdreg s24;
	v6 =	vsel vm10, $0xC2580000, v6;
	v5 =	vimm.f32 $0.0e+00;
	v8 =	vsel vm7, $0xC2240000, v8  }
0x20: {  	s25 =	sadd.s32 $0x12000, s11;
	s8 =	sadd.s32 s15, s4;
	[dreg:$0x11] =	wrdreg s26;
	v0 =	vsel vm6, $0x41200000, v0;
	v1 =	vsel vm6, $0xC1200000, v1;
	v2 =	vsel vm6, $0x41D00000, v2  }
0x21: {  	s18 =	sadd.s32 s1, s17;
	s20 =	sshll.u32 s19, $0x4;
	[dreg:$0x1b] =	wrdreg s25;
	v3 =	vsel vm6, $0xC1D00000, v3;
	v4 =	vsel vm6, $0x42280000, v4;
	v7 =	vsel vm9, $0x425C0000, v7  }
0x22: {  	s17 =	sadd.s32 $0x140, s7;
	s23 =	sadd.s32 $0x128400, s2;
	[dreg:$0xa] =	wrdreg s8;
	v6 =	vsel vm9, $0xC25C0000, v6;
	v8 =	vsel vm6, $0xC2280000, v8;
	v0 =	vsel vm5, $0x41300000, v0  }
0x23: {  	s6 =	sshrl.u32 s6, $0x3;
	s24 =	sadd.s32 $0x12E400, s2;
	[dreg:$0xc] =	wrdreg s18;
	v1 =	vsel vm5, $0xC1300000, v1;
	v2 =	vsel vm5, $0x41D80000, v2;
	v3 =	vsel vm5, $0xC1D80000, v3  }
0x24: {  	s15 =	sshrl.u32 s12, $0x3;
	s26 =	sadd.s32 $0x134400, s2;
	[dreg:$0x19] =	wrdreg s23;
	v4 =	vsel vm5, $0x422C0000, v4;
	v7 =	vsel vm8, $0x42600000, v7;
	v6 =	vsel vm8, $0xC2600000, v6  }
0x25: {  	s25 =	simm.s32 $0x1E000;
	s8 =	sadd.s32 s0, s16;
	[dreg:$0x1a] =	wrdreg s24;
	v8 =	vsel vm5, $0xC22C0000, v8;
	v0 =	vsel vm4, $0x41400000, v0;
	v1 =	vsel vm4, $0xC1400000, v1  }
0x26: {  	s9 =	sadd.s32 s0, s20;
	s18 =	sadd.s32 $0x180, s7;
	[dreg:$0x1c] =	wrdreg s26;
	v2 =	vsel vm4, $0x41E00000, v2;
	v3 =	vsel vm4, $0xC1E00000, v3;
	v4 =	vsel vm4, $0x42300000, v4  }
0x27: {  	s3 =	sadd.s32 s3, s6;
	s16 =	sadd.s32 s1, s15;
	[dreg:$0xb] =	wrdreg s8;
	v7 =	vsel vm7, $0x42640000, v7;
	v6 =	vsel vm7, $0xC2640000, v6;
	v8 =	vsel vm4, $0xC2300000, v8  }
0x28: {  	s20 =	sadd.s32 $0xC000, s11;
	s23 =	simm.s32 $0x19D00;
	[dreg:$0xd] =	wrdreg s9;
	v0 =	vsel vm3, $0x41500000, v0;
	v1 =	vsel vm3, $0xC1500000, v1;
	v2 =	vsel vm3, $0x41E80000, v2  }
0x29: {  	s24 =	simm.s32 $0x1DF80;
	s26 =	simm.s32 $0x1;
	[dreg:$0x13] =	wrdreg s3;
	v3 =	vsel vm3, $0xC1E80000, v3;
	v4 =	vsel vm3, $0x42340000, v4;
	v7 =	vsel vm6, $0x42680000, v7  }
0x2a: {  	s6 =	simm.s32 $0x4;
	s8 =	sshrl.u32 s19, $0x3;
	[dreg:$0x15] =	wrdreg s16;
	v6 =	vsel vm6, $0xC2680000, v6;
	v8 =	vsel vm3, $0xC2340000, v8;
	v0 =	vsel vm1, $0x41600000, v0  }
0x2b: {  	[dreg:$0x17] =	wrdreg s20;
	s9 =	simm.s32 $0x2;
	s8 =	sadd.s32 s1, s8;
	v1 =	vsel vm1, $0xC1600000, v1;
	v2 =	vsel vm1, $0x41F00000, v2;
	v3 =	vsel vm1, $0xC1F00000, v3  }
0x2c: {  	s20 =	simm.s32 $0x1DE80;
	[dreg:$0xe] =	wrdreg s8;
	s8 =	sadd.s32 s22, s21;
	v4 =	vsel vm1, $0x42380000, v4;
	v7 =	vsel vm5, $0x426C0000, v7;
	v6 =	vsel vm5, $0xC26C0000, v6  }
0x2d: {  	s21 =	sadd.s32 $0x1C0, s7;
	s22 =	smax.u32 s5, $0x1;
	s8 =	sshrl.u32 s8, $0x3;
	v8 =	vsel vm1, $0xC2380000, v8;
	v0 =	vsel vm2, $0x41700000, v0;
	v1 =	vsel vm2, $0xC1700000, v1  }
0x2e: {  	s5 =	simm.s32 $0x1DE00;
	s7 =	simm.s32 $0x1BD00;
	s8 =	sadd.s32 s13, s8;
	v2 =	vsel vm2, $0x41F80000, v2;
	v3 =	vsel vm2, $0xC1F80000, v3;
	v7 =	vsel vm4, $0x42700000, v7  }
0x2f: {  	[dreg:$0x12] =	wrdreg s8;
	s8 =	sadd.s32 s13, s10;
	s13 =	sshll.u32 s12, $0x4;
	v4 =	vsel vm2, $0x423C0000, v4;
	v6 =	vsel vm4, $0xC2700000, v6;
	v7 =	vsel vm3, $0x42740000, v7  }
0x30: {  	[dreg:$0x18] =	wrdreg s22;
	s22 =	simm.s32 $0x17B00;
	s3 =	sadd.s32 s0, s13;
	v9 =	vsel vm3, $0xC2740000, v6;
	v6 =	vsel vm2, $0xC23C0000, v8;
	v7 =	vsel vm1, $0x42780000, v7  }
0x31: {  	s10 =	simm.s32 $0x3;
	s19 =	sadd.s32 $0x25080, s8;
	[dreg:$0x14] =	wrdreg s3;
	v8 =	vsel vm1, $0xC2780000, v9;
	v9 =	vimm.f32 $1.000000000e+00;
	v7 =	vsel vm2, $0x427C0000, v7  }
0x32: {  	s13 =	simm.s32 $0x5;
	[dreg:$0x16] =	wrdreg s19;
	s19 =	simm.s32 $0x1DF00;
	v8 =	vsel vm2, $0xC27C0000, v8;
	v9 =	vsel vm0, $0x0, v9;
	vm0 =	vcmask $0x3F3C  }
.LBB2_1:
0x33: {  	s3 =	simm.s32 $0x0;
	s8 =	simm.s32 $0x200  }
.LBB2_2:
0x34: {  	p1 =	sne.s32 s8, $0x17E00;
	[tilespmem:s3+$0x13B70] =	vst v5  }
0x35: {  	[tilespmem:s3+$0x13B00] =	vst v5  }
0x36: {  	[tilespmem:s3+$0x13B10] =	vst v5  }
.Ltmp0:
0x37: {  	[tilespmem:s3+$0x13B20] =	vst v5;
	(pc) =	sbr.rel @p1 .LBB2_2-.Ltmp0, $4  }
0x38: {  	[tilespmem:s3+$0x13B30] =	vst v5  }
0x39: {  	[tilespmem:s3+$0x13B40] =	vst v5  }
0x3a: {  	[tilespmem:s3+$0x13B50] =	vst v5  }
0x3b: {  	[tilespmem:s3+$0x13B60] =	vst v5;
	s3 =	sshra.s32 s8, $0x2;
	s8 =	sadd.s32 $0x200, s8  }
0x3c: {  	[tilespmem:s3+$0x13B70] =	vst v5  }
0x3d: {  	[tilespmem:s3+$0x13B00] =	vst v5  }
0x3e: {  	[tilespmem:s3+$0x13B10] =	vst v5  }
0x3f: {  	[tilespmem:s3+$0x13B20] =	vst v5  }
0x40: {  	[tilespmem:s3+$0x13B30] =	vst v5  }
0x41: {  	[tilespmem:s3+$0x13B40] =	vst v5  }
0x42: {  	[tilespmem:s3+$0x13B50] =	vst v5  }
0x43: {  	[tilespmem:s3+$0x13B60] =	vst v5  }
0x44: {  	[tilespmem:$0x1E080] =	vst v5  }
0x45: {  	[tilespmem:$0x1E090] =	vst v5  }
0x46: {  	[tilespmem:$0x1E0A0] =	vst v5  }
0x47: {  	[tilespmem:$0x1E0B0] =	vst v5  }
0x48: {  	[tilespmem:$0x1E0C0] =	vst v5  }
0x49: {  	[tilespmem:$0x1E0D0] =	vst v5  }
0x4a: {  	[tilespmem:$0x1E0E0] =	vst v5  }
0x4b: {  	[tilespmem:$0x1E0F0] =	vst v5  }
0x4c: {  	[tilespmem:$0x1E100] =	vst v5  }
0x4d: {  	[tilespmem:$0x1E110] =	vst v5  }
0x4e: {  	[tilespmem:$0x1E120] =	vst v5  }
0x4f: {  	[tilespmem:$0x1E130] =	vst v5  }
0x50: {  	[tilespmem:$0x1E140] =	vst v5  }
0x51: {  	[tilespmem:$0x1E150] =	vst v5  }
0x52: {  	[tilespmem:$0x1E160] =	vst v5  }
0x53: {  	[tilespmem:$0x1E170] =	vst v5  }
0x54: {  	[tilespmem:$0x1E180] =	vst v5  }
0x55: {  	[tilespmem:$0x1E190] =	vst v5  }
0x56: {  	[tilespmem:$0x1E1A0] =	vst v5  }
0x57: {  	[tilespmem:$0x1E1B0] =	vst v5  }
0x58: {  	[tilespmem:$0x1E1C0] =	vst v5  }
0x59: {  	[tilespmem:$0x1E1D0] =	vst v5  }
0x5a: {  	[tilespmem:$0x1E1E0] =	vst v5  }
0x5b: {  	[tilespmem:$0x1E1F0] =	vst v5  }
0x5c: {  	[tilespmem:$0x1E200] =	vst v5  }
0x5d: {  	[tilespmem:$0x1E210] =	vst v5  }
0x5e: {  	[tilespmem:$0x1E220] =	vst v5  }
0x5f: {  	[tilespmem:$0x1E230] =	vst v5  }
0x60: {  	[tilespmem:$0x1E240] =	vst v5  }
0x61: {  	[tilespmem:$0x1E250] =	vst v5  }
0x62: {  	[tilespmem:$0x1E260] =	vst v5  }
0x63: {  	[tilespmem:$0x1E270] =	vst v5  }
0x64: {  	[tilespmem:$0x1E280] =	vst v5  }
0x65: {  	[tilespmem:$0x1E290] =	vst v5  }
0x66: {  	[tilespmem:$0x1E2A0] =	vst v5  }
0x67: {  	[tilespmem:$0x1E2B0] =	vst v5  }
0x68: {  	[tilespmem:$0x1E2C0] =	vst v5  }
0x69: {  	[tilespmem:$0x1E2D0] =	vst v5  }
0x6a: {  	[tilespmem:$0x1E2E0] =	vst v5  }
0x6b: {  	[tilespmem:$0x1E2F0] =	vst v5  }
0x6c: {  	[tilespmem:$0x1DF80] =	vst v0  }
0x6d: {  	[tilespmem:$0x1E000] =	vst v1  }
0x6e: {  	[tilespmem:$0x1DF90] =	vst v2  }
0x6f: {  	[tilespmem:$0x1E010] =	vst v3  }
0x70: {  	[tilespmem:$0x1DFA0] =	vst v4  }
0x71: {  	[tilespmem:$0x1E020] =	vst v6  }
0x72: {  	[tilespmem:$0x1DFB0] =	vst v7  }
0x73: {  	s3 =	simm.s32 @p0 $0x13B00;
	s8 =	rddreg [dreg:$0x19];
	[tilespmem:$0x1E030] =	vst v8  }
0x74: {  	[spmem:s8] =	stream.linear.scatter @p0 [tilespmem:s3], [sflag:$0x6], $0x6000, $0x38;
	[tilespmem:$0x1E480] =	vst v63  }
0x75: {  	s8 =	simm.s32 @p0 $0x6  }
0x76: {  	_ =	swait.ge @p0 [sflag:s8], $0x6000  }
0x77: {  	[sflag:s8] =	ssyncset.done @p0 $0x0  }
0x78: {  	s11 =	rddreg [dreg:$0x1a];
	[sflag:s8] =	ssyncadd.s32 @p0 $0xFFFFA000  }
0x79: {  	[spmem:s11] =	stream.linear.scatter @p0 [tilespmem:s3], [sflag:$0x6], $0x6000, $0x38;
	[tilespmem:$0x1E480] =	vst v63  }
0x7a: {  	_ =	swait.ge @p0 [sflag:s8], $0x6000  }
0x7b: {  	[sflag:s8] =	ssyncset.done @p0 $0x0  }
0x7c: {  	s11 =	rddreg [dreg:$0x1c];
	[sflag:s8] =	ssyncadd.s32 @p0 $0xFFFFA000  }
0x7d: {  	[spmem:s11] =	stream.linear.scatter @p0 [tilespmem:s3], [sflag:$0x6], $0x4400, $0x38;
	[tilespmem:$0x1E480] =	vst v63  }
0x7e: {  	_ =	swait.ge @p0 [sflag:s8], $0x4400  }
0x7f: {  	[sflag:s8] =	ssyncset.done @p0 $0x0  }
0x80: {  	s3 =	simm.s32 @!p0 $0x13B00;
	[sflag:s8] =	ssyncadd.s32 @p0 $0xFFFFBC00;
	s8 =	rddreg [dreg:$0x8]  }
0x81: {  	[spmem:s8] =	stream.linear.scatter @!p0 [tilespmem:s3], [sflag:$0x6], $0x6000, $0x38;
	[tilespmem:$0x1E480] =	vst v63  }
0x82: {  	s8 =	simm.s32 @!p0 $0x6  }
0x83: {  	_ =	swait.ge @!p0 [sflag:s8], $0x6000  }
0x84: {  	[sflag:s8] =	ssyncset.done @!p0 $0x0  }
0x85: {  	s11 =	rddreg [dreg:$0x9];
	[sflag:s8] =	ssyncadd.s32 @!p0 $0xFFFFA000  }
0x86: {  	[spmem:s11] =	stream.linear.scatter @!p0 [tilespmem:s3], [sflag:$0x6], $0x6000, $0x38;
	[tilespmem:$0x1E480] =	vst v63  }
0x87: {  	_ =	swait.ge @!p0 [sflag:s8], $0x6000  }
0x88: {  	[sflag:s8] =	ssyncset.done @!p0 $0x0  }
0x89: {  	s11 =	rddreg [dreg:$0x17];
	[sflag:s8] =	ssyncadd.s32 @!p0 $0xFFFFA000  }
0x8a: {  	[spmem:s11] =	stream.linear.scatter @!p0 [tilespmem:s3], [sflag:$0x6], $0x6000, $0x38;
	[tilespmem:$0x1E480] =	vst v63  }
0x8b: {  	_ =	swait.ge @!p0 [sflag:s8], $0x6000  }
0x8c: {  	[sflag:s8] =	ssyncset.done @!p0 $0x0  }
0x8d: {  	s11 =	rddreg [dreg:$0x1b];
	[sflag:s8] =	ssyncadd.s32 @!p0 $0xFFFFA000  }
0x8e: {  	[spmem:s11] =	stream.linear.scatter @!p0 [tilespmem:s3], [sflag:$0x6], $0x1C00, $0x38;
	[tilespmem:$0x1E480] =	vst v63  }
0x8f: {  	_ =	swait.ge @!p0 [sflag:s8], $0x1C00  }
0x90: {  	s16 =	simm.s32 $0x1E080;
	[sflag:s8] =	ssyncset.done @!p0 $0x0  }
0x91: {  	s11 =	simm.s32 $0x6;
	s15 =	rddreg [dreg:$0xa];
	[sflag:s8] =	ssyncadd.s32 @!p0 $0xFFFFE400  }
0x92: {  	[spmem:s15] =	stream.linear.scatter [tilespmem:s16], [sflag:$0x6], $0x280, $0x38;
	[tilespmem:$0x1E480] =	vst v63  }
0x93: {  	_ =	swait.ge [sflag:s11], $0x280  }
0x94: {  	[sflag:s11] =	ssyncset.done $0x0  }
0x95: {  	[sflag:s11] =	ssyncadd.s32 $0xFFFFFD80  }
0x96: {  	[bflag:$0x0] =	sbarrier.arrive $0xFFFF  }
0x97: {  	s14 =	simm.s32 $0x13B00;
	s11 =	simm.s32 $0x0;
	s12 =	rddreg [dreg:$0xb]  }
0x98: {  	[tilespmem:s14], [sflag:$0x1] =	stream.linear.gather [hbm4b:s12+s11], $0x2000, $0x38;
	[tilespmem:$0x1E480] =	vst v63  }
0x99: {  	s16 =	simm.s32 $0x19B08;
	s15 =	rddreg [dreg:$0xc]  }
0x9a: {  	[tilespmem:s16], [sflag:$0x1] =	stream.linear.gather [hbm4b:s15+s11], $0x40, $0x38;
	[tilespmem:$0x1E480] =	vst v63  }
0x9b: {  	s12 =	rddreg [dreg:$0xd];
	s14 =	simm.s32 $0x15B00  }
0x9c: {  	[tilespmem:s14], [sflag:$0x2] =	stream.linear.gather [hbm4b:s12+s11], $0x2000, $0x38;
	[tilespmem:$0x1E480] =	vst v63  }
0x9d: {  	s15 =	rddreg [dreg:$0xe];
	s16 =	simm.s32 $0x19B88  }
0x9e: {  	[tilespmem:s16], [sflag:$0x2] =	stream.linear.gather [hbm4b:s15+s11], $0x40, $0x38;
	[tilespmem:$0x1E480] =	vst v63  }
.LBB2_4:
0x9f: {  	s3 =	smul.u32 $0x6, s11;
	_ =	sdelay $0x1  }
0xa0: {  	s3 =	sadd.s32 $0xFFFFFFFE, s3  }
0xa1: {  	p1 =	sgt.u32 s3, $0x9B  }
0xa2: {  	s3 =	simm.s32 @!p1 $0x4  }
0xa3: {  	_ =	swait.ge @!p1 [sflag:s3], $0x2000  }
0xa4: {  	[sflag:s3] =	ssyncset.done @!p1 $0x0  }
0xa5: {  	[sflag:s3] =	ssyncadd.s32 @!p1 $0xFFFFE000  }
0xa6: {  	p2 =	seq.s32 s11, $0x1A;
	_ =	swait.ge @!p1 [sflag:s3], $0x40  }
.Ltmp1:
0xa7: {  	[sflag:s3] =	ssyncset.done @!p1 $0x0;
	(pc) =	sbr.rel @p2 .LBB2_22-.Ltmp1, $4  }
0xa8: {  	[sflag:s3] =	ssyncadd.s32 @!p1 $0xFFFFFFC0  }
0xa9: {  	_ =	swait.ge @!p1 [sflag:s3], $0x40  }
0xaa: {  	[sflag:s3] =	ssyncset.done @!p1 $0x0  }
0xab: {  	[sflag:s3] =	ssyncadd.s32 @!p1 $0xFFFFFFC0  }
0xac: {  	s12 =	smul.u32 $0x180, s11  }
0xad: {  	s3 =	rddreg [dreg:$0xf]  }
0xae: {  	s3 =	sadd.s32 s12, s3  }
0xaf: {  	s8 =	sshll.u32 s3, $0x4  }
0xb0: {  	s14 =	simm.s32 $0x0;
	s3 =	sshrl.u32 s3, $0x3;
	s8 =	sadd.s32 s0, s8  }
0xb1: {  	[tilespmem:s22], [sflag:$0x3] =	stream.linear.gather [hbm4b:s8+s14], $0x2000, $0x38;
	[tilespmem:$0x1E480] =	vst v63  }
0xb2: {  	s3 =	sadd.s32 s1, s3  }
0xb3: {  	[tilespmem:s29], [sflag:$0x3] =	stream.linear.gather [hbm4b:s3+s14], $0x40, $0x38;
	[tilespmem:$0x1E480] =	vst v63  }
0xb4: {  	_ =	swait.ge [sflag:s26], $0x2000  }
0xb5: {  	[sflag:s26] =	ssyncset.done $0x0  }
0xb6: {  	[sflag:s26] =	ssyncadd.s32 $0xFFFFE000  }
0xb7: {  	_ =	swait.ge [sflag:s26], $0x40  }
0xb8: {  	[sflag:s26] =	ssyncset.done $0x0  }
0xb9: {  	[sflag:s26] =	ssyncadd.s32 $0xFFFFFFC0  }
0xba: {  	v11 =	vld [tilespmem:$0x19B08]  }
0xbb: {  	v12 =	vld [tilespmem:$0x19B07]  }
0xbc: {  	v13 =	vld [tilespmem:$0x19B09]  }
0xbd: {  	v14 =	vld [tilespmem:$0x19B18]  }
0xbe: {  	v15 =	vld [tilespmem:$0x19B17]  }
0xbf: {  	v16 =	vld [tilespmem:$0x19B19]  }
0xc0: {  	v17 =	vld [tilespmem:$0x19B28]  }
0xc1: {  	v19 =	vld [tilespmem:$0x19B29];
	vm1 =	veq.s32 v11, v12  }
0xc2: {  	v12 =	vld [tilespmem:$0x19B27];
	v18 =	vnsel vm1, $0x0, v9;
	vm1 =	veq.s32 v11, v13  }
0xc3: {  	[tilespmem:$0x1DF00] =	vst v18;
	v11 =	vsel vm1, $0xFFFFFFFF, v11;
	v18 =	vld [tilespmem:$0x19B38]  }
0xc4: {  	v20 =	vimm.f32 $0.0e+00;
	[tilespmem:$0x1DD00] =	vst v11;
	v11 =	vsel vm1, $0xFFFFFFFF, v13;
	vm1 =	veq.s32 v14, v15;
	v13 =	vld [tilespmem:$0x19B37]  }
0xc5: {  	v15 =	vld [tilespmem:$0x19B39];
	[tilespmem:$0x1DE00] =	vst v11;
	v11 =	vsel vm1, $0x3F800000, v20;
	vm1 =	veq.s32 v14, v16  }
0xc6: {  	[tilespmem:$0x1DF10] =	vst v11;
	v11 =	vsel vm1, $0xFFFFFFFF, v14  }
0xc7: {  	[tilespmem:$0x1DD10] =	vst v11;
	v11 =	vsel vm1, $0xFFFFFFFF, v16;
	vm1 =	veq.s32 v17, v12  }
0xc8: {  	[tilespmem:$0x1DE10] =	vst v11;
	v11 =	vsel vm1, $0x3F800000, v20;
	vm1 =	veq.s32 v17, v19  }
0xc9: {  	[tilespmem:$0x1DF20] =	vst v11;
	v11 =	vsel vm1, $0xFFFFFFFF, v17;
	v12 =	vsel vm1, $0xFFFFFFFF, v19  }
0xca: {  	vm1 =	veq.s32 v18, v13;
	vm2 =	vne.s32 v18, v15;
	[tilespmem:$0x1DD20] =	vst v11;
	v11 =	vmov s14  }
0xcb: {  	v13 =	vsel vm1, $0x3F800000, v20;
	[tilespmem:$0x1DE20] =	vst v12;
	vm1 =	vmor vm2, vm0  }
0xcc: {  	[tilespmem:$0x1DF30] =	vst v13;
	v12 =	vnsel vm1, $0xFFFFFFFF, v18;
	v13 =	vnsel vm1, $0xFFFFFFFF, v15;
	vm1 =	veq.s32 v10, $0xF  }
0xcd: {  	[tilespmem:$0x1DD30] =	vst v12;
	v12 =	vsel vm1, $0xFFFFFFFF, v13  }
0xce: {  	[tilespmem:$0x1DE30] =	vst v12  }
0xcf: {  	v11 =	vld.idx.msk [tilespmem:v11+s19+$0x0], $0xffff  }
0xd0: {  	s3 =	simm.s32 $0x13B40  }
0xd1: {  	v12 =	vld [tilespmem:s3+$0xFFFFFFC0];
	_ =	sdelay $0x2  }
0xd2: {  	v13 =	vmul.f32 v11, v20;
	_ =	sdelay $0x1  }
0xd3: {  	v18 =	vadd.f32 v12, v13  }
0xd4: {  	s8 =	simm.s32 $0x19D40  }
0xd5: {  	[tilespmem:s8+$0xFFFFFFC0] =	vst v18  }
0xd6: {  	v11 =	vld [tilespmem:s3+$0xFFFFFFD0];
	_ =	sdelay $0x4  }
0xd7: {  	v17 =	vadd.f32 v11, v13;
	_ =	sdelay $0x1  }
0xd8: {  	[tilespmem:s8+$0xFFFFFFD0] =	vst v17  }
0xd9: {  	v11 =	vld [tilespmem:s3+$0xFFFFFFE0];
	_ =	sdelay $0x4  }
0xda: {  	v16 =	vadd.f32 v11, v13;
	_ =	sdelay $0x1  }
0xdb: {  	[tilespmem:s8+$0xFFFFFFE0] =	vst v16  }
0xdc: {  	v11 =	vld [tilespmem:s3+$0xFFFFFFF0];
	_ =	sdelay $0x4  }
0xdd: {  	v15 =	vadd.f32 v11, v13;
	_ =	sdelay $0x1  }
0xde: {  	[tilespmem:s8+$0xFFFFFFF0] =	vst v15  }
0xdf: {  	v11 =	vld [tilespmem:s3+$0x0];
	_ =	sdelay $0x4  }
0xe0: {  	v14 =	vadd.f32 v11, v13;
	_ =	sdelay $0x1  }
0xe1: {  	[tilespmem:s8+$0x0] =	vst v14  }
0xe2: {  	v11 =	vld [tilespmem:s3+$0x10];
	_ =	sdelay $0x4  }
0xe3: {  	v12 =	vadd.f32 v11, v13;
	_ =	sdelay $0x1  }
0xe4: {  	[tilespmem:s8+$0x10] =	vst v12  }
0xe5: {  	v11 =	vld [tilespmem:s3+$0x20];
	_ =	sdelay $0x4  }
0xe6: {  	v11 =	vadd.f32 v11, v13;
	_ =	sdelay $0x1  }
0xe7: {  	[tilespmem:s8+$0x20] =	vst v11  }
0xe8: {  	v20 =	vld [tilespmem:s3+$0x30];
	_ =	sdelay $0x1  }
0xe9: {  	s15 =	simm.s32 $0x1  }
0xea: {  	v19 =	vmov s15;
	_ =	sdelay $0x1  }
0xeb: {  	s14 =	simm.s32 $0x2;
	v13 =	vadd.f32 v20, v13  }
.LBB2_6:
0xec: {  	s3 =	sadd.s32 $0x80, s3  }
0xed: {  	s15 =	smov.u32 s14;
	s16 =	sadd.s32 $0x1, s14;
	[tilespmem:s8+$0x30] =	vst v13;
	s8 =	sadd.s32 $0x80, s8  }
0xee: {  	p1 =	sne.s32 s14, $0x3F;
	v20 =	vld.idx.msk [tilespmem:v19+s19+$0x0], $0xffff;
	_ =	sdelay $0x2  }
0xef: {  	v19 =	vld [tilespmem:s3+$0xFFFFFFC0];
	_ =	sdelay $0x2  }
0xf0: {  	v18 =	vmul.f32 v20, v18;
	_ =	sdelay $0x1  }
0xf1: {  	v18 =	vadd.f32 v19, v18;
	_ =	sdelay $0x1  }
0xf2: {  	[tilespmem:s8+$0xFFFFFFC0] =	vst v18  }
0xf3: {  	v19 =	vld [tilespmem:s3+$0xFFFFFFD0];
	_ =	sdelay $0x2  }
0xf4: {  	v17 =	vmul.f32 v20, v17;
	_ =	sdelay $0x1  }
0xf5: {  	v17 =	vadd.f32 v19, v17;
	_ =	sdelay $0x1  }
0xf6: {  	[tilespmem:s8+$0xFFFFFFD0] =	vst v17  }
0xf7: {  	v19 =	vld [tilespmem:s3+$0xFFFFFFE0];
	_ =	sdelay $0x2  }
0xf8: {  	v16 =	vmul.f32 v20, v16;
	_ =	sdelay $0x1  }
0xf9: {  	v16 =	vadd.f32 v19, v16;
	_ =	sdelay $0x1  }
0xfa: {  	[tilespmem:s8+$0xFFFFFFE0] =	vst v16  }
0xfb: {  	v19 =	vld [tilespmem:s3+$0xFFFFFFF0];
	_ =	sdelay $0x2  }
0xfc: {  	v15 =	vmul.f32 v20, v15;
	_ =	sdelay $0x1  }
0xfd: {  	v15 =	vadd.f32 v19, v15;
	_ =	sdelay $0x1  }
0xfe: {  	[tilespmem:s8+$0xFFFFFFF0] =	vst v15  }
0xff: {  	v19 =	vld [tilespmem:s3+$0x0];
	_ =	sdelay $0x2  }
0x100: {  	v14 =	vmul.f32 v20, v14;
	_ =	sdelay $0x1  }
0x101: {  	v14 =	vadd.f32 v19, v14;
	_ =	sdelay $0x1  }
0x102: {  	[tilespmem:s8+$0x0] =	vst v14  }
0x103: {  	v19 =	vld [tilespmem:s3+$0x10];
	_ =	sdelay $0x2  }
0x104: {  	v12 =	vmul.f32 v20, v12;
	_ =	sdelay $0x1  }
0x105: {  	v12 =	vadd.f32 v19, v12;
	_ =	sdelay $0x1  }
0x106: {  	[tilespmem:s8+$0x10] =	vst v12  }
0x107: {  	v19 =	vld [tilespmem:s3+$0x20];
	_ =	sdelay $0x2  }
0x108: {  	v11 =	vmul.f32 v20, v11;
	_ =	sdelay $0x1  }
0x109: {  	v11 =	vadd.f32 v19, v11;
	_ =	sdelay $0x1  }
0x10a: {  	[tilespmem:s8+$0x20] =	vst v11  }
0x10b: {  	v21 =	vld [tilespmem:s3+$0x30]  }
.Ltmp2:
0x10c: {  	(pc) =	sbr.rel @p1 .LBB2_6-.Ltmp2, $3  }
0x10d: {  	_ = 	snop  }
0x10e: {  	v13 =	vmul.f32 v20, v13;
	v19 =	vmov s15;
	_ =	sdelay $0x1  }
0x10f: {  	s14 =	smov.u32 s16;
	v13 =	vadd.f32 v21, v13  }
0x110: {  	_ =	sdelay $0x2  }
0x111: {  	[tilespmem:s8+$0x30] =	vst v13  }
0x112: {  	v19 =	vld.idx.msk [tilespmem:v19+s19+$0x0], $0xffff  }
0x113: {  	s3 =	sadd.s32 $0x80, s3  }
0x114: {  	v20 =	vld [tilespmem:s3+$0xFFFFFFC0];
	_ =	sdelay $0x2  }
0x115: {  	v18 =	vmul.f32 v19, v18;
	_ =	sdelay $0x1  }
0x116: {  	v18 =	vadd.f32 v20, v18  }
0x117: {  	s14 =	sadd.s32 $0x80, s8  }
0x118: {  	[tilespmem:s14+$0xFFFFFFC0] =	vst v18  }
0x119: {  	v18 =	vld [tilespmem:s3+$0xFFFFFFD0];
	_ =	sdelay $0x2  }
0x11a: {  	v17 =	vmul.f32 v19, v17;
	_ =	sdelay $0x1  }
0x11b: {  	v17 =	vadd.f32 v18, v17;
	_ =	sdelay $0x1  }
0x11c: {  	[tilespmem:s14+$0xFFFFFFD0] =	vst v17  }
0x11d: {  	v17 =	vld [tilespmem:s3+$0xFFFFFFE0];
	_ =	sdelay $0x2  }
0x11e: {  	v16 =	vmul.f32 v19, v16;
	_ =	sdelay $0x1  }
0x11f: {  	v16 =	vadd.f32 v17, v16;
	_ =	sdelay $0x1  }
0x120: {  	[tilespmem:s14+$0xFFFFFFE0] =	vst v16  }
0x121: {  	v16 =	vld [tilespmem:s3+$0xFFFFFFF0];
	_ =	sdelay $0x2  }
0x122: {  	v15 =	vmul.f32 v19, v15;
	_ =	sdelay $0x1  }
0x123: {  	v15 =	vadd.f32 v16, v15;
	_ =	sdelay $0x1  }
0x124: {  	[tilespmem:s14+$0xFFFFFFF0] =	vst v15  }
0x125: {  	v15 =	vld [tilespmem:s3+$0x0];
	_ =	sdelay $0x2  }
0x126: {  	v14 =	vmul.f32 v19, v14;
	_ =	sdelay $0x1  }
0x127: {  	v14 =	vadd.f32 v15, v14;
	_ =	sdelay $0x1  }
0x128: {  	[tilespmem:s14+$0x0] =	vst v14  }
0x129: {  	v14 =	vld [tilespmem:s3+$0x10];
	_ =	sdelay $0x2  }
0x12a: {  	v12 =	vmul.f32 v19, v12;
	_ =	sdelay $0x1  }
0x12b: {  	v12 =	vadd.f32 v14, v12;
	_ =	sdelay $0x1  }
0x12c: {  	[tilespmem:s14+$0x10] =	vst v12  }
0x12d: {  	v12 =	vld [tilespmem:s3+$0x20];
	_ =	sdelay $0x2  }
0x12e: {  	v11 =	vmul.f32 v19, v11;
	_ =	sdelay $0x1  }
0x12f: {  	v11 =	vadd.f32 v12, v11;
	_ =	sdelay $0x1  }
0x130: {  	[tilespmem:s14+$0x20] =	vst v11  }
0x131: {  	v11 =	vld [tilespmem:s3+$0x30];
	_ =	sdelay $0x2  }
0x132: {  	v12 =	vmul.f32 v19, v13;
	_ =	sdelay $0x1  }
0x133: {  	v11 =	vadd.f32 v11, v12;
	_ =	sdelay $0x1  }
0x134: {  	[tilespmem:s14+$0x30] =	vst v11;
	(ifvalue) =	ssetifvalue $0xFFFFFFFF  }
0x135: {  	[spmem:s2] =	stream.indirect.scatter.add.f32 [tilespmem:s23], [sflag:$0x4], $0x80, s31, s30, $0x40b8;
	[tilespmem:$0x1E480] =	vst v63  }
0x136: {  	p1 =	seq.s32 s11, $0x0;
	(ifvalue) =	ssetifvalue $0xFFFFFFFF  }
0x137: {  	[spmem:s4] =	stream.indirect.scatter.add.f32 [tilespmem:s24], [sflag:$0x4], $0x1, s31, s30, $0x40b8;
	[tilespmem:$0x1E480] =	vst v63  }
0x138: {  	s3 =	simm.s32 @!p1 $0x5;
	(ifvalue) =	ssetifvalue $0xFFFFFFFF  }
0x139: {  	[spmem:s4] =	stream.indirect.scatter.add.f32 [tilespmem:s25], [sflag:$0x4], $0x1, s5, s30, $0x40b8;
	[tilespmem:$0x1E480] =	vst v63  }
0x13a: {  	_ =	swait.ge @!p1 [sflag:s3], $0x2000  }
0x13b: {  	[sflag:s3] =	ssyncset.done @!p1 $0x0  }
0x13c: {  	[sflag:s3] =	ssyncadd.s32 @!p1 $0xFFFFE000  }
0x13d: {  	_ =	swait.ge @!p1 [sflag:s3], $0x40  }
0x13e: {  	[sflag:s3] =	ssyncset.done @!p1 $0x0  }
0x13f: {  	[sflag:s3] =	ssyncadd.s32 @!p1 $0xFFFFFFC0  }
0x140: {  	_ =	swait.ge @!p1 [sflag:s3], $0x40  }
0x141: {  	s15 =	rddreg [dreg:$0x10]  }
0x142: {  	[sflag:s3] =	ssyncset.done @!p1 $0x0;
	s8 =	sadd.s32 s12, s15  }
0x143: {  	[sflag:s3] =	ssyncadd.s32 @!p1 $0xFFFFFFC0;
	s14 =	sshll.u32 s8, $0x4  }
0x144: {  	s15 =	simm.s32 $0x13B00;
	s16 =	sadd.s32 s0, s14;
	s14 =	simm.s32 $0x0  }
0x145: {  	[tilespmem:s15], [sflag:$0x1] =	stream.linear.gather [hbm4b:s16+s14], $0x2000, $0x38;
	[tilespmem:$0x1E480] =	vst v63  }
0x146: {  	s15 =	sshrl.u32 s8, $0x3  }
0x147: {  	s16 =	simm.s32 $0x19B08;
	s3 =	sadd.s32 s1, s15  }
0x148: {  	[tilespmem:s16], [sflag:$0x1] =	stream.linear.gather [hbm4b:s3+s14], $0x40, $0x38;
	[tilespmem:$0x1E480] =	vst v63  }
0x149: {  	_ =	swait.ge [sflag:s9], $0x2000  }
0x14a: {  	[sflag:s9] =	ssyncset.done $0x0  }
0x14b: {  	[sflag:s9] =	ssyncadd.s32 $0xFFFFE000  }
0x14c: {  	_ =	swait.ge [sflag:s9], $0x40  }
0x14d: {  	[sflag:s9] =	ssyncset.done $0x0  }
0x14e: {  	[sflag:s9] =	ssyncadd.s32 $0xFFFFFFC0  }
0x14f: {  	v11 =	vld [tilespmem:$0x19B88]  }
0x150: {  	v12 =	vld [tilespmem:$0x19B87]  }
0x151: {  	v13 =	vld [tilespmem:$0x19B89]  }
0x152: {  	v14 =	vld [tilespmem:$0x19B98]  }
0x153: {  	v15 =	vld [tilespmem:$0x19B97]  }
0x154: {  	v16 =	vld [tilespmem:$0x19B99]  }
0x155: {  	v17 =	vld [tilespmem:$0x19BA8]  }
0x156: {  	v19 =	vld [tilespmem:$0x19BA9];
	vm1 =	veq.s32 v11, v12  }
0x157: {  	v12 =	vld [tilespmem:$0x19BA7];
	v18 =	vnsel vm1, $0x0, v9;
	vm1 =	veq.s32 v11, v13  }
0x158: {  	[tilespmem:$0x1DF00] =	vst v18;
	v11 =	vsel vm1, $0xFFFFFFFF, v11;
	v18 =	vld [tilespmem:$0x19BB8]  }
0x159: {  	v20 =	vimm.f32 $0.0e+00;
	[tilespmem:$0x1DD80] =	vst v11;
	v11 =	vsel vm1, $0xFFFFFFFF, v13;
	vm1 =	veq.s32 v14, v15;
	v13 =	vld [tilespmem:$0x19BB7]  }
0x15a: {  	v15 =	vld [tilespmem:$0x19BB9];
	[tilespmem:$0x1DE80] =	vst v11;
	v11 =	vsel vm1, $0x3F800000, v20;
	vm1 =	veq.s32 v14, v16  }
0x15b: {  	[tilespmem:$0x1DF10] =	vst v11;
	v11 =	vsel vm1, $0xFFFFFFFF, v14  }
0x15c: {  	[tilespmem:$0x1DD90] =	vst v11;
	v11 =	vsel vm1, $0xFFFFFFFF, v16;
	vm1 =	veq.s32 v17, v12  }
0x15d: {  	[tilespmem:$0x1DE90] =	vst v11;
	v11 =	vsel vm1, $0x3F800000, v20;
	vm1 =	veq.s32 v17, v19  }
0x15e: {  	[tilespmem:$0x1DF20] =	vst v11;
	v11 =	vsel vm1, $0xFFFFFFFF, v17;
	v12 =	vsel vm1, $0xFFFFFFFF, v19  }
0x15f: {  	vm1 =	veq.s32 v18, v13;
	vm2 =	vne.s32 v18, v15;
	[tilespmem:$0x1DDA0] =	vst v11;
	v11 =	vmov s14  }
0x160: {  	v13 =	vsel vm1, $0x3F800000, v20;
	[tilespmem:$0x1DEA0] =	vst v12;
	vm1 =	vmor vm2, vm0  }
0x161: {  	[tilespmem:$0x1DF30] =	vst v13;
	v12 =	vnsel vm1, $0xFFFFFFFF, v18;
	v13 =	vnsel vm1, $0xFFFFFFFF, v15;
	vm1 =	veq.s32 v10, $0xF  }
0x162: {  	[tilespmem:$0x1DDB0] =	vst v12;
	v12 =	vsel vm1, $0xFFFFFFFF, v13  }
0x163: {  	[tilespmem:$0x1DEB0] =	vst v12  }
0x164: {  	v11 =	vld.idx.msk [tilespmem:v11+s19+$0x0], $0xffff  }
0x165: {  	s8 =	simm.s32 $0x15B70  }
0x166: {  	v12 =	vld [tilespmem:s8+$0xFFFFFF90];
	_ =	sdelay $0x2  }
0x167: {  	v13 =	vmul.f32 v11, v20;
	_ =	sdelay $0x1  }
0x168: {  	v18 =	vadd.f32 v12, v13  }
0x169: {  	s3 =	simm.s32 $0x1BD70  }
0x16a: {  	[tilespmem:s3+$0xFFFFFF90] =	vst v18  }
0x16b: {  	v11 =	vld [tilespmem:s8+$0xFFFFFFA0];
	_ =	sdelay $0x4  }
0x16c: {  	v17 =	vadd.f32 v11, v13;
	_ =	sdelay $0x1  }
0x16d: {  	[tilespmem:s3+$0xFFFFFFA0] =	vst v17  }
0x16e: {  	v11 =	vld [tilespmem:s8+$0xFFFFFFB0];
	_ =	sdelay $0x4  }
0x16f: {  	v16 =	vadd.f32 v11, v13;
	_ =	sdelay $0x1  }
0x170: {  	[tilespmem:s3+$0xFFFFFFB0] =	vst v16  }
0x171: {  	v11 =	vld [tilespmem:s8+$0xFFFFFFC0];
	_ =	sdelay $0x4  }
0x172: {  	v15 =	vadd.f32 v11, v13;
	_ =	sdelay $0x1  }
0x173: {  	[tilespmem:s3+$0xFFFFFFC0] =	vst v15  }
0x174: {  	v11 =	vld [tilespmem:s8+$0xFFFFFFD0];
	_ =	sdelay $0x4  }
0x175: {  	v14 =	vadd.f32 v11, v13;
	_ =	sdelay $0x1  }
0x176: {  	[tilespmem:s3+$0xFFFFFFD0] =	vst v14  }
0x177: {  	v11 =	vld [tilespmem:s8+$0xFFFFFFE0];
	_ =	sdelay $0x4  }
0x178: {  	v12 =	vadd.f32 v11, v13;
	_ =	sdelay $0x1  }
0x179: {  	[tilespmem:s3+$0xFFFFFFE0] =	vst v12  }
0x17a: {  	v11 =	vld [tilespmem:s8+$0xFFFFFFF0];
	_ =	sdelay $0x4  }
0x17b: {  	v11 =	vadd.f32 v11, v13;
	_ =	sdelay $0x1  }
0x17c: {  	[tilespmem:s3+$0xFFFFFFF0] =	vst v11  }
0x17d: {  	v20 =	vld [tilespmem:s8+$0x0];
	_ =	sdelay $0x1  }
0x17e: {  	s15 =	simm.s32 $0x1  }
0x17f: {  	v19 =	vmov s15;
	_ =	sdelay $0x1  }
0x180: {  	s16 =	simm.s32 $0x2;
	v13 =	vadd.f32 v20, v13  }
.LBB2_8:
0x181: {  	s8 =	sadd.s32 $0x80, s8  }
0x182: {  	s15 =	smov.u32 s16;
	s14 =	sadd.s32 $0x1, s16;
	[tilespmem:s3+$0x0] =	vst v13;
	s3 =	sadd.s32 $0x80, s3  }
0x183: {  	p1 =	sne.s32 s16, $0x3F;
	v20 =	vld.idx.msk [tilespmem:v19+s19+$0x0], $0xffff;
	_ =	sdelay $0x2  }
0x184: {  	v19 =	vld [tilespmem:s8+$0xFFFFFF90];
	_ =	sdelay $0x2  }
0x185: {  	v18 =	vmul.f32 v20, v18;
	_ =	sdelay $0x1  }
0x186: {  	v18 =	vadd.f32 v19, v18;
	_ =	sdelay $0x1  }
0x187: {  	[tilespmem:s3+$0xFFFFFF90] =	vst v18  }
0x188: {  	v19 =	vld [tilespmem:s8+$0xFFFFFFA0];
	_ =	sdelay $0x2  }
0x189: {  	v17 =	vmul.f32 v20, v17;
	_ =	sdelay $0x1  }
0x18a: {  	v17 =	vadd.f32 v19, v17;
	_ =	sdelay $0x1  }
0x18b: {  	[tilespmem:s3+$0xFFFFFFA0] =	vst v17  }
0x18c: {  	v19 =	vld [tilespmem:s8+$0xFFFFFFB0];
	_ =	sdelay $0x2  }
0x18d: {  	v16 =	vmul.f32 v20, v16;
	_ =	sdelay $0x1  }
0x18e: {  	v16 =	vadd.f32 v19, v16;
	_ =	sdelay $0x1  }
0x18f: {  	[tilespmem:s3+$0xFFFFFFB0] =	vst v16  }
0x190: {  	v19 =	vld [tilespmem:s8+$0xFFFFFFC0];
	_ =	sdelay $0x2  }
0x191: {  	v15 =	vmul.f32 v20, v15;
	_ =	sdelay $0x1  }
0x192: {  	v15 =	vadd.f32 v19, v15;
	_ =	sdelay $0x1  }
0x193: {  	[tilespmem:s3+$0xFFFFFFC0] =	vst v15  }
0x194: {  	v19 =	vld [tilespmem:s8+$0xFFFFFFD0];
	_ =	sdelay $0x2  }
0x195: {  	v14 =	vmul.f32 v20, v14;
	_ =	sdelay $0x1  }
0x196: {  	v14 =	vadd.f32 v19, v14;
	_ =	sdelay $0x1  }
0x197: {  	[tilespmem:s3+$0xFFFFFFD0] =	vst v14  }
0x198: {  	v19 =	vld [tilespmem:s8+$0xFFFFFFE0];
	_ =	sdelay $0x2  }
0x199: {  	v12 =	vmul.f32 v20, v12;
	_ =	sdelay $0x1  }
0x19a: {  	v12 =	vadd.f32 v19, v12;
	_ =	sdelay $0x1  }
0x19b: {  	[tilespmem:s3+$0xFFFFFFE0] =	vst v12  }
0x19c: {  	v19 =	vld [tilespmem:s8+$0xFFFFFFF0];
	_ =	sdelay $0x2  }
0x19d: {  	v11 =	vmul.f32 v20, v11;
	_ =	sdelay $0x1  }
0x19e: {  	v11 =	vadd.f32 v19, v11;
	_ =	sdelay $0x1  }
0x19f: {  	[tilespmem:s3+$0xFFFFFFF0] =	vst v11  }
0x1a0: {  	v21 =	vld [tilespmem:s8+$0x0]  }
.Ltmp3:
0x1a1: {  	(pc) =	sbr.rel @p1 .LBB2_8-.Ltmp3, $3  }
0x1a2: {  	_ = 	snop  }
0x1a3: {  	v13 =	vmul.f32 v20, v13;
	v19 =	vmov s15;
	_ =	sdelay $0x1  }
0x1a4: {  	s16 =	smov.u32 s14;
	v13 =	vadd.f32 v21, v13  }
0x1a5: {  	_ =	sdelay $0x2  }
0x1a6: {  	[tilespmem:s3+$0x0] =	vst v13  }
0x1a7: {  	v19 =	vld.idx.msk [tilespmem:v19+s19+$0x0], $0xffff  }
0x1a8: {  	s8 =	sadd.s32 $0x80, s8  }
0x1a9: {  	v20 =	vld [tilespmem:s8+$0xFFFFFF90];
	_ =	sdelay $0x2  }
0x1aa: {  	v18 =	vmul.f32 v19, v18;
	_ =	sdelay $0x1  }
0x1ab: {  	v18 =	vadd.f32 v20, v18  }
0x1ac: {  	s16 =	sadd.s32 $0x80, s3  }
0x1ad: {  	[tilespmem:s16+$0xFFFFFF90] =	vst v18  }
0x1ae: {  	v18 =	vld [tilespmem:s8+$0xFFFFFFA0];
	_ =	sdelay $0x2  }
0x1af: {  	v17 =	vmul.f32 v19, v17;
	_ =	sdelay $0x1  }
0x1b0: {  	v17 =	vadd.f32 v18, v17;
	_ =	sdelay $0x1  }
0x1b1: {  	[tilespmem:s16+$0xFFFFFFA0] =	vst v17  }
0x1b2: {  	v17 =	vld [tilespmem:s8+$0xFFFFFFB0];
	_ =	sdelay $0x2  }
0x1b3: {  	v16 =	vmul.f32 v19, v16;
	_ =	sdelay $0x1  }
0x1b4: {  	v16 =	vadd.f32 v17, v16;
	_ =	sdelay $0x1  }
0x1b5: {  	[tilespmem:s16+$0xFFFFFFB0] =	vst v16  }
0x1b6: {  	v16 =	vld [tilespmem:s8+$0xFFFFFFC0];
	_ =	sdelay $0x2  }
0x1b7: {  	v15 =	vmul.f32 v19, v15;
	_ =	sdelay $0x1  }
0x1b8: {  	v15 =	vadd.f32 v16, v15;
	_ =	sdelay $0x1  }
0x1b9: {  	[tilespmem:s16+$0xFFFFFFC0] =	vst v15  }
0x1ba: {  	v15 =	vld [tilespmem:s8+$0xFFFFFFD0];
	_ =	sdelay $0x2  }
0x1bb: {  	v14 =	vmul.f32 v19, v14;
	_ =	sdelay $0x1  }
0x1bc: {  	v14 =	vadd.f32 v15, v14;
	_ =	sdelay $0x1  }
0x1bd: {  	[tilespmem:s16+$0xFFFFFFD0] =	vst v14  }
0x1be: {  	v14 =	vld [tilespmem:s8+$0xFFFFFFE0];
	_ =	sdelay $0x2  }
0x1bf: {  	v12 =	vmul.f32 v19, v12;
	_ =	sdelay $0x1  }
0x1c0: {  	v12 =	vadd.f32 v14, v12;
	_ =	sdelay $0x1  }
0x1c1: {  	[tilespmem:s16+$0xFFFFFFE0] =	vst v12  }
0x1c2: {  	v12 =	vld [tilespmem:s8+$0xFFFFFFF0];
	_ =	sdelay $0x2  }
0x1c3: {  	v11 =	vmul.f32 v19, v11;
	_ =	sdelay $0x1  }
0x1c4: {  	v11 =	vadd.f32 v12, v11;
	_ =	sdelay $0x1  }
0x1c5: {  	[tilespmem:s16+$0xFFFFFFF0] =	vst v11  }
0x1c6: {  	v11 =	vld [tilespmem:s8+$0x0];
	_ =	sdelay $0x2  }
0x1c7: {  	v12 =	vmul.f32 v19, v13;
	_ =	sdelay $0x1  }
0x1c8: {  	v11 =	vadd.f32 v11, v12;
	_ =	sdelay $0x1  }
0x1c9: {  	[tilespmem:s16+$0x0] =	vst v11;
	(ifvalue) =	ssetifvalue $0xFFFFFFFF  }
0x1ca: {  	[spmem:s2] =	stream.indirect.scatter.add.f32 [tilespmem:s7], [sflag:$0x5], $0x80, s28, s30, $0x40b8;
	[tilespmem:$0x1E480] =	vst v63  }
0x1cb: {  	(ifvalue) =	ssetifvalue $0xFFFFFFFF  }
0x1cc: {  	[spmem:s4] =	stream.indirect.scatter.add.f32 [tilespmem:s24], [sflag:$0x5], $0x1, s28, s30, $0x40b8;
	[tilespmem:$0x1E480] =	vst v63  }
0x1cd: {  	(ifvalue) =	ssetifvalue $0xFFFFFFFF  }
0x1ce: {  	[spmem:s4] =	stream.indirect.scatter.add.f32 [tilespmem:s25], [sflag:$0x5], $0x1, s20, s30, $0x40b8;
	[tilespmem:$0x1E480] =	vst v63  }
0x1cf: {  	_ =	swait.ge [sflag:s6], $0x2000  }
0x1d0: {  	[sflag:s6] =	ssyncset.done $0x0  }
0x1d1: {  	[sflag:s6] =	ssyncadd.s32 $0xFFFFE000  }
0x1d2: {  	_ =	swait.ge [sflag:s6], $0x40  }
0x1d3: {  	[sflag:s6] =	ssyncset.done $0x0  }
0x1d4: {  	[sflag:s6] =	ssyncadd.s32 $0xFFFFFFC0  }
0x1d5: {  	_ =	swait.ge [sflag:s6], $0x40  }
0x1d6: {  	s14 =	rddreg [dreg:$0x11]  }
0x1d7: {  	[sflag:s6] =	ssyncset.done $0x0;
	s3 =	sadd.s32 s12, s14  }
0x1d8: {  	[sflag:s6] =	ssyncadd.s32 $0xFFFFFFC0;
	s14 =	simm.s32 $0x0;
	s15 =	sshll.u32 s3, $0x4  }
0x1d9: {  	s3 =	sshrl.u32 s3, $0x3;
	s8 =	sadd.s32 s0, s15;
	s15 =	simm.s32 $0x15B00  }
0x1da: {  	[tilespmem:s15], [sflag:$0x2] =	stream.linear.gather [hbm4b:s8+s14], $0x2000, $0x38;
	[tilespmem:$0x1E480] =	vst v63  }
0x1db: {  	s16 =	simm.s32 $0x19B88;
	s3 =	sadd.s32 s1, s3  }
0x1dc: {  	[tilespmem:s16], [sflag:$0x2] =	stream.linear.gather [hbm4b:s3+s14], $0x40, $0x38;
	[tilespmem:$0x1E480] =	vst v63  }
0x1dd: {  	_ =	swait.ge [sflag:s10], $0x2000  }
0x1de: {  	[sflag:s10] =	ssyncset.done $0x0  }
0x1df: {  	[sflag:s10] =	ssyncadd.s32 $0xFFFFE000  }
0x1e0: {  	_ =	swait.ge [sflag:s10], $0x40  }
0x1e1: {  	[sflag:s10] =	ssyncset.done $0x0  }
0x1e2: {  	[sflag:s10] =	ssyncadd.s32 $0xFFFFFFC0  }
0x1e3: {  	v11 =	vld [tilespmem:$0x19C08]  }
0x1e4: {  	v12 =	vld [tilespmem:$0x19C07]  }
0x1e5: {  	v13 =	vld [tilespmem:$0x19C09]  }
0x1e6: {  	v14 =	vld [tilespmem:$0x19C18]  }
0x1e7: {  	v15 =	vld [tilespmem:$0x19C17]  }
0x1e8: {  	v16 =	vld [tilespmem:$0x19C19]  }
0x1e9: {  	v17 =	vld [tilespmem:$0x19C28]  }
0x1ea: {  	v19 =	vld [tilespmem:$0x19C29];
	vm1 =	veq.s32 v11, v12  }
0x1eb: {  	v12 =	vld [tilespmem:$0x19C27];
	v18 =	vnsel vm1, $0x0, v9;
	vm1 =	veq.s32 v11, v13  }
0x1ec: {  	[tilespmem:$0x1DF00] =	vst v18;
	v11 =	vsel vm1, $0xFFFFFFFF, v11;
	v18 =	vld [tilespmem:$0x19C38]  }
0x1ed: {  	v20 =	vimm.f32 $0.0e+00;
	[tilespmem:$0x1DD00] =	vst v11;
	v11 =	vsel vm1, $0xFFFFFFFF, v13;
	vm1 =	veq.s32 v14, v15;
	v13 =	vld [tilespmem:$0x19C37]  }
0x1ee: {  	v15 =	vld [tilespmem:$0x19C39];
	[tilespmem:$0x1DE00] =	vst v11;
	v11 =	vsel vm1, $0x3F800000, v20;
	vm1 =	veq.s32 v14, v16  }
0x1ef: {  	[tilespmem:$0x1DF10] =	vst v11;
	v11 =	vsel vm1, $0xFFFFFFFF, v14  }
0x1f0: {  	[tilespmem:$0x1DD10] =	vst v11;
	v11 =	vsel vm1, $0xFFFFFFFF, v16;
	vm1 =	veq.s32 v17, v12  }
0x1f1: {  	[tilespmem:$0x1DE10] =	vst v11;
	v11 =	vsel vm1, $0x3F800000, v20;
	vm1 =	veq.s32 v17, v19  }
0x1f2: {  	[tilespmem:$0x1DF20] =	vst v11;
	v11 =	vsel vm1, $0xFFFFFFFF, v17  }
0x1f3: {  	vm2 =	vne.s32 v18, v15;
	[tilespmem:$0x1DD20] =	vst v11;
	v11 =	vsel vm1, $0xFFFFFFFF, v19;
	vm1 =	veq.s32 v18, v13  }
0x1f4: {  	v12 =	vsel vm1, $0x3F800000, v20;
	[tilespmem:$0x1DE20] =	vst v11;
	vm1 =	vmor vm2, vm0;
	v11 =	vmov s14  }
0x1f5: {  	[tilespmem:$0x1DF30] =	vst v12;
	v12 =	vnsel vm1, $0xFFFFFFFF, v18;
	v13 =	vnsel vm1, $0xFFFFFFFF, v15;
	vm1 =	veq.s32 v10, $0xF  }
0x1f6: {  	[tilespmem:$0x1DD30] =	vst v12;
	v12 =	vsel vm1, $0xFFFFFFFF, v13  }
0x1f7: {  	s3 =	simm.s32 $0x0;
	[tilespmem:$0x1DE30] =	vst v12  }
0x1f8: {  	v12 =	vld [tilespmem:s3+$0x17B00]  }
0x1f9: {  	v11 =	vld.idx.msk [tilespmem:v11+s19+$0x0], $0xffff  }
0x1fa: {  	v13 =	vld [tilespmem:s3+$0x17B10]  }
0x1fb: {  	v14 =	vld [tilespmem:s3+$0x17B20]  }
0x1fc: {  	v15 =	vld [tilespmem:s3+$0x17B30]  }
0x1fd: {  	v19 =	vld [tilespmem:s3+$0x17B40]  }
0x1fe: {  	v21 =	vld [tilespmem:s3+$0x17B50];
	v11 =	vmul.f32 v11, v20  }
0x1ff: {  	v22 =	vld [tilespmem:s3+$0x17B70]  }
0x200: {  	v20 =	vld [tilespmem:s3+$0x17B60];
	v18 =	vadd.f32 v12, v11  }
0x201: {  	v17 =	vadd.f32 v13, v11  }
0x202: {  	v16 =	vadd.f32 v14, v11;
	[tilespmem:s3+$0x19D00] =	vst v18  }
0x203: {  	v15 =	vadd.f32 v15, v11;
	[tilespmem:s3+$0x19D10] =	vst v17  }
0x204: {  	s14 =	simm.s32 $0x1;
	v14 =	vadd.f32 v19, v11;
	v12 =	vadd.f32 v21, v11;
	[tilespmem:s3+$0x19D20] =	vst v16  }
0x205: {  	s8 =	simm.s32 $0x200;
	s15 =	simm.s32 $0x400;
	v19 =	vmov s14;
	[tilespmem:s3+$0x19D30] =	vst v15;
	v13 =	vadd.f32 v20, v11;
	v11 =	vadd.f32 v22, v11  }
.LBB2_10:
0x206: {  	p1 =	sne.s32 s15, $0x7E00;
	[tilespmem:s3+$0x19D40] =	vst v14  }
0x207: {  	[tilespmem:s3+$0x19D50] =	vst v12  }
0x208: {  	s16 =	sshra.s32 s8, $0x2;
	s8 =	smov.u32 s15;
	[tilespmem:s3+$0x19D60] =	vst v13  }
0x209: {  	v20 =	vld [tilespmem:s16+$0x17B00];
	[tilespmem:s3+$0x19D70] =	vst v11;
	s3 =	smov.u32 s16  }
0x20a: {  	v19 =	vld.idx.msk [tilespmem:v19+s19+$0x0], $0xffff  }
0x20b: {  	v21 =	vld [tilespmem:s3+$0x17B10]  }
0x20c: {  	v22 =	vld [tilespmem:s3+$0x17B20]  }
0x20d: {  	v23 =	vld [tilespmem:s3+$0x17B30]  }
0x20e: {  	v24 =	vld [tilespmem:s3+$0x17B40]  }
0x20f: {  	v25 =	vld [tilespmem:s3+$0x17B50]  }
0x210: {  	v18 =	vmul.f32 v19, v18;
	v17 =	vmul.f32 v19, v17;
	v26 =	vld [tilespmem:s3+$0x17B60]  }
0x211: {  	v16 =	vmul.f32 v19, v16;
	v15 =	vmul.f32 v19, v15;
	v27 =	vld [tilespmem:s3+$0x17B70]  }
0x212: {  	v14 =	vmul.f32 v19, v14;
	v18 =	vadd.f32 v20, v18;
	v17 =	vadd.f32 v21, v17  }
.Ltmp4:
0x213: {  	v12 =	vmul.f32 v19, v12;
	v16 =	vadd.f32 v22, v16;
	v15 =	vadd.f32 v23, v15;
	(pc) =	sbr.rel @p1 .LBB2_10-.Ltmp4, $4  }
0x214: {  	v13 =	vmul.f32 v19, v13;
	v11 =	vmul.f32 v19, v11;
	v14 =	vadd.f32 v24, v14;
	[tilespmem:s3+$0x19D00] =	vst v18  }
0x215: {  	v12 =	vadd.f32 v25, v12;
	[tilespmem:s3+$0x19D10] =	vst v17  }
0x216: {  	s14 =	sadd.s32 $0x1, s14;
	v13 =	vadd.f32 v26, v13;
	[tilespmem:s3+$0x19D20] =	vst v16;
	v11 =	vadd.f32 v27, v11  }
0x217: {  	s15 =	sadd.s32 $0x200, s15;
	v19 =	vmov s14;
	[tilespmem:s3+$0x19D30] =	vst v15  }
0x218: {  	[tilespmem:s3+$0x19D40] =	vst v14  }
0x219: {  	[tilespmem:s3+$0x19D50] =	vst v12  }
0x21a: {  	s8 =	sshra.s32 s8, $0x2;
	[tilespmem:s3+$0x19D60] =	vst v13  }
0x21b: {  	v20 =	vld [tilespmem:s8+$0x17B00];
	[tilespmem:s3+$0x19D70] =	vst v11  }
0x21c: {  	v19 =	vld.idx.msk [tilespmem:v19+s19+$0x0], $0xffff;
	_ =	sdelay $0x2  }
0x21d: {  	v21 =	vld [tilespmem:s8+$0x17B10]  }
0x21e: {  	v22 =	vld [tilespmem:s8+$0x17B20]  }
0x21f: {  	v23 =	vld [tilespmem:s8+$0x17B30];
	v18 =	vmul.f32 v19, v18  }
0x220: {  	v24 =	vld [tilespmem:s8+$0x17B40];
	v17 =	vmul.f32 v19, v17  }
0x221: {  	v25 =	vld [tilespmem:s8+$0x17B50];
	v16 =	vmul.f32 v19, v16;
	v18 =	vadd.f32 v20, v18  }
0x222: {  	v63 =	vld [tilespmem:s8+$0x17B70];
	v15 =	vmul.f32 v19, v15;
	v17 =	vadd.f32 v21, v17  }
0x223: {  	v14 =	vmul.f32 v19, v14;
	v20 =	vld [tilespmem:s8+$0x17B60];
	v16 =	vadd.f32 v22, v16;
	[tilespmem:s8+$0x19D00] =	vst v18  }
0x224: {  	v12 =	vmul.f32 v19, v12;
	v15 =	vadd.f32 v23, v15;
	[tilespmem:s8+$0x19D10] =	vst v17  }
0x225: {  	v11 =	vmul.f32 v19, v11;
	v14 =	vadd.f32 v24, v14;
	[tilespmem:s8+$0x19D20] =	vst v16  }
0x226: {  	v13 =	vmul.f32 v19, v13;
	v12 =	vadd.f32 v25, v12;
	[tilespmem:s8+$0x19D30] =	vst v15  }
0x227: {  	v11 =	vadd.f32 v63, v11;
	[tilespmem:s8+$0x19D40] =	vst v14  }
0x228: {  	[tilespmem:s8+$0x19D50] =	vst v12;
	v13 =	vadd.f32 v20, v13  }
0x229: {  	[tilespmem:s8+$0x19D70] =	vst v11  }
0x22a: {  	[tilespmem:s8+$0x19D60] =	vst v13;
	(ifvalue) =	ssetifvalue $0xFFFFFFFF  }
0x22b: {  	[spmem:s2] =	stream.indirect.scatter.add.f32 [tilespmem:s23], [sflag:$0x4], $0x80, s31, s30, $0x40b8;
	[tilespmem:$0x1E480] =	vst v63  }
0x22c: {  	(ifvalue) =	ssetifvalue $0xFFFFFFFF  }
0x22d: {  	[spmem:s4] =	stream.indirect.scatter.add.f32 [tilespmem:s24], [sflag:$0x4], $0x1, s31, s30, $0x40b8;
	[tilespmem:$0x1E480] =	vst v63  }
0x22e: {  	(ifvalue) =	ssetifvalue $0xFFFFFFFF  }
0x22f: {  	[spmem:s4] =	stream.indirect.scatter.add.f32 [tilespmem:s25], [sflag:$0x4], $0x1, s5, s30, $0x40b8;
	[tilespmem:$0x1E480] =	vst v63  }
0x230: {  	_ =	swait.ge [sflag:s13], $0x2000  }
0x231: {  	[sflag:s13] =	ssyncset.done $0x0  }
0x232: {  	[sflag:s13] =	ssyncadd.s32 $0xFFFFE000  }
0x233: {  	_ =	swait.ge [sflag:s13], $0x40  }
0x234: {  	[sflag:s13] =	ssyncset.done $0x0  }
0x235: {  	[sflag:s13] =	ssyncadd.s32 $0xFFFFFFC0  }
0x236: {  	s16 =	sadd.s32 s12, s17;
	_ =	swait.ge [sflag:s13], $0x40  }
0x237: {  	s14 =	sshll.u32 s16, $0x4;
	s3 =	sshrl.u32 s16, $0x3;
	[sflag:s13] =	ssyncset.done $0x0  }
0x238: {  	s8 =	sadd.s32 s0, s14;
	s14 =	simm.s32 $0x0;
	[sflag:s13] =	ssyncadd.s32 $0xFFFFFFC0  }
0x239: {  	[tilespmem:s22], [sflag:$0x3] =	stream.linear.gather [hbm4b:s8+s14], $0x2000, $0x38;
	[tilespmem:$0x1E480] =	vst v63  }
0x23a: {  	s3 =	sadd.s32 s1, s3  }
0x23b: {  	[tilespmem:s29], [sflag:$0x3] =	stream.linear.gather [hbm4b:s3+s14], $0x40, $0x38;
	[tilespmem:$0x1E480] =	vst v63  }
0x23c: {  	_ =	swait.ge [sflag:s26], $0x2000  }
0x23d: {  	[sflag:s26] =	ssyncset.done $0x0  }
0x23e: {  	[sflag:s26] =	ssyncadd.s32 $0xFFFFE000  }
0x23f: {  	_ =	swait.ge [sflag:s26], $0x40  }
0x240: {  	[sflag:s26] =	ssyncset.done $0x0  }
0x241: {  	[sflag:s26] =	ssyncadd.s32 $0xFFFFFFC0  }
0x242: {  	v11 =	vld [tilespmem:$0x19B08]  }
0x243: {  	v12 =	vld [tilespmem:$0x19B07]  }
0x244: {  	v13 =	vld [tilespmem:$0x19B09]  }
0x245: {  	v14 =	vld [tilespmem:$0x19B18]  }
0x246: {  	v15 =	vld [tilespmem:$0x19B17]  }
0x247: {  	v16 =	vld [tilespmem:$0x19B19]  }
0x248: {  	v17 =	vld [tilespmem:$0x19B28]  }
0x249: {  	v19 =	vld [tilespmem:$0x19B29];
	vm1 =	veq.s32 v11, v12  }
0x24a: {  	v12 =	vld [tilespmem:$0x19B27];
	v18 =	vnsel vm1, $0x0, v9;
	vm1 =	veq.s32 v11, v13  }
0x24b: {  	[tilespmem:$0x1DF00] =	vst v18;
	v11 =	vsel vm1, $0xFFFFFFFF, v11;
	v18 =	vld [tilespmem:$0x19B38]  }
0x24c: {  	v20 =	vimm.f32 $0.0e+00;
	[tilespmem:$0x1DD80] =	vst v11;
	v11 =	vsel vm1, $0xFFFFFFFF, v13;
	vm1 =	veq.s32 v14, v15;
	v13 =	vld [tilespmem:$0x19B37]  }
0x24d: {  	v15 =	vld [tilespmem:$0x19B39];
	[tilespmem:$0x1DE80] =	vst v11;
	v11 =	vsel vm1, $0x3F800000, v20;
	vm1 =	veq.s32 v14, v16  }
0x24e: {  	[tilespmem:$0x1DF10] =	vst v11;
	v11 =	vsel vm1, $0xFFFFFFFF, v14  }
0x24f: {  	[tilespmem:$0x1DD90] =	vst v11;
	v11 =	vsel vm1, $0xFFFFFFFF, v16;
	vm1 =	veq.s32 v17, v12  }
0x250: {  	[tilespmem:$0x1DE90] =	vst v11;
	v11 =	vsel vm1, $0x3F800000, v20;
	vm1 =	veq.s32 v17, v19  }
0x251: {  	[tilespmem:$0x1DF20] =	vst v11;
	v11 =	vsel vm1, $0xFFFFFFFF, v17;
	v12 =	vsel vm1, $0xFFFFFFFF, v19  }
0x252: {  	vm1 =	veq.s32 v18, v13;
	vm2 =	vne.s32 v18, v15;
	[tilespmem:$0x1DDA0] =	vst v11;
	v11 =	vmov s14  }
0x253: {  	v13 =	vsel vm1, $0x3F800000, v20;
	[tilespmem:$0x1DEA0] =	vst v12;
	vm1 =	vmor vm2, vm0  }
0x254: {  	[tilespmem:$0x1DF30] =	vst v13;
	v12 =	vnsel vm1, $0xFFFFFFFF, v18;
	v13 =	vnsel vm1, $0xFFFFFFFF, v15;
	vm1 =	veq.s32 v10, $0xF  }
0x255: {  	[tilespmem:$0x1DDB0] =	vst v12;
	v12 =	vsel vm1, $0xFFFFFFFF, v13  }
0x256: {  	[tilespmem:$0x1DEB0] =	vst v12  }
0x257: {  	v11 =	vld.idx.msk [tilespmem:v11+s19+$0x0], $0xffff  }
0x258: {  	s8 =	simm.s32 $0x13B40  }
0x259: {  	v12 =	vld [tilespmem:s8+$0xFFFFFFC0];
	_ =	sdelay $0x2  }
0x25a: {  	v13 =	vmul.f32 v11, v20;
	_ =	sdelay $0x1  }
0x25b: {  	v18 =	vadd.f32 v12, v13  }
0x25c: {  	s3 =	simm.s32 $0x1BD70  }
0x25d: {  	[tilespmem:s3+$0xFFFFFF90] =	vst v18  }
0x25e: {  	v11 =	vld [tilespmem:s8+$0xFFFFFFD0];
	_ =	sdelay $0x4  }
0x25f: {  	v17 =	vadd.f32 v11, v13;
	_ =	sdelay $0x1  }
0x260: {  	[tilespmem:s3+$0xFFFFFFA0] =	vst v17  }
0x261: {  	v11 =	vld [tilespmem:s8+$0xFFFFFFE0];
	_ =	sdelay $0x4  }
0x262: {  	v16 =	vadd.f32 v11, v13;
	_ =	sdelay $0x1  }
0x263: {  	[tilespmem:s3+$0xFFFFFFB0] =	vst v16  }
0x264: {  	v11 =	vld [tilespmem:s8+$0xFFFFFFF0];
	_ =	sdelay $0x4  }
0x265: {  	v15 =	vadd.f32 v11, v13;
	_ =	sdelay $0x1  }
0x266: {  	[tilespmem:s3+$0xFFFFFFC0] =	vst v15  }
0x267: {  	v11 =	vld [tilespmem:s8+$0x0];
	_ =	sdelay $0x4  }
0x268: {  	v14 =	vadd.f32 v11, v13;
	_ =	sdelay $0x1  }
0x269: {  	[tilespmem:s3+$0xFFFFFFD0] =	vst v14  }
0x26a: {  	v11 =	vld [tilespmem:s8+$0x10];
	_ =	sdelay $0x4  }
0x26b: {  	v12 =	vadd.f32 v11, v13;
	_ =	sdelay $0x1  }
0x26c: {  	[tilespmem:s3+$0xFFFFFFE0] =	vst v12  }
0x26d: {  	v11 =	vld [tilespmem:s8+$0x20];
	_ =	sdelay $0x4  }
0x26e: {  	v11 =	vadd.f32 v11, v13;
	_ =	sdelay $0x1  }
0x26f: {  	[tilespmem:s3+$0xFFFFFFF0] =	vst v11  }
0x270: {  	v20 =	vld [tilespmem:s8+$0x30];
	_ =	sdelay $0x1  }
0x271: {  	s15 =	simm.s32 $0x1  }
0x272: {  	v19 =	vmov s15;
	_ =	sdelay $0x1  }
0x273: {  	s16 =	simm.s32 $0x2;
	v13 =	vadd.f32 v20, v13  }
.LBB2_12:
0x274: {  	s8 =	sadd.s32 $0x80, s8  }
0x275: {  	s15 =	smov.u32 s16;
	s14 =	sadd.s32 $0x1, s16;
	[tilespmem:s3+$0x0] =	vst v13;
	s3 =	sadd.s32 $0x80, s3  }
0x276: {  	p1 =	sne.s32 s16, $0x3F;
	v20 =	vld.idx.msk [tilespmem:v19+s19+$0x0], $0xffff;
	_ =	sdelay $0x2  }
0x277: {  	v19 =	vld [tilespmem:s8+$0xFFFFFFC0];
	_ =	sdelay $0x2  }
0x278: {  	v18 =	vmul.f32 v20, v18;
	_ =	sdelay $0x1  }
0x279: {  	v18 =	vadd.f32 v19, v18;
	_ =	sdelay $0x1  }
0x27a: {  	[tilespmem:s3+$0xFFFFFF90] =	vst v18  }
0x27b: {  	v19 =	vld [tilespmem:s8+$0xFFFFFFD0];
	_ =	sdelay $0x2  }
0x27c: {  	v17 =	vmul.f32 v20, v17;
	_ =	sdelay $0x1  }
0x27d: {  	v17 =	vadd.f32 v19, v17;
	_ =	sdelay $0x1  }
0x27e: {  	[tilespmem:s3+$0xFFFFFFA0] =	vst v17  }
0x27f: {  	v19 =	vld [tilespmem:s8+$0xFFFFFFE0];
	_ =	sdelay $0x2  }
0x280: {  	v16 =	vmul.f32 v20, v16;
	_ =	sdelay $0x1  }
0x281: {  	v16 =	vadd.f32 v19, v16;
	_ =	sdelay $0x1  }
0x282: {  	[tilespmem:s3+$0xFFFFFFB0] =	vst v16  }
0x283: {  	v19 =	vld [tilespmem:s8+$0xFFFFFFF0];
	_ =	sdelay $0x2  }
0x284: {  	v15 =	vmul.f32 v20, v15;
	_ =	sdelay $0x1  }
0x285: {  	v15 =	vadd.f32 v19, v15;
	_ =	sdelay $0x1  }
0x286: {  	[tilespmem:s3+$0xFFFFFFC0] =	vst v15  }
0x287: {  	v19 =	vld [tilespmem:s8+$0x0];
	_ =	sdelay $0x2  }
0x288: {  	v14 =	vmul.f32 v20, v14;
	_ =	sdelay $0x1  }
0x289: {  	v14 =	vadd.f32 v19, v14;
	_ =	sdelay $0x1  }
0x28a: {  	[tilespmem:s3+$0xFFFFFFD0] =	vst v14  }
0x28b: {  	v19 =	vld [tilespmem:s8+$0x10];
	_ =	sdelay $0x2  }
0x28c: {  	v12 =	vmul.f32 v20, v12;
	_ =	sdelay $0x1  }
0x28d: {  	v12 =	vadd.f32 v19, v12;
	_ =	sdelay $0x1  }
0x28e: {  	[tilespmem:s3+$0xFFFFFFE0] =	vst v12  }
0x28f: {  	v19 =	vld [tilespmem:s8+$0x20];
	_ =	sdelay $0x2  }
0x290: {  	v11 =	vmul.f32 v20, v11;
	_ =	sdelay $0x1  }
0x291: {  	v11 =	vadd.f32 v19, v11;
	_ =	sdelay $0x1  }
0x292: {  	[tilespmem:s3+$0xFFFFFFF0] =	vst v11  }
0x293: {  	v21 =	vld [tilespmem:s8+$0x30]  }
.Ltmp5:
0x294: {  	(pc) =	sbr.rel @p1 .LBB2_12-.Ltmp5, $3  }
0x295: {  	_ = 	snop  }
0x296: {  	v13 =	vmul.f32 v20, v13;
	v19 =	vmov s15;
	_ =	sdelay $0x1  }
0x297: {  	s16 =	smov.u32 s14;
	v13 =	vadd.f32 v21, v13  }
0x298: {  	_ =	sdelay $0x2  }
0x299: {  	[tilespmem:s3+$0x0] =	vst v13  }
0x29a: {  	v19 =	vld.idx.msk [tilespmem:v19+s19+$0x0], $0xffff  }
0x29b: {  	s8 =	sadd.s32 $0x80, s8  }
0x29c: {  	v20 =	vld [tilespmem:s8+$0xFFFFFFC0];
	_ =	sdelay $0x2  }
0x29d: {  	v18 =	vmul.f32 v19, v18;
	_ =	sdelay $0x1  }
0x29e: {  	v18 =	vadd.f32 v20, v18  }
0x29f: {  	s16 =	sadd.s32 $0x80, s3  }
0x2a0: {  	[tilespmem:s16+$0xFFFFFF90] =	vst v18  }
0x2a1: {  	v18 =	vld [tilespmem:s8+$0xFFFFFFD0];
	_ =	sdelay $0x2  }
0x2a2: {  	v17 =	vmul.f32 v19, v17;
	_ =	sdelay $0x1  }
0x2a3: {  	v17 =	vadd.f32 v18, v17;
	_ =	sdelay $0x1  }
0x2a4: {  	[tilespmem:s16+$0xFFFFFFA0] =	vst v17  }
0x2a5: {  	v17 =	vld [tilespmem:s8+$0xFFFFFFE0];
	_ =	sdelay $0x2  }
0x2a6: {  	v16 =	vmul.f32 v19, v16;
	_ =	sdelay $0x1  }
0x2a7: {  	v16 =	vadd.f32 v17, v16;
	_ =	sdelay $0x1  }
0x2a8: {  	[tilespmem:s16+$0xFFFFFFB0] =	vst v16  }
0x2a9: {  	v16 =	vld [tilespmem:s8+$0xFFFFFFF0];
	_ =	sdelay $0x2  }
0x2aa: {  	v15 =	vmul.f32 v19, v15;
	_ =	sdelay $0x1  }
0x2ab: {  	v15 =	vadd.f32 v16, v15;
	_ =	sdelay $0x1  }
0x2ac: {  	[tilespmem:s16+$0xFFFFFFC0] =	vst v15  }
0x2ad: {  	v15 =	vld [tilespmem:s8+$0x0];
	_ =	sdelay $0x2  }
0x2ae: {  	v14 =	vmul.f32 v19, v14;
	_ =	sdelay $0x1  }
0x2af: {  	v14 =	vadd.f32 v15, v14;
	_ =	sdelay $0x1  }
0x2b0: {  	[tilespmem:s16+$0xFFFFFFD0] =	vst v14  }
0x2b1: {  	v14 =	vld [tilespmem:s8+$0x10];
	_ =	sdelay $0x2  }
0x2b2: {  	v12 =	vmul.f32 v19, v12;
	_ =	sdelay $0x1  }
0x2b3: {  	v12 =	vadd.f32 v14, v12;
	_ =	sdelay $0x1  }
0x2b4: {  	[tilespmem:s16+$0xFFFFFFE0] =	vst v12  }
0x2b5: {  	v12 =	vld [tilespmem:s8+$0x20];
	_ =	sdelay $0x2  }
0x2b6: {  	v11 =	vmul.f32 v19, v11;
	_ =	sdelay $0x1  }
0x2b7: {  	v11 =	vadd.f32 v12, v11;
	_ =	sdelay $0x1  }
0x2b8: {  	[tilespmem:s16+$0xFFFFFFF0] =	vst v11  }
0x2b9: {  	v11 =	vld [tilespmem:s8+$0x30];
	_ =	sdelay $0x2  }
0x2ba: {  	v12 =	vmul.f32 v19, v13;
	_ =	sdelay $0x1  }
0x2bb: {  	v11 =	vadd.f32 v11, v12;
	_ =	sdelay $0x1  }
0x2bc: {  	[tilespmem:s16+$0x0] =	vst v11;
	(ifvalue) =	ssetifvalue $0xFFFFFFFF  }
0x2bd: {  	[spmem:s2] =	stream.indirect.scatter.add.f32 [tilespmem:s7], [sflag:$0x5], $0x80, s28, s30, $0x40b8;
	[tilespmem:$0x1E480] =	vst v63  }
0x2be: {  	(ifvalue) =	ssetifvalue $0xFFFFFFFF  }
0x2bf: {  	[spmem:s4] =	stream.indirect.scatter.add.f32 [tilespmem:s24], [sflag:$0x5], $0x1, s28, s30, $0x40b8;
	[tilespmem:$0x1E480] =	vst v63  }
0x2c0: {  	(ifvalue) =	ssetifvalue $0xFFFFFFFF  }
0x2c1: {  	[spmem:s4] =	stream.indirect.scatter.add.f32 [tilespmem:s25], [sflag:$0x5], $0x1, s20, s30, $0x40b8;
	[tilespmem:$0x1E480] =	vst v63  }
0x2c2: {  	_ =	swait.ge [sflag:s6], $0x2000  }
0x2c3: {  	[sflag:s6] =	ssyncset.done $0x0  }
0x2c4: {  	[sflag:s6] =	ssyncadd.s32 $0xFFFFE000  }
0x2c5: {  	_ =	swait.ge [sflag:s6], $0x40  }
0x2c6: {  	[sflag:s6] =	ssyncset.done $0x0  }
0x2c7: {  	p1 =	sgt.u32 s11, $0x18;
	[sflag:s6] =	ssyncadd.s32 $0xFFFFFFC0  }
0x2c8: {  	s3 =	sadd.s32 @!p1 s12, s18;
	s14 =	simm.s32 @!p1 $0x0;
	_ =	swait.ge [sflag:s6], $0x40  }
0x2c9: {  	s15 =	simm.s32 @!p1 $0x13B00;
	s8 =	sshll.u32 @!p1 s3, $0x4;
	[sflag:s6] =	ssyncset.done $0x0  }
0x2ca: {  	s3 =	sshrl.u32 @!p1 s3, $0x3;
	s8 =	sadd.s32 @!p1 s0, s8;
	[sflag:s6] =	ssyncadd.s32 $0xFFFFFFC0  }
0x2cb: {  	[tilespmem:s15], [sflag:$0x1] =	stream.linear.gather @!p1 [hbm4b:s8+s14], $0x2000, $0x38;
	[tilespmem:$0x1E480] =	vst v63  }
0x2cc: {  	s3 =	sadd.s32 @!p1 s1, s3;
	s8 =	simm.s32 @!p1 $0x19B08  }
0x2cd: {  	[tilespmem:s8], [sflag:$0x1] =	stream.linear.gather @!p1 [hbm4b:s3+s14], $0x40, $0x38;
	[tilespmem:$0x1E480] =	vst v63  }
0x2ce: {  	_ =	swait.ge [sflag:s9], $0x2000  }
0x2cf: {  	[sflag:s9] =	ssyncset.done $0x0  }
0x2d0: {  	[sflag:s9] =	ssyncadd.s32 $0xFFFFE000  }
0x2d1: {  	_ =	swait.ge [sflag:s9], $0x40  }
0x2d2: {  	[sflag:s9] =	ssyncset.done $0x0  }
0x2d3: {  	[sflag:s9] =	ssyncadd.s32 $0xFFFFFFC0  }
0x2d4: {  	v11 =	vld [tilespmem:$0x19B88]  }
0x2d5: {  	v12 =	vld [tilespmem:$0x19B87]  }
0x2d6: {  	v13 =	vld [tilespmem:$0x19B89]  }
0x2d7: {  	v14 =	vld [tilespmem:$0x19B98]  }
0x2d8: {  	v15 =	vld [tilespmem:$0x19B97]  }
0x2d9: {  	v16 =	vld [tilespmem:$0x19B99]  }
0x2da: {  	v17 =	vld [tilespmem:$0x19BA8]  }
0x2db: {  	v19 =	vld [tilespmem:$0x19BA9];
	vm1 =	veq.s32 v11, v12  }
0x2dc: {  	v12 =	vld [tilespmem:$0x19BA7];
	v18 =	vnsel vm1, $0x0, v9;
	vm1 =	veq.s32 v11, v13  }
0x2dd: {  	[tilespmem:$0x1DF00] =	vst v18;
	v11 =	vsel vm1, $0xFFFFFFFF, v11;
	v18 =	vld [tilespmem:$0x19BB8]  }
0x2de: {  	v20 =	vimm.f32 $0.0e+00;
	[tilespmem:$0x1DD00] =	vst v11;
	v11 =	vsel vm1, $0xFFFFFFFF, v13;
	vm1 =	veq.s32 v14, v15;
	v13 =	vld [tilespmem:$0x19BB7]  }
0x2df: {  	v15 =	vld [tilespmem:$0x19BB9];
	[tilespmem:$0x1DE00] =	vst v11;
	v11 =	vsel vm1, $0x3F800000, v20;
	vm1 =	veq.s32 v14, v16  }
0x2e0: {  	[tilespmem:$0x1DF10] =	vst v11;
	v11 =	vsel vm1, $0xFFFFFFFF, v14  }
0x2e1: {  	[tilespmem:$0x1DD10] =	vst v11;
	v11 =	vsel vm1, $0xFFFFFFFF, v16;
	vm1 =	veq.s32 v17, v12  }
0x2e2: {  	[tilespmem:$0x1DE10] =	vst v11;
	v11 =	vsel vm1, $0x3F800000, v20;
	vm1 =	veq.s32 v17, v19  }
0x2e3: {  	s14 =	simm.s32 $0x0;
	[tilespmem:$0x1DF20] =	vst v11;
	v11 =	vsel vm1, $0xFFFFFFFF, v17;
	v12 =	vsel vm1, $0xFFFFFFFF, v19  }
0x2e4: {  	vm1 =	veq.s32 v18, v13;
	vm2 =	vne.s32 v18, v15;
	[tilespmem:$0x1DD20] =	vst v11;
	v11 =	vmov s14  }
0x2e5: {  	v13 =	vsel vm1, $0x3F800000, v20;
	[tilespmem:$0x1DE20] =	vst v12;
	vm1 =	vmor vm2, vm0  }
0x2e6: {  	[tilespmem:$0x1DF30] =	vst v13;
	v12 =	vnsel vm1, $0xFFFFFFFF, v18;
	v13 =	vnsel vm1, $0xFFFFFFFF, v15;
	vm1 =	veq.s32 v10, $0xF  }
0x2e7: {  	[tilespmem:$0x1DD30] =	vst v12;
	v12 =	vsel vm1, $0xFFFFFFFF, v13  }
0x2e8: {  	[tilespmem:$0x1DE30] =	vst v12  }
0x2e9: {  	v11 =	vld.idx.msk [tilespmem:v11+s19+$0x0], $0xffff  }
0x2ea: {  	s8 =	simm.s32 $0x15B70  }
0x2eb: {  	v12 =	vld [tilespmem:s8+$0xFFFFFF90];
	_ =	sdelay $0x2  }
0x2ec: {  	v13 =	vmul.f32 v11, v20;
	_ =	sdelay $0x1  }
0x2ed: {  	v18 =	vadd.f32 v12, v13  }
0x2ee: {  	s3 =	simm.s32 $0x19D40  }
0x2ef: {  	[tilespmem:s3+$0xFFFFFFC0] =	vst v18  }
0x2f0: {  	v11 =	vld [tilespmem:s8+$0xFFFFFFA0];
	_ =	sdelay $0x4  }
0x2f1: {  	v17 =	vadd.f32 v11, v13;
	_ =	sdelay $0x1  }
0x2f2: {  	[tilespmem:s3+$0xFFFFFFD0] =	vst v17  }
0x2f3: {  	v11 =	vld [tilespmem:s8+$0xFFFFFFB0];
	_ =	sdelay $0x4  }
0x2f4: {  	v16 =	vadd.f32 v11, v13;
	_ =	sdelay $0x1  }
0x2f5: {  	[tilespmem:s3+$0xFFFFFFE0] =	vst v16  }
0x2f6: {  	v11 =	vld [tilespmem:s8+$0xFFFFFFC0];
	_ =	sdelay $0x4  }
0x2f7: {  	v15 =	vadd.f32 v11, v13;
	_ =	sdelay $0x1  }
0x2f8: {  	[tilespmem:s3+$0xFFFFFFF0] =	vst v15  }
0x2f9: {  	v11 =	vld [tilespmem:s8+$0xFFFFFFD0];
	_ =	sdelay $0x4  }
0x2fa: {  	v14 =	vadd.f32 v11, v13;
	_ =	sdelay $0x1  }
0x2fb: {  	[tilespmem:s3+$0x0] =	vst v14  }
0x2fc: {  	v11 =	vld [tilespmem:s8+$0xFFFFFFE0];
	_ =	sdelay $0x4  }
0x2fd: {  	v12 =	vadd.f32 v11, v13;
	_ =	sdelay $0x1  }
0x2fe: {  	[tilespmem:s3+$0x10] =	vst v12  }
0x2ff: {  	v11 =	vld [tilespmem:s8+$0xFFFFFFF0];
	_ =	sdelay $0x4  }
0x300: {  	v11 =	vadd.f32 v11, v13;
	_ =	sdelay $0x1  }
0x301: {  	[tilespmem:s3+$0x20] =	vst v11  }
0x302: {  	v20 =	vld [tilespmem:s8+$0x0];
	_ =	sdelay $0x1  }
0x303: {  	s15 =	simm.s32 $0x1  }
0x304: {  	v19 =	vmov s15;
	_ =	sdelay $0x1  }
0x305: {  	s16 =	simm.s32 $0x2;
	v13 =	vadd.f32 v20, v13  }
.LBB2_14:
0x306: {  	s8 =	sadd.s32 $0x80, s8  }
0x307: {  	s15 =	smov.u32 s16;
	s14 =	sadd.s32 $0x1, s16;
	[tilespmem:s3+$0x30] =	vst v13;
	s3 =	sadd.s32 $0x80, s3  }
0x308: {  	p2 =	sne.s32 s16, $0x3F;
	v20 =	vld.idx.msk [tilespmem:v19+s19+$0x0], $0xffff;
	_ =	sdelay $0x2  }
0x309: {  	v19 =	vld [tilespmem:s8+$0xFFFFFF90];
	_ =	sdelay $0x2  }
0x30a: {  	v18 =	vmul.f32 v20, v18;
	_ =	sdelay $0x1  }
0x30b: {  	v18 =	vadd.f32 v19, v18;
	_ =	sdelay $0x1  }
0x30c: {  	[tilespmem:s3+$0xFFFFFFC0] =	vst v18  }
0x30d: {  	v19 =	vld [tilespmem:s8+$0xFFFFFFA0];
	_ =	sdelay $0x2  }
0x30e: {  	v17 =	vmul.f32 v20, v17;
	_ =	sdelay $0x1  }
0x30f: {  	v17 =	vadd.f32 v19, v17;
	_ =	sdelay $0x1  }
0x310: {  	[tilespmem:s3+$0xFFFFFFD0] =	vst v17  }
0x311: {  	v19 =	vld [tilespmem:s8+$0xFFFFFFB0];
	_ =	sdelay $0x2  }
0x312: {  	v16 =	vmul.f32 v20, v16;
	_ =	sdelay $0x1  }
0x313: {  	v16 =	vadd.f32 v19, v16;
	_ =	sdelay $0x1  }
0x314: {  	[tilespmem:s3+$0xFFFFFFE0] =	vst v16  }
0x315: {  	v19 =	vld [tilespmem:s8+$0xFFFFFFC0];
	_ =	sdelay $0x2  }
0x316: {  	v15 =	vmul.f32 v20, v15;
	_ =	sdelay $0x1  }
0x317: {  	v15 =	vadd.f32 v19, v15;
	_ =	sdelay $0x1  }
0x318: {  	[tilespmem:s3+$0xFFFFFFF0] =	vst v15  }
0x319: {  	v19 =	vld [tilespmem:s8+$0xFFFFFFD0];
	_ =	sdelay $0x2  }
0x31a: {  	v14 =	vmul.f32 v20, v14;
	_ =	sdelay $0x1  }
0x31b: {  	v14 =	vadd.f32 v19, v14;
	_ =	sdelay $0x1  }
0x31c: {  	[tilespmem:s3+$0x0] =	vst v14  }
0x31d: {  	v19 =	vld [tilespmem:s8+$0xFFFFFFE0];
	_ =	sdelay $0x2  }
0x31e: {  	v12 =	vmul.f32 v20, v12;
	_ =	sdelay $0x1  }
0x31f: {  	v12 =	vadd.f32 v19, v12;
	_ =	sdelay $0x1  }
0x320: {  	[tilespmem:s3+$0x10] =	vst v12  }
0x321: {  	v19 =	vld [tilespmem:s8+$0xFFFFFFF0];
	_ =	sdelay $0x2  }
0x322: {  	v11 =	vmul.f32 v20, v11;
	_ =	sdelay $0x1  }
0x323: {  	v11 =	vadd.f32 v19, v11;
	_ =	sdelay $0x1  }
0x324: {  	[tilespmem:s3+$0x20] =	vst v11  }
0x325: {  	v21 =	vld [tilespmem:s8+$0x0]  }
.Ltmp6:
0x326: {  	(pc) =	sbr.rel @p2 .LBB2_14-.Ltmp6, $3  }
0x327: {  	_ = 	snop  }
0x328: {  	v13 =	vmul.f32 v20, v13;
	v19 =	vmov s15;
	_ =	sdelay $0x1  }
0x329: {  	s16 =	smov.u32 s14;
	v13 =	vadd.f32 v21, v13  }
0x32a: {  	_ =	sdelay $0x2  }
0x32b: {  	[tilespmem:s3+$0x30] =	vst v13  }
0x32c: {  	v19 =	vld.idx.msk [tilespmem:v19+s19+$0x0], $0xffff  }
0x32d: {  	s8 =	sadd.s32 $0x80, s8  }
0x32e: {  	v20 =	vld [tilespmem:s8+$0xFFFFFF90];
	_ =	sdelay $0x2  }
0x32f: {  	v18 =	vmul.f32 v19, v18;
	_ =	sdelay $0x1  }
0x330: {  	v18 =	vadd.f32 v20, v18  }
0x331: {  	s15 =	sadd.s32 $0x80, s3  }
0x332: {  	[tilespmem:s15+$0xFFFFFFC0] =	vst v18  }
0x333: {  	v18 =	vld [tilespmem:s8+$0xFFFFFFA0];
	_ =	sdelay $0x2  }
0x334: {  	v17 =	vmul.f32 v19, v17;
	_ =	sdelay $0x1  }
0x335: {  	v17 =	vadd.f32 v18, v17;
	_ =	sdelay $0x1  }
0x336: {  	[tilespmem:s15+$0xFFFFFFD0] =	vst v17  }
0x337: {  	v17 =	vld [tilespmem:s8+$0xFFFFFFB0];
	_ =	sdelay $0x2  }
0x338: {  	v16 =	vmul.f32 v19, v16;
	_ =	sdelay $0x1  }
0x339: {  	v16 =	vadd.f32 v17, v16;
	_ =	sdelay $0x1  }
0x33a: {  	[tilespmem:s15+$0xFFFFFFE0] =	vst v16  }
0x33b: {  	v16 =	vld [tilespmem:s8+$0xFFFFFFC0];
	_ =	sdelay $0x2  }
0x33c: {  	v15 =	vmul.f32 v19, v15;
	_ =	sdelay $0x1  }
0x33d: {  	v15 =	vadd.f32 v16, v15;
	_ =	sdelay $0x1  }
0x33e: {  	[tilespmem:s15+$0xFFFFFFF0] =	vst v15  }
0x33f: {  	v15 =	vld [tilespmem:s8+$0xFFFFFFD0];
	_ =	sdelay $0x2  }
0x340: {  	v14 =	vmul.f32 v19, v14;
	_ =	sdelay $0x1  }
0x341: {  	v14 =	vadd.f32 v15, v14;
	_ =	sdelay $0x1  }
0x342: {  	[tilespmem:s15+$0x0] =	vst v14  }
0x343: {  	v14 =	vld [tilespmem:s8+$0xFFFFFFE0];
	_ =	sdelay $0x2  }
0x344: {  	v12 =	vmul.f32 v19, v12;
	_ =	sdelay $0x1  }
0x345: {  	v12 =	vadd.f32 v14, v12;
	_ =	sdelay $0x1  }
0x346: {  	[tilespmem:s15+$0x10] =	vst v12  }
0x347: {  	v12 =	vld [tilespmem:s8+$0xFFFFFFF0];
	_ =	sdelay $0x2  }
0x348: {  	v11 =	vmul.f32 v19, v11;
	_ =	sdelay $0x1  }
0x349: {  	v11 =	vadd.f32 v12, v11;
	_ =	sdelay $0x1  }
0x34a: {  	[tilespmem:s15+$0x20] =	vst v11  }
0x34b: {  	v11 =	vld [tilespmem:s8+$0x0];
	_ =	sdelay $0x2  }
0x34c: {  	v12 =	vmul.f32 v19, v13;
	_ =	sdelay $0x1  }
0x34d: {  	v11 =	vadd.f32 v11, v12;
	_ =	sdelay $0x1  }
0x34e: {  	[tilespmem:s15+$0x30] =	vst v11;
	(ifvalue) =	ssetifvalue $0xFFFFFFFF  }
0x34f: {  	[spmem:s2] =	stream.indirect.scatter.add.f32 [tilespmem:s23], [sflag:$0x4], $0x80, s31, s30, $0x40b8;
	[tilespmem:$0x1E480] =	vst v63  }
0x350: {  	(ifvalue) =	ssetifvalue $0xFFFFFFFF  }
0x351: {  	[spmem:s4] =	stream.indirect.scatter.add.f32 [tilespmem:s24], [sflag:$0x4], $0x1, s31, s30, $0x40b8;
	[tilespmem:$0x1E480] =	vst v63  }
0x352: {  	(ifvalue) =	ssetifvalue $0xFFFFFFFF  }
0x353: {  	[spmem:s4] =	stream.indirect.scatter.add.f32 [tilespmem:s25], [sflag:$0x4], $0x1, s5, s30, $0x40b8;
	[tilespmem:$0x1E480] =	vst v63  }
0x354: {  	_ =	swait.ge [sflag:s13], $0x2000  }
0x355: {  	[sflag:s13] =	ssyncset.done $0x0  }
0x356: {  	[sflag:s13] =	ssyncadd.s32 $0xFFFFE000  }
0x357: {  	_ =	swait.ge [sflag:s13], $0x40  }
0x358: {  	[sflag:s13] =	ssyncset.done $0x0  }
0x359: {  	[sflag:s13] =	ssyncadd.s32 $0xFFFFFFC0  }
0x35a: {  	s14 =	simm.s32 @!p1 $0x15B00;
	s3 =	sadd.s32 @!p1 s12, s21;
	_ =	swait.ge [sflag:s13], $0x40  }
0x35b: {  	s12 =	simm.s32 @!p1 $0x0;
	s8 =	sshll.u32 @!p1 s3, $0x4;
	[sflag:s13] =	ssyncset.done $0x0  }
0x35c: {  	s3 =	sshrl.u32 @!p1 s3, $0x3;
	s8 =	sadd.s32 @!p1 s0, s8;
	[sflag:s13] =	ssyncadd.s32 $0xFFFFFFC0  }
0x35d: {  	[tilespmem:s14], [sflag:$0x2] =	stream.linear.gather @!p1 [hbm4b:s8+s12], $0x2000, $0x38;
	[tilespmem:$0x1E480] =	vst v63  }
0x35e: {  	s3 =	sadd.s32 @!p1 s1, s3;
	s8 =	simm.s32 @!p1 $0x19B88  }
0x35f: {  	[tilespmem:s8], [sflag:$0x2] =	stream.linear.gather @!p1 [hbm4b:s3+s12], $0x40, $0x38;
	[tilespmem:$0x1E480] =	vst v63  }
0x360: {  	_ =	swait.ge [sflag:s10], $0x2000  }
0x361: {  	[sflag:s10] =	ssyncset.done $0x0  }
0x362: {  	[sflag:s10] =	ssyncadd.s32 $0xFFFFE000  }
0x363: {  	_ =	swait.ge [sflag:s10], $0x40  }
0x364: {  	[sflag:s10] =	ssyncset.done $0x0  }
0x365: {  	[sflag:s10] =	ssyncadd.s32 $0xFFFFFFC0  }
0x366: {  	v11 =	vld [tilespmem:$0x19C08]  }
0x367: {  	v12 =	vld [tilespmem:$0x19C07]  }
0x368: {  	v13 =	vld [tilespmem:$0x19C09]  }
0x369: {  	v14 =	vld [tilespmem:$0x19C18]  }
0x36a: {  	v15 =	vld [tilespmem:$0x19C17]  }
0x36b: {  	v16 =	vld [tilespmem:$0x19C19]  }
0x36c: {  	v17 =	vld [tilespmem:$0x19C28]  }
0x36d: {  	v19 =	vld [tilespmem:$0x19C29];
	vm1 =	veq.s32 v11, v12  }
0x36e: {  	v12 =	vld [tilespmem:$0x19C27];
	v18 =	vnsel vm1, $0x0, v9;
	vm1 =	veq.s32 v11, v13  }
0x36f: {  	[tilespmem:$0x1DF00] =	vst v18;
	v11 =	vsel vm1, $0xFFFFFFFF, v11;
	v18 =	vld [tilespmem:$0x19C38]  }
0x370: {  	v20 =	vimm.f32 $0.0e+00;
	[tilespmem:$0x1DD80] =	vst v11;
	v11 =	vsel vm1, $0xFFFFFFFF, v13;
	vm1 =	veq.s32 v14, v15;
	v13 =	vld [tilespmem:$0x19C37]  }
0x371: {  	v15 =	vld [tilespmem:$0x19C39];
	[tilespmem:$0x1DE80] =	vst v11;
	v11 =	vsel vm1, $0x3F800000, v20;
	vm1 =	veq.s32 v14, v16  }
0x372: {  	[tilespmem:$0x1DF10] =	vst v11;
	v11 =	vsel vm1, $0xFFFFFFFF, v14  }
0x373: {  	[tilespmem:$0x1DD90] =	vst v11;
	v11 =	vsel vm1, $0xFFFFFFFF, v16;
	vm1 =	veq.s32 v17, v12  }
0x374: {  	[tilespmem:$0x1DE90] =	vst v11;
	v11 =	vsel vm1, $0x3F800000, v20;
	vm1 =	veq.s32 v17, v19  }
0x375: {  	[tilespmem:$0x1DF20] =	vst v11;
	v11 =	vsel vm1, $0xFFFFFFFF, v17  }
0x376: {  	s16 =	simm.s32 $0x0;
	vm2 =	vne.s32 v18, v15;
	[tilespmem:$0x1DDA0] =	vst v11;
	v11 =	vsel vm1, $0xFFFFFFFF, v19;
	vm1 =	veq.s32 v18, v13  }
0x377: {  	v12 =	vsel vm1, $0x3F800000, v20;
	[tilespmem:$0x1DEA0] =	vst v11;
	vm1 =	vmor vm2, vm0;
	v11 =	vmov s16  }
0x378: {  	[tilespmem:$0x1DF30] =	vst v12;
	v12 =	vnsel vm1, $0xFFFFFFFF, v18;
	v13 =	vnsel vm1, $0xFFFFFFFF, v15;
	vm1 =	veq.s32 v10, $0xF  }
0x379: {  	[tilespmem:$0x1DDB0] =	vst v12;
	v12 =	vsel vm1, $0xFFFFFFFF, v13  }
0x37a: {  	s3 =	simm.s32 $0x0;
	[tilespmem:$0x1DEB0] =	vst v12  }
0x37b: {  	v12 =	vld [tilespmem:s3+$0x17B00]  }
0x37c: {  	v11 =	vld.idx.msk [tilespmem:v11+s19+$0x0], $0xffff  }
0x37d: {  	v13 =	vld [tilespmem:s3+$0x17B10]  }
0x37e: {  	v14 =	vld [tilespmem:s3+$0x17B20]  }
0x37f: {  	v15 =	vld [tilespmem:s3+$0x17B30]  }
0x380: {  	v19 =	vld [tilespmem:s3+$0x17B40]  }
0x381: {  	v21 =	vld [tilespmem:s3+$0x17B50];
	v11 =	vmul.f32 v11, v20  }
0x382: {  	v22 =	vld [tilespmem:s3+$0x17B70]  }
0x383: {  	v20 =	vld [tilespmem:s3+$0x17B60];
	v18 =	vadd.f32 v12, v11  }
0x384: {  	v17 =	vadd.f32 v13, v11  }
0x385: {  	v16 =	vadd.f32 v14, v11;
	[tilespmem:s3+$0x1BD00] =	vst v18  }
0x386: {  	v15 =	vadd.f32 v15, v11;
	[tilespmem:s3+$0x1BD10] =	vst v17  }
0x387: {  	s12 =	simm.s32 $0x1;
	v14 =	vadd.f32 v19, v11;
	v12 =	vadd.f32 v21, v11;
	[tilespmem:s3+$0x1BD20] =	vst v16  }
0x388: {  	s14 =	simm.s32 $0x400;
	s8 =	simm.s32 $0x200;
	v19 =	vmov s12;
	[tilespmem:s3+$0x1BD30] =	vst v15;
	v13 =	vadd.f32 v20, v11;
	v11 =	vadd.f32 v22, v11  }
.LBB2_16:
0x389: {  	p1 =	seq.s32 s14, $0x7E00;
	[tilespmem:s3+$0x1BD40] =	vst v14  }
0x38a: {  	[tilespmem:s3+$0x1BD50] =	vst v12  }
0x38b: {  	s15 =	sshra.s32 s8, $0x2;
	s8 =	smov.u32 s14;
	[tilespmem:s3+$0x1BD60] =	vst v13  }
0x38c: {  	v20 =	vld [tilespmem:s15+$0x17B00];
	[tilespmem:s3+$0x1BD70] =	vst v11;
	s3 =	smov.u32 s15  }
0x38d: {  	v19 =	vld.idx.msk [tilespmem:v19+s19+$0x0], $0xffff  }
0x38e: {  	v21 =	vld [tilespmem:s3+$0x17B10]  }
0x38f: {  	v22 =	vld [tilespmem:s3+$0x17B20]  }
0x390: {  	v23 =	vld [tilespmem:s3+$0x17B30]  }
0x391: {  	v24 =	vld [tilespmem:s3+$0x17B40]  }
0x392: {  	v25 =	vld [tilespmem:s3+$0x17B50]  }
0x393: {  	v18 =	vmul.f32 v19, v18;
	v17 =	vmul.f32 v19, v17;
	v26 =	vld [tilespmem:s3+$0x17B60]  }
0x394: {  	v16 =	vmul.f32 v19, v16;
	v15 =	vmul.f32 v19, v15;
	v27 =	vld [tilespmem:s3+$0x17B70]  }
0x395: {  	v14 =	vmul.f32 v19, v14;
	v18 =	vadd.f32 v20, v18;
	v17 =	vadd.f32 v21, v17  }
.Ltmp7:
0x396: {  	v12 =	vmul.f32 v19, v12;
	v16 =	vadd.f32 v22, v16;
	v15 =	vadd.f32 v23, v15;
	(pc) =	sbr.rel @!p1 .LBB2_16-.Ltmp7, $4  }
0x397: {  	v13 =	vmul.f32 v19, v13;
	v11 =	vmul.f32 v19, v11;
	v14 =	vadd.f32 v24, v14;
	[tilespmem:s3+$0x1BD00] =	vst v18  }
0x398: {  	v12 =	vadd.f32 v25, v12;
	[tilespmem:s3+$0x1BD10] =	vst v17  }
0x399: {  	s12 =	sadd.s32 $0x1, s12;
	v13 =	vadd.f32 v26, v13;
	[tilespmem:s3+$0x1BD20] =	vst v16;
	v11 =	vadd.f32 v27, v11  }
0x39a: {  	s14 =	sadd.s32 $0x200, s14;
	v19 =	vmov s12;
	[tilespmem:s3+$0x1BD30] =	vst v15  }
0x39b: {  	[tilespmem:s3+$0x1BD40] =	vst v14  }
0x39c: {  	[tilespmem:s3+$0x1BD50] =	vst v12  }
0x39d: {  	s8 =	sshra.s32 s8, $0x2;
	[tilespmem:s3+$0x1BD60] =	vst v13  }
0x39e: {  	v20 =	vld [tilespmem:s8+$0x17B00];
	[tilespmem:s3+$0x1BD70] =	vst v11  }
0x39f: {  	v19 =	vld.idx.msk [tilespmem:v19+s19+$0x0], $0xffff;
	_ =	sdelay $0x2  }
0x3a0: {  	v21 =	vld [tilespmem:s8+$0x17B10]  }
0x3a1: {  	v22 =	vld [tilespmem:s8+$0x17B20]  }
0x3a2: {  	v23 =	vld [tilespmem:s8+$0x17B30];
	v18 =	vmul.f32 v19, v18  }
0x3a3: {  	v24 =	vld [tilespmem:s8+$0x17B40];
	v17 =	vmul.f32 v19, v17  }
0x3a4: {  	v25 =	vld [tilespmem:s8+$0x17B50];
	v16 =	vmul.f32 v19, v16;
	v18 =	vadd.f32 v20, v18  }
0x3a5: {  	v59 =	vld [tilespmem:s8+$0x17B60];
	v15 =	vmul.f32 v19, v15;
	v17 =	vadd.f32 v21, v17  }
0x3a6: {  	v60 =	vld [tilespmem:s8+$0x17B70];
	v61 =	vmul.f32 v19, v14;
	v16 =	vadd.f32 v22, v16;
	[tilespmem:s8+$0x1BD00] =	vst v18  }
0x3a7: {  	v62 =	vmul.f32 v19, v12;
	v15 =	vadd.f32 v23, v15;
	[tilespmem:s8+$0x1BD10] =	vst v17  }
0x3a8: {  	v63 =	vmul.f32 v19, v13;
	v14 =	vadd.f32 v24, v61;
	[tilespmem:s8+$0x1BD20] =	vst v16  }
0x3a9: {  	v11 =	vmul.f32 v19, v11;
	v12 =	vadd.f32 v25, v62;
	[tilespmem:s8+$0x1BD30] =	vst v15  }
0x3aa: {  	v13 =	vadd.f32 v59, v63;
	[tilespmem:s8+$0x1BD40] =	vst v14  }
0x3ab: {  	v11 =	vadd.f32 v60, v11;
	[tilespmem:s8+$0x1BD50] =	vst v12  }
0x3ac: {  	s11 =	sadd.s32 $0x1, s11;
	[tilespmem:s8+$0x1BD60] =	vst v13  }
0x3ad: {  	p1 =	sne.s32 s11, $0x1B;
	[tilespmem:s8+$0x1BD70] =	vst v11;
	(ifvalue) =	ssetifvalue $0xFFFFFFFF  }
0x3ae: {  	[spmem:s2] =	stream.indirect.scatter.add.f32 [tilespmem:s7], [sflag:$0x5], $0x80, s28, s30, $0x40b8;
	[tilespmem:$0x1E480] =	vst v63  }
.Ltmp8:
0x3af: {  	_ = 	snop;
	(pc) =	sbr.rel @p1 .LBB2_4-.Ltmp8, $4  }
.Ltmp9:
0x3b0: {  	(ifvalue) =	ssetifvalue $0xFFFFFFFF;
	(pc) =	sbr.rel @!p1 .LBB2_18-.Ltmp9, $4  }
0x3b1: {  	[spmem:s4] =	stream.indirect.scatter.add.f32 [tilespmem:s24], [sflag:$0x5], $0x1, s28, s30, $0x40b8;
	[tilespmem:$0x1E480] =	vst v63  }
0x3b2: {  	(ifvalue) =	ssetifvalue $0xFFFFFFFF  }
0x3b3: {  	[spmem:s4] =	stream.indirect.scatter.add.f32 [tilespmem:s25], [sflag:$0x5], $0x1, s20, s30, $0x40b8;
	[tilespmem:$0x1E480] =	vst v63  }
0x3b4: {  	_ = 	snop  }
.LBB2_22:
0x3b5: {  	_ =	swait.ge [sflag:s13], $0x2000  }
0x3b6: {  	[sflag:s13] =	ssyncset.done $0x0  }
0x3b7: {  	[sflag:s13] =	ssyncadd.s32 $0xFFFFE000  }
0x3b8: {  	_ =	swait.ge [sflag:s13], $0x40  }
0x3b9: {  	[sflag:s13] =	ssyncset.done $0x0  }
0x3ba: {  	[sflag:s13] =	ssyncadd.s32 $0xFFFFFFC0  }
0x3bb: {  	_ =	swait.ge [sflag:s13], $0x40  }
0x3bc: {  	[sflag:s13] =	ssyncset.done $0x0  }
0x3bd: {  	[sflag:s13] =	ssyncadd.s32 $0xFFFFFFC0  }
.LBB2_18:
0x3be: {  	s3 =	simm.s32 $0x0  }
0x3bf: {  	s8 =	rddreg [dreg:$0x14];
	s11 =	simm.s32 $0x13B00;
	s14 =	simm.s32 $0x6  }
0x3c0: {  	[tilespmem:s11], [sflag:$0x6] =	stream.linear.gather [hbm4b:s8+s3], $0x800, $0x38;
	[tilespmem:$0x1E480] =	vst v63  }
0x3c1: {  	_ =	swait.ge [sflag:s14], $0x800  }
0x3c2: {  	[sflag:s14] =	ssyncset.done $0x0  }
0x3c3: {  	s12 =	simm.s32 $0x1E308;
	s15 =	rddreg [dreg:$0x15];
	[sflag:s14] =	ssyncadd.s32 $0xFFFFF800  }
0x3c4: {  	[tilespmem:s12], [sflag:$0x6] =	stream.linear.gather [hbm4b:s15+s3], $0x10, $0x38;
	[tilespmem:$0x1E480] =	vst v63  }
0x3c5: {  	_ =	swait.ge [sflag:s14], $0x10  }
0x3c6: {  	[sflag:s14] =	ssyncset.done $0x0  }
0x3c7: {  	[sflag:s14] =	ssyncadd.s32 $0xFFFFFFF0  }
0x3c8: {  	v11 =	vld [tilespmem:$0x1E308]  }
0x3c9: {  	v12 =	vld [tilespmem:$0x1E307]  }
0x3ca: {  	v13 =	vld [tilespmem:$0x1E309];
	_ =	sdelay $0x4  }
0x3cb: {  	vm1 =	veq.s32 v11, v12;
	vm2 =	vne.s32 v11, v13;
	v12 =	vmov s3  }
0x3cc: {  	v14 =	vnsel vm1, $0x0, v9;
	vm1 =	vmor vm2, vm0  }
0x3cd: {  	[tilespmem:$0x1DF00] =	vst v14;
	v11 =	vnsel vm1, $0xFFFFFFFF, v11;
	v13 =	vnsel vm1, $0xFFFFFFFF, v13;
	vm1 =	veq.s32 v10, $0xF  }
0x3ce: {  	[tilespmem:$0x1E380] =	vst v11;
	v11 =	vsel vm1, $0xFFFFFFFF, v13  }
0x3cf: {  	[tilespmem:$0x1E400] =	vst v11  }
0x3d0: {  	v11 =	vld.idx.msk [tilespmem:v12+s19+$0x0], $0xffff  }
0x3d1: {  	s11 =	simm.s32 $0x13B40  }
0x3d2: {  	v12 =	vld [tilespmem:s11+$0xFFFFFFC0];
	_ =	sdelay $0x1  }
0x3d3: {  	v13 =	vimm.f32 $0.0e+00  }
0x3d4: {  	v13 =	vmul.f32 v11, v13;
	_ =	sdelay $0x1  }
0x3d5: {  	v18 =	vadd.f32 v12, v13  }
0x3d6: {  	s3 =	simm.s32 $0x19D40  }
0x3d7: {  	[tilespmem:s3+$0xFFFFFFC0] =	vst v18  }
0x3d8: {  	v11 =	vld [tilespmem:s11+$0xFFFFFFD0];
	_ =	sdelay $0x4  }
0x3d9: {  	v17 =	vadd.f32 v11, v13;
	_ =	sdelay $0x1  }
0x3da: {  	[tilespmem:s3+$0xFFFFFFD0] =	vst v17  }
0x3db: {  	v11 =	vld [tilespmem:s11+$0xFFFFFFE0];
	_ =	sdelay $0x4  }
0x3dc: {  	v16 =	vadd.f32 v11, v13;
	_ =	sdelay $0x1  }
0x3dd: {  	[tilespmem:s3+$0xFFFFFFE0] =	vst v16  }
0x3de: {  	v11 =	vld [tilespmem:s11+$0xFFFFFFF0];
	_ =	sdelay $0x4  }
0x3df: {  	v15 =	vadd.f32 v11, v13;
	_ =	sdelay $0x1  }
0x3e0: {  	[tilespmem:s3+$0xFFFFFFF0] =	vst v15  }
0x3e1: {  	v11 =	vld [tilespmem:s11+$0x0];
	_ =	sdelay $0x4  }
0x3e2: {  	v14 =	vadd.f32 v11, v13;
	_ =	sdelay $0x1  }
0x3e3: {  	[tilespmem:s3+$0x0] =	vst v14  }
0x3e4: {  	v11 =	vld [tilespmem:s11+$0x10];
	_ =	sdelay $0x4  }
0x3e5: {  	v12 =	vadd.f32 v11, v13;
	_ =	sdelay $0x1  }
0x3e6: {  	[tilespmem:s3+$0x10] =	vst v12  }
0x3e7: {  	v11 =	vld [tilespmem:s11+$0x20];
	_ =	sdelay $0x4  }
0x3e8: {  	v11 =	vadd.f32 v11, v13;
	_ =	sdelay $0x1  }
0x3e9: {  	[tilespmem:s3+$0x20] =	vst v11  }
0x3ea: {  	v20 =	vld [tilespmem:s11+$0x30];
	_ =	sdelay $0x1  }
0x3eb: {  	s16 =	simm.s32 $0x1  }
0x3ec: {  	v19 =	vmov s16;
	_ =	sdelay $0x1  }
0x3ed: {  	s14 =	simm.s32 $0x2;
	v13 =	vadd.f32 v20, v13  }
.LBB2_19:
0x3ee: {  	s11 =	sadd.s32 $0x80, s11  }
0x3ef: {  	s12 =	smov.u32 s14;
	s8 =	sadd.s32 $0x1, s14;
	[tilespmem:s3+$0x30] =	vst v13;
	s3 =	sadd.s32 $0x80, s3  }
0x3f0: {  	p1 =	sne.s32 s14, $0xF;
	v20 =	vld.idx.msk [tilespmem:v19+s19+$0x0], $0xffff;
	_ =	sdelay $0x2  }
0x3f1: {  	v19 =	vld [tilespmem:s11+$0xFFFFFFC0];
	_ =	sdelay $0x2  }
0x3f2: {  	v18 =	vmul.f32 v20, v18;
	_ =	sdelay $0x1  }
0x3f3: {  	v18 =	vadd.f32 v19, v18;
	_ =	sdelay $0x1  }
0x3f4: {  	[tilespmem:s3+$0xFFFFFFC0] =	vst v18  }
0x3f5: {  	v19 =	vld [tilespmem:s11+$0xFFFFFFD0];
	_ =	sdelay $0x2  }
0x3f6: {  	v17 =	vmul.f32 v20, v17;
	_ =	sdelay $0x1  }
0x3f7: {  	v17 =	vadd.f32 v19, v17;
	_ =	sdelay $0x1  }
0x3f8: {  	[tilespmem:s3+$0xFFFFFFD0] =	vst v17  }
0x3f9: {  	v19 =	vld [tilespmem:s11+$0xFFFFFFE0];
	_ =	sdelay $0x2  }
0x3fa: {  	v16 =	vmul.f32 v20, v16;
	_ =	sdelay $0x1  }
0x3fb: {  	v16 =	vadd.f32 v19, v16;
	_ =	sdelay $0x1  }
0x3fc: {  	[tilespmem:s3+$0xFFFFFFE0] =	vst v16  }
0x3fd: {  	v19 =	vld [tilespmem:s11+$0xFFFFFFF0];
	_ =	sdelay $0x2  }
0x3fe: {  	v15 =	vmul.f32 v20, v15;
	_ =	sdelay $0x1  }
0x3ff: {  	v15 =	vadd.f32 v19, v15;
	_ =	sdelay $0x1  }
0x400: {  	[tilespmem:s3+$0xFFFFFFF0] =	vst v15  }
0x401: {  	v19 =	vld [tilespmem:s11+$0x0];
	_ =	sdelay $0x2  }
0x402: {  	v14 =	vmul.f32 v20, v14;
	_ =	sdelay $0x1  }
0x403: {  	v14 =	vadd.f32 v19, v14;
	_ =	sdelay $0x1  }
0x404: {  	[tilespmem:s3+$0x0] =	vst v14  }
0x405: {  	v19 =	vld [tilespmem:s11+$0x10];
	_ =	sdelay $0x2  }
0x406: {  	v12 =	vmul.f32 v20, v12;
	_ =	sdelay $0x1  }
0x407: {  	v12 =	vadd.f32 v19, v12;
	_ =	sdelay $0x1  }
0x408: {  	[tilespmem:s3+$0x10] =	vst v12  }
0x409: {  	v19 =	vld [tilespmem:s11+$0x20];
	_ =	sdelay $0x2  }
0x40a: {  	v11 =	vmul.f32 v20, v11;
	_ =	sdelay $0x1  }
0x40b: {  	v11 =	vadd.f32 v19, v11;
	_ =	sdelay $0x1  }
0x40c: {  	[tilespmem:s3+$0x20] =	vst v11  }
0x40d: {  	v21 =	vld [tilespmem:s11+$0x30]  }
.Ltmp10:
0x40e: {  	(pc) =	sbr.rel @p1 .LBB2_19-.Ltmp10, $3  }
0x40f: {  	_ = 	snop  }
0x410: {  	v13 =	vmul.f32 v20, v13;
	v19 =	vmov s12;
	_ =	sdelay $0x1  }
0x411: {  	s14 =	smov.u32 s8;
	v13 =	vadd.f32 v21, v13  }
0x412: {  	_ =	sdelay $0x2  }
0x413: {  	[tilespmem:s3+$0x30] =	vst v13  }
0x414: {  	v19 =	vld.idx.msk [tilespmem:v19+s19+$0x0], $0xffff  }
0x415: {  	s8 =	sadd.s32 $0x80, s11  }
0x416: {  	v20 =	vld [tilespmem:s8+$0xFFFFFFC0];
	_ =	sdelay $0x2  }
0x417: {  	v18 =	vmul.f32 v19, v18;
	_ =	sdelay $0x1  }
0x418: {  	v18 =	vadd.f32 v20, v18  }
0x419: {  	s16 =	sadd.s32 $0x80, s3  }
0x41a: {  	[tilespmem:s16+$0xFFFFFFC0] =	vst v18  }
0x41b: {  	v18 =	vld [tilespmem:s8+$0xFFFFFFD0];
	_ =	sdelay $0x2  }
0x41c: {  	v17 =	vmul.f32 v19, v17;
	_ =	sdelay $0x1  }
0x41d: {  	v17 =	vadd.f32 v18, v17;
	_ =	sdelay $0x1  }
0x41e: {  	[tilespmem:s16+$0xFFFFFFD0] =	vst v17  }
0x41f: {  	v17 =	vld [tilespmem:s8+$0xFFFFFFE0];
	_ =	sdelay $0x2  }
0x420: {  	v16 =	vmul.f32 v19, v16;
	_ =	sdelay $0x1  }
0x421: {  	v16 =	vadd.f32 v17, v16;
	_ =	sdelay $0x1  }
0x422: {  	[tilespmem:s16+$0xFFFFFFE0] =	vst v16  }
0x423: {  	v16 =	vld [tilespmem:s8+$0xFFFFFFF0];
	_ =	sdelay $0x2  }
0x424: {  	v15 =	vmul.f32 v19, v15;
	_ =	sdelay $0x1  }
0x425: {  	v15 =	vadd.f32 v16, v15;
	_ =	sdelay $0x1  }
0x426: {  	[tilespmem:s16+$0xFFFFFFF0] =	vst v15  }
0x427: {  	v15 =	vld [tilespmem:s8+$0x0];
	_ =	sdelay $0x2  }
0x428: {  	v14 =	vmul.f32 v19, v14;
	_ =	sdelay $0x1  }
0x429: {  	v14 =	vadd.f32 v15, v14;
	_ =	sdelay $0x1  }
0x42a: {  	[tilespmem:s16+$0x0] =	vst v14  }
0x42b: {  	v14 =	vld [tilespmem:s8+$0x10];
	_ =	sdelay $0x2  }
0x42c: {  	v12 =	vmul.f32 v19, v12;
	_ =	sdelay $0x1  }
0x42d: {  	v12 =	vadd.f32 v14, v12;
	_ =	sdelay $0x1  }
0x42e: {  	[tilespmem:s16+$0x10] =	vst v12  }
0x42f: {  	v12 =	vld [tilespmem:s8+$0x20];
	_ =	sdelay $0x2  }
0x430: {  	v11 =	vmul.f32 v19, v11;
	_ =	sdelay $0x1  }
0x431: {  	v11 =	vadd.f32 v12, v11;
	_ =	sdelay $0x1  }
0x432: {  	[tilespmem:s16+$0x20] =	vst v11  }
0x433: {  	v11 =	vld [tilespmem:s8+$0x30];
	_ =	sdelay $0x2  }
0x434: {  	v63 =	vmul.f32 v19, v13;
	_ =	sdelay $0x1  }
0x435: {  	v11 =	vadd.f32 v11, v63  }
0x436: {  	s15 =	simm.s32 $0x10  }
0x437: {  	s11 =	simm.s32 $0x1E380;
	s14 =	simm.s32 $0x6;
	[tilespmem:s16+$0x30] =	vst v11;
	(ifvalue) =	ssetifvalue $0xFFFFFFFF  }
0x438: {  	[spmem:s2] =	stream.indirect.scatter.add.f32 [tilespmem:s23], [sflag:$0x6], $0x80, s11, s15, $0x40b8;
	[tilespmem:$0x1E480] =	vst v63  }
0x439: {  	_ =	swait.ge [sflag:s14], $0x800  }
0x43a: {  	[sflag:s14] =	ssyncset.done $0x0  }
0x43b: {  	[sflag:s14] =	ssyncadd.s32 $0xFFFFF800;
	(ifvalue) =	ssetifvalue $0xFFFFFFFF  }
0x43c: {  	[spmem:s4] =	stream.indirect.scatter.add.f32 [tilespmem:s24], [sflag:$0x6], $0x1, s11, s15, $0x40b8;
	[tilespmem:$0x1E480] =	vst v63  }
0x43d: {  	_ =	swait.ge [sflag:s14], $0x10  }
0x43e: {  	[sflag:s14] =	ssyncset.done $0x0  }
0x43f: {  	s12 =	simm.s32 $0x1E400;
	[sflag:s14] =	ssyncadd.s32 $0xFFFFFFF0;
	(ifvalue) =	ssetifvalue $0xFFFFFFFF  }
0x440: {  	[spmem:s4] =	stream.indirect.scatter.add.f32 [tilespmem:s25], [sflag:$0x6], $0x1, s12, s15, $0x40b8;
	[tilespmem:$0x1E480] =	vst v63  }
0x441: {  	_ =	swait.ge [sflag:s14], $0x10  }
0x442: {  	[sflag:s14] =	ssyncset.done $0x0  }
0x443: {  	[sflag:s14] =	ssyncadd.s32 $0xFFFFFFF0  }
0x444: {  	[bflag:$0x0] =	sbarrier.arrive $0xFFFF  }
0x445: {  	s3 =	rddreg [dreg:$0x19]  }
0x446: {  	s8 =	simm.s32 @p0 $0x1FC6;
	s11 =	rddreg [dreg:$0x16];
	s3 =	sshrl.u32 @p0 s3, $0x3  }
0x447: {  	[hbm:s11], [sflag:s8] =	dma.local @p0 [spmem:s3], $0x2080  }
0x448: {  	s3 =	simm.s32 @p0 $0x6  }
0x449: {  	s12 =	stileid.u32;
	_ =	swait.ge @p0 [sflag:s3], $0x2080  }
0x44a: {  	s8 =	sshll.u32 @!p0 s12, $0x6;
	[sflag:s3] =	ssyncset.done @p0 $0x0  }
0x44b: {  	[sflag:s3] =	ssyncadd.s32 @p0 $0xFFFFDF80;
	s3 =	sor.u32 @!p0 $0x1C06, s8;
	s8 =	rddreg [dreg:$0x8]  }
0x44c: {  	s11 =	rddreg [dreg:$0x12];
	s8 =	sshrl.u32 @!p0 s8, $0x3  }
0x44d: {  	[hbm:s11], [sflag:s3] =	dma.local @!p0 [spmem:s8], $0x2780  }
0x44e: {  	s3 =	simm.s32 @!p0 $0x6  }
0x44f: {  	_ =	swait.ge @!p0 [sflag:s3], $0x2780  }
0x450: {  	s16 =	sshll.u32 s12, $0x6;
	[sflag:s3] =	ssyncset.done @!p0 $0x0  }
0x451: {  	s12 =	rddreg [dreg:$0xa];
	[sflag:s3] =	ssyncadd.s32 @!p0 $0xFFFFD880;
	s3 =	sor.u32 $0x1C06, s16  }
0x452: {  	s8 =	sshrl.u32 s12, $0x3;
	s12 =	rddreg [dreg:$0x13];
	s16 =	simm.s32 $0x20  }
0x453: {  	[hbm:s12@s16], [sflag:s3] =	dma.strided [spmem:s8@s15], $0x50, s26, $0x10   }
0x454: {  	_ =	swait.ge [sflag:s14], $0x50  }
0x455: {  	s15 =	rddreg [dreg:$0x7]  }
0x456: {  	s16 =	rddreg [dreg:$0x18];
	s3 =	sadd.s32 $0x1, s15  }
0x457: {  	p1 =	sne.s32 s3, s16  }
.Ltmp11:
0x458: {  	_ = 	snop;
	(pc) =	sbr.rel @p1 .LBB2_1-.Ltmp11, $3  }
0x459: {  	_ =	sdelay $0x1  }
0x45a: {  	[sflag:s14] =	ssyncset.done $0x0  }
0x45b: {  	s11 =	stileid.u32;
	[sflag:s14] =	ssyncadd.s32 $0xFFFFFFB0;
	[dreg:$0x7] =	wrdreg s3  }
0x45c: {  	_ =	sfence.sel $0x180000  }
0x45d: {  	[bflag:$0x0] =	sbarrier.arrive $0xFFFF  }
0x45e: {  	_ =	strace $0x90000047  }
0x45f: {  	[bflag:$0x2] =	sbarrier.arrive $0xFFFF  }
0x460: {  	p0 =	sne.s32 s11, $0x0;
	s0 =	rddreg [dreg:$0x6]  }
0x461: {  	s0 =	sadd.s32 @!p0 $0x100000, s0  }
0x462: {  	[sflag:s0] =	ssyncadd.tile.s32 @!p0 $0x1;
	_ =	shalt  }
.Lfunc_end2:
_tile_overlayer_lowered:
.L_overlay_start_2:
0x463: {  	(tag) =	ssettag $0x2  }
0x464: {  	s0 =	rddreg [dreg:$0x0];
	s2 =	stileid.u32  }
0x465: {  	s1 =	rddreg [dreg:$0x1];
	p0 =	sne.s32 s2, $0x0  }
0x466: {  	s3 =	rddreg [dreg:$0x2];
	[bflag:$0x3] =	sbarrier.arrive $0xFFFF;
	s2 =	simm.s32 @!p0 $0x1C06  }
0x467: {  	[timem:s3], [sflag:s2] =	dma.local @!p0 [hbm:s0], s1  }
0x468: {  	s0 =	simm.s32 @!p0 $0x6  }
0x469: {  	_ =	swait.ge @!p0 [sflag:s0], s1  }
0x46a: {  	s1 =	ssub.s32 @!p0 $0x0, s1;
	[sflag:s0] =	ssyncset.done @!p0 $0x0  }
0x46b: {  	[sflag:s0] =	ssyncadd.s32 @!p0 s1  }
0x46c: {  	[bflag:$0x3] =	sbarrier.arrive $0xFFFF  }
0x46d: {  	_ =	shalt  }

</sc_bundles>
